<compile_context>
chip_gen: v7x
topology: tpu7x:2x2x1
jax: 0.10.2.dev20260603
libtpu: 0.0.44.dev20260713+nightly
codegen_flags: <defaults>
</compile_context>

<pallas_src>
import jax
import jax.numpy as jnp
from jax import lax
from jax.experimental import pallas as pl
from jax.experimental.pallas import tpu as pltpu, tpu_sc as plsc

_F32 = jnp.float32
_NS = 16
_LW = 128
_CH = 8


def _segsum(n, rows, fh, edge_split):
    rpt = rows // _NS // (2 if edge_split else 1)
    npt = -(-n // _NS // 8) * 8
    npt_last = n - (_NS - 1) * npt
    mesh = plsc.VectorSubcoreMesh(core_axis_name="c", subcore_axis_name="s")

    def body(h0, h1, src2d, dst2d, z0, z1, acc, src_v, dst_v, rows_v, sem):
        c = lax.axis_index("c")
        s = lax.axis_index("s")
        node0 = s * npt

        def _own_copy(src_at, dst_at):
            @pl.when(s < _NS - 1)
            def _():
                pltpu.sync_copy(src_at(node0, npt), dst_at(node0, npt))

            @pl.when(s == _NS - 1)
            def _():
                pltpu.sync_copy(src_at(node0, npt_last), dst_at(node0, npt_last))

        @pl.when(c == 0)
        def _():
            _own_copy(lambda o, m: h0.at[pl.ds(o, m)],
                      lambda o, m: acc.at[pl.ds(o, m)])

        @pl.when(c != 0)
        def _():
            _own_copy(lambda o, m: h1.at[pl.ds(o, m)],
                      lambda o, m: acc.at[pl.ds(o, m)])

        r0 = s * rpt + (c * (rows // 2) if edge_split else 0)
        plsc.subcore_barrier()

        def chunk(ic, carry):
            rr = r0 + ic * _CH
            pltpu.sync_copy(src2d.at[pl.ds(rr, _CH)], src_v)
            pltpu.sync_copy(dst2d.at[pl.ds(rr, _CH)], dst_v)
            for j in range(_CH):
                @pl.when(c == 0)
                def _():
                    pltpu.async_copy(h0.at[src_v.at[j]], rows_v, sem).wait()

                @pl.when(c != 0)
                def _():
                    pltpu.async_copy(h1.at[src_v.at[j]], rows_v, sem).wait()

                pltpu.sync_copy(rows_v, acc.at[dst_v.at[j]], add=True)
            return carry

        lax.fori_loop(0, rpt // _CH, chunk, 0)
        plsc.subcore_barrier()

        @pl.when(c == 0)
        def _():
            _own_copy(lambda o, m: acc.at[pl.ds(o, m)],
                      lambda o, m: z0.at[pl.ds(o, m)])

        @pl.when(c != 0)
        def _():
            _own_copy(lambda o, m: acc.at[pl.ds(o, m)],
                      lambda o, m: z1.at[pl.ds(o, m)])

    return pl.kernel(
        body,
        out_type=(jax.ShapeDtypeStruct((n, fh), _F32),
                  jax.ShapeDtypeStruct((n, fh), _F32)),
        mesh=mesh,
        scratch_types=[
            pltpu.VMEM_SHARED((n + 8, fh), _F32),
            pltpu.VMEM((_CH, _LW), jnp.int32),
            pltpu.VMEM((_CH, _LW), jnp.int32),
            pltpu.VMEM((_LW, fh), _F32),
            pltpu.SemaphoreType.DMA,
        ],
        name=f"segsum_f{fh}",
    )


_NB = 1000


def _split_bf16(a):
    hi = a.astype(jnp.bfloat16)
    lo = (a - hi.astype(_F32)).astype(jnp.bfloat16)
    return hi, lo


def _dot3(a, b, dims=(((1,), (0,)), ((), ()))):
    ah, al = _split_bf16(a)
    bh, bl = _split_bf16(b)

    def d(u, v):
        return lax.dot_general(u, v, dims, preferred_element_type=_F32)

    return d(ah, bh) + d(ah, bl) + d(al, bh)


def _dot1(a, b, dims=(((1,), (0,)), ((), ()))):
    return lax.dot_general(a.astype(jnp.bfloat16), b.astype(jnp.bfloat16),
                           dims, preferred_element_type=_F32)


def _k_mm(z0, z1, w, b):
    n, fh = z0.shape
    f1 = w.shape[1]

    def body(z0_ref, z1_ref, w_ref, b_ref, y_ref, s_ref):
        i = pl.program_id(0)
        z = jnp.concatenate([z0_ref[...], z1_ref[...]], axis=1)
        y = _dot1(z, w_ref[...]) + b_ref[...]
        y_ref[...] = y

        @pl.when(i == 0)
        def _():
            s_ref[...] = jnp.zeros_like(s_ref)

        s_ref[0:1, :] += jnp.sum(y, axis=0, keepdims=True)
        s_ref[1:2, :] += jnp.sum(y * y, axis=0, keepdims=True)

    return pl.pallas_call(
        body,
        grid=(n // _NB,),
        in_specs=[pl.BlockSpec((_NB, fh), lambda i: (i, 0)),
                  pl.BlockSpec((_NB, fh), lambda i: (i, 0)),
                  pl.BlockSpec(w.shape, lambda i: (0, 0)),
                  pl.BlockSpec((1, f1), lambda i: (0, 0))],
        out_specs=[pl.BlockSpec((_NB, f1), lambda i: (i, 0)),
                   pl.BlockSpec((8, f1), lambda i: (0, 0))],
        out_shape=[jax.ShapeDtypeStruct((n, f1), _F32),
                   jax.ShapeDtypeStruct((8, f1), _F32)],
    )(z0, z1, w, b.reshape(1, -1))


def _k_mm_sum(p0, p1, x, w, b):
    n, f0 = x.shape
    f1 = w.shape[1]

    def body(p0_ref, p1_ref, x_ref, w_ref, b_ref, y_ref, s_ref):
        i = pl.program_id(0)
        z = p0_ref[...] + p1_ref[...] - x_ref[...]
        y = _dot1(z, w_ref[...]) + b_ref[...]
        y_ref[...] = y

        @pl.when(i == 0)
        def _():
            s_ref[...] = jnp.zeros_like(s_ref)

        s_ref[0:1, :] += jnp.sum(y, axis=0, keepdims=True)
        s_ref[1:2, :] += jnp.sum(y * y, axis=0, keepdims=True)

    return pl.pallas_call(
        body,
        grid=(n // _NB,),
        in_specs=[pl.BlockSpec((_NB, f0), lambda i: (i, 0)),
                  pl.BlockSpec((_NB, f0), lambda i: (i, 0)),
                  pl.BlockSpec((_NB, f0), lambda i: (i, 0)),
                  pl.BlockSpec(w.shape, lambda i: (0, 0)),
                  pl.BlockSpec((1, f1), lambda i: (0, 0))],
        out_specs=[pl.BlockSpec((_NB, f1), lambda i: (i, 0)),
                   pl.BlockSpec((8, f1), lambda i: (0, 0))],
        out_shape=[jax.ShapeDtypeStruct((n, f1), _F32),
                   jax.ShapeDtypeStruct((8, f1), _F32)],
    )(p0, p1, x, w, b.reshape(1, -1))


def _bn_relu(y_ref, s_ref, g_ref, be_ref, n):
    m = s_ref[0:1, :] / n
    v = s_ref[1:2, :] / n - m * m
    a = g_ref[...] * lax.rsqrt(v + 1e-5)
    return jnp.maximum(y_ref[...] * a + (be_ref[...] - m * a), 0.0)


def _k_bn_mm(y, s, g, be, w, b):
    n, f0 = y.shape
    f1 = w.shape[1]

    def body(y_ref, s_ref, g_ref, be_ref, w_ref, b_ref, y2_ref, s2_ref):
        i = pl.program_id(0)
        u = _bn_relu(y_ref, s_ref, g_ref, be_ref, n)
        y2 = _dot1(u, w_ref[...]) + b_ref[...]
        y2_ref[...] = y2

        @pl.when(i == 0)
        def _():
            s2_ref[...] = jnp.zeros_like(s2_ref)

        s2_ref[0:1, :] += jnp.sum(y2, axis=0, keepdims=True)
        s2_ref[1:2, :] += jnp.sum(y2 * y2, axis=0, keepdims=True)

    return pl.pallas_call(
        body,
        grid=(n // _NB,),
        in_specs=[pl.BlockSpec((_NB, f0), lambda i: (i, 0)),
                  pl.BlockSpec((8, f0), lambda i: (0, 0)),
                  pl.BlockSpec((1, f0), lambda i: (0, 0)),
                  pl.BlockSpec((1, f0), lambda i: (0, 0)),
                  pl.BlockSpec(w.shape, lambda i: (0, 0)),
                  pl.BlockSpec((1, f1), lambda i: (0, 0))],
        out_specs=[pl.BlockSpec((_NB, f1), lambda i: (i, 0)),
                   pl.BlockSpec((8, f1), lambda i: (0, 0))],
        out_shape=[jax.ShapeDtypeStruct((n, f1), _F32),
                   jax.ShapeDtypeStruct((8, f1), _F32)],
    )(y, s, g.reshape(1, -1), be.reshape(1, -1), w, b.reshape(1, -1))


def _k_bn_out(y, s, g, be, split):
    n, f0 = y.shape
    fh = f0 // 2

    def body(y_ref, s_ref, g_ref, be_ref, *outs):
        u = _bn_relu(y_ref, s_ref, g_ref, be_ref, n)
        if split:
            outs[0][...] = u[:, :fh]
            outs[1][...] = u[:, fh:]
        else:
            outs[0][...] = u

    if split:
        out_specs = [pl.BlockSpec((_NB, fh), lambda i: (i, 0)),
                     pl.BlockSpec((_NB, fh), lambda i: (i, 0))]
        out_shape = [jax.ShapeDtypeStruct((n, fh), _F32),
                     jax.ShapeDtypeStruct((n, fh), _F32)]
    else:
        out_specs = [pl.BlockSpec((_NB, f0), lambda i: (i, 0))]
        out_shape = [jax.ShapeDtypeStruct((n, f0), _F32)]

    return pl.pallas_call(
        body,
        grid=(n // _NB,),
        in_specs=[pl.BlockSpec((_NB, f0), lambda i: (i, 0)),
                  pl.BlockSpec((8, f0), lambda i: (0, 0)),
                  pl.BlockSpec((1, f0), lambda i: (0, 0)),
                  pl.BlockSpec((1, f0), lambda i: (0, 0))],
        out_specs=out_specs,
        out_shape=out_shape,
    )(y, s, g.reshape(1, -1), be.reshape(1, -1))


def _k_bn_pool(y, s, g, be, batch3d, nseg):
    n, f0 = y.shape

    def body(y_ref, s_ref, g_ref, be_ref, b_ref, p_ref):
        i = pl.program_id(0)
        u = _bn_relu(y_ref, s_ref, g_ref, be_ref, n)
        ids = b_ref[0, 0, :]
        onehot = (ids[:, None] ==
                  lax.broadcasted_iota(jnp.int32, (1, nseg), 1)).astype(_F32)

        @pl.when(i == 0)
        def _():
            p_ref[...] = jnp.zeros_like(p_ref)

        uh, ul = _split_bf16(u)
        dims = (((0,), (0,)), ((), ()))
        oh = onehot.astype(jnp.bfloat16)
        p_ref[...] += (
            lax.dot_general(oh, uh, dims, preferred_element_type=_F32) +
            lax.dot_general(oh, ul, dims, preferred_element_type=_F32))

    return pl.pallas_call(
        body,
        grid=(n // _NB,),
        in_specs=[pl.BlockSpec((_NB, f0), lambda i: (i, 0)),
                  pl.BlockSpec((8, f0), lambda i: (0, 0)),
                  pl.BlockSpec((1, f0), lambda i: (0, 0)),
                  pl.BlockSpec((1, f0), lambda i: (0, 0)),
                  pl.BlockSpec((1, 1, _NB), lambda i: (i, 0, 0))],
        out_specs=pl.BlockSpec((nseg, f0), lambda i: (0, 0)),
        out_shape=jax.ShapeDtypeStruct((nseg, f0), _F32),
    )(y, s, g.reshape(1, -1), be.reshape(1, -1), batch3d)


def _k_head(pooled, w1, b1, g, be, w2, b2):
    nseg, f0 = pooled.shape
    f1 = w1.shape[1]

    def body(p_ref, w1_ref, b1_ref, g_ref, be_ref, w2_ref, b2_ref, o_ref):
        z = _dot1(p_ref[...], w1_ref[...]) + b1_ref[...]
        m = jnp.mean(z, axis=0, keepdims=True)
        v = jnp.mean(z * z, axis=0, keepdims=True) - m * m
        a = g_ref[...] * lax.rsqrt(v + 1e-5)
        zn = jnp.maximum(z * a + (be_ref[...] - m * a), 0.0)
        o_ref[...] = _dot1(zn, w2_ref[...]) + b2_ref[...]

    return pl.pallas_call(
        body,
        out_shape=jax.ShapeDtypeStruct((nseg, 1), _F32),
    )(pooled, w1, b1.reshape(1, -1), g.reshape(1, -1), be.reshape(1, -1),
      w2, b2.reshape(1, 1))


def kernel(x, params, edge_index, batch):
    p = params
    n, f_in = x.shape
    e = edge_index.shape[1]
    nseg = 64

    rows = -(-e // (_LW * _NS * 8)) * _NS * 8
    pad = rows * _LW - e
    order = jnp.argsort(edge_index[1])
    srcf = jnp.concatenate([edge_index[0][order], jnp.zeros((pad,), jnp.int32)])
    dstf = jnp.concatenate([edge_index[1][order], jnp.full((pad,), n, jnp.int32)])
    src2d = srcf.reshape(_LW, rows).T
    dst2d = dstf.reshape(_LW, rows).T
    batch3d = batch.reshape(n // _NB, 1, _NB)

    h = x
    for c in ("c1_", "c2_", "c3_"):
        ss = _segsum
        if c == "c3_":
            z0, z1 = ss(n, rows, h0.shape[1], False)(h0, h1, src2d, dst2d)
            y, s = _k_mm(z0, z1, p[c + "W1"], p[c + "b1"])
        else:
            p0, p1 = ss(n, rows, h.shape[1], True)(h, h, src2d, dst2d)
            y, s = _k_mm_sum(p0, p1, h, p[c + "W1"], p[c + "b1"])
        y, s = _k_bn_mm(y, s, p[c + "g1"], p[c + "be1"],
                        p[c + "W2"], p[c + "b2"])
        if c == "c1_":
            (h,) = _k_bn_out(y, s, p[c + "g2"], p[c + "be2"], False)
        elif c == "c2_":
            h0, h1 = _k_bn_out(y, s, p[c + "g2"], p[c + "be2"], True)

    pooled = _k_bn_pool(y, s, p["c3_g2"], p["c3_be2"], batch3d, nseg)
    out = _k_head(pooled, p["fc1_W"], p["fc1_b"], p["bn1_g"], p["bn1_be"],
                  p["fc2_W"], p["fc2_b"])
    return out.reshape(-1)

# --- scband reference (transcript-rebuilt; emitter-appended) ---
"""Pipeline reference for scband-ginnet-35399120454208 (READ-ONLY COPY).

The authoritative reference and input builder live on the scoring server;
editing this copy changes nothing except your own understanding.
"""

import jax, jax.numpy as jnp
import numpy as np

N = 10000
E = 320000
F_IN = 128
H = 128
B = 64


def _lin(k, fin, fout):
    return jax.random.normal(k, (fin, fout), dtype=jnp.float32) / np.sqrt(fin)


def _make_params(key):
    ks = jax.random.split(key, 8)
    p = {}
    p['c1_W1'] = _lin(ks[0], F_IN, H); p['c1_b1'] = jnp.zeros((H,), jnp.float32)
    p['c1_g1'] = jnp.ones((H,), jnp.float32); p['c1_be1'] = jnp.zeros((H,), jnp.float32)
    p['c1_W2'] = _lin(ks[1], H, H); p['c1_b2'] = jnp.zeros((H,), jnp.float32)
    p['c1_g2'] = jnp.ones((H,), jnp.float32); p['c1_be2'] = jnp.zeros((H,), jnp.float32)
    p['c2_W1'] = _lin(ks[2], H, 2 * H); p['c2_b1'] = jnp.zeros((2 * H,), jnp.float32)
    p['c2_g1'] = jnp.ones((2 * H,), jnp.float32); p['c2_be1'] = jnp.zeros((2 * H,), jnp.float32)
    p['c2_W2'] = _lin(ks[3], 2 * H, 2 * H); p['c2_b2'] = jnp.zeros((2 * H,), jnp.float32)
    p['c2_g2'] = jnp.ones((2 * H,), jnp.float32); p['c2_be2'] = jnp.zeros((2 * H,), jnp.float32)
    p['c3_W1'] = _lin(ks[4], 2 * H, 2 * H); p['c3_b1'] = jnp.zeros((2 * H,), jnp.float32)
    p['c3_g1'] = jnp.ones((2 * H,), jnp.float32); p['c3_be1'] = jnp.zeros((2 * H,), jnp.float32)
    p['c3_W2'] = _lin(ks[5], 2 * H, 2 * H); p['c3_b2'] = jnp.zeros((2 * H,), jnp.float32)
    p['c3_g2'] = jnp.ones((2 * H,), jnp.float32); p['c3_be2'] = jnp.zeros((2 * H,), jnp.float32)
    p['fc1_W'] = _lin(ks[6], 2 * H, H); p['fc1_b'] = jnp.zeros((H,), jnp.float32)
    p['bn1_g'] = jnp.ones((H,), jnp.float32); p['bn1_be'] = jnp.zeros((H,), jnp.float32)
    p['fc2_W'] = _lin(ks[7], H, 1); p['fc2_b'] = jnp.zeros((1,), jnp.float32)
    return p


def setup_inputs(seed: int = 0):
    key = jax.random.key(seed)
    k1, k2, k3, k4 = jax.random.split(key, 4)
    x = jax.random.normal(k1, (N, F_IN), dtype=jnp.float32)
    edge_index = jax.random.randint(k2, (2, E), 0, N, dtype=jnp.int32)
    batch = jnp.sort(jax.random.randint(k3, (N,), 0, B, dtype=jnp.int32))
    params = _make_params(k4)
    return {'x': x, 'params': params, 'edge_index': edge_index, 'batch': batch}


def _bn(h, g, b):
    m = jnp.mean(h, axis=0)
    v = jnp.var(h, axis=0)
    return g * (h - m) * jax.lax.rsqrt(v + 1e-5) + b


def _gin_block(h, edge_index, p, pre):
    src = edge_index[0]
    dst = edge_index[1]
    agg = jax.ops.segment_sum(h[src], dst, num_segments=N)
    z = h + agg  # GINConv with eps=0: (1+eps)*x + sum_{j in N(i)} x_j
    z = jnp.maximum(_bn(z @ p[pre + 'W1'] + p[pre + 'b1'], p[pre + 'g1'], p[pre + 'be1']), 0.0)
    z = jnp.maximum(_bn(z @ p[pre + 'W2'] + p[pre + 'b2'], p[pre + 'g2'], p[pre + 'be2']), 0.0)
    return z


def _forward(x, params, edge_index, batch):
    h = _gin_block(x, edge_index, params, 'c1_')
    h = jnp.maximum(h, 0.0)
    # dropout is identity in eval mode
    h = _gin_block(h, edge_index, params, 'c2_')
    h = jnp.maximum(h, 0.0)
    h = _gin_block(h, edge_index, params, 'c3_')
    h = jnp.maximum(h, 0.0)
    pooled = jax.ops.segment_sum(h, batch, num_segments=B)  # global_add_pool
    z = pooled @ params['fc1_W'] + params['fc1_b']
    z = jnp.maximum(_bn(z, params['bn1_g'], params['bn1_be']), 0.0)
    out = z @ params['fc2_W'] + params['fc2_b']
    return out.reshape(-1)


def reference(x, params, edge_index, batch):
    return _forward(x, params, edge_index, batch)

if __name__ == "__main__":
    import jax
    _d = setup_inputs()
    print(jax.jit(kernel)(*tuple(_d.values())))

</pallas_src>

<mosaic_0001>
#map = affine_map<(d0, d1) -> (0, 0)>
module attributes {stable_mosaic.version = 14 : i64} {
  func.func @segsum_f128(%arg0: i32, %arg1: i32, %arg2: memref<10000x128xf32, #tpu.memory_space<hbm>>, %arg3: memref<10000x128xf32, #tpu.memory_space<hbm>>, %arg4: memref<2560x128xi32, #tpu.memory_space<hbm>>, %arg5: memref<2560x128xi32, #tpu.memory_space<hbm>>, %arg6: memref<10000x128xf32, #tpu.memory_space<hbm>>, %arg7: memref<10000x128xf32, #tpu.memory_space<hbm>>, %arg8: memref<10008x128xf32, #tpu.memory_space<vmem_shared>>, %arg9: memref<8x128xi32, #tpu.memory_space<vmem>>, %arg10: memref<8x128xi32, #tpu.memory_space<vmem>>, %arg11: memref<128x128xf32, #tpu.memory_space<vmem>>, %arg12: memref<!tpu.dma_semaphore, #tpu.memory_space<semaphore_mem>>) attributes {dimension_semantics = [#tpu.dimension_semantics<core_parallel>, #tpu.dimension_semantics<subcore_parallel>], iteration_bounds = array<i64: 2, 16>, scalar_prefetch = 0 : i64, scratch_operands = 5 : i64, tpu.core_type = #tpu.core_type<sc_vector_subcore>, window_params = [{transform_indices = #map}, {transform_indices = #map}, {transform_indices = #map}, {transform_indices = #map}, {transform_indices = #map}, {transform_indices = #map}]} {
    %mul3A = arith.constant 632 : i32
    %mul3A_0 = arith.muli %arg1, %mul3A : i32
    %eq3A = arith.constant 0 : i32
    %eq3A_1 = arith.cmpi eq, %arg0, %eq3A : i32
    %convert_element_type3A = arith.extui %eq3A_1 : i1 to i32
    %cond3A = arith.constant 0 : i32
    %cond3A_2 = arith.cmpi ne, %convert_element_type3A, %cond3A : i32
    scf.if %cond3A_2 {
      %lt3A = arith.constant 15 : i32
      %lt3A_27 = arith.cmpi slt, %arg1, %lt3A : i32
      %convert_element_type3A_28 = arith.extui %lt3A_27 : i1 to i32
      %cond3A_29 = arith.constant 0 : i32
      %cond3A_30 = arith.cmpi ne, %convert_element_type3A_28, %cond3A_29 : i32
      scf.if %cond3A_30 {
        "tpu.region"() ({
          %run_scoped3A = tpu.sem_alloc : memref<!tpu.dma_semaphore, #tpu.memory_space<semaphore_mem>>
          %dma_start3A = arith.constant 0 : i32
          %dma_start3A_36 = tpu.memref_slice %arg8[%mul3A_0, %dma_start3A] : memref<10008x128xf32, #tpu.memory_space<vmem_shared>> -> memref<632x128xf32, #tpu.memory_space<vmem_shared>>
          %dma_start3A_37 = arith.constant 0 : i32
          %dma_start3A_38 = tpu.memref_slice %arg2[%mul3A_0, %dma_start3A_37] : memref<10000x128xf32, #tpu.memory_space<hbm>> -> memref<632x128xf32, #tpu.memory_space<hbm>>
          tpu.enqueue_dma source(%dma_start3A_38 : memref<632x128xf32, #tpu.memory_space<hbm>>) target(%dma_start3A_36 : memref<632x128xf32, #tpu.memory_space<vmem_shared>>) target_semaphore(%run_scoped3A : memref<!tpu.dma_semaphore, #tpu.memory_space<semaphore_mem>>)
          %dma_wait3A = arith.constant 0 : i32
          %dma_wait3A_39 = tpu.memref_slice %arg8[%mul3A_0, %dma_wait3A] : memref<10008x128xf32, #tpu.memory_space<vmem_shared>> -> memref<632x128xf32, #tpu.memory_space<vmem_shared>>
          %dma_wait3A_40 = arith.constant 0 : i32
          %dma_wait3A_41 = tpu.memref_slice %arg2[%mul3A_0, %dma_wait3A_40] : memref<10000x128xf32, #tpu.memory_space<hbm>> -> memref<632x128xf32, #tpu.memory_space<hbm>>
          tpu.wait_dma2 semaphore(%run_scoped3A : memref<!tpu.dma_semaphore, #tpu.memory_space<semaphore_mem>>) src(%dma_wait3A_41 : memref<632x128xf32, #tpu.memory_space<hbm>>) dst(%dma_wait3A_39 : memref<632x128xf32, #tpu.memory_space<vmem_shared>>)
          tpu.yield
        }) : () -> ()
      } else {
      }
      %eq3A_31 = arith.constant 15 : i32
      %eq3A_32 = arith.cmpi eq, %arg1, %eq3A_31 : i32
      %convert_element_type3A_33 = arith.extui %eq3A_32 : i1 to i32
      %cond3A_34 = arith.constant 0 : i32
      %cond3A_35 = arith.cmpi ne, %convert_element_type3A_33, %cond3A_34 : i32
      scf.if %cond3A_35 {
        "tpu.region"() ({
          %run_scoped3A = tpu.sem_alloc : memref<!tpu.dma_semaphore, #tpu.memory_space<semaphore_mem>>
          %dma_start3A = arith.constant 0 : i32
          %dma_start3A_36 = tpu.memref_slice %arg8[%mul3A_0, %dma_start3A] : memref<10008x128xf32, #tpu.memory_space<vmem_shared>> -> memref<520x128xf32, #tpu.memory_space<vmem_shared>>
          %dma_start3A_37 = arith.constant 0 : i32
          %dma_start3A_38 = tpu.memref_slice %arg2[%mul3A_0, %dma_start3A_37] : memref<10000x128xf32, #tpu.memory_space<hbm>> -> memref<520x128xf32, #tpu.memory_space<hbm>>
          tpu.enqueue_dma source(%dma_start3A_38 : memref<520x128xf32, #tpu.memory_space<hbm>>) target(%dma_start3A_36 : memref<520x128xf32, #tpu.memory_space<vmem_shared>>) target_semaphore(%run_scoped3A : memref<!tpu.dma_semaphore, #tpu.memory_space<semaphore_mem>>)
          %dma_wait3A = arith.constant 0 : i32
          %dma_wait3A_39 = tpu.memref_slice %arg8[%mul3A_0, %dma_wait3A] : memref<10008x128xf32, #tpu.memory_space<vmem_shared>> -> memref<520x128xf32, #tpu.memory_space<vmem_shared>>
          %dma_wait3A_40 = arith.constant 0 : i32
          %dma_wait3A_41 = tpu.memref_slice %arg2[%mul3A_0, %dma_wait3A_40] : memref<10000x128xf32, #tpu.memory_space<hbm>> -> memref<520x128xf32, #tpu.memory_space<hbm>>
          tpu.wait_dma2 semaphore(%run_scoped3A : memref<!tpu.dma_semaphore, #tpu.memory_space<semaphore_mem>>) src(%dma_wait3A_41 : memref<520x128xf32, #tpu.memory_space<hbm>>) dst(%dma_wait3A_39 : memref<520x128xf32, #tpu.memory_space<vmem_shared>>)
          tpu.yield
        }) : () -> ()
      } else {
      }
    } else {
    }
    %ne3A = arith.constant 0 : i32
    %ne3A_3 = arith.cmpi ne, %arg0, %ne3A : i32
    %convert_element_type3A_4 = arith.extui %ne3A_3 : i1 to i32
    %cond3A_5 = arith.constant 0 : i32
    %cond3A_6 = arith.cmpi ne, %convert_element_type3A_4, %cond3A_5 : i32
    scf.if %cond3A_6 {
      %lt3A = arith.constant 15 : i32
      %lt3A_27 = arith.cmpi slt, %arg1, %lt3A : i32
      %convert_element_type3A_28 = arith.extui %lt3A_27 : i1 to i32
      %cond3A_29 = arith.constant 0 : i32
      %cond3A_30 = arith.cmpi ne, %convert_element_type3A_28, %cond3A_29 : i32
      scf.if %cond3A_30 {
        "tpu.region"() ({
          %run_scoped3A = tpu.sem_alloc : memref<!tpu.dma_semaphore, #tpu.memory_space<semaphore_mem>>
          %dma_start3A = arith.constant 0 : i32
          %dma_start3A_36 = tpu.memref_slice %arg8[%mul3A_0, %dma_start3A] : memref<10008x128xf32, #tpu.memory_space<vmem_shared>> -> memref<632x128xf32, #tpu.memory_space<vmem_shared>>
          %dma_start3A_37 = arith.constant 0 : i32
          %dma_start3A_38 = tpu.memref_slice %arg3[%mul3A_0, %dma_start3A_37] : memref<10000x128xf32, #tpu.memory_space<hbm>> -> memref<632x128xf32, #tpu.memory_space<hbm>>
          tpu.enqueue_dma source(%dma_start3A_38 : memref<632x128xf32, #tpu.memory_space<hbm>>) target(%dma_start3A_36 : memref<632x128xf32, #tpu.memory_space<vmem_shared>>) target_semaphore(%run_scoped3A : memref<!tpu.dma_semaphore, #tpu.memory_space<semaphore_mem>>)
          %dma_wait3A = arith.constant 0 : i32
          %dma_wait3A_39 = tpu.memref_slice %arg8[%mul3A_0, %dma_wait3A] : memref<10008x128xf32, #tpu.memory_space<vmem_shared>> -> memref<632x128xf32, #tpu.memory_space<vmem_shared>>
          %dma_wait3A_40 = arith.constant 0 : i32
          %dma_wait3A_41 = tpu.memref_slice %arg3[%mul3A_0, %dma_wait3A_40] : memref<10000x128xf32, #tpu.memory_space<hbm>> -> memref<632x128xf32, #tpu.memory_space<hbm>>
          tpu.wait_dma2 semaphore(%run_scoped3A : memref<!tpu.dma_semaphore, #tpu.memory_space<semaphore_mem>>) src(%dma_wait3A_41 : memref<632x128xf32, #tpu.memory_space<hbm>>) dst(%dma_wait3A_39 : memref<632x128xf32, #tpu.memory_space<vmem_shared>>)
          tpu.yield
        }) : () -> ()
      } else {
      }
      %eq3A_31 = arith.constant 15 : i32
      %eq3A_32 = arith.cmpi eq, %arg1, %eq3A_31 : i32
      %convert_element_type3A_33 = arith.extui %eq3A_32 : i1 to i32
      %cond3A_34 = arith.constant 0 : i32
      %cond3A_35 = arith.cmpi ne, %convert_element_type3A_33, %cond3A_34 : i32
      scf.if %cond3A_35 {
        "tpu.region"() ({
          %run_scoped3A = tpu.sem_alloc : memref<!tpu.dma_semaphore, #tpu.memory_space<semaphore_mem>>
          %dma_start3A = arith.constant 0 : i32
          %dma_start3A_36 = tpu.memref_slice %arg8[%mul3A_0, %dma_start3A] : memref<10008x128xf32, #tpu.memory_space<vmem_shared>> -> memref<520x128xf32, #tpu.memory_space<vmem_shared>>
          %dma_start3A_37 = arith.constant 0 : i32
          %dma_start3A_38 = tpu.memref_slice %arg3[%mul3A_0, %dma_start3A_37] : memref<10000x128xf32, #tpu.memory_space<hbm>> -> memref<520x128xf32, #tpu.memory_space<hbm>>
          tpu.enqueue_dma source(%dma_start3A_38 : memref<520x128xf32, #tpu.memory_space<hbm>>) target(%dma_start3A_36 : memref<520x128xf32, #tpu.memory_space<vmem_shared>>) target_semaphore(%run_scoped3A : memref<!tpu.dma_semaphore, #tpu.memory_space<semaphore_mem>>)
          %dma_wait3A = arith.constant 0 : i32
          %dma_wait3A_39 = tpu.memref_slice %arg8[%mul3A_0, %dma_wait3A] : memref<10008x128xf32, #tpu.memory_space<vmem_shared>> -> memref<520x128xf32, #tpu.memory_space<vmem_shared>>
          %dma_wait3A_40 = arith.constant 0 : i32
          %dma_wait3A_41 = tpu.memref_slice %arg3[%mul3A_0, %dma_wait3A_40] : memref<10000x128xf32, #tpu.memory_space<hbm>> -> memref<520x128xf32, #tpu.memory_space<hbm>>
          tpu.wait_dma2 semaphore(%run_scoped3A : memref<!tpu.dma_semaphore, #tpu.memory_space<semaphore_mem>>) src(%dma_wait3A_41 : memref<520x128xf32, #tpu.memory_space<hbm>>) dst(%dma_wait3A_39 : memref<520x128xf32, #tpu.memory_space<vmem_shared>>)
          tpu.yield
        }) : () -> ()
      } else {
      }
    } else {
    }
    %mul3A_7 = arith.constant 80 : i32
    %mul3A_8 = arith.muli %arg1, %mul3A_7 : i32
    %mul3A_9 = arith.constant 1280 : i32
    %mul3A_10 = arith.muli %arg0, %mul3A_9 : i32
    %add3A = arith.addi %mul3A_8, %mul3A_10 : i32
    %barrier3A = arith.constant 0 : index
    tpu.barrier barrier_id(%barrier3A)
    %scan3A = arith.constant 0 : i32
    %scan3A_11 = arith.constant 0 : i32
    %scan3A_12 = arith.constant 10 : i32
    %scan3A_13 = arith.addi %scan3A_11, %scan3A_12 : i32
    %scan3A_14 = arith.constant 1 : i32
    scf.for %scan3A_27 = %scan3A_11 to %scan3A_13 step %scan3A_14  : i32 {
      %mul3A_28 = arith.constant 8 : i32
      %mul3A_29 = arith.muli %scan3A_27, %mul3A_28 : i32
      %add3A_30 = arith.addi %add3A, %mul3A_29 : i32
      "tpu.region"() ({
        %run_scoped3A_118 = tpu.sem_alloc : memref<!tpu.dma_semaphore, #tpu.memory_space<semaphore_mem>>
        %dma_start3A = arith.constant 0 : i32
        %dma_start3A_119 = tpu.memref_slice %arg4[%add3A_30, %dma_start3A] : memref<2560x128xi32, #tpu.memory_space<hbm>> -> memref<8x128xi32, #tpu.memory_space<hbm>>
        %dma_start3A_120 = arith.constant 0 : i32
        %dma_start3A_121 = tpu.memref_slice %arg4[%add3A_30, %dma_start3A_120] : memref<2560x128xi32, #tpu.memory_space<hbm>> -> memref<8x128xi32, #tpu.memory_space<hbm>>
        tpu.enqueue_dma source(%dma_start3A_121 : memref<8x128xi32, #tpu.memory_space<hbm>>) target(%arg9 : memref<8x128xi32, #tpu.memory_space<vmem>>) target_semaphore(%run_scoped3A_118 : memref<!tpu.dma_semaphore, #tpu.memory_space<semaphore_mem>>)
        %dma_wait3A = arith.constant 0 : i32
        %dma_wait3A_122 = tpu.memref_slice %arg4[%add3A_30, %dma_wait3A] : memref<2560x128xi32, #tpu.memory_space<hbm>> -> memref<8x128xi32, #tpu.memory_space<hbm>>
        %dma_wait3A_123 = arith.constant 0 : i32
        %dma_wait3A_124 = tpu.memref_slice %arg4[%add3A_30, %dma_wait3A_123] : memref<2560x128xi32, #tpu.memory_space<hbm>> -> memref<8x128xi32, #tpu.memory_space<hbm>>
        tpu.wait_dma2 semaphore(%run_scoped3A_118 : memref<!tpu.dma_semaphore, #tpu.memory_space<semaphore_mem>>) src(%dma_wait3A_124 : memref<8x128xi32, #tpu.memory_space<hbm>>) dst(%arg9 : memref<8x128xi32, #tpu.memory_space<vmem>>)
        tpu.yield
      }) : () -> ()
      "tpu.region"() ({
        %run_scoped3A_118 = tpu.sem_alloc : memref<!tpu.dma_semaphore, #tpu.memory_space<semaphore_mem>>
        %dma_start3A = arith.constant 0 : i32
        %dma_start3A_119 = tpu.memref_slice %arg5[%add3A_30, %dma_start3A] : memref<2560x128xi32, #tpu.memory_space<hbm>> -> memref<8x128xi32, #tpu.memory_space<hbm>>
        %dma_start3A_120 = arith.constant 0 : i32
        %dma_start3A_121 = tpu.memref_slice %arg5[%add3A_30, %dma_start3A_120] : memref<2560x128xi32, #tpu.memory_space<hbm>> -> memref<8x128xi32, #tpu.memory_space<hbm>>
        tpu.enqueue_dma source(%dma_start3A_121 : memref<8x128xi32, #tpu.memory_space<hbm>>) target(%arg10 : memref<8x128xi32, #tpu.memory_space<vmem>>) target_semaphore(%run_scoped3A_118 : memref<!tpu.dma_semaphore, #tpu.memory_space<semaphore_mem>>)
        %dma_wait3A = arith.constant 0 : i32
        %dma_wait3A_122 = tpu.memref_slice %arg5[%add3A_30, %dma_wait3A] : memref<2560x128xi32, #tpu.memory_space<hbm>> -> memref<8x128xi32, #tpu.memory_space<hbm>>
        %dma_wait3A_123 = arith.constant 0 : i32
        %dma_wait3A_124 = tpu.memref_slice %arg5[%add3A_30, %dma_wait3A_123] : memref<2560x128xi32, #tpu.memory_space<hbm>> -> memref<8x128xi32, #tpu.memory_space<hbm>>
        tpu.wait_dma2 semaphore(%run_scoped3A_118 : memref<!tpu.dma_semaphore, #tpu.memory_space<semaphore_mem>>) src(%dma_wait3A_124 : memref<8x128xi32, #tpu.memory_space<hbm>>) dst(%arg10 : memref<8x128xi32, #tpu.memory_space<vmem>>)
        tpu.yield
      }) : () -> ()
      %eq3A_31 = arith.constant 0 : i32
      %eq3A_32 = arith.cmpi eq, %arg0, %eq3A_31 : i32
      %convert_element_type3A_33 = arith.extui %eq3A_32 : i1 to i32
      %cond3A_34 = arith.constant 0 : i32
      %cond3A_35 = arith.cmpi ne, %convert_element_type3A_33, %cond3A_34 : i32
      scf.if %cond3A_35 {
        %dma_start3A = arith.constant 0 : i32
        %dma_start3A_118 = arith.constant 0 : i32
        %dma_start3A_119 = tpu.memref_slice %arg9[%dma_start3A, %dma_start3A_118] : memref<8x128xi32, #tpu.memory_space<vmem>> -> memref<1x128xi32, #tpu.memory_space<vmem>>
        %dma_start3A_120 = tpu.memref_squeeze %dma_start3A_119 : memref<1x128xi32, #tpu.memory_space<vmem>> -> memref<128xi32, #tpu.memory_space<vmem>>
        %dma_start3A_121 = arith.constant 0 : i32
        %dma_start3A_122 = arith.constant 0 : i32
        %dma_start3A_123 = tpu.memref_slice %arg2[%dma_start3A_121, %dma_start3A_122] : memref<10000x128xf32, #tpu.memory_space<hbm>> -> memref<10000x128xf32, #tpu.memory_space<hbm>>
        tpu.enqueue_indirect_dma source(%dma_start3A_123 : memref<10000x128xf32, #tpu.memory_space<hbm>>) target(%arg11 : memref<128x128xf32, #tpu.memory_space<vmem>>) offsets(%dma_start3A_120 : memref<128xi32, #tpu.memory_space<vmem>>) semaphore(%arg12 : memref<!tpu.dma_semaphore, #tpu.memory_space<semaphore_mem>>)
        %dma_wait3A = arith.constant 0 : i32
        %dma_wait3A_124 = arith.constant 0 : i32
        %dma_wait3A_125 = tpu.memref_slice %arg9[%dma_wait3A, %dma_wait3A_124] : memref<8x128xi32, #tpu.memory_space<vmem>> -> memref<1x128xi32, #tpu.memory_space<vmem>>
        %dma_wait3A_126 = tpu.memref_squeeze %dma_wait3A_125 : memref<1x128xi32, #tpu.memory_space<vmem>> -> memref<128xi32, #tpu.memory_space<vmem>>
        %dma_wait3A_127 = arith.constant 0 : i32
        %dma_wait3A_128 = arith.constant 0 : i32
        %dma_wait3A_129 = tpu.memref_slice %arg2[%dma_wait3A_127, %dma_wait3A_128] : memref<10000x128xf32, #tpu.memory_space<hbm>> -> memref<10000x128xf32, #tpu.memory_space<hbm>>
        tpu.wait_indirect_dma semaphore(%arg12 : memref<!tpu.dma_semaphore, #tpu.memory_space<semaphore_mem>>) src(%dma_wait3A_129 : memref<10000x128xf32, #tpu.memory_space<hbm>>) dst(%arg11 : memref<128x128xf32, #tpu.memory_space<vmem>>)
      } else {
      }
      %ne3A_36 = arith.constant 0 : i32
      %ne3A_37 = arith.cmpi ne, %arg0, %ne3A_36 : i32
      %convert_element_type3A_38 = arith.extui %ne3A_37 : i1 to i32
      %cond3A_39 = arith.constant 0 : i32
      %cond3A_40 = arith.cmpi ne, %convert_element_type3A_38, %cond3A_39 : i32
      scf.if %cond3A_40 {
        %dma_start3A = arith.constant 0 : i32
        %dma_start3A_118 = arith.constant 0 : i32
        %dma_start3A_119 = tpu.memref_slice %arg9[%dma_start3A, %dma_start3A_118] : memref<8x128xi32, #tpu.memory_space<vmem>> -> memref<1x128xi32, #tpu.memory_space<vmem>>
        %dma_start3A_120 = tpu.memref_squeeze %dma_start3A_119 : memref<1x128xi32, #tpu.memory_space<vmem>> -> memref<128xi32, #tpu.memory_space<vmem>>
        %dma_start3A_121 = arith.constant 0 : i32
        %dma_start3A_122 = arith.constant 0 : i32
        %dma_start3A_123 = tpu.memref_slice %arg3[%dma_start3A_121, %dma_start3A_122] : memref<10000x128xf32, #tpu.memory_space<hbm>> -> memref<10000x128xf32, #tpu.memory_space<hbm>>
        tpu.enqueue_indirect_dma source(%dma_start3A_123 : memref<10000x128xf32, #tpu.memory_space<hbm>>) target(%arg11 : memref<128x128xf32, #tpu.memory_space<vmem>>) offsets(%dma_start3A_120 : memref<128xi32, #tpu.memory_space<vmem>>) semaphore(%arg12 : memref<!tpu.dma_semaphore, #tpu.memory_space<semaphore_mem>>)
        %dma_wait3A = arith.constant 0 : i32
        %dma_wait3A_124 = arith.constant 0 : i32
        %dma_wait3A_125 = tpu.memref_slice %arg9[%dma_wait3A, %dma_wait3A_124] : memref<8x128xi32, #tpu.memory_space<vmem>> -> memref<1x128xi32, #tpu.memory_space<vmem>>
        %dma_wait3A_126 = tpu.memref_squeeze %dma_wait3A_125 : memref<1x128xi32, #tpu.memory_space<vmem>> -> memref<128xi32, #tpu.memory_space<vmem>>
        %dma_wait3A_127 = arith.constant 0 : i32
        %dma_wait3A_128 = arith.constant 0 : i32
        %dma_wait3A_129 = tpu.memref_slice %arg3[%dma_wait3A_127, %dma_wait3A_128] : memref<10000x128xf32, #tpu.memory_space<hbm>> -> memref<10000x128xf32, #tpu.memory_space<hbm>>
        tpu.wait_indirect_dma semaphore(%arg12 : memref<!tpu.dma_semaphore, #tpu.memory_space<semaphore_mem>>) src(%dma_wait3A_129 : memref<10000x128xf32, #tpu.memory_space<hbm>>) dst(%arg11 : memref<128x128xf32, #tpu.memory_space<vmem>>)
      } else {
      }
      %run_scoped3A = arith.constant 0 : i32
      "tpu.region"() ({
        %run_scoped3A_118 = tpu.sem_alloc : memref<!tpu.dma_semaphore, #tpu.memory_space<semaphore_mem>>
        %dma_start3A = arith.constant 0 : i32
        %dma_start3A_119 = tpu.memref_slice %arg10[%run_scoped3A, %dma_start3A] : memref<8x128xi32, #tpu.memory_space<vmem>> -> memref<1x128xi32, #tpu.memory_space<vmem>>
        %dma_start3A_120 = tpu.memref_squeeze %dma_start3A_119 : memref<1x128xi32, #tpu.memory_space<vmem>> -> memref<128xi32, #tpu.memory_space<vmem>>
        %dma_start3A_121 = arith.constant 0 : i32
        %dma_start3A_122 = arith.constant 0 : i32
        %dma_start3A_123 = tpu.memref_slice %arg8[%dma_start3A_121, %dma_start3A_122] : memref<10008x128xf32, #tpu.memory_space<vmem_shared>> -> memref<10008x128xf32, #tpu.memory_space<vmem_shared>>
        tpu.enqueue_indirect_dma source(%arg11 : memref<128x128xf32, #tpu.memory_space<vmem>>) target(%dma_start3A_123 : memref<10008x128xf32, #tpu.memory_space<vmem_shared>>) offsets(%dma_start3A_120 : memref<128xi32, #tpu.memory_space<vmem>>) semaphore(%run_scoped3A_118 : memref<!tpu.dma_semaphore, #tpu.memory_space<semaphore_mem>>) {add = true}
        %dma_wait3A = arith.constant 0 : i32
        %dma_wait3A_124 = tpu.memref_slice %arg10[%run_scoped3A, %dma_wait3A] : memref<8x128xi32, #tpu.memory_space<vmem>> -> memref<1x128xi32, #tpu.memory_space<vmem>>
        %dma_wait3A_125 = tpu.memref_squeeze %dma_wait3A_124 : memref<1x128xi32, #tpu.memory_space<vmem>> -> memref<128xi32, #tpu.memory_space<vmem>>
        %dma_wait3A_126 = arith.constant 0 : i32
        %dma_wait3A_127 = arith.constant 0 : i32
        %dma_wait3A_128 = tpu.memref_slice %arg8[%dma_wait3A_126, %dma_wait3A_127] : memref<10008x128xf32, #tpu.memory_space<vmem_shared>> -> memref<10008x128xf32, #tpu.memory_space<vmem_shared>>
        tpu.wait_indirect_dma semaphore(%run_scoped3A_118 : memref<!tpu.dma_semaphore, #tpu.memory_space<semaphore_mem>>) src(%arg11 : memref<128x128xf32, #tpu.memory_space<vmem>>) dst(%dma_wait3A_128 : memref<10008x128xf32, #tpu.memory_space<vmem_shared>>)
        tpu.yield
      }) : () -> ()
      %eq3A_41 = arith.constant 0 : i32
      %eq3A_42 = arith.cmpi eq, %arg0, %eq3A_41 : i32
      %convert_element_type3A_43 = arith.extui %eq3A_42 : i1 to i32
      %cond3A_44 = arith.constant 0 : i32
      %cond3A_45 = arith.cmpi ne, %convert_element_type3A_43, %cond3A_44 : i32
      scf.if %cond3A_45 {
        %dma_start3A = arith.constant 1 : i32
        %dma_start3A_118 = arith.constant 0 : i32
        %dma_start3A_119 = tpu.memref_slice %arg9[%dma_start3A, %dma_start3A_118] : memref<8x128xi32, #tpu.memory_space<vmem>> -> memref<1x128xi32, #tpu.memory_space<vmem>>
        %dma_start3A_120 = tpu.memref_squeeze %dma_start3A_119 : memref<1x128xi32, #tpu.memory_space<vmem>> -> memref<128xi32, #tpu.memory_space<vmem>>
        %dma_start3A_121 = arith.constant 0 : i32
        %dma_start3A_122 = arith.constant 0 : i32
        %dma_start3A_123 = tpu.memref_slice %arg2[%dma_start3A_121, %dma_start3A_122] : memref<10000x128xf32, #tpu.memory_space<hbm>> -> memref<10000x128xf32, #tpu.memory_space<hbm>>
        tpu.enqueue_indirect_dma source(%dma_start3A_123 : memref<10000x128xf32, #tpu.memory_space<hbm>>) target(%arg11 : memref<128x128xf32, #tpu.memory_space<vmem>>) offsets(%dma_start3A_120 : memref<128xi32, #tpu.memory_space<vmem>>) semaphore(%arg12 : memref<!tpu.dma_semaphore, #tpu.memory_space<semaphore_mem>>)
        %dma_wait3A = arith.constant 1 : i32
        %dma_wait3A_124 = arith.constant 0 : i32
        %dma_wait3A_125 = tpu.memref_slice %arg9[%dma_wait3A, %dma_wait3A_124] : memref<8x128xi32, #tpu.memory_space<vmem>> -> memref<1x128xi32, #tpu.memory_space<vmem>>
        %dma_wait3A_126 = tpu.memref_squeeze %dma_wait3A_125 : memref<1x128xi32, #tpu.memory_space<vmem>> -> memref<128xi32, #tpu.memory_space<vmem>>
        %dma_wait3A_127 = arith.constant 0 : i32
        %dma_wait3A_128 = arith.constant 0 : i32
        %dma_wait3A_129 = tpu.memref_slice %arg2[%dma_wait3A_127, %dma_wait3A_128] : memref<10000x128xf32, #tpu.memory_space<hbm>> -> memref<10000x128xf32, #tpu.memory_space<hbm>>
        tpu.wait_indirect_dma semaphore(%arg12 : memref<!tpu.dma_semaphore, #tpu.memory_space<semaphore_mem>>) src(%dma_wait3A_129 : memref<10000x128xf32, #tpu.memory_space<hbm>>) dst(%arg11 : memref<128x128xf32, #tpu.memory_space<vmem>>)
      } else {
      }
      %ne3A_46 = arith.constant 0 : i32
      %ne3A_47 = arith.cmpi ne, %arg0, %ne3A_46 : i32
      %convert_element_type3A_48 = arith.extui %ne3A_47 : i1 to i32
      %cond3A_49 = arith.constant 0 : i32
      %cond3A_50 = arith.cmpi ne, %convert_element_type3A_48, %cond3A_49 : i32
      scf.if %cond3A_50 {
        %dma_start3A = arith.constant 1 : i32
        %dma_start3A_118 = arith.constant 0 : i32
        %dma_start3A_119 = tpu.memref_slice %arg9[%dma_start3A, %dma_start3A_118] : memref<8x128xi32, #tpu.memory_space<vmem>> -> memref<1x128xi32, #tpu.memory_space<vmem>>
        %dma_start3A_120 = tpu.memref_squeeze %dma_start3A_119 : memref<1x128xi32, #tpu.memory_space<vmem>> -> memref<128xi32, #tpu.memory_space<vmem>>
        %dma_start3A_121 = arith.constant 0 : i32
        %dma_start3A_122 = arith.constant 0 : i32
        %dma_start3A_123 = tpu.memref_slice %arg3[%dma_start3A_121, %dma_start3A_122] : memref<10000x128xf32, #tpu.memory_space<hbm>> -> memref<10000x128xf32, #tpu.memory_space<hbm>>
        tpu.enqueue_indirect_dma source(%dma_start3A_123 : memref<10000x128xf32, #tpu.memory_space<hbm>>) target(%arg11 : memref<128x128xf32, #tpu.memory_space<vmem>>) offsets(%dma_start3A_120 : memref<128xi32, #tpu.memory_space<vmem>>) semaphore(%arg12 : memref<!tpu.dma_semaphore, #tpu.memory_space<semaphore_mem>>)
        %dma_wait3A = arith.constant 1 : i32
        %dma_wait3A_124 = arith.constant 0 : i32
        %dma_wait3A_125 = tpu.memref_slice %arg9[%dma_wait3A, %dma_wait3A_124] : memref<8x128xi32, #tpu.memory_space<vmem>> -> memref<1x128xi32, #tpu.memory_space<vmem>>
        %dma_wait3A_126 = tpu.memref_squeeze %dma_wait3A_125 : memref<1x128xi32, #tpu.memory_space<vmem>> -> memref<128xi32, #tpu.memory_space<vmem>>
        %dma_wait3A_127 = arith.constant 0 : i32
        %dma_wait3A_128 = arith.constant 0 : i32
        %dma_wait3A_129 = tpu.memref_slice %arg3[%dma_wait3A_127, %dma_wait3A_128] : memref<10000x128xf32, #tpu.memory_space<hbm>> -> memref<10000x128xf32, #tpu.memory_space<hbm>>
        tpu.wait_indirect_dma semaphore(%arg12 : memref<!tpu.dma_semaphore, #tpu.memory_space<semaphore_mem>>) src(%dma_wait3A_129 : memref<10000x128xf32, #tpu.memory_space<hbm>>) dst(%arg11 : memref<128x128xf32, #tpu.memory_space<vmem>>)
      } else {
      }
      %run_scoped3A_51 = arith.constant 1 : i32
      "tpu.region"() ({
        %run_scoped3A_118 = tpu.sem_alloc : memref<!tpu.dma_semaphore, #tpu.memory_space<semaphore_mem>>
        %dma_start3A = arith.constant 0 : i32
        %dma_start3A_119 = tpu.memref_slice %arg10[%run_scoped3A_51, %dma_start3A] : memref<8x128xi32, #tpu.memory_space<vmem>> -> memref<1x128xi32, #tpu.memory_space<vmem>>
        %dma_start3A_120 = tpu.memref_squeeze %dma_start3A_119 : memref<1x128xi32, #tpu.memory_space<vmem>> -> memref<128xi32, #tpu.memory_space<vmem>>
        %dma_start3A_121 = arith.constant 0 : i32
        %dma_start3A_122 = arith.constant 0 : i32
        %dma_start3A_123 = tpu.memref_slice %arg8[%dma_start3A_121, %dma_start3A_122] : memref<10008x128xf32, #tpu.memory_space<vmem_shared>> -> memref<10008x128xf32, #tpu.memory_space<vmem_shared>>
        tpu.enqueue_indirect_dma source(%arg11 : memref<128x128xf32, #tpu.memory_space<vmem>>) target(%dma_start3A_123 : memref<10008x128xf32, #tpu.memory_space<vmem_shared>>) offsets(%dma_start3A_120 : memref<128xi32, #tpu.memory_space<vmem>>) semaphore(%run_scoped3A_118 : memref<!tpu.dma_semaphore, #tpu.memory_space<semaphore_mem>>) {add = true}
        %dma_wait3A = arith.constant 0 : i32
        %dma_wait3A_124 = tpu.memref_slice %arg10[%run_scoped3A_51, %dma_wait3A] : memref<8x128xi32, #tpu.memory_space<vmem>> -> memref<1x128xi32, #tpu.memory_space<vmem>>
        %dma_wait3A_125 = tpu.memref_squeeze %dma_wait3A_124 : memref<1x128xi32, #tpu.memory_space<vmem>> -> memref<128xi32, #tpu.memory_space<vmem>>
        %dma_wait3A_126 = arith.constant 0 : i32
        %dma_wait3A_127 = arith.constant 0 : i32
        %dma_wait3A_128 = tpu.memref_slice %arg8[%dma_wait3A_126, %dma_wait3A_127] : memref<10008x128xf32, #tpu.memory_space<vmem_shared>> -> memref<10008x128xf32, #tpu.memory_space<vmem_shared>>
        tpu.wait_indirect_dma semaphore(%run_scoped3A_118 : memref<!tpu.dma_semaphore, #tpu.memory_space<semaphore_mem>>) src(%arg11 : memref<128x128xf32, #tpu.memory_space<vmem>>) dst(%dma_wait3A_128 : memref<10008x128xf32, #tpu.memory_space<vmem_shared>>)
        tpu.yield
      }) : () -> ()
      %eq3A_52 = arith.constant 0 : i32
      %eq3A_53 = arith.cmpi eq, %arg0, %eq3A_52 : i32
      %convert_element_type3A_54 = arith.extui %eq3A_53 : i1 to i32
      %cond3A_55 = arith.constant 0 : i32
      %cond3A_56 = arith.cmpi ne, %convert_element_type3A_54, %cond3A_55 : i32
      scf.if %cond3A_56 {
        %dma_start3A = arith.constant 2 : i32
        %dma_start3A_118 = arith.constant 0 : i32
        %dma_start3A_119 = tpu.memref_slice %arg9[%dma_start3A, %dma_start3A_118] : memref<8x128xi32, #tpu.memory_space<vmem>> -> memref<1x128xi32, #tpu.memory_space<vmem>>
        %dma_start3A_120 = tpu.memref_squeeze %dma_start3A_119 : memref<1x128xi32, #tpu.memory_space<vmem>> -> memref<128xi32, #tpu.memory_space<vmem>>
        %dma_start3A_121 = arith.constant 0 : i32
        %dma_start3A_122 = arith.constant 0 : i32
        %dma_start3A_123 = tpu.memref_slice %arg2[%dma_start3A_121, %dma_start3A_122] : memref<10000x128xf32, #tpu.memory_space<hbm>> -> memref<10000x128xf32, #tpu.memory_space<hbm>>
        tpu.enqueue_indirect_dma source(%dma_start3A_123 : memref<10000x128xf32, #tpu.memory_space<hbm>>) target(%arg11 : memref<128x128xf32, #tpu.memory_space<vmem>>) offsets(%dma_start3A_120 : memref<128xi32, #tpu.memory_space<vmem>>) semaphore(%arg12 : memref<!tpu.dma_semaphore, #tpu.memory_space<semaphore_mem>>)
        %dma_wait3A = arith.constant 2 : i32
        %dma_wait3A_124 = arith.constant 0 : i32
        %dma_wait3A_125 = tpu.memref_slice %arg9[%dma_wait3A, %dma_wait3A_124] : memref<8x128xi32, #tpu.memory_space<vmem>> -> memref<1x128xi32, #tpu.memory_space<vmem>>
        %dma_wait3A_126 = tpu.memref_squeeze %dma_wait3A_125 : memref<1x128xi32, #tpu.memory_space<vmem>> -> memref<128xi32, #tpu.memory_space<vmem>>
        %dma_wait3A_127 = arith.constant 0 : i32
        %dma_wait3A_128 = arith.constant 0 : i32
        %dma_wait3A_129 = tpu.memref_slice %arg2[%dma_wait3A_127, %dma_wait3A_128] : memref<10000x128xf32, #tpu.memory_space<hbm>> -> memref<10000x128xf32, #tpu.memory_space<hbm>>
        tpu.wait_indirect_dma semaphore(%arg12 : memref<!tpu.dma_semaphore, #tpu.memory_space<semaphore_mem>>) src(%dma_wait3A_129 : memref<10000x128xf32, #tpu.memory_space<hbm>>) dst(%arg11 : memref<128x128xf32, #tpu.memory_space<vmem>>)
      } else {
      }
      %ne3A_57 = arith.constant 0 : i32
      %ne3A_58 = arith.cmpi ne, %arg0, %ne3A_57 : i32
      %convert_element_type3A_59 = arith.extui %ne3A_58 : i1 to i32
      %cond3A_60 = arith.constant 0 : i32
      %cond3A_61 = arith.cmpi ne, %convert_element_type3A_59, %cond3A_60 : i32
      scf.if %cond3A_61 {
        %dma_start3A = arith.constant 2 : i32
        %dma_start3A_118 = arith.constant 0 : i32
        %dma_start3A_119 = tpu.memref_slice %arg9[%dma_start3A, %dma_start3A_118] : memref<8x128xi32, #tpu.memory_space<vmem>> -> memref<1x128xi32, #tpu.memory_space<vmem>>
        %dma_start3A_120 = tpu.memref_squeeze %dma_start3A_119 : memref<1x128xi32, #tpu.memory_space<vmem>> -> memref<128xi32, #tpu.memory_space<vmem>>
        %dma_start3A_121 = arith.constant 0 : i32
        %dma_start3A_122 = arith.constant 0 : i32
        %dma_start3A_123 = tpu.memref_slice %arg3[%dma_start3A_121, %dma_start3A_122] : memref<10000x128xf32, #tpu.memory_space<hbm>> -> memref<10000x128xf32, #tpu.memory_space<hbm>>
        tpu.enqueue_indirect_dma source(%dma_start3A_123 : memref<10000x128xf32, #tpu.memory_space<hbm>>) target(%arg11 : memref<128x128xf32, #tpu.memory_space<vmem>>) offsets(%dma_start3A_120 : memref<128xi32, #tpu.memory_space<vmem>>) semaphore(%arg12 : memref<!tpu.dma_semaphore, #tpu.memory_space<semaphore_mem>>)
        %dma_wait3A = arith.constant 2 : i32
        %dma_wait3A_124 = arith.constant 0 : i32
        %dma_wait3A_125 = tpu.memref_slice %arg9[%dma_wait3A, %dma_wait3A_124] : memref<8x128xi32, #tpu.memory_space<vmem>> -> memref<1x128xi32, #tpu.memory_space<vmem>>
        %dma_wait3A_126 = tpu.memref_squeeze %dma_wait3A_125 : memref<1x128xi32, #tpu.memory_space<vmem>> -> memref<128xi32, #tpu.memory_space<vmem>>
        %dma_wait3A_127 = arith.constant 0 : i32
        %dma_wait3A_128 = arith.constant 0 : i32
        %dma_wait3A_129 = tpu.memref_slice %arg3[%dma_wait3A_127, %dma_wait3A_128] : memref<10000x128xf32, #tpu.memory_space<hbm>> -> memref<10000x128xf32, #tpu.memory_space<hbm>>
        tpu.wait_indirect_dma semaphore(%arg12 : memref<!tpu.dma_semaphore, #tpu.memory_space<semaphore_mem>>) src(%dma_wait3A_129 : memref<10000x128xf32, #tpu.memory_space<hbm>>) dst(%arg11 : memref<128x128xf32, #tpu.memory_space<vmem>>)
      } else {
      }
      %run_scoped3A_62 = arith.constant 2 : i32
      "tpu.region"() ({
        %run_scoped3A_118 = tpu.sem_alloc : memref<!tpu.dma_semaphore, #tpu.memory_space<semaphore_mem>>
        %dma_start3A = arith.constant 0 : i32
        %dma_start3A_119 = tpu.memref_slice %arg10[%run_scoped3A_62, %dma_start3A] : memref<8x128xi32, #tpu.memory_space<vmem>> -> memref<1x128xi32, #tpu.memory_space<vmem>>
        %dma_start3A_120 = tpu.memref_squeeze %dma_start3A_119 : memref<1x128xi32, #tpu.memory_space<vmem>> -> memref<128xi32, #tpu.memory_space<vmem>>
        %dma_start3A_121 = arith.constant 0 : i32
        %dma_start3A_122 = arith.constant 0 : i32
        %dma_start3A_123 = tpu.memref_slice %arg8[%dma_start3A_121, %dma_start3A_122] : memref<10008x128xf32, #tpu.memory_space<vmem_shared>> -> memref<10008x128xf32, #tpu.memory_space<vmem_shared>>
        tpu.enqueue_indirect_dma source(%arg11 : memref<128x128xf32, #tpu.memory_space<vmem>>) target(%dma_start3A_123 : memref<10008x128xf32, #tpu.memory_space<vmem_shared>>) offsets(%dma_start3A_120 : memref<128xi32, #tpu.memory_space<vmem>>) semaphore(%run_scoped3A_118 : memref<!tpu.dma_semaphore, #tpu.memory_space<semaphore_mem>>) {add = true}
        %dma_wait3A = arith.constant 0 : i32
        %dma_wait3A_124 = tpu.memref_slice %arg10[%run_scoped3A_62, %dma_wait3A] : memref<8x128xi32, #tpu.memory_space<vmem>> -> memref<1x128xi32, #tpu.memory_space<vmem>>
        %dma_wait3A_125 = tpu.memref_squeeze %dma_wait3A_124 : memref<1x128xi32, #tpu.memory_space<vmem>> -> memref<128xi32, #tpu.memory_space<vmem>>
        %dma_wait3A_126 = arith.constant 0 : i32
        %dma_wait3A_127 = arith.constant 0 : i32
        %dma_wait3A_128 = tpu.memref_slice %arg8[%dma_wait3A_126, %dma_wait3A_127] : memref<10008x128xf32, #tpu.memory_space<vmem_shared>> -> memref<10008x128xf32, #tpu.memory_space<vmem_shared>>
        tpu.wait_indirect_dma semaphore(%run_scoped3A_118 : memref<!tpu.dma_semaphore, #tpu.memory_space<semaphore_mem>>) src(%arg11 : memref<128x128xf32, #tpu.memory_space<vmem>>) dst(%dma_wait3A_128 : memref<10008x128xf32, #tpu.memory_space<vmem_shared>>)
        tpu.yield
      }) : () -> ()
      %eq3A_63 = arith.constant 0 : i32
      %eq3A_64 = arith.cmpi eq, %arg0, %eq3A_63 : i32
      %convert_element_type3A_65 = arith.extui %eq3A_64 : i1 to i32
      %cond3A_66 = arith.constant 0 : i32
      %cond3A_67 = arith.cmpi ne, %convert_element_type3A_65, %cond3A_66 : i32
      scf.if %cond3A_67 {
        %dma_start3A = arith.constant 3 : i32
        %dma_start3A_118 = arith.constant 0 : i32
        %dma_start3A_119 = tpu.memref_slice %arg9[%dma_start3A, %dma_start3A_118] : memref<8x128xi32, #tpu.memory_space<vmem>> -> memref<1x128xi32, #tpu.memory_space<vmem>>
        %dma_start3A_120 = tpu.memref_squeeze %dma_start3A_119 : memref<1x128xi32, #tpu.memory_space<vmem>> -> memref<128xi32, #tpu.memory_space<vmem>>
        %dma_start3A_121 = arith.constant 0 : i32
        %dma_start3A_122 = arith.constant 0 : i32
        %dma_start3A_123 = tpu.memref_slice %arg2[%dma_start3A_121, %dma_start3A_122] : memref<10000x128xf32, #tpu.memory_space<hbm>> -> memref<10000x128xf32, #tpu.memory_space<hbm>>
        tpu.enqueue_indirect_dma source(%dma_start3A_123 : memref<10000x128xf32, #tpu.memory_space<hbm>>) target(%arg11 : memref<128x128xf32, #tpu.memory_space<vmem>>) offsets(%dma_start3A_120 : memref<128xi32, #tpu.memory_space<vmem>>) semaphore(%arg12 : memref<!tpu.dma_semaphore, #tpu.memory_space<semaphore_mem>>)
        %dma_wait3A = arith.constant 3 : i32
        %dma_wait3A_124 = arith.constant 0 : i32
        %dma_wait3A_125 = tpu.memref_slice %arg9[%dma_wait3A, %dma_wait3A_124] : memref<8x128xi32, #tpu.memory_space<vmem>> -> memref<1x128xi32, #tpu.memory_space<vmem>>
        %dma_wait3A_126 = tpu.memref_squeeze %dma_wait3A_125 : memref<1x128xi32, #tpu.memory_space<vmem>> -> memref<128xi32, #tpu.memory_space<vmem>>
        %dma_wait3A_127 = arith.constant 0 : i32
        %dma_wait3A_128 = arith.constant 0 : i32
        %dma_wait3A_129 = tpu.memref_slice %arg2[%dma_wait3A_127, %dma_wait3A_128] : memref<10000x128xf32, #tpu.memory_space<hbm>> -> memref<10000x128xf32, #tpu.memory_space<hbm>>
        tpu.wait_indirect_dma semaphore(%arg12 : memref<!tpu.dma_semaphore, #tpu.memory_space<semaphore_mem>>) src(%dma_wait3A_129 : memref<10000x128xf32, #tpu.memory_space<hbm>>) dst(%arg11 : memref<128x128xf32, #tpu.memory_space<vmem>>)
      } else {
      }
      %ne3A_68 = arith.constant 0 : i32
      %ne3A_69 = arith.cmpi ne, %arg0, %ne3A_68 : i32
      %convert_element_type3A_70 = arith.extui %ne3A_69 : i1 to i32
      %cond3A_71 = arith.constant 0 : i32
      %cond3A_72 = arith.cmpi ne, %convert_element_type3A_70, %cond3A_71 : i32
      scf.if %cond3A_72 {
        %dma_start3A = arith.constant 3 : i32
        %dma_start3A_118 = arith.constant 0 : i32
        %dma_start3A_119 = tpu.memref_slice %arg9[%dma_start3A, %dma_start3A_118] : memref<8x128xi32, #tpu.memory_space<vmem>> -> memref<1x128xi32, #tpu.memory_space<vmem>>
        %dma_start3A_120 = tpu.memref_squeeze %dma_start3A_119 : memref<1x128xi32, #tpu.memory_space<vmem>> -> memref<128xi32, #tpu.memory_space<vmem>>
        %dma_start3A_121 = arith.constant 0 : i32
        %dma_start3A_122 = arith.constant 0 : i32
        %dma_start3A_123 = tpu.memref_slice %arg3[%dma_start3A_121, %dma_start3A_122] : memref<10000x128xf32, #tpu.memory_space<hbm>> -> memref<10000x128xf32, #tpu.memory_space<hbm>>
        tpu.enqueue_indirect_dma source(%dma_start3A_123 : memref<10000x128xf32, #tpu.memory_space<hbm>>) target(%arg11 : memref<128x128xf32, #tpu.memory_space<vmem>>) offsets(%dma_start3A_120 : memref<128xi32, #tpu.memory_space<vmem>>) semaphore(%arg12 : memref<!tpu.dma_semaphore, #tpu.memory_space<semaphore_mem>>)
        %dma_wait3A = arith.constant 3 : i32
        %dma_wait3A_124 = arith.constant 0 : i32
        %dma_wait3A_125 = tpu.memref_slice %arg9[%dma_wait3A, %dma_wait3A_124] : memref<8x128xi32, #tpu.memory_space<vmem>> -> memref<1x128xi32, #tpu.memory_space<vmem>>
        %dma_wait3A_126 = tpu.memref_squeeze %dma_wait3A_125 : memref<1x128xi32, #tpu.memory_space<vmem>> -> memref<128xi32, #tpu.memory_space<vmem>>
        %dma_wait3A_127 = arith.constant 0 : i32
        %dma_wait3A_128 = arith.constant 0 : i32
        %dma_wait3A_129 = tpu.memref_slice %arg3[%dma_wait3A_127, %dma_wait3A_128] : memref<10000x128xf32, #tpu.memory_space<hbm>> -> memref<10000x128xf32, #tpu.memory_space<hbm>>
        tpu.wait_indirect_dma semaphore(%arg12 : memref<!tpu.dma_semaphore, #tpu.memory_space<semaphore_mem>>) src(%dma_wait3A_129 : memref<10000x128xf32, #tpu.memory_space<hbm>>) dst(%arg11 : memref<128x128xf32, #tpu.memory_space<vmem>>)
      } else {
      }
      %run_scoped3A_73 = arith.constant 3 : i32
      "tpu.region"() ({
        %run_scoped3A_118 = tpu.sem_alloc : memref<!tpu.dma_semaphore, #tpu.memory_space<semaphore_mem>>
        %dma_start3A = arith.constant 0 : i32
        %dma_start3A_119 = tpu.memref_slice %arg10[%run_scoped3A_73, %dma_start3A] : memref<8x128xi32, #tpu.memory_space<vmem>> -> memref<1x128xi32, #tpu.memory_space<vmem>>
        %dma_start3A_120 = tpu.memref_squeeze %dma_start3A_119 : memref<1x128xi32, #tpu.memory_space<vmem>> -> memref<128xi32, #tpu.memory_space<vmem>>
        %dma_start3A_121 = arith.constant 0 : i32
        %dma_start3A_122 = arith.constant 0 : i32
        %dma_start3A_123 = tpu.memref_slice %arg8[%dma_start3A_121, %dma_start3A_122] : memref<10008x128xf32, #tpu.memory_space<vmem_shared>> -> memref<10008x128xf32, #tpu.memory_space<vmem_shared>>
        tpu.enqueue_indirect_dma source(%arg11 : memref<128x128xf32, #tpu.memory_space<vmem>>) target(%dma_start3A_123 : memref<10008x128xf32, #tpu.memory_space<vmem_shared>>) offsets(%dma_start3A_120 : memref<128xi32, #tpu.memory_space<vmem>>) semaphore(%run_scoped3A_118 : memref<!tpu.dma_semaphore, #tpu.memory_space<semaphore_mem>>) {add = true}
        %dma_wait3A = arith.constant 0 : i32
        %dma_wait3A_124 = tpu.memref_slice %arg10[%run_scoped3A_73, %dma_wait3A] : memref<8x128xi32, #tpu.memory_space<vmem>> -> memref<1x128xi32, #tpu.memory_space<vmem>>
        %dma_wait3A_125 = tpu.memref_squeeze %dma_wait3A_124 : memref<1x128xi32, #tpu.memory_space<vmem>> -> memref<128xi32, #tpu.memory_space<vmem>>
        %dma_wait3A_126 = arith.constant 0 : i32
        %dma_wait3A_127 = arith.constant 0 : i32
        %dma_wait3A_128 = tpu.memref_slice %arg8[%dma_wait3A_126, %dma_wait3A_127] : memref<10008x128xf32, #tpu.memory_space<vmem_shared>> -> memref<10008x128xf32, #tpu.memory_space<vmem_shared>>
        tpu.wait_indirect_dma semaphore(%run_scoped3A_118 : memref<!tpu.dma_semaphore, #tpu.memory_space<semaphore_mem>>) src(%arg11 : memref<128x128xf32, #tpu.memory_space<vmem>>) dst(%dma_wait3A_128 : memref<10008x128xf32, #tpu.memory_space<vmem_shared>>)
        tpu.yield
      }) : () -> ()
      %eq3A_74 = arith.constant 0 : i32
      %eq3A_75 = arith.cmpi eq, %arg0, %eq3A_74 : i32
      %convert_element_type3A_76 = arith.extui %eq3A_75 : i1 to i32
      %cond3A_77 = arith.constant 0 : i32
      %cond3A_78 = arith.cmpi ne, %convert_element_type3A_76, %cond3A_77 : i32
      scf.if %cond3A_78 {
        %dma_start3A = arith.constant 4 : i32
        %dma_start3A_118 = arith.constant 0 : i32
        %dma_start3A_119 = tpu.memref_slice %arg9[%dma_start3A, %dma_start3A_118] : memref<8x128xi32, #tpu.memory_space<vmem>> -> memref<1x128xi32, #tpu.memory_space<vmem>>
        %dma_start3A_120 = tpu.memref_squeeze %dma_start3A_119 : memref<1x128xi32, #tpu.memory_space<vmem>> -> memref<128xi32, #tpu.memory_space<vmem>>
        %dma_start3A_121 = arith.constant 0 : i32
        %dma_start3A_122 = arith.constant 0 : i32
        %dma_start3A_123 = tpu.memref_slice %arg2[%dma_start3A_121, %dma_start3A_122] : memref<10000x128xf32, #tpu.memory_space<hbm>> -> memref<10000x128xf32, #tpu.memory_space<hbm>>
        tpu.enqueue_indirect_dma source(%dma_start3A_123 : memref<10000x128xf32, #tpu.memory_space<hbm>>) target(%arg11 : memref<128x128xf32, #tpu.memory_space<vmem>>) offsets(%dma_start3A_120 : memref<128xi32, #tpu.memory_space<vmem>>) semaphore(%arg12 : memref<!tpu.dma_semaphore, #tpu.memory_space<semaphore_mem>>)
        %dma_wait3A = arith.constant 4 : i32
        %dma_wait3A_124 = arith.constant 0 : i32
        %dma_wait3A_125 = tpu.memref_slice %arg9[%dma_wait3A, %dma_wait3A_124] : memref<8x128xi32, #tpu.memory_space<vmem>> -> memref<1x128xi32, #tpu.memory_space<vmem>>
        %dma_wait3A_126 = tpu.memref_squeeze %dma_wait3A_125 : memref<1x128xi32, #tpu.memory_space<vmem>> -> memref<128xi32, #tpu.memory_space<vmem>>
        %dma_wait3A_127 = arith.constant 0 : i32
        %dma_wait3A_128 = arith.constant 0 : i32
        %dma_wait3A_129 = tpu.memref_slice %arg2[%dma_wait3A_127, %dma_wait3A_128] : memref<10000x128xf32, #tpu.memory_space<hbm>> -> memref<10000x128xf32, #tpu.memory_space<hbm>>
        tpu.wait_indirect_dma semaphore(%arg12 : memref<!tpu.dma_semaphore, #tpu.memory_space<semaphore_mem>>) src(%dma_wait3A_129 : memref<10000x128xf32, #tpu.memory_space<hbm>>) dst(%arg11 : memref<128x128xf32, #tpu.memory_space<vmem>>)
      } else {
      }
      %ne3A_79 = arith.constant 0 : i32
      %ne3A_80 = arith.cmpi ne, %arg0, %ne3A_79 : i32
      %convert_element_type3A_81 = arith.extui %ne3A_80 : i1 to i32
      %cond3A_82 = arith.constant 0 : i32
      %cond3A_83 = arith.cmpi ne, %convert_element_type3A_81, %cond3A_82 : i32
      scf.if %cond3A_83 {
        %dma_start3A = arith.constant 4 : i32
        %dma_start3A_118 = arith.constant 0 : i32
        %dma_start3A_119 = tpu.memref_slice %arg9[%dma_start3A, %dma_start3A_118] : memref<8x128xi32, #tpu.memory_space<vmem>> -> memref<1x128xi32, #tpu.memory_space<vmem>>
        %dma_start3A_120 = tpu.memref_squeeze %dma_start3A_119 : memref<1x128xi32, #tpu.memory_space<vmem>> -> memref<128xi32, #tpu.memory_space<vmem>>
        %dma_start3A_121 = arith.constant 0 : i32
        %dma_start3A_122 = arith.constant 0 : i32
        %dma_start3A_123 = tpu.memref_slice %arg3[%dma_start3A_121, %dma_start3A_122] : memref<10000x128xf32, #tpu.memory_space<hbm>> -> memref<10000x128xf32, #tpu.memory_space<hbm>>
        tpu.enqueue_indirect_dma source(%dma_start3A_123 : memref<10000x128xf32, #tpu.memory_space<hbm>>) target(%arg11 : memref<128x128xf32, #tpu.memory_space<vmem>>) offsets(%dma_start3A_120 : memref<128xi32, #tpu.memory_space<vmem>>) semaphore(%arg12 : memref<!tpu.dma_semaphore, #tpu.memory_space<semaphore_mem>>)
        %dma_wait3A = arith.constant 4 : i32
        %dma_wait3A_124 = arith.constant 0 : i32
        %dma_wait3A_125 = tpu.memref_slice %arg9[%dma_wait3A, %dma_wait3A_124] : memref<8x128xi32, #tpu.memory_space<vmem>> -> memref<1x128xi32, #tpu.memory_space<vmem>>
        %dma_wait3A_126 = tpu.memref_squeeze %dma_wait3A_125 : memref<1x128xi32, #tpu.memory_space<vmem>> -> memref<128xi32, #tpu.memory_space<vmem>>
        %dma_wait3A_127 = arith.constant 0 : i32
        %dma_wait3A_128 = arith.constant 0 : i32
        %dma_wait3A_129 = tpu.memref_slice %arg3[%dma_wait3A_127, %dma_wait3A_128] : memref<10000x128xf32, #tpu.memory_space<hbm>> -> memref<10000x128xf32, #tpu.memory_space<hbm>>
        tpu.wait_indirect_dma semaphore(%arg12 : memref<!tpu.dma_semaphore, #tpu.memory_space<semaphore_mem>>) src(%dma_wait3A_129 : memref<10000x128xf32, #tpu.memory_space<hbm>>) dst(%arg11 : memref<128x128xf32, #tpu.memory_space<vmem>>)
      } else {
      }
      %run_scoped3A_84 = arith.constant 4 : i32
      "tpu.region"() ({
        %run_scoped3A_118 = tpu.sem_alloc : memref<!tpu.dma_semaphore, #tpu.memory_space<semaphore_mem>>
        %dma_start3A = arith.constant 0 : i32
        %dma_start3A_119 = tpu.memref_slice %arg10[%run_scoped3A_84, %dma_start3A] : memref<8x128xi32, #tpu.memory_space<vmem>> -> memref<1x128xi32, #tpu.memory_space<vmem>>
        %dma_start3A_120 = tpu.memref_squeeze %dma_start3A_119 : memref<1x128xi32, #tpu.memory_space<vmem>> -> memref<128xi32, #tpu.memory_space<vmem>>
        %dma_start3A_121 = arith.constant 0 : i32
        %dma_start3A_122 = arith.constant 0 : i32
        %dma_start3A_123 = tpu.memref_slice %arg8[%dma_start3A_121, %dma_start3A_122] : memref<10008x128xf32, #tpu.memory_space<vmem_shared>> -> memref<10008x128xf32, #tpu.memory_space<vmem_shared>>
        tpu.enqueue_indirect_dma source(%arg11 : memref<128x128xf32, #tpu.memory_space<vmem>>) target(%dma_start3A_123 : memref<10008x128xf32, #tpu.memory_space<vmem_shared>>) offsets(%dma_start3A_120 : memref<128xi32, #tpu.memory_space<vmem>>) semaphore(%run_scoped3A_118 : memref<!tpu.dma_semaphore, #tpu.memory_space<semaphore_mem>>) {add = true}
        %dma_wait3A = arith.constant 0 : i32
        %dma_wait3A_124 = tpu.memref_slice %arg10[%run_scoped3A_84, %dma_wait3A] : memref<8x128xi32, #tpu.memory_space<vmem>> -> memref<1x128xi32, #tpu.memory_space<vmem>>
        %dma_wait3A_125 = tpu.memref_squeeze %dma_wait3A_124 : memref<1x128xi32, #tpu.memory_space<vmem>> -> memref<128xi32, #tpu.memory_space<vmem>>
        %dma_wait3A_126 = arith.constant 0 : i32
        %dma_wait3A_127 = arith.constant 0 : i32
        %dma_wait3A_128 = tpu.memref_slice %arg8[%dma_wait3A_126, %dma_wait3A_127] : memref<10008x128xf32, #tpu.memory_space<vmem_shared>> -> memref<10008x128xf32, #tpu.memory_space<vmem_shared>>
        tpu.wait_indirect_dma semaphore(%run_scoped3A_118 : memref<!tpu.dma_semaphore, #tpu.memory_space<semaphore_mem>>) src(%arg11 : memref<128x128xf32, #tpu.memory_space<vmem>>) dst(%dma_wait3A_128 : memref<10008x128xf32, #tpu.memory_space<vmem_shared>>)
        tpu.yield
      }) : () -> ()
      %eq3A_85 = arith.constant 0 : i32
      %eq3A_86 = arith.cmpi eq, %arg0, %eq3A_85 : i32
      %convert_element_type3A_87 = arith.extui %eq3A_86 : i1 to i32
      %cond3A_88 = arith.constant 0 : i32
      %cond3A_89 = arith.cmpi ne, %convert_element_type3A_87, %cond3A_88 : i32
      scf.if %cond3A_89 {
        %dma_start3A = arith.constant 5 : i32
        %dma_start3A_118 = arith.constant 0 : i32
        %dma_start3A_119 = tpu.memref_slice %arg9[%dma_start3A, %dma_start3A_118] : memref<8x128xi32, #tpu.memory_space<vmem>> -> memref<1x128xi32, #tpu.memory_space<vmem>>
        %dma_start3A_120 = tpu.memref_squeeze %dma_start3A_119 : memref<1x128xi32, #tpu.memory_space<vmem>> -> memref<128xi32, #tpu.memory_space<vmem>>
        %dma_start3A_121 = arith.constant 0 : i32
        %dma_start3A_122 = arith.constant 0 : i32
        %dma_start3A_123 = tpu.memref_slice %arg2[%dma_start3A_121, %dma_start3A_122] : memref<10000x128xf32, #tpu.memory_space<hbm>> -> memref<10000x128xf32, #tpu.memory_space<hbm>>
        tpu.enqueue_indirect_dma source(%dma_start3A_123 : memref<10000x128xf32, #tpu.memory_space<hbm>>) target(%arg11 : memref<128x128xf32, #tpu.memory_space<vmem>>) offsets(%dma_start3A_120 : memref<128xi32, #tpu.memory_space<vmem>>) semaphore(%arg12 : memref<!tpu.dma_semaphore, #tpu.memory_space<semaphore_mem>>)
        %dma_wait3A = arith.constant 5 : i32
        %dma_wait3A_124 = arith.constant 0 : i32
        %dma_wait3A_125 = tpu.memref_slice %arg9[%dma_wait3A, %dma_wait3A_124] : memref<8x128xi32, #tpu.memory_space<vmem>> -> memref<1x128xi32, #tpu.memory_space<vmem>>
        %dma_wait3A_126 = tpu.memref_squeeze %dma_wait3A_125 : memref<1x128xi32, #tpu.memory_space<vmem>> -> memref<128xi32, #tpu.memory_space<vmem>>
        %dma_wait3A_127 = arith.constant 0 : i32
        %dma_wait3A_128 = arith.constant 0 : i32
        %dma_wait3A_129 = tpu.memref_slice %arg2[%dma_wait3A_127, %dma_wait3A_128] : memref<10000x128xf32, #tpu.memory_space<hbm>> -> memref<10000x128xf32, #tpu.memory_space<hbm>>
        tpu.wait_indirect_dma semaphore(%arg12 : memref<!tpu.dma_semaphore, #tpu.memory_space<semaphore_mem>>) src(%dma_wait3A_129 : memref<10000x128xf32, #tpu.memory_space<hbm>>) dst(%arg11 : memref<128x128xf32, #tpu.memory_space<vmem>>)
      } else {
      }
      %ne3A_90 = arith.constant 0 : i32
      %ne3A_91 = arith.cmpi ne, %arg0, %ne3A_90 : i32
      %convert_element_type3A_92 = arith.extui %ne3A_91 : i1 to i32
      %cond3A_93 = arith.constant 0 : i32
      %cond3A_94 = arith.cmpi ne, %convert_element_type3A_92, %cond3A_93 : i32
      scf.if %cond3A_94 {
        %dma_start3A = arith.constant 5 : i32
        %dma_start3A_118 = arith.constant 0 : i32
        %dma_start3A_119 = tpu.memref_slice %arg9[%dma_start3A, %dma_start3A_118] : memref<8x128xi32, #tpu.memory_space<vmem>> -> memref<1x128xi32, #tpu.memory_space<vmem>>
        %dma_start3A_120 = tpu.memref_squeeze %dma_start3A_119 : memref<1x128xi32, #tpu.memory_space<vmem>> -> memref<128xi32, #tpu.memory_space<vmem>>
        %dma_start3A_121 = arith.constant 0 : i32
        %dma_start3A_122 = arith.constant 0 : i32
        %dma_start3A_123 = tpu.memref_slice %arg3[%dma_start3A_121, %dma_start3A_122] : memref<10000x128xf32, #tpu.memory_space<hbm>> -> memref<10000x128xf32, #tpu.memory_space<hbm>>
        tpu.enqueue_indirect_dma source(%dma_start3A_123 : memref<10000x128xf32, #tpu.memory_space<hbm>>) target(%arg11 : memref<128x128xf32, #tpu.memory_space<vmem>>) offsets(%dma_start3A_120 : memref<128xi32, #tpu.memory_space<vmem>>) semaphore(%arg12 : memref<!tpu.dma_semaphore, #tpu.memory_space<semaphore_mem>>)
        %dma_wait3A = arith.constant 5 : i32
        %dma_wait3A_124 = arith.constant 0 : i32
        %dma_wait3A_125 = tpu.memref_slice %arg9[%dma_wait3A, %dma_wait3A_124] : memref<8x128xi32, #tpu.memory_space<vmem>> -> memref<1x128xi32, #tpu.memory_space<vmem>>
        %dma_wait3A_126 = tpu.memref_squeeze %dma_wait3A_125 : memref<1x128xi32, #tpu.memory_space<vmem>> -> memref<128xi32, #tpu.memory_space<vmem>>
        %dma_wait3A_127 = arith.constant 0 : i32
        %dma_wait3A_128 = arith.constant 0 : i32
        %dma_wait3A_129 = tpu.memref_slice %arg3[%dma_wait3A_127, %dma_wait3A_128] : memref<10000x128xf32, #tpu.memory_space<hbm>> -> memref<10000x128xf32, #tpu.memory_space<hbm>>
        tpu.wait_indirect_dma semaphore(%arg12 : memref<!tpu.dma_semaphore, #tpu.memory_space<semaphore_mem>>) src(%dma_wait3A_129 : memref<10000x128xf32, #tpu.memory_space<hbm>>) dst(%arg11 : memref<128x128xf32, #tpu.memory_space<vmem>>)
      } else {
      }
      %run_scoped3A_95 = arith.constant 5 : i32
      "tpu.region"() ({
        %run_scoped3A_118 = tpu.sem_alloc : memref<!tpu.dma_semaphore, #tpu.memory_space<semaphore_mem>>
        %dma_start3A = arith.constant 0 : i32
        %dma_start3A_119 = tpu.memref_slice %arg10[%run_scoped3A_95, %dma_start3A] : memref<8x128xi32, #tpu.memory_space<vmem>> -> memref<1x128xi32, #tpu.memory_space<vmem>>
        %dma_start3A_120 = tpu.memref_squeeze %dma_start3A_119 : memref<1x128xi32, #tpu.memory_space<vmem>> -> memref<128xi32, #tpu.memory_space<vmem>>
        %dma_start3A_121 = arith.constant 0 : i32
        %dma_start3A_122 = arith.constant 0 : i32
        %dma_start3A_123 = tpu.memref_slice %arg8[%dma_start3A_121, %dma_start3A_122] : memref<10008x128xf32, #tpu.memory_space<vmem_shared>> -> memref<10008x128xf32, #tpu.memory_space<vmem_shared>>
        tpu.enqueue_indirect_dma source(%arg11 : memref<128x128xf32, #tpu.memory_space<vmem>>) target(%dma_start3A_123 : memref<10008x128xf32, #tpu.memory_space<vmem_shared>>) offsets(%dma_start3A_120 : memref<128xi32, #tpu.memory_space<vmem>>) semaphore(%run_scoped3A_118 : memref<!tpu.dma_semaphore, #tpu.memory_space<semaphore_mem>>) {add = true}
        %dma_wait3A = arith.constant 0 : i32
        %dma_wait3A_124 = tpu.memref_slice %arg10[%run_scoped3A_95, %dma_wait3A] : memref<8x128xi32, #tpu.memory_space<vmem>> -> memref<1x128xi32, #tpu.memory_space<vmem>>
        %dma_wait3A_125 = tpu.memref_squeeze %dma_wait3A_124 : memref<1x128xi32, #tpu.memory_space<vmem>> -> memref<128xi32, #tpu.memory_space<vmem>>
        %dma_wait3A_126 = arith.constant 0 : i32
        %dma_wait3A_127 = arith.constant 0 : i32
        %dma_wait3A_128 = tpu.memref_slice %arg8[%dma_wait3A_126, %dma_wait3A_127] : memref<10008x128xf32, #tpu.memory_space<vmem_shared>> -> memref<10008x128xf32, #tpu.memory_space<vmem_shared>>
        tpu.wait_indirect_dma semaphore(%run_scoped3A_118 : memref<!tpu.dma_semaphore, #tpu.memory_space<semaphore_mem>>) src(%arg11 : memref<128x128xf32, #tpu.memory_space<vmem>>) dst(%dma_wait3A_128 : memref<10008x128xf32, #tpu.memory_space<vmem_shared>>)
        tpu.yield
      }) : () -> ()
      %eq3A_96 = arith.constant 0 : i32
      %eq3A_97 = arith.cmpi eq, %arg0, %eq3A_96 : i32
      %convert_element_type3A_98 = arith.extui %eq3A_97 : i1 to i32
      %cond3A_99 = arith.constant 0 : i32
      %cond3A_100 = arith.cmpi ne, %convert_element_type3A_98, %cond3A_99 : i32
      scf.if %cond3A_100 {
        %dma_start3A = arith.constant 6 : i32
        %dma_start3A_118 = arith.constant 0 : i32
        %dma_start3A_119 = tpu.memref_slice %arg9[%dma_start3A, %dma_start3A_118] : memref<8x128xi32, #tpu.memory_space<vmem>> -> memref<1x128xi32, #tpu.memory_space<vmem>>
        %dma_start3A_120 = tpu.memref_squeeze %dma_start3A_119 : memref<1x128xi32, #tpu.memory_space<vmem>> -> memref<128xi32, #tpu.memory_space<vmem>>
        %dma_start3A_121 = arith.constant 0 : i32
        %dma_start3A_122 = arith.constant 0 : i32
        %dma_start3A_123 = tpu.memref_slice %arg2[%dma_start3A_121, %dma_start3A_122] : memref<10000x128xf32, #tpu.memory_space<hbm>> -> memref<10000x128xf32, #tpu.memory_space<hbm>>
        tpu.enqueue_indirect_dma source(%dma_start3A_123 : memref<10000x128xf32, #tpu.memory_space<hbm>>) target(%arg11 : memref<128x128xf32, #tpu.memory_space<vmem>>) offsets(%dma_start3A_120 : memref<128xi32, #tpu.memory_space<vmem>>) semaphore(%arg12 : memref<!tpu.dma_semaphore, #tpu.memory_space<semaphore_mem>>)
        %dma_wait3A = arith.constant 6 : i32
        %dma_wait3A_124 = arith.constant 0 : i32
        %dma_wait3A_125 = tpu.memref_slice %arg9[%dma_wait3A, %dma_wait3A_124] : memref<8x128xi32, #tpu.memory_space<vmem>> -> memref<1x128xi32, #tpu.memory_space<vmem>>
        %dma_wait3A_126 = tpu.memref_squeeze %dma_wait3A_125 : memref<1x128xi32, #tpu.memory_space<vmem>> -> memref<128xi32, #tpu.memory_space<vmem>>
        %dma_wait3A_127 = arith.constant 0 : i32
        %dma_wait3A_128 = arith.constant 0 : i32
        %dma_wait3A_129 = tpu.memref_slice %arg2[%dma_wait3A_127, %dma_wait3A_128] : memref<10000x128xf32, #tpu.memory_space<hbm>> -> memref<10000x128xf32, #tpu.memory_space<hbm>>
        tpu.wait_indirect_dma semaphore(%arg12 : memref<!tpu.dma_semaphore, #tpu.memory_space<semaphore_mem>>) src(%dma_wait3A_129 : memref<10000x128xf32, #tpu.memory_space<hbm>>) dst(%arg11 : memref<128x128xf32, #tpu.memory_space<vmem>>)
      } else {
      }
      %ne3A_101 = arith.constant 0 : i32
      %ne3A_102 = arith.cmpi ne, %arg0, %ne3A_101 : i32
      %convert_element_type3A_103 = arith.extui %ne3A_102 : i1 to i32
      %cond3A_104 = arith.constant 0 : i32
      %cond3A_105 = arith.cmpi ne, %convert_element_type3A_103, %cond3A_104 : i32
      scf.if %cond3A_105 {
        %dma_start3A = arith.constant 6 : i32
        %dma_start3A_118 = arith.constant 0 : i32
        %dma_start3A_119 = tpu.memref_slice %arg9[%dma_start3A, %dma_start3A_118] : memref<8x128xi32, #tpu.memory_space<vmem>> -> memref<1x128xi32, #tpu.memory_space<vmem>>
        %dma_start3A_120 = tpu.memref_squeeze %dma_start3A_119 : memref<1x128xi32, #tpu.memory_space<vmem>> -> memref<128xi32, #tpu.memory_space<vmem>>
        %dma_start3A_121 = arith.constant 0 : i32
        %dma_start3A_122 = arith.constant 0 : i32
        %dma_start3A_123 = tpu.memref_slice %arg3[%dma_start3A_121, %dma_start3A_122] : memref<10000x128xf32, #tpu.memory_space<hbm>> -> memref<10000x128xf32, #tpu.memory_space<hbm>>
        tpu.enqueue_indirect_dma source(%dma_start3A_123 : memref<10000x128xf32, #tpu.memory_space<hbm>>) target(%arg11 : memref<128x128xf32, #tpu.memory_space<vmem>>) offsets(%dma_start3A_120 : memref<128xi32, #tpu.memory_space<vmem>>) semaphore(%arg12 : memref<!tpu.dma_semaphore, #tpu.memory_space<semaphore_mem>>)
        %dma_wait3A = arith.constant 6 : i32
        %dma_wait3A_124 = arith.constant 0 : i32
        %dma_wait3A_125 = tpu.memref_slice %arg9[%dma_wait3A, %dma_wait3A_124] : memref<8x128xi32, #tpu.memory_space<vmem>> -> memref<1x128xi32, #tpu.memory_space<vmem>>
        %dma_wait3A_126 = tpu.memref_squeeze %dma_wait3A_125 : memref<1x128xi32, #tpu.memory_space<vmem>> -> memref<128xi32, #tpu.memory_space<vmem>>
        %dma_wait3A_127 = arith.constant 0 : i32
        %dma_wait3A_128 = arith.constant 0 : i32
        %dma_wait3A_129 = tpu.memref_slice %arg3[%dma_wait3A_127, %dma_wait3A_128] : memref<10000x128xf32, #tpu.memory_space<hbm>> -> memref<10000x128xf32, #tpu.memory_space<hbm>>
        tpu.wait_indirect_dma semaphore(%arg12 : memref<!tpu.dma_semaphore, #tpu.memory_space<semaphore_mem>>) src(%dma_wait3A_129 : memref<10000x128xf32, #tpu.memory_space<hbm>>) dst(%arg11 : memref<128x128xf32, #tpu.memory_space<vmem>>)
      } else {
      }
      %run_scoped3A_106 = arith.constant 6 : i32
      "tpu.region"() ({
        %run_scoped3A_118 = tpu.sem_alloc : memref<!tpu.dma_semaphore, #tpu.memory_space<semaphore_mem>>
        %dma_start3A = arith.constant 0 : i32
        %dma_start3A_119 = tpu.memref_slice %arg10[%run_scoped3A_106, %dma_start3A] : memref<8x128xi32, #tpu.memory_space<vmem>> -> memref<1x128xi32, #tpu.memory_space<vmem>>
        %dma_start3A_120 = tpu.memref_squeeze %dma_start3A_119 : memref<1x128xi32, #tpu.memory_space<vmem>> -> memref<128xi32, #tpu.memory_space<vmem>>
        %dma_start3A_121 = arith.constant 0 : i32
        %dma_start3A_122 = arith.constant 0 : i32
        %dma_start3A_123 = tpu.memref_slice %arg8[%dma_start3A_121, %dma_start3A_122] : memref<10008x128xf32, #tpu.memory_space<vmem_shared>> -> memref<10008x128xf32, #tpu.memory_space<vmem_shared>>
        tpu.enqueue_indirect_dma source(%arg11 : memref<128x128xf32, #tpu.memory_space<vmem>>) target(%dma_start3A_123 : memref<10008x128xf32, #tpu.memory_space<vmem_shared>>) offsets(%dma_start3A_120 : memref<128xi32, #tpu.memory_space<vmem>>) semaphore(%run_scoped3A_118 : memref<!tpu.dma_semaphore, #tpu.memory_space<semaphore_mem>>) {add = true}
        %dma_wait3A = arith.constant 0 : i32
        %dma_wait3A_124 = tpu.memref_slice %arg10[%run_scoped3A_106, %dma_wait3A] : memref<8x128xi32, #tpu.memory_space<vmem>> -> memref<1x128xi32, #tpu.memory_space<vmem>>
        %dma_wait3A_125 = tpu.memref_squeeze %dma_wait3A_124 : memref<1x128xi32, #tpu.memory_space<vmem>> -> memref<128xi32, #tpu.memory_space<vmem>>
        %dma_wait3A_126 = arith.constant 0 : i32
        %dma_wait3A_127 = arith.constant 0 : i32
        %dma_wait3A_128 = tpu.memref_slice %arg8[%dma_wait3A_126, %dma_wait3A_127] : memref<10008x128xf32, #tpu.memory_space<vmem_shared>> -> memref<10008x128xf32, #tpu.memory_space<vmem_shared>>
        tpu.wait_indirect_dma semaphore(%run_scoped3A_118 : memref<!tpu.dma_semaphore, #tpu.memory_space<semaphore_mem>>) src(%arg11 : memref<128x128xf32, #tpu.memory_space<vmem>>) dst(%dma_wait3A_128 : memref<10008x128xf32, #tpu.memory_space<vmem_shared>>)
        tpu.yield
      }) : () -> ()
      %eq3A_107 = arith.constant 0 : i32
      %eq3A_108 = arith.cmpi eq, %arg0, %eq3A_107 : i32
      %convert_element_type3A_109 = arith.extui %eq3A_108 : i1 to i32
      %cond3A_110 = arith.constant 0 : i32
      %cond3A_111 = arith.cmpi ne, %convert_element_type3A_109, %cond3A_110 : i32
      scf.if %cond3A_111 {
        %dma_start3A = arith.constant 7 : i32
        %dma_start3A_118 = arith.constant 0 : i32
        %dma_start3A_119 = tpu.memref_slice %arg9[%dma_start3A, %dma_start3A_118] : memref<8x128xi32, #tpu.memory_space<vmem>> -> memref<1x128xi32, #tpu.memory_space<vmem>>
        %dma_start3A_120 = tpu.memref_squeeze %dma_start3A_119 : memref<1x128xi32, #tpu.memory_space<vmem>> -> memref<128xi32, #tpu.memory_space<vmem>>
        %dma_start3A_121 = arith.constant 0 : i32
        %dma_start3A_122 = arith.constant 0 : i32
        %dma_start3A_123 = tpu.memref_slice %arg2[%dma_start3A_121, %dma_start3A_122] : memref<10000x128xf32, #tpu.memory_space<hbm>> -> memref<10000x128xf32, #tpu.memory_space<hbm>>
        tpu.enqueue_indirect_dma source(%dma_start3A_123 : memref<10000x128xf32, #tpu.memory_space<hbm>>) target(%arg11 : memref<128x128xf32, #tpu.memory_space<vmem>>) offsets(%dma_start3A_120 : memref<128xi32, #tpu.memory_space<vmem>>) semaphore(%arg12 : memref<!tpu.dma_semaphore, #tpu.memory_space<semaphore_mem>>)
        %dma_wait3A = arith.constant 7 : i32
        %dma_wait3A_124 = arith.constant 0 : i32
        %dma_wait3A_125 = tpu.memref_slice %arg9[%dma_wait3A, %dma_wait3A_124] : memref<8x128xi32, #tpu.memory_space<vmem>> -> memref<1x128xi32, #tpu.memory_space<vmem>>
        %dma_wait3A_126 = tpu.memref_squeeze %dma_wait3A_125 : memref<1x128xi32, #tpu.memory_space<vmem>> -> memref<128xi32, #tpu.memory_space<vmem>>
        %dma_wait3A_127 = arith.constant 0 : i32
        %dma_wait3A_128 = arith.constant 0 : i32
        %dma_wait3A_129 = tpu.memref_slice %arg2[%dma_wait3A_127, %dma_wait3A_128] : memref<10000x128xf32, #tpu.memory_space<hbm>> -> memref<10000x128xf32, #tpu.memory_space<hbm>>
        tpu.wait_indirect_dma semaphore(%arg12 : memref<!tpu.dma_semaphore, #tpu.memory_space<semaphore_mem>>) src(%dma_wait3A_129 : memref<10000x128xf32, #tpu.memory_space<hbm>>) dst(%arg11 : memref<128x128xf32, #tpu.memory_space<vmem>>)
      } else {
      }
      %ne3A_112 = arith.constant 0 : i32
      %ne3A_113 = arith.cmpi ne, %arg0, %ne3A_112 : i32
      %convert_element_type3A_114 = arith.extui %ne3A_113 : i1 to i32
      %cond3A_115 = arith.constant 0 : i32
      %cond3A_116 = arith.cmpi ne, %convert_element_type3A_114, %cond3A_115 : i32
      scf.if %cond3A_116 {
        %dma_start3A = arith.constant 7 : i32
        %dma_start3A_118 = arith.constant 0 : i32
        %dma_start3A_119 = tpu.memref_slice %arg9[%dma_start3A, %dma_start3A_118] : memref<8x128xi32, #tpu.memory_space<vmem>> -> memref<1x128xi32, #tpu.memory_space<vmem>>
        %dma_start3A_120 = tpu.memref_squeeze %dma_start3A_119 : memref<1x128xi32, #tpu.memory_space<vmem>> -> memref<128xi32, #tpu.memory_space<vmem>>
        %dma_start3A_121 = arith.constant 0 : i32
        %dma_start3A_122 = arith.constant 0 : i32
        %dma_start3A_123 = tpu.memref_slice %arg3[%dma_start3A_121, %dma_start3A_122] : memref<10000x128xf32, #tpu.memory_space<hbm>> -> memref<10000x128xf32, #tpu.memory_space<hbm>>
        tpu.enqueue_indirect_dma source(%dma_start3A_123 : memref<10000x128xf32, #tpu.memory_space<hbm>>) target(%arg11 : memref<128x128xf32, #tpu.memory_space<vmem>>) offsets(%dma_start3A_120 : memref<128xi32, #tpu.memory_space<vmem>>) semaphore(%arg12 : memref<!tpu.dma_semaphore, #tpu.memory_space<semaphore_mem>>)
        %dma_wait3A = arith.constant 7 : i32
        %dma_wait3A_124 = arith.constant 0 : i32
        %dma_wait3A_125 = tpu.memref_slice %arg9[%dma_wait3A, %dma_wait3A_124] : memref<8x128xi32, #tpu.memory_space<vmem>> -> memref<1x128xi32, #tpu.memory_space<vmem>>
        %dma_wait3A_126 = tpu.memref_squeeze %dma_wait3A_125 : memref<1x128xi32, #tpu.memory_space<vmem>> -> memref<128xi32, #tpu.memory_space<vmem>>
        %dma_wait3A_127 = arith.constant 0 : i32
        %dma_wait3A_128 = arith.constant 0 : i32
        %dma_wait3A_129 = tpu.memref_slice %arg3[%dma_wait3A_127, %dma_wait3A_128] : memref<10000x128xf32, #tpu.memory_space<hbm>> -> memref<10000x128xf32, #tpu.memory_space<hbm>>
        tpu.wait_indirect_dma semaphore(%arg12 : memref<!tpu.dma_semaphore, #tpu.memory_space<semaphore_mem>>) src(%dma_wait3A_129 : memref<10000x128xf32, #tpu.memory_space<hbm>>) dst(%arg11 : memref<128x128xf32, #tpu.memory_space<vmem>>)
      } else {
      }
      %run_scoped3A_117 = arith.constant 7 : i32
      "tpu.region"() ({
        %run_scoped3A_118 = tpu.sem_alloc : memref<!tpu.dma_semaphore, #tpu.memory_space<semaphore_mem>>
        %dma_start3A = arith.constant 0 : i32
        %dma_start3A_119 = tpu.memref_slice %arg10[%run_scoped3A_117, %dma_start3A] : memref<8x128xi32, #tpu.memory_space<vmem>> -> memref<1x128xi32, #tpu.memory_space<vmem>>
        %dma_start3A_120 = tpu.memref_squeeze %dma_start3A_119 : memref<1x128xi32, #tpu.memory_space<vmem>> -> memref<128xi32, #tpu.memory_space<vmem>>
        %dma_start3A_121 = arith.constant 0 : i32
        %dma_start3A_122 = arith.constant 0 : i32
        %dma_start3A_123 = tpu.memref_slice %arg8[%dma_start3A_121, %dma_start3A_122] : memref<10008x128xf32, #tpu.memory_space<vmem_shared>> -> memref<10008x128xf32, #tpu.memory_space<vmem_shared>>
        tpu.enqueue_indirect_dma source(%arg11 : memref<128x128xf32, #tpu.memory_space<vmem>>) target(%dma_start3A_123 : memref<10008x128xf32, #tpu.memory_space<vmem_shared>>) offsets(%dma_start3A_120 : memref<128xi32, #tpu.memory_space<vmem>>) semaphore(%run_scoped3A_118 : memref<!tpu.dma_semaphore, #tpu.memory_space<semaphore_mem>>) {add = true}
        %dma_wait3A = arith.constant 0 : i32
        %dma_wait3A_124 = tpu.memref_slice %arg10[%run_scoped3A_117, %dma_wait3A] : memref<8x128xi32, #tpu.memory_space<vmem>> -> memref<1x128xi32, #tpu.memory_space<vmem>>
        %dma_wait3A_125 = tpu.memref_squeeze %dma_wait3A_124 : memref<1x128xi32, #tpu.memory_space<vmem>> -> memref<128xi32, #tpu.memory_space<vmem>>
        %dma_wait3A_126 = arith.constant 0 : i32
        %dma_wait3A_127 = arith.constant 0 : i32
        %dma_wait3A_128 = tpu.memref_slice %arg8[%dma_wait3A_126, %dma_wait3A_127] : memref<10008x128xf32, #tpu.memory_space<vmem_shared>> -> memref<10008x128xf32, #tpu.memory_space<vmem_shared>>
        tpu.wait_indirect_dma semaphore(%run_scoped3A_118 : memref<!tpu.dma_semaphore, #tpu.memory_space<semaphore_mem>>) src(%arg11 : memref<128x128xf32, #tpu.memory_space<vmem>>) dst(%dma_wait3A_128 : memref<10008x128xf32, #tpu.memory_space<vmem_shared>>)
        tpu.yield
      }) : () -> ()
    }
    %scan3A_15 = arith.constant 10 : i32
    %barrier3A_16 = arith.constant 0 : index
    tpu.barrier barrier_id(%barrier3A_16)
    %eq3A_17 = arith.constant 0 : i32
    %eq3A_18 = arith.cmpi eq, %arg0, %eq3A_17 : i32
    %convert_element_type3A_19 = arith.extui %eq3A_18 : i1 to i32
    %cond3A_20 = arith.constant 0 : i32
    %cond3A_21 = arith.cmpi ne, %convert_element_type3A_19, %cond3A_20 : i32
    scf.if %cond3A_21 {
      %lt3A = arith.constant 15 : i32
      %lt3A_27 = arith.cmpi slt, %arg1, %lt3A : i32
      %convert_element_type3A_28 = arith.extui %lt3A_27 : i1 to i32
      %cond3A_29 = arith.constant 0 : i32
      %cond3A_30 = arith.cmpi ne, %convert_element_type3A_28, %cond3A_29 : i32
      scf.if %cond3A_30 {
        "tpu.region"() ({
          %run_scoped3A = tpu.sem_alloc : memref<!tpu.dma_semaphore, #tpu.memory_space<semaphore_mem>>
          %dma_start3A = arith.constant 0 : i32
          %dma_start3A_36 = tpu.memref_slice %arg6[%mul3A_0, %dma_start3A] : memref<10000x128xf32, #tpu.memory_space<hbm>> -> memref<632x128xf32, #tpu.memory_space<hbm>>
          %dma_start3A_37 = arith.constant 0 : i32
          %dma_start3A_38 = tpu.memref_slice %arg8[%mul3A_0, %dma_start3A_37] : memref<10008x128xf32, #tpu.memory_space<vmem_shared>> -> memref<632x128xf32, #tpu.memory_space<vmem_shared>>
          tpu.enqueue_dma source(%dma_start3A_38 : memref<632x128xf32, #tpu.memory_space<vmem_shared>>) target(%dma_start3A_36 : memref<632x128xf32, #tpu.memory_space<hbm>>) target_semaphore(%run_scoped3A : memref<!tpu.dma_semaphore, #tpu.memory_space<semaphore_mem>>)
          %dma_wait3A = arith.constant 0 : i32
          %dma_wait3A_39 = tpu.memref_slice %arg6[%mul3A_0, %dma_wait3A] : memref<10000x128xf32, #tpu.memory_space<hbm>> -> memref<632x128xf32, #tpu.memory_space<hbm>>
          %dma_wait3A_40 = arith.constant 0 : i32
          %dma_wait3A_41 = tpu.memref_slice %arg8[%mul3A_0, %dma_wait3A_40] : memref<10008x128xf32, #tpu.memory_space<vmem_shared>> -> memref<632x128xf32, #tpu.memory_space<vmem_shared>>
          tpu.wait_dma2 semaphore(%run_scoped3A : memref<!tpu.dma_semaphore, #tpu.memory_space<semaphore_mem>>) src(%dma_wait3A_41 : memref<632x128xf32, #tpu.memory_space<vmem_shared>>) dst(%dma_wait3A_39 : memref<632x128xf32, #tpu.memory_space<hbm>>)
          tpu.yield
        }) : () -> ()
      } else {
      }
      %eq3A_31 = arith.constant 15 : i32
      %eq3A_32 = arith.cmpi eq, %arg1, %eq3A_31 : i32
      %convert_element_type3A_33 = arith.extui %eq3A_32 : i1 to i32
      %cond3A_34 = arith.constant 0 : i32
      %cond3A_35 = arith.cmpi ne, %convert_element_type3A_33, %cond3A_34 : i32
      scf.if %cond3A_35 {
        "tpu.region"() ({
          %run_scoped3A = tpu.sem_alloc : memref<!tpu.dma_semaphore, #tpu.memory_space<semaphore_mem>>
          %dma_start3A = arith.constant 0 : i32
          %dma_start3A_36 = tpu.memref_slice %arg6[%mul3A_0, %dma_start3A] : memref<10000x128xf32, #tpu.memory_space<hbm>> -> memref<520x128xf32, #tpu.memory_space<hbm>>
          %dma_start3A_37 = arith.constant 0 : i32
          %dma_start3A_38 = tpu.memref_slice %arg8[%mul3A_0, %dma_start3A_37] : memref<10008x128xf32, #tpu.memory_space<vmem_shared>> -> memref<520x128xf32, #tpu.memory_space<vmem_shared>>
          tpu.enqueue_dma source(%dma_start3A_38 : memref<520x128xf32, #tpu.memory_space<vmem_shared>>) target(%dma_start3A_36 : memref<520x128xf32, #tpu.memory_space<hbm>>) target_semaphore(%run_scoped3A : memref<!tpu.dma_semaphore, #tpu.memory_space<semaphore_mem>>)
          %dma_wait3A = arith.constant 0 : i32
          %dma_wait3A_39 = tpu.memref_slice %arg6[%mul3A_0, %dma_wait3A] : memref<10000x128xf32, #tpu.memory_space<hbm>> -> memref<520x128xf32, #tpu.memory_space<hbm>>
          %dma_wait3A_40 = arith.constant 0 : i32
          %dma_wait3A_41 = tpu.memref_slice %arg8[%mul3A_0, %dma_wait3A_40] : memref<10008x128xf32, #tpu.memory_space<vmem_shared>> -> memref<520x128xf32, #tpu.memory_space<vmem_shared>>
          tpu.wait_dma2 semaphore(%run_scoped3A : memref<!tpu.dma_semaphore, #tpu.memory_space<semaphore_mem>>) src(%dma_wait3A_41 : memref<520x128xf32, #tpu.memory_space<vmem_shared>>) dst(%dma_wait3A_39 : memref<520x128xf32, #tpu.memory_space<hbm>>)
          tpu.yield
        }) : () -> ()
      } else {
      }
    } else {
    }
    %ne3A_22 = arith.constant 0 : i32
    %ne3A_23 = arith.cmpi ne, %arg0, %ne3A_22 : i32
    %convert_element_type3A_24 = arith.extui %ne3A_23 : i1 to i32
    %cond3A_25 = arith.constant 0 : i32
    %cond3A_26 = arith.cmpi ne, %convert_element_type3A_24, %cond3A_25 : i32
    scf.if %cond3A_26 {
      %lt3A = arith.constant 15 : i32
      %lt3A_27 = arith.cmpi slt, %arg1, %lt3A : i32
      %convert_element_type3A_28 = arith.extui %lt3A_27 : i1 to i32
      %cond3A_29 = arith.constant 0 : i32
      %cond3A_30 = arith.cmpi ne, %convert_element_type3A_28, %cond3A_29 : i32
      scf.if %cond3A_30 {
        "tpu.region"() ({
          %run_scoped3A = tpu.sem_alloc : memref<!tpu.dma_semaphore, #tpu.memory_space<semaphore_mem>>
          %dma_start3A = arith.constant 0 : i32
          %dma_start3A_36 = tpu.memref_slice %arg7[%mul3A_0, %dma_start3A] : memref<10000x128xf32, #tpu.memory_space<hbm>> -> memref<632x128xf32, #tpu.memory_space<hbm>>
          %dma_start3A_37 = arith.constant 0 : i32
          %dma_start3A_38 = tpu.memref_slice %arg8[%mul3A_0, %dma_start3A_37] : memref<10008x128xf32, #tpu.memory_space<vmem_shared>> -> memref<632x128xf32, #tpu.memory_space<vmem_shared>>
          tpu.enqueue_dma source(%dma_start3A_38 : memref<632x128xf32, #tpu.memory_space<vmem_shared>>) target(%dma_start3A_36 : memref<632x128xf32, #tpu.memory_space<hbm>>) target_semaphore(%run_scoped3A : memref<!tpu.dma_semaphore, #tpu.memory_space<semaphore_mem>>)
          %dma_wait3A = arith.constant 0 : i32
          %dma_wait3A_39 = tpu.memref_slice %arg7[%mul3A_0, %dma_wait3A] : memref<10000x128xf32, #tpu.memory_space<hbm>> -> memref<632x128xf32, #tpu.memory_space<hbm>>
          %dma_wait3A_40 = arith.constant 0 : i32
          %dma_wait3A_41 = tpu.memref_slice %arg8[%mul3A_0, %dma_wait3A_40] : memref<10008x128xf32, #tpu.memory_space<vmem_shared>> -> memref<632x128xf32, #tpu.memory_space<vmem_shared>>
          tpu.wait_dma2 semaphore(%run_scoped3A : memref<!tpu.dma_semaphore, #tpu.memory_space<semaphore_mem>>) src(%dma_wait3A_41 : memref<632x128xf32, #tpu.memory_space<vmem_shared>>) dst(%dma_wait3A_39 : memref<632x128xf32, #tpu.memory_space<hbm>>)
          tpu.yield
        }) : () -> ()
      } else {
      }
      %eq3A_31 = arith.constant 15 : i32
      %eq3A_32 = arith.cmpi eq, %arg1, %eq3A_31 : i32
      %convert_element_type3A_33 = arith.extui %eq3A_32 : i1 to i32
      %cond3A_34 = arith.constant 0 : i32
      %cond3A_35 = arith.cmpi ne, %convert_element_type3A_33, %cond3A_34 : i32
      scf.if %cond3A_35 {
        "tpu.region"() ({
          %run_scoped3A = tpu.sem_alloc : memref<!tpu.dma_semaphore, #tpu.memory_space<semaphore_mem>>
          %dma_start3A = arith.constant 0 : i32
          %dma_start3A_36 = tpu.memref_slice %arg7[%mul3A_0, %dma_start3A] : memref<10000x128xf32, #tpu.memory_space<hbm>> -> memref<520x128xf32, #tpu.memory_space<hbm>>
          %dma_start3A_37 = arith.constant 0 : i32
          %dma_start3A_38 = tpu.memref_slice %arg8[%mul3A_0, %dma_start3A_37] : memref<10008x128xf32, #tpu.memory_space<vmem_shared>> -> memref<520x128xf32, #tpu.memory_space<vmem_shared>>
          tpu.enqueue_dma source(%dma_start3A_38 : memref<520x128xf32, #tpu.memory_space<vmem_shared>>) target(%dma_start3A_36 : memref<520x128xf32, #tpu.memory_space<hbm>>) target_semaphore(%run_scoped3A : memref<!tpu.dma_semaphore, #tpu.memory_space<semaphore_mem>>)
          %dma_wait3A = arith.constant 0 : i32
          %dma_wait3A_39 = tpu.memref_slice %arg7[%mul3A_0, %dma_wait3A] : memref<10000x128xf32, #tpu.memory_space<hbm>> -> memref<520x128xf32, #tpu.memory_space<hbm>>
          %dma_wait3A_40 = arith.constant 0 : i32
          %dma_wait3A_41 = tpu.memref_slice %arg8[%mul3A_0, %dma_wait3A_40] : memref<10008x128xf32, #tpu.memory_space<vmem_shared>> -> memref<520x128xf32, #tpu.memory_space<vmem_shared>>
          tpu.wait_dma2 semaphore(%run_scoped3A : memref<!tpu.dma_semaphore, #tpu.memory_space<semaphore_mem>>) src(%dma_wait3A_41 : memref<520x128xf32, #tpu.memory_space<vmem_shared>>) dst(%dma_wait3A_39 : memref<520x128xf32, #tpu.memory_space<hbm>>)
          tpu.yield
        }) : () -> ()
      } else {
      }
    } else {
    }
    return
  }
}

#map = affine_map<(d0, d1) -> (0, 0)>
module attributes {stable_mosaic.version = 14 : i64} {
  func.func @segsum_f128(%arg0: i32, %arg1: i32, %arg2: memref<10000x128xf32, #tpu.memory_space<hbm>>, %arg3: memref<10000x128xf32, #tpu.memory_space<hbm>>, %arg4: memref<2560x128xi32, #tpu.memory_space<hbm>>, %arg5: memref<2560x128xi32, #tpu.memory_space<hbm>>, %arg6: memref<10000x128xf32, #tpu.memory_space<hbm>>, %arg7: memref<10000x128xf32, #tpu.memory_space<hbm>>, %arg8: memref<10008x128xf32, #tpu.memory_space<vmem_shared>>, %arg9: memref<8x128xi32, #tpu.memory_space<vmem>>, %arg10: memref<8x128xi32, #tpu.memory_space<vmem>>, %arg11: memref<128x128xf32, #tpu.memory_space<vmem>>, %arg12: memref<!tpu.dma_semaphore, #tpu.memory_space<semaphore_mem>>) attributes {dimension_semantics = [#tpu.dimension_semantics<core_parallel>, #tpu.dimension_semantics<subcore_parallel>], iteration_bounds = array<i64: 2, 16>, scalar_prefetch = 0 : i64, scratch_operands = 5 : i64, tpu.core_type = #tpu.core_type<sc_vector_subcore>, window_params = [{transform_indices = #map}, {transform_indices = #map}, {transform_indices = #map}, {transform_indices = #map}, {transform_indices = #map}, {transform_indices = #map}]} {
    %mul3A = arith.constant 632 : i32
    %mul3A_0 = arith.muli %arg1, %mul3A : i32
    %eq3A = arith.constant 0 : i32
    %eq3A_1 = arith.cmpi eq, %arg0, %eq3A : i32
    %convert_element_type3A = arith.extui %eq3A_1 : i1 to i32
    %cond3A = arith.constant 0 : i32
    %cond3A_2 = arith.cmpi ne, %convert_element_type3A, %cond3A : i32
    scf.if %cond3A_2 {
      %lt3A = arith.constant 15 : i32
      %lt3A_27 = arith.cmpi slt, %arg1, %lt3A : i32
      %convert_element_type3A_28 = arith.extui %lt3A_27 : i1 to i32
      %cond3A_29 = arith.constant 0 : i32
      %cond3A_30 = arith.cmpi ne, %convert_element_type3A_28, %cond3A_29 : i32
      scf.if %cond3A_30 {
        "tpu.region"() ({
          %run_scoped3A = tpu.sem_alloc : memref<!tpu.dma_semaphore, #tpu.memory_space<semaphore_mem>>
          %dma_start3A = arith.constant 0 : i32
          %dma_start3A_36 = tpu.memref_slice %arg8[%mul3A_0, %dma_start3A] : memref<10008x128xf32, #tpu.memory_space<vmem_shared>> -> memref<632x128xf32, #tpu.memory_space<vmem_shared>>
          %dma_start3A_37 = arith.constant 0 : i32
          %dma_start3A_38 = tpu.memref_slice %arg2[%mul3A_0, %dma_start3A_37] : memref<10000x128xf32, #tpu.memory_space<hbm>> -> memref<632x128xf32, #tpu.memory_space<hbm>>
          tpu.enqueue_dma source(%dma_start3A_38 : memref<632x128xf32, #tpu.memory_space<hbm>>) target(%dma_start3A_36 : memref<632x128xf32, #tpu.memory_space<vmem_shared>>) target_semaphore(%run_scoped3A : memref<!tpu.dma_semaphore, #tpu.memory_space<semaphore_mem>>)
          %dma_wait3A = arith.constant 0 : i32
          %dma_wait3A_39 = tpu.memref_slice %arg8[%mul3A_0, %dma_wait3A] : memref<10008x128xf32, #tpu.memory_space<vmem_shared>> -> memref<632x128xf32, #tpu.memory_space<vmem_shared>>
          %dma_wait3A_40 = arith.constant 0 : i32
          %dma_wait3A_41 = tpu.memref_slice %arg2[%mul3A_0, %dma_wait3A_40] : memref<10000x128xf32, #tpu.memory_space<hbm>> -> memref<632x128xf32, #tpu.memory_space<hbm>>
          tpu.wait_dma2 semaphore(%run_scoped3A : memref<!tpu.dma_semaphore, #tpu.memory_space<semaphore_mem>>) src(%dma_wait3A_41 : memref<632x128xf32, #tpu.memory_space<hbm>>) dst(%dma_wait3A_39 : memref<632x128xf32, #tpu.memory_space<vmem_shared>>)
          tpu.yield
        }) : () -> ()
      } else {
      }
      %eq3A_31 = arith.constant 15 : i32
      %eq3A_32 = arith.cmpi eq, %arg1, %eq3A_31 : i32
      %convert_element_type3A_33 = arith.extui %eq3A_32 : i1 to i32
      %cond3A_34 = arith.constant 0 : i32
      %cond3A_35 = arith.cmpi ne, %convert_element_type3A_33, %cond3A_34 : i32
      scf.if %cond3A_35 {
        "tpu.region"() ({
          %run_scoped3A = tpu.sem_alloc : memref<!tpu.dma_semaphore, #tpu.memory_space<semaphore_mem>>
          %dma_start3A = arith.constant 0 : i32
          %dma_start3A_36 = tpu.memref_slice %arg8[%mul3A_0, %dma_start3A] : memref<10008x128xf32, #tpu.memory_space<vmem_shared>> -> memref<520x128xf32, #tpu.memory_space<vmem_shared>>
          %dma_start3A_37 = arith.constant 0 : i32
          %dma_start3A_38 = tpu.memref_slice %arg2[%mul3A_0, %dma_start3A_37] : memref<10000x128xf32, #tpu.memory_space<hbm>> -> memref<520x128xf32, #tpu.memory_space<hbm>>
          tpu.enqueue_dma source(%dma_start3A_38 : memref<520x128xf32, #tpu.memory_space<hbm>>) target(%dma_start3A_36 : memref<520x128xf32, #tpu.memory_space<vmem_shared>>) target_semaphore(%run_scoped3A : memref<!tpu.dma_semaphore, #tpu.memory_space<semaphore_mem>>)
          %dma_wait3A = arith.constant 0 : i32
          %dma_wait3A_39 = tpu.memref_slice %arg8[%mul3A_0, %dma_wait3A] : memref<10008x128xf32, #tpu.memory_space<vmem_shared>> -> memref<520x128xf32, #tpu.memory_space<vmem_shared>>
          %dma_wait3A_40 = arith.constant 0 : i32
          %dma_wait3A_41 = tpu.memref_slice %arg2[%mul3A_0, %dma_wait3A_40] : memref<10000x128xf32, #tpu.memory_space<hbm>> -> memref<520x128xf32, #tpu.memory_space<hbm>>
          tpu.wait_dma2 semaphore(%run_scoped3A : memref<!tpu.dma_semaphore, #tpu.memory_space<semaphore_mem>>) src(%dma_wait3A_41 : memref<520x128xf32, #tpu.memory_space<hbm>>) dst(%dma_wait3A_39 : memref<520x128xf32, #tpu.memory_space<vmem_shared>>)
          tpu.yield
        }) : () -> ()
      } else {
      }
    } else {
    }
    %ne3A = arith.constant 0 : i32
    %ne3A_3 = arith.cmpi ne, %arg0, %ne3A : i32
    %convert_element_type3A_4 = arith.extui %ne3A_3 : i1 to i32
    %cond3A_5 = arith.constant 0 : i32
    %cond3A_6 = arith.cmpi ne, %convert_element_type3A_4, %cond3A_5 : i32
    scf.if %cond3A_6 {
      %lt3A = arith.constant 15 : i32
      %lt3A_27 = arith.cmpi slt, %arg1, %lt3A : i32
      %convert_element_type3A_28 = arith.extui %lt3A_27 : i1 to i32
      %cond3A_29 = arith.constant 0 : i32
      %cond3A_30 = arith.cmpi ne, %convert_element_type3A_28, %cond3A_29 : i32
      scf.if %cond3A_30 {
        "tpu.region"() ({
          %run_scoped3A = tpu.sem_alloc : memref<!tpu.dma_semaphore, #tpu.memory_space<semaphore_mem>>
          %dma_start3A = arith.constant 0 : i32
          %dma_start3A_36 = tpu.memref_slice %arg8[%mul3A_0, %dma_start3A] : memref<10008x128xf32, #tpu.memory_space<vmem_shared>> -> memref<632x128xf32, #tpu.memory_space<vmem_shared>>
          %dma_start3A_37 = arith.constant 0 : i32
          %dma_start3A_38 = tpu.memref_slice %arg3[%mul3A_0, %dma_start3A_37] : memref<10000x128xf32, #tpu.memory_space<hbm>> -> memref<632x128xf32, #tpu.memory_space<hbm>>
          tpu.enqueue_dma source(%dma_start3A_38 : memref<632x128xf32, #tpu.memory_space<hbm>>) target(%dma_start3A_36 : memref<632x128xf32, #tpu.memory_space<vmem_shared>>) target_semaphore(%run_scoped3A : memref<!tpu.dma_semaphore, #tpu.memory_space<semaphore_mem>>)
          %dma_wait3A = arith.constant 0 : i32
          %dma_wait3A_39 = tpu.memref_slice %arg8[%mul3A_0, %dma_wait3A] : memref<10008x128xf32, #tpu.memory_space<vmem_shared>> -> memref<632x128xf32, #tpu.memory_space<vmem_shared>>
          %dma_wait3A_40 = arith.constant 0 : i32
          %dma_wait3A_41 = tpu.memref_slice %arg3[%mul3A_0, %dma_wait3A_40] : memref<10000x128xf32, #tpu.memory_space<hbm>> -> memref<632x128xf32, #tpu.memory_space<hbm>>
          tpu.wait_dma2 semaphore(%run_scoped3A : memref<!tpu.dma_semaphore, #tpu.memory_space<semaphore_mem>>) src(%dma_wait3A_41 : memref<632x128xf32, #tpu.memory_space<hbm>>) dst(%dma_wait3A_39 : memref<632x128xf32, #tpu.memory_space<vmem_shared>>)
          tpu.yield
        }) : () -> ()
      } else {
      }
      %eq3A_31 = arith.constant 15 : i32
      %eq3A_32 = arith.cmpi eq, %arg1, %eq3A_31 : i32
      %convert_element_type3A_33 = arith.extui %eq3A_32 : i1 to i32
      %cond3A_34 = arith.constant 0 : i32
      %cond3A_35 = arith.cmpi ne, %convert_element_type3A_33, %cond3A_34 : i32
      scf.if %cond3A_35 {
        "tpu.region"() ({
          %run_scoped3A = tpu.sem_alloc : memref<!tpu.dma_semaphore, #tpu.memory_space<semaphore_mem>>
          %dma_start3A = arith.constant 0 : i32
          %dma_start3A_36 = tpu.memref_slice %arg8[%mul3A_0, %dma_start3A] : memref<10008x128xf32, #tpu.memory_space<vmem_shared>> -> memref<520x128xf32, #tpu.memory_space<vmem_shared>>
          %dma_start3A_37 = arith.constant 0 : i32
          %dma_start3A_38 = tpu.memref_slice %arg3[%mul3A_0, %dma_start3A_37] : memref<10000x128xf32, #tpu.memory_space<hbm>> -> memref<520x128xf32, #tpu.memory_space<hbm>>
          tpu.enqueue_dma source(%dma_start3A_38 : memref<520x128xf32, #tpu.memory_space<hbm>>) target(%dma_start3A_36 : memref<520x128xf32, #tpu.memory_space<vmem_shared>>) target_semaphore(%run_scoped3A : memref<!tpu.dma_semaphore, #tpu.memory_space<semaphore_mem>>)
          %dma_wait3A = arith.constant 0 : i32
          %dma_wait3A_39 = tpu.memref_slice %arg8[%mul3A_0, %dma_wait3A] : memref<10008x128xf32, #tpu.memory_space<vmem_shared>> -> memref<520x128xf32, #tpu.memory_space<vmem_shared>>
          %dma_wait3A_40 = arith.constant 0 : i32
          %dma_wait3A_41 = tpu.memref_slice %arg3[%mul3A_0, %dma_wait3A_40] : memref<10000x128xf32, #tpu.memory_space<hbm>> -> memref<520x128xf32, #tpu.memory_space<hbm>>
          tpu.wait_dma2 semaphore(%run_scoped3A : memref<!tpu.dma_semaphore, #tpu.memory_space<semaphore_mem>>) src(%dma_wait3A_41 : memref<520x128xf32, #tpu.memory_space<hbm>>) dst(%dma_wait3A_39 : memref<520x128xf32, #tpu.memory_space<vmem_shared>>)
          tpu.yield
        }) : () -> ()
      } else {
      }
    } else {
    }
    %mul3A_7 = arith.constant 80 : i32
    %mul3A_8 = arith.muli %arg1, %mul3A_7 : i32
    %mul3A_9 = arith.constant 1280 : i32
    %mul3A_10 = arith.muli %arg0, %mul3A_9 : i32
    %add3A = arith.addi %mul3A_8, %mul3A_10 : i32
    %barrier3A = arith.constant 0 : index
    tpu.barrier barrier_id(%barrier3A)
    %scan3A = arith.constant 0 : i32
    %scan3A_11 = arith.constant 0 : i32
    %scan3A_12 = arith.constant 10 : i32
    %scan3A_13 = arith.addi %scan3A_11, %scan3A_12 : i32
    %scan3A_14 = arith.constant 1 : i32
    scf.for %scan3A_27 = %scan3A_11 to %scan3A_13 step %scan3A_14  : i32 {
      %mul3A_28 = arith.constant 8 : i32
      %mul3A_29 = arith.muli %scan3A_27, %mul3A_28 : i32
      %add3A_30 = arith.addi %add3A, %mul3A_29 : i32
      "tpu.region"() ({
        %run_scoped3A_118 = tpu.sem_alloc : memref<!tpu.dma_semaphore, #tpu.memory_space<semaphore_mem>>
        %dma_start3A = arith.constant 0 : i32
        %dma_start3A_119 = tpu.memref_slice %arg4[%add3A_30, %dma_start3A] : memref<2560x128xi32, #tpu.memory_space<hbm>> -> memref<8x128xi32, #tpu.memory_space<hbm>>
        %dma_start3A_120 = arith.constant 0 : i32
        %dma_start3A_121 = tpu.memref_slice %arg4[%add3A_30, %dma_start3A_120] : memref<2560x128xi32, #tpu.memory_space<hbm>> -> memref<8x128xi32, #tpu.memory_space<hbm>>
        tpu.enqueue_dma source(%dma_start3A_121 : memref<8x128xi32, #tpu.memory_space<hbm>>) target(%arg9 : memref<8x128xi32, #tpu.memory_space<vmem>>) target_semaphore(%run_scoped3A_118 : memref<!tpu.dma_semaphore, #tpu.memory_space<semaphore_mem>>)
        %dma_wait3A = arith.constant 0 : i32
        %dma_wait3A_122 = tpu.memref_slice %arg4[%add3A_30, %dma_wait3A] : memref<2560x128xi32, #tpu.memory_space<hbm>> -> memref<8x128xi32, #tpu.memory_space<hbm>>
        %dma_wait3A_123 = arith.constant 0 : i32
        %dma_wait3A_124 = tpu.memref_slice %arg4[%add3A_30, %dma_wait3A_123] : memref<2560x128xi32, #tpu.memory_space<hbm>> -> memref<8x128xi32, #tpu.memory_space<hbm>>
        tpu.wait_dma2 semaphore(%run_scoped3A_118 : memref<!tpu.dma_semaphore, #tpu.memory_space<semaphore_mem>>) src(%dma_wait3A_124 : memref<8x128xi32, #tpu.memory_space<hbm>>) dst(%arg9 : memref<8x128xi32, #tpu.memory_space<vmem>>)
        tpu.yield
      }) : () -> ()
      "tpu.region"() ({
        %run_scoped3A_118 = tpu.sem_alloc : memref<!tpu.dma_semaphore, #tpu.memory_space<semaphore_mem>>
        %dma_start3A = arith.constant 0 : i32
        %dma_start3A_119 = tpu.memref_slice %arg5[%add3A_30, %dma_start3A] : memref<2560x128xi32, #tpu.memory_space<hbm>> -> memref<8x128xi32, #tpu.memory_space<hbm>>
        %dma_start3A_120 = arith.constant 0 : i32
        %dma_start3A_121 = tpu.memref_slice %arg5[%add3A_30, %dma_start3A_120] : memref<2560x128xi32, #tpu.memory_space<hbm>> -> memref<8x128xi32, #tpu.memory_space<hbm>>
        tpu.enqueue_dma source(%dma_start3A_121 : memref<8x128xi32, #tpu.memory_space<hbm>>) target(%arg10 : memref<8x128xi32, #tpu.memory_space<vmem>>) target_semaphore(%run_scoped3A_118 : memref<!tpu.dma_semaphore, #tpu.memory_space<semaphore_mem>>)
        %dma_wait3A = arith.constant 0 : i32
        %dma_wait3A_122 = tpu.memref_slice %arg5[%add3A_30, %dma_wait3A] : memref<2560x128xi32, #tpu.memory_space<hbm>> -> memref<8x128xi32, #tpu.memory_space<hbm>>
        %dma_wait3A_123 = arith.constant 0 : i32
        %dma_wait3A_124 = tpu.memref_slice %arg5[%add3A_30, %dma_wait3A_123] : memref<2560x128xi32, #tpu.memory_space<hbm>> -> memref<8x128xi32, #tpu.memory_space<hbm>>
        tpu.wait_dma2 semaphore(%run_scoped3A_118 : memref<!tpu.dma_semaphore, #tpu.memory_space<semaphore_mem>>) src(%dma_wait3A_124 : memref<8x128xi32, #tpu.memory_space<hbm>>) dst(%arg10 : memref<8x128xi32, #tpu.memory_space<vmem>>)
        tpu.yield
      }) : () -> ()
      %eq3A_31 = arith.constant 0 : i32
      %eq3A_32 = arith.cmpi eq, %arg0, %eq3A_31 : i32
      %convert_element_type3A_33 = arith.extui %eq3A_32 : i1 to i32
      %cond3A_34 = arith.constant 0 : i32
      %cond3A_35 = arith.cmpi ne, %convert_element_type3A_33, %cond3A_34 : i32
      scf.if %cond3A_35 {
        %dma_start3A = arith.constant 0 : i32
        %dma_start3A_118 = arith.constant 0 : i32
        %dma_start3A_119 = tpu.memref_slice %arg9[%dma_start3A, %dma_start3A_118] : memref<8x128xi32, #tpu.memory_space<vmem>> -> memref<1x128xi32, #tpu.memory_space<vmem>>
        %dma_start3A_120 = tpu.memref_squeeze %dma_start3A_119 : memref<1x128xi32, #tpu.memory_space<vmem>> -> memref<128xi32, #tpu.memory_space<vmem>>
        %dma_start3A_121 = arith.constant 0 : i32
        %dma_start3A_122 = arith.constant 0 : i32
        %dma_start3A_123 = tpu.memref_slice %arg2[%dma_start3A_121, %dma_start3A_122] : memref<10000x128xf32, #tpu.memory_space<hbm>> -> memref<10000x128xf32, #tpu.memory_space<hbm>>
        tpu.enqueue_indirect_dma source(%dma_start3A_123 : memref<10000x128xf32, #tpu.memory_space<hbm>>) target(%arg11 : memref<128x128xf32, #tpu.memory_space<vmem>>) offsets(%dma_start3A_120 : memref<128xi32, #tpu.memory_space<vmem>>) semaphore(%arg12 : memref<!tpu.dma_semaphore, #tpu.memory_space<semaphore_mem>>)
        %dma_wait3A = arith.constant 0 : i32
        %dma_wait3A_124 = arith.constant 0 : i32
        %dma_wait3A_125 = tpu.memref_slice %arg9[%dma_wait3A, %dma_wait3A_124] : memref<8x128xi32, #tpu.memory_space<vmem>> -> memref<1x128xi32, #tpu.memory_space<vmem>>
        %dma_wait3A_126 = tpu.memref_squeeze %dma_wait3A_125 : memref<1x128xi32, #tpu.memory_space<vmem>> -> memref<128xi32, #tpu.memory_space<vmem>>
        %dma_wait3A_127 = arith.constant 0 : i32
        %dma_wait3A_128 = arith.constant 0 : i32
        %dma_wait3A_129 = tpu.memref_slice %arg2[%dma_wait3A_127, %dma_wait3A_128] : memref<10000x128xf32, #tpu.memory_space<hbm>> -> memref<10000x128xf32, #tpu.memory_space<hbm>>
        tpu.wait_indirect_dma semaphore(%arg12 : memref<!tpu.dma_semaphore, #tpu.memory_space<semaphore_mem>>) src(%dma_wait3A_129 : memref<10000x128xf32, #tpu.memory_space<hbm>>) dst(%arg11 : memref<128x128xf32, #tpu.memory_space<vmem>>)
      } else {
      }
      %ne3A_36 = arith.constant 0 : i32
      %ne3A_37 = arith.cmpi ne, %arg0, %ne3A_36 : i32
      %convert_element_type3A_38 = arith.extui %ne3A_37 : i1 to i32
      %cond3A_39 = arith.constant 0 : i32
      %cond3A_40 = arith.cmpi ne, %convert_element_type3A_38, %cond3A_39 : i32
      scf.if %cond3A_40 {
        %dma_start3A = arith.constant 0 : i32
        %dma_start3A_118 = arith.constant 0 : i32
        %dma_start3A_119 = tpu.memref_slice %arg9[%dma_start3A, %dma_start3A_118] : memref<8x128xi32, #tpu.memory_space<vmem>> -> memref<1x128xi32, #tpu.memory_space<vmem>>
        %dma_start3A_120 = tpu.memref_squeeze %dma_start3A_119 : memref<1x128xi32, #tpu.memory_space<vmem>> -> memref<128xi32, #tpu.memory_space<vmem>>
        %dma_start3A_121 = arith.constant 0 : i32
        %dma_start3A_122 = arith.constant 0 : i32
        %dma_start3A_123 = tpu.memref_slice %arg3[%dma_start3A_121, %dma_start3A_122] : memref<10000x128xf32, #tpu.memory_space<hbm>> -> memref<10000x128xf32, #tpu.memory_space<hbm>>
        tpu.enqueue_indirect_dma source(%dma_start3A_123 : memref<10000x128xf32, #tpu.memory_space<hbm>>) target(%arg11 : memref<128x128xf32, #tpu.memory_space<vmem>>) offsets(%dma_start3A_120 : memref<128xi32, #tpu.memory_space<vmem>>) semaphore(%arg12 : memref<!tpu.dma_semaphore, #tpu.memory_space<semaphore_mem>>)
        %dma_wait3A = arith.constant 0 : i32
        %dma_wait3A_124 = arith.constant 0 : i32
        %dma_wait3A_125 = tpu.memref_slice %arg9[%dma_wait3A, %dma_wait3A_124] : memref<8x128xi32, #tpu.memory_space<vmem>> -> memref<1x128xi32, #tpu.memory_space<vmem>>
        %dma_wait3A_126 = tpu.memref_squeeze %dma_wait3A_125 : memref<1x128xi32, #tpu.memory_space<vmem>> -> memref<128xi32, #tpu.memory_space<vmem>>
        %dma_wait3A_127 = arith.constant 0 : i32
        %dma_wait3A_128 = arith.constant 0 : i32
        %dma_wait3A_129 = tpu.memref_slice %arg3[%dma_wait3A_127, %dma_wait3A_128] : memref<10000x128xf32, #tpu.memory_space<hbm>> -> memref<10000x128xf32, #tpu.memory_space<hbm>>
        tpu.wait_indirect_dma semaphore(%arg12 : memref<!tpu.dma_semaphore, #tpu.memory_space<semaphore_mem>>) src(%dma_wait3A_129 : memref<10000x128xf32, #tpu.memory_space<hbm>>) dst(%arg11 : memref<128x128xf32, #tpu.memory_space<vmem>>)
      } else {
      }
      %run_scoped3A = arith.constant 0 : i32
      "tpu.region"() ({
        %run_scoped3A_118 = tpu.sem_alloc : memref<!tpu.dma_semaphore, #tpu.memory_space<semaphore_mem>>
        %dma_start3A = arith.constant 0 : i32
        %dma_start3A_119 = tpu.memref_slice %arg10[%run_scoped3A, %dma_start3A] : memref<8x128xi32, #tpu.memory_space<vmem>> -> memref<1x128xi32, #tpu.memory_space<vmem>>
        %dma_start3A_120 = tpu.memref_squeeze %dma_start3A_119 : memref<1x128xi32, #tpu.memory_space<vmem>> -> memref<128xi32, #tpu.memory_space<vmem>>
        %dma_start3A_121 = arith.constant 0 : i32
        %dma_start3A_122 = arith.constant 0 : i32
        %dma_start3A_123 = tpu.memref_slice %arg8[%dma_start3A_121, %dma_start3A_122] : memref<10008x128xf32, #tpu.memory_space<vmem_shared>> -> memref<10008x128xf32, #tpu.memory_space<vmem_shared>>
        tpu.enqueue_indirect_dma source(%arg11 : memref<128x128xf32, #tpu.memory_space<vmem>>) target(%dma_start3A_123 : memref<10008x128xf32, #tpu.memory_space<vmem_shared>>) offsets(%dma_start3A_120 : memref<128xi32, #tpu.memory_space<vmem>>) semaphore(%run_scoped3A_118 : memref<!tpu.dma_semaphore, #tpu.memory_space<semaphore_mem>>) {add = true}
        %dma_wait3A = arith.constant 0 : i32
        %dma_wait3A_124 = tpu.memref_slice %arg10[%run_scoped3A, %dma_wait3A] : memref<8x128xi32, #tpu.memory_space<vmem>> -> memref<1x128xi32, #tpu.memory_space<vmem>>
        %dma_wait3A_125 = tpu.memref_squeeze %dma_wait3A_124 : memref<1x128xi32, #tpu.memory_space<vmem>> -> memref<128xi32, #tpu.memory_space<vmem>>
        %dma_wait3A_126 = arith.constant 0 : i32
        %dma_wait3A_127 = arith.constant 0 : i32
        %dma_wait3A_128 = tpu.memref_slice %arg8[%dma_wait3A_126, %dma_wait3A_127] : memref<10008x128xf32, #tpu.memory_space<vmem_shared>> -> memref<10008x128xf32, #tpu.memory_space<vmem_shared>>
        tpu.wait_indirect_dma semaphore(%run_scoped3A_118 : memref<!tpu.dma_semaphore, #tpu.memory_space<semaphore_mem>>) src(%arg11 : memref<128x128xf32, #tpu.memory_space<vmem>>) dst(%dma_wait3A_128 : memref<10008x128xf32, #tpu.memory_space<vmem_shared>>)
        tpu.yield
      }) : () -> ()
      %eq3A_41 = arith.constant 0 : i32
      %eq3A_42 = arith.cmpi eq, %arg0, %eq3A_41 : i32
      %convert_element_type3A_43 = arith.extui %eq3A_42 : i1 to i32
      %cond3A_44 = arith.constant 0 : i32
      %cond3A_45 = arith.cmpi ne, %convert_element_type3A_43, %cond3A_44 : i32
      scf.if %cond3A_45 {
        %dma_start3A = arith.constant 1 : i32
        %dma_start3A_118 = arith.constant 0 : i32
        %dma_start3A_119 = tpu.memref_slice %arg9[%dma_start3A, %dma_start3A_118] : memref<8x128xi32, #tpu.memory_space<vmem>> -> memref<1x128xi32, #tpu.memory_space<vmem>>
        %dma_start3A_120 = tpu.memref_squeeze %dma_start3A_119 : memref<1x128xi32, #tpu.memory_space<vmem>> -> memref<128xi32, #tpu.memory_space<vmem>>
        %dma_start3A_121 = arith.constant 0 : i32
        %dma_start3A_122 = arith.constant 0 : i32
        %dma_start3A_123 = tpu.memref_slice %arg2[%dma_start3A_121, %dma_start3A_122] : memref<10000x128xf32, #tpu.memory_space<hbm>> -> memref<10000x128xf32, #tpu.memory_space<hbm>>
        tpu.enqueue_indirect_dma source(%dma_start3A_123 : memref<10000x128xf32, #tpu.memory_space<hbm>>) target(%arg11 : memref<128x128xf32, #tpu.memory_space<vmem>>) offsets(%dma_start3A_120 : memref<128xi32, #tpu.memory_space<vmem>>) semaphore(%arg12 : memref<!tpu.dma_semaphore, #tpu.memory_space<semaphore_mem>>)
        %dma_wait3A = arith.constant 1 : i32
        %dma_wait3A_124 = arith.constant 0 : i32
        %dma_wait3A_125 = tpu.memref_slice %arg9[%dma_wait3A, %dma_wait3A_124] : memref<8x128xi32, #tpu.memory_space<vmem>> -> memref<1x128xi32, #tpu.memory_space<vmem>>
        %dma_wait3A_126 = tpu.memref_squeeze %dma_wait3A_125 : memref<1x128xi32, #tpu.memory_space<vmem>> -> memref<128xi32, #tpu.memory_space<vmem>>
        %dma_wait3A_127 = arith.constant 0 : i32
        %dma_wait3A_128 = arith.constant 0 : i32
        %dma_wait3A_129 = tpu.memref_slice %arg2[%dma_wait3A_127, %dma_wait3A_128] : memref<10000x128xf32, #tpu.memory_space<hbm>> -> memref<10000x128xf32, #tpu.memory_space<hbm>>
        tpu.wait_indirect_dma semaphore(%arg12 : memref<!tpu.dma_semaphore, #tpu.memory_space<semaphore_mem>>) src(%dma_wait3A_129 : memref<10000x128xf32, #tpu.memory_space<hbm>>) dst(%arg11 : memref<128x128xf32, #tpu.memory_space<vmem>>)
      } else {
      }
      %ne3A_46 = arith.constant 0 : i32
      %ne3A_47 = arith.cmpi ne, %arg0, %ne3A_46 : i32
      %convert_element_type3A_48 = arith.extui %ne3A_47 : i1 to i32
      %cond3A_49 = arith.constant 0 : i32
      %cond3A_50 = arith.cmpi ne, %convert_element_type3A_48, %cond3A_49 : i32
      scf.if %cond3A_50 {
        %dma_start3A = arith.constant 1 : i32
        %dma_start3A_118 = arith.constant 0 : i32
        %dma_start3A_119 = tpu.memref_slice %arg9[%dma_start3A, %dma_start3A_118] : memref<8x128xi32, #tpu.memory_space<vmem>> -> memref<1x128xi32, #tpu.memory_space<vmem>>
        %dma_start3A_120 = tpu.memref_squeeze %dma_start3A_119 : memref<1x128xi32, #tpu.memory_space<vmem>> -> memref<128xi32, #tpu.memory_space<vmem>>
        %dma_start3A_121 = arith.constant 0 : i32
        %dma_start3A_122 = arith.constant 0 : i32
        %dma_start3A_123 = tpu.memref_slice %arg3[%dma_start3A_121, %dma_start3A_122] : memref<10000x128xf32, #tpu.memory_space<hbm>> -> memref<10000x128xf32, #tpu.memory_space<hbm>>
        tpu.enqueue_indirect_dma source(%dma_start3A_123 : memref<10000x128xf32, #tpu.memory_space<hbm>>) target(%arg11 : memref<128x128xf32, #tpu.memory_space<vmem>>) offsets(%dma_start3A_120 : memref<128xi32, #tpu.memory_space<vmem>>) semaphore(%arg12 : memref<!tpu.dma_semaphore, #tpu.memory_space<semaphore_mem>>)
        %dma_wait3A = arith.constant 1 : i32
        %dma_wait3A_124 = arith.constant 0 : i32
        %dma_wait3A_125 = tpu.memref_slice %arg9[%dma_wait3A, %dma_wait3A_124] : memref<8x128xi32, #tpu.memory_space<vmem>> -> memref<1x128xi32, #tpu.memory_space<vmem>>
        %dma_wait3A_126 = tpu.memref_squeeze %dma_wait3A_125 : memref<1x128xi32, #tpu.memory_space<vmem>> -> memref<128xi32, #tpu.memory_space<vmem>>
        %dma_wait3A_127 = arith.constant 0 : i32
        %dma_wait3A_128 = arith.constant 0 : i32
        %dma_wait3A_129 = tpu.memref_slice %arg3[%dma_wait3A_127, %dma_wait3A_128] : memref<10000x128xf32, #tpu.memory_space<hbm>> -> memref<10000x128xf32, #tpu.memory_space<hbm>>
        tpu.wait_indirect_dma semaphore(%arg12 : memref<!tpu.dma_semaphore, #tpu.memory_space<semaphore_mem>>) src(%dma_wait3A_129 : memref<10000x128xf32, #tpu.memory_space<hbm>>) dst(%arg11 : memref<128x128xf32, #tpu.memory_space<vmem>>)
      } else {
      }
      %run_scoped3A_51 = arith.constant 1 : i32
      "tpu.region"() ({
        %run_scoped3A_118 = tpu.sem_alloc : memref<!tpu.dma_semaphore, #tpu.memory_space<semaphore_mem>>
        %dma_start3A = arith.constant 0 : i32
        %dma_start3A_119 = tpu.memref_slice %arg10[%run_scoped3A_51, %dma_start3A] : memref<8x128xi32, #tpu.memory_space<vmem>> -> memref<1x128xi32, #tpu.memory_space<vmem>>
        %dma_start3A_120 = tpu.memref_squeeze %dma_start3A_119 : memref<1x128xi32, #tpu.memory_space<vmem>> -> memref<128xi32, #tpu.memory_space<vmem>>
        %dma_start3A_121 = arith.constant 0 : i32
        %dma_start3A_122 = arith.constant 0 : i32
        %dma_start3A_123 = tpu.memref_slice %arg8[%dma_start3A_121, %dma_start3A_122] : memref<10008x128xf32, #tpu.memory_space<vmem_shared>> -> memref<10008x128xf32, #tpu.memory_space<vmem_shared>>
        tpu.enqueue_indirect_dma source(%arg11 : memref<128x128xf32, #tpu.memory_space<vmem>>) target(%dma_start3A_123 : memref<10008x128xf32, #tpu.memory_space<vmem_shared>>) offsets(%dma_start3A_120 : memref<128xi32, #tpu.memory_space<vmem>>) semaphore(%run_scoped3A_118 : memref<!tpu.dma_semaphore, #tpu.memory_space<semaphore_mem>>) {add = true}
        %dma_wait3A = arith.constant 0 : i32
        %dma_wait3A_124 = tpu.memref_slice %arg10[%run_scoped3A_51, %dma_wait3A] : memref<8x128xi32, #tpu.memory_space<vmem>> -> memref<1x128xi32, #tpu.memory_space<vmem>>
        %dma_wait3A_125 = tpu.memref_squeeze %dma_wait3A_124 : memref<1x128xi32, #tpu.memory_space<vmem>> -> memref<128xi32, #tpu.memory_space<vmem>>
        %dma_wait3A_126 = arith.constant 0 : i32
        %dma_wait3A_127 = arith.constant 0 : i32
        %dma_wait3A_128 = tpu.memref_slice %arg8[%dma_wait3A_126, %dma_wait3A_127] : memref<10008x128xf32, #tpu.memory_space<vmem_shared>> -> memref<10008x128xf32, #tpu.memory_space<vmem_shared>>
        tpu.wait_indirect_dma semaphore(%run_scoped3A_118 : memref<!tpu.dma_semaphore, #tpu.memory_space<semaphore_mem>>) src(%arg11 : memref<128x128xf32, #tpu.memory_space<vmem>>) dst(%dma_wait3A_128 : memref<10008x128xf32, #tpu.memory_space<vmem_shared>>)
        tpu.yield
      }) : () -> ()
      %eq3A_52 = arith.constant 0 : i32
      %eq3A_53 = arith.cmpi eq, %arg0, %eq3A_52 : i32
      %convert_element_type3A_54 = arith.extui %eq3A_53 : i1 to i32
      %cond3A_55 = arith.constant 0 : i32
      %cond3A_56 = arith.cmpi ne, %convert_element_type3A_54, %cond3A_55 : i32
      scf.if %cond3A_56 {
        %dma_start3A = arith.constant 2 : i32
        %dma_start3A_118 = arith.constant 0 : i32
        %dma_start3A_119 = tpu.memref_slice %arg9[%dma_start3A, %dma_start3A_118] : memref<8x128xi32, #tpu.memory_space<vmem>> -> memref<1x128xi32, #tpu.memory_space<vmem>>
        %dma_start3A_120 = tpu.memref_squeeze %dma_start3A_119 : memref<1x128xi32, #tpu.memory_space<vmem>> -> memref<128xi32, #tpu.memory_space<vmem>>
        %dma_start3A_121 = arith.constant 0 : i32
        %dma_start3A_122 = arith.constant 0 : i32
        %dma_start3A_123 = tpu.memref_slice %arg2[%dma_start3A_121, %dma_start3A_122] : memref<10000x128xf32, #tpu.memory_space<hbm>> -> memref<10000x128xf32, #tpu.memory_space<hbm>>
        tpu.enqueue_indirect_dma source(%dma_start3A_123 : memref<10000x128xf32, #tpu.memory_space<hbm>>) target(%arg11 : memref<128x128xf32, #tpu.memory_space<vmem>>) offsets(%dma_start3A_120 : memref<128xi32, #tpu.memory_space<vmem>>) semaphore(%arg12 : memref<!tpu.dma_semaphore, #tpu.memory_space<semaphore_mem>>)
        %dma_wait3A = arith.constant 2 : i32
        %dma_wait3A_124 = arith.constant 0 : i32
        %dma_wait3A_125 = tpu.memref_slice %arg9[%dma_wait3A, %dma_wait3A_124] : memref<8x128xi32, #tpu.memory_space<vmem>> -> memref<1x128xi32, #tpu.memory_space<vmem>>
        %dma_wait3A_126 = tpu.memref_squeeze %dma_wait3A_125 : memref<1x128xi32, #tpu.memory_space<vmem>> -> memref<128xi32, #tpu.memory_space<vmem>>
        %dma_wait3A_127 = arith.constant 0 : i32
        %dma_wait3A_128 = arith.constant 0 : i32
        %dma_wait3A_129 = tpu.memref_slice %arg2[%dma_wait3A_127, %dma_wait3A_128] : memref<10000x128xf32, #tpu.memory_space<hbm>> -> memref<10000x128xf32, #tpu.memory_space<hbm>>
        tpu.wait_indirect_dma semaphore(%arg12 : memref<!tpu.dma_semaphore, #tpu.memory_space<semaphore_mem>>) src(%dma_wait3A_129 : memref<10000x128xf32, #tpu.memory_space<hbm>>) dst(%arg11 : memref<128x128xf32, #tpu.memory_space<vmem>>)
      } else {
      }
      %ne3A_57 = arith.constant 0 : i32
      %ne3A_58 = arith.cmpi ne, %arg0, %ne3A_57 : i32
      %convert_element_type3A_59 = arith.extui %ne3A_58 : i1 to i32
      %cond3A_60 = arith.constant 0 : i32
      %cond3A_61 = arith.cmpi ne, %convert_element_type3A_59, %cond3A_60 : i32
      scf.if %cond3A_61 {
        %dma_start3A = arith.constant 2 : i32
        %dma_start3A_118 = arith.constant 0 : i32
        %dma_start3A_119 = tpu.memref_slice %arg9[%dma_start3A, %dma_start3A_118] : memref<8x128xi32, #tpu.memory_space<vmem>> -> memref<1x128xi32, #tpu.memory_space<vmem>>
        %dma_start3A_120 = tpu.memref_squeeze %dma_start3A_119 : memref<1x128xi32, #tpu.memory_space<vmem>> -> memref<128xi32, #tpu.memory_space<vmem>>
        %dma_start3A_121 = arith.constant 0 : i32
        %dma_start3A_122 = arith.constant 0 : i32
        %dma_start3A_123 = tpu.memref_slice %arg3[%dma_start3A_121, %dma_start3A_122] : memref<10000x128xf32, #tpu.memory_space<hbm>> -> memref<10000x128xf32, #tpu.memory_space<hbm>>
        tpu.enqueue_indirect_dma source(%dma_start3A_123 : memref<10000x128xf32, #tpu.memory_space<hbm>>) target(%arg11 : memref<128x128xf32, #tpu.memory_space<vmem>>) offsets(%dma_start3A_120 : memref<128xi32, #tpu.memory_space<vmem>>) semaphore(%arg12 : memref<!tpu.dma_semaphore, #tpu.memory_space<semaphore_mem>>)
        %dma_wait3A = arith.constant 2 : i32
        %dma_wait3A_124 = arith.constant 0 : i32
        %dma_wait3A_125 = tpu.memref_slice %arg9[%dma_wait3A, %dma_wait3A_124] : memref<8x128xi32, #tpu.memory_space<vmem>> -> memref<1x128xi32, #tpu.memory_space<vmem>>
        %dma_wait3A_126 = tpu.memref_squeeze %dma_wait3A_125 : memref<1x128xi32, #tpu.memory_space<vmem>> -> memref<128xi32, #tpu.memory_space<vmem>>
        %dma_wait3A_127 = arith.constant 0 : i32
        %dma_wait3A_128 = arith.constant 0 : i32
        %dma_wait3A_129 = tpu.memref_slice %arg3[%dma_wait3A_127, %dma_wait3A_128] : memref<10000x128xf32, #tpu.memory_space<hbm>> -> memref<10000x128xf32, #tpu.memory_space<hbm>>
        tpu.wait_indirect_dma semaphore(%arg12 : memref<!tpu.dma_semaphore, #tpu.memory_space<semaphore_mem>>) src(%dma_wait3A_129 : memref<10000x128xf32, #tpu.memory_space<hbm>>) dst(%arg11 : memref<128x128xf32, #tpu.memory_space<vmem>>)
      } else {
      }
      %run_scoped3A_62 = arith.constant 2 : i32
      "tpu.region"() ({
        %run_scoped3A_118 = tpu.sem_alloc : memref<!tpu.dma_semaphore, #tpu.memory_space<semaphore_mem>>
        %dma_start3A = arith.constant 0 : i32
        %dma_start3A_119 = tpu.memref_slice %arg10[%run_scoped3A_62, %dma_start3A] : memref<8x128xi32, #tpu.memory_space<vmem>> -> memref<1x128xi32, #tpu.memory_space<vmem>>
        %dma_start3A_120 = tpu.memref_squeeze %dma_start3A_119 : memref<1x128xi32, #tpu.memory_space<vmem>> -> memref<128xi32, #tpu.memory_space<vmem>>
        %dma_start3A_121 = arith.constant 0 : i32
        %dma_start3A_122 = arith.constant 0 : i32
        %dma_start3A_123 = tpu.memref_slice %arg8[%dma_start3A_121, %dma_start3A_122] : memref<10008x128xf32, #tpu.memory_space<vmem_shared>> -> memref<10008x128xf32, #tpu.memory_space<vmem_shared>>
        tpu.enqueue_indirect_dma source(%arg11 : memref<128x128xf32, #tpu.memory_space<vmem>>) target(%dma_start3A_123 : memref<10008x128xf32, #tpu.memory_space<vmem_shared>>) offsets(%dma_start3A_120 : memref<128xi32, #tpu.memory_space<vmem>>) semaphore(%run_scoped3A_118 : memref<!tpu.dma_semaphore, #tpu.memory_space<semaphore_mem>>) {add = true}
        %dma_wait3A = arith.constant 0 : i32
        %dma_wait3A_124 = tpu.memref_slice %arg10[%run_scoped3A_62, %dma_wait3A] : memref<8x128xi32, #tpu.memory_space<vmem>> -> memref<1x128xi32, #tpu.memory_space<vmem>>
        %dma_wait3A_125 = tpu.memref_squeeze %dma_wait3A_124 : memref<1x128xi32, #tpu.memory_space<vmem>> -> memref<128xi32, #tpu.memory_space<vmem>>
        %dma_wait3A_126 = arith.constant 0 : i32
        %dma_wait3A_127 = arith.constant 0 : i32
        %dma_wait3A_128 = tpu.memref_slice %arg8[%dma_wait3A_126, %dma_wait3A_127] : memref<10008x128xf32, #tpu.memory_space<vmem_shared>> -> memref<10008x128xf32, #tpu.memory_space<vmem_shared>>
        tpu.wait_indirect_dma semaphore(%run_scoped3A_118 : memref<!tpu.dma_semaphore, #tpu.memory_space<semaphore_mem>>) src(%arg11 : memref<128x128xf32, #tpu.memory_space<vmem>>) dst(%dma_wait3A_128 : memref<10008x128xf32, #tpu.memory_space<vmem_shared>>)
        tpu.yield
      }) : () -> ()
      %eq3A_63 = arith.constant 0 : i32
      %eq3A_64 = arith.cmpi eq, %arg0, %eq3A_63 : i32
      %convert_element_type3A_65 = arith.extui %eq3A_64 : i1 to i32
      %cond3A_66 = arith.constant 0 : i32
      %cond3A_67 = arith.cmpi ne, %convert_element_type3A_65, %cond3A_66 : i32
      scf.if %cond3A_67 {
        %dma_start3A = arith.constant 3 : i32
        %dma_start3A_118 = arith.constant 0 : i32
        %dma_start3A_119 = tpu.memref_slice %arg9[%dma_start3A, %dma_start3A_118] : memref<8x128xi32, #tpu.memory_space<vmem>> -> memref<1x128xi32, #tpu.memory_space<vmem>>
        %dma_start3A_120 = tpu.memref_squeeze %dma_start3A_119 : memref<1x128xi32, #tpu.memory_space<vmem>> -> memref<128xi32, #tpu.memory_space<vmem>>
        %dma_start3A_121 = arith.constant 0 : i32
        %dma_start3A_122 = arith.constant 0 : i32
        %dma_start3A_123 = tpu.memref_slice %arg2[%dma_start3A_121, %dma_start3A_122] : memref<10000x128xf32, #tpu.memory_space<hbm>> -> memref<10000x128xf32, #tpu.memory_space<hbm>>
        tpu.enqueue_indirect_dma source(%dma_start3A_123 : memref<10000x128xf32, #tpu.memory_space<hbm>>) target(%arg11 : memref<128x128xf32, #tpu.memory_space<vmem>>) offsets(%dma_start3A_120 : memref<128xi32, #tpu.memory_space<vmem>>) semaphore(%arg12 : memref<!tpu.dma_semaphore, #tpu.memory_space<semaphore_mem>>)
        %dma_wait3A = arith.constant 3 : i32
        %dma_wait3A_124 = arith.constant 0 : i32
        %dma_wait3A_125 = tpu.memref_slice %arg9[%dma_wait3A, %dma_wait3A_124] : memref<8x128xi32, #tpu.memory_space<vmem>> -> memref<1x128xi32, #tpu.memory_space<vmem>>
        %dma_wait3A_126 = tpu.memref_squeeze %dma_wait3A_125 : memref<1x128xi32, #tpu.memory_space<vmem>> -> memref<128xi32, #tpu.memory_space<vmem>>
        %dma_wait3A_127 = arith.constant 0 : i32
        %dma_wait3A_128 = arith.constant 0 : i32
        %dma_wait3A_129 = tpu.memref_slice %arg2[%dma_wait3A_127, %dma_wait3A_128] : memref<10000x128xf32, #tpu.memory_space<hbm>> -> memref<10000x128xf32, #tpu.memory_space<hbm>>
        tpu.wait_indirect_dma semaphore(%arg12 : memref<!tpu.dma_semaphore, #tpu.memory_space<semaphore_mem>>) src(%dma_wait3A_129 : memref<10000x128xf32, #tpu.memory_space<hbm>>) dst(%arg11 : memref<128x128xf32, #tpu.memory_space<vmem>>)
      } else {
      }
      %ne3A_68 = arith.constant 0 : i32
      %ne3A_69 = arith.cmpi ne, %arg0, %ne3A_68 : i32
      %convert_element_type3A_70 = arith.extui %ne3A_69 : i1 to i32
      %cond3A_71 = arith.constant 0 : i32
      %cond3A_72 = arith.cmpi ne, %convert_element_type3A_70, %cond3A_71 : i32
      scf.if %cond3A_72 {
        %dma_start3A = arith.constant 3 : i32
        %dma_start3A_118 = arith.constant 0 : i32
        %dma_start3A_119 = tpu.memref_slice %arg9[%dma_start3A, %dma_start3A_118] : memref<8x128xi32, #tpu.memory_space<vmem>> -> memref<1x128xi32, #tpu.memory_space<vmem>>
        %dma_start3A_120 = tpu.memref_squeeze %dma_start3A_119 : memref<1x128xi32, #tpu.memory_space<vmem>> -> memref<128xi32, #tpu.memory_space<vmem>>
        %dma_start3A_121 = arith.constant 0 : i32
        %dma_start3A_122 = arith.constant 0 : i32
        %dma_start3A_123 = tpu.memref_slice %arg3[%dma_start3A_121, %dma_start3A_122] : memref<10000x128xf32, #tpu.memory_space<hbm>> -> memref<10000x128xf32, #tpu.memory_space<hbm>>
        tpu.enqueue_indirect_dma source(%dma_start3A_123 : memref<10000x128xf32, #tpu.memory_space<hbm>>) target(%arg11 : memref<128x128xf32, #tpu.memory_space<vmem>>) offsets(%dma_start3A_120 : memref<128xi32, #tpu.memory_space<vmem>>) semaphore(%arg12 : memref<!tpu.dma_semaphore, #tpu.memory_space<semaphore_mem>>)
        %dma_wait3A = arith.constant 3 : i32
        %dma_wait3A_124 = arith.constant 0 : i32
        %dma_wait3A_125 = tpu.memref_slice %arg9[%dma_wait3A, %dma_wait3A_124] : memref<8x128xi32, #tpu.memory_space<vmem>> -> memref<1x128xi32, #tpu.memory_space<vmem>>
        %dma_wait3A_126 = tpu.memref_squeeze %dma_wait3A_125 : memref<1x128xi32, #tpu.memory_space<vmem>> -> memref<128xi32, #tpu.memory_space<vmem>>
        %dma_wait3A_127 = arith.constant 0 : i32
        %dma_wait3A_128 = arith.constant 0 : i32
        %dma_wait3A_129 = tpu.memref_slice %arg3[%dma_wait3A_127, %dma_wait3A_128] : memref<10000x128xf32, #tpu.memory_space<hbm>> -> memref<10000x128xf32, #tpu.memory_space<hbm>>
        tpu.wait_indirect_dma semaphore(%arg12 : memref<!tpu.dma_semaphore, #tpu.memory_space<semaphore_mem>>) src(%dma_wait3A_129 : memref<10000x128xf32, #tpu.memory_space<hbm>>) dst(%arg11 : memref<128x128xf32, #tpu.memory_space<vmem>>)
      } else {
      }
      %run_scoped3A_73 = arith.constant 3 : i32
      "tpu.region"() ({
        %run_scoped3A_118 = tpu.sem_alloc : memref<!tpu.dma_semaphore, #tpu.memory_space<semaphore_mem>>
        %dma_start3A = arith.constant 0 : i32
        %dma_start3A_119 = tpu.memref_slice %arg10[%run_scoped3A_73, %dma_start3A] : memref<8x128xi32, #tpu.memory_space<vmem>> -> memref<1x128xi32, #tpu.memory_space<vmem>>
        %dma_start3A_120 = tpu.memref_squeeze %dma_start3A_119 : memref<1x128xi32, #tpu.memory_space<vmem>> -> memref<128xi32, #tpu.memory_space<vmem>>
        %dma_start3A_121 = arith.constant 0 : i32
        %dma_start3A_122 = arith.constant 0 : i32
        %dma_start3A_123 = tpu.memref_slice %arg8[%dma_start3A_121, %dma_start3A_122] : memref<10008x128xf32, #tpu.memory_space<vmem_shared>> -> memref<10008x128xf32, #tpu.memory_space<vmem_shared>>
        tpu.enqueue_indirect_dma source(%arg11 : memref<128x128xf32, #tpu.memory_space<vmem>>) target(%dma_start3A_123 : memref<10008x128xf32, #tpu.memory_space<vmem_shared>>) offsets(%dma_start3A_120 : memref<128xi32, #tpu.memory_space<vmem>>) semaphore(%run_scoped3A_118 : memref<!tpu.dma_semaphore, #tpu.memory_space<semaphore_mem>>) {add = true}
        %dma_wait3A = arith.constant 0 : i32
        %dma_wait3A_124 = tpu.memref_slice %arg10[%run_scoped3A_73, %dma_wait3A] : memref<8x128xi32, #tpu.memory_space<vmem>> -> memref<1x128xi32, #tpu.memory_space<vmem>>
        %dma_wait3A_125 = tpu.memref_squeeze %dma_wait3A_124 : memref<1x128xi32, #tpu.memory_space<vmem>> -> memref<128xi32, #tpu.memory_space<vmem>>
        %dma_wait3A_126 = arith.constant 0 : i32
        %dma_wait3A_127 = arith.constant 0 : i32
        %dma_wait3A_128 = tpu.memref_slice %arg8[%dma_wait3A_126, %dma_wait3A_127] : memref<10008x128xf32, #tpu.memory_space<vmem_shared>> -> memref<10008x128xf32, #tpu.memory_space<vmem_shared>>
        tpu.wait_indirect_dma semaphore(%run_scoped3A_118 : memref<!tpu.dma_semaphore, #tpu.memory_space<semaphore_mem>>) src(%arg11 : memref<128x128xf32, #tpu.memory_space<vmem>>) dst(%dma_wait3A_128 : memref<10008x128xf32, #tpu.memory_space<vmem_shared>>)
        tpu.yield
      }) : () -> ()
      %eq3A_74 = arith.constant 0 : i32
      %eq3A_75 = arith.cmpi eq, %arg0, %eq3A_74 : i32
      %convert_element_type3A_76 = arith.extui %eq3A_75 : i1 to i32
      %cond3A_77 = arith.constant 0 : i32
      %cond3A_78 = arith.cmpi ne, %convert_element_type3A_76, %cond3A_77 : i32
      scf.if %cond3A_78 {
        %dma_start3A = arith.constant 4 : i32
        %dma_start3A_118 = arith.constant 0 : i32
        %dma_start3A_119 = tpu.memref_slice %arg9[%dma_start3A, %dma_start3A_118] : memref<8x128xi32, #tpu.memory_space<vmem>> -> memref<1x128xi32, #tpu.memory_space<vmem>>
        %dma_start3A_120 = tpu.memref_squeeze %dma_start3A_119 : memref<1x128xi32, #tpu.memory_space<vmem>> -> memref<128xi32, #tpu.memory_space<vmem>>
        %dma_start3A_121 = arith.constant 0 : i32
        %dma_start3A_122 = arith.constant 0 : i32
        %dma_start3A_123 = tpu.memref_slice %arg2[%dma_start3A_121, %dma_start3A_122] : memref<10000x128xf32, #tpu.memory_space<hbm>> -> memref<10000x128xf32, #tpu.memory_space<hbm>>
        tpu.enqueue_indirect_dma source(%dma_start3A_123 : memref<10000x128xf32, #tpu.memory_space<hbm>>) target(%arg11 : memref<128x128xf32, #tpu.memory_space<vmem>>) offsets(%dma_start3A_120 : memref<128xi32, #tpu.memory_space<vmem>>) semaphore(%arg12 : memref<!tpu.dma_semaphore, #tpu.memory_space<semaphore_mem>>)
        %dma_wait3A = arith.constant 4 : i32
        %dma_wait3A_124 = arith.constant 0 : i32
        %dma_wait3A_125 = tpu.memref_slice %arg9[%dma_wait3A, %dma_wait3A_124] : memref<8x128xi32, #tpu.memory_space<vmem>> -> memref<1x128xi32, #tpu.memory_space<vmem>>
        %dma_wait3A_126 = tpu.memref_squeeze %dma_wait3A_125 : memref<1x128xi32, #tpu.memory_space<vmem>> -> memref<128xi32, #tpu.memory_space<vmem>>
        %dma_wait3A_127 = arith.constant 0 : i32
        %dma_wait3A_128 = arith.constant 0 : i32
        %dma_wait3A_129 = tpu.memref_slice %arg2[%dma_wait3A_127, %dma_wait3A_128] : memref<10000x128xf32, #tpu.memory_space<hbm>> -> memref<10000x128xf32, #tpu.memory_space<hbm>>
        tpu.wait_indirect_dma semaphore(%arg12 : memref<!tpu.dma_semaphore, #tpu.memory_space<semaphore_mem>>) src(%dma_wait3A_129 : memref<10000x128xf32, #tpu.memory_space<hbm>>) dst(%arg11 : memref<128x128xf32, #tpu.memory_space<vmem>>)
      } else {
      }
      %ne3A_79 = arith.constant 0 : i32
      %ne3A_80 = arith.cmpi ne, %arg0, %ne3A_79 : i32
      %convert_element_type3A_81 = arith.extui %ne3A_80 : i1 to i32
      %cond3A_82 = arith.constant 0 : i32
      %cond3A_83 = arith.cmpi ne, %convert_element_type3A_81, %cond3A_82 : i32
      scf.if %cond3A_83 {
        %dma_start3A = arith.constant 4 : i32
        %dma_start3A_118 = arith.constant 0 : i32
        %dma_start3A_119 = tpu.memref_slice %arg9[%dma_start3A, %dma_start3A_118] : memref<8x128xi32, #tpu.memory_space<vmem>> -> memref<1x128xi32, #tpu.memory_space<vmem>>
        %dma_start3A_120 = tpu.memref_squeeze %dma_start3A_119 : memref<1x128xi32, #tpu.memory_space<vmem>> -> memref<128xi32, #tpu.memory_space<vmem>>
        %dma_start3A_121 = arith.constant 0 : i32
        %dma_start3A_122 = arith.constant 0 : i32
        %dma_start3A_123 = tpu.memref_slice %arg3[%dma_start3A_121, %dma_start3A_122] : memref<10000x128xf32, #tpu.memory_space<hbm>> -> memref<10000x128xf32, #tpu.memory_space<hbm>>
        tpu.enqueue_indirect_dma source(%dma_start3A_123 : memref<10000x128xf32, #tpu.memory_space<hbm>>) target(%arg11 : memref<128x128xf32, #tpu.memory_space<vmem>>) offsets(%dma_start3A_120 : memref<128xi32, #tpu.memory_space<vmem>>) semaphore(%arg12 : memref<!tpu.dma_semaphore, #tpu.memory_space<semaphore_mem>>)
        %dma_wait3A = arith.constant 4 : i32
        %dma_wait3A_124 = arith.constant 0 : i32
        %dma_wait3A_125 = tpu.memref_slice %arg9[%dma_wait3A, %dma_wait3A_124] : memref<8x128xi32, #tpu.memory_space<vmem>> -> memref<1x128xi32, #tpu.memory_space<vmem>>
        %dma_wait3A_126 = tpu.memref_squeeze %dma_wait3A_125 : memref<1x128xi32, #tpu.memory_space<vmem>> -> memref<128xi32, #tpu.memory_space<vmem>>
        %dma_wait3A_127 = arith.constant 0 : i32
        %dma_wait3A_128 = arith.constant 0 : i32
        %dma_wait3A_129 = tpu.memref_slice %arg3[%dma_wait3A_127, %dma_wait3A_128] : memref<10000x128xf32, #tpu.memory_space<hbm>> -> memref<10000x128xf32, #tpu.memory_space<hbm>>
        tpu.wait_indirect_dma semaphore(%arg12 : memref<!tpu.dma_semaphore, #tpu.memory_space<semaphore_mem>>) src(%dma_wait3A_129 : memref<10000x128xf32, #tpu.memory_space<hbm>>) dst(%arg11 : memref<128x128xf32, #tpu.memory_space<vmem>>)
      } else {
      }
      %run_scoped3A_84 = arith.constant 4 : i32
      "tpu.region"() ({
        %run_scoped3A_118 = tpu.sem_alloc : memref<!tpu.dma_semaphore, #tpu.memory_space<semaphore_mem>>
        %dma_start3A = arith.constant 0 : i32
        %dma_start3A_119 = tpu.memref_slice %arg10[%run_scoped3A_84, %dma_start3A] : memref<8x128xi32, #tpu.memory_space<vmem>> -> memref<1x128xi32, #tpu.memory_space<vmem>>
        %dma_start3A_120 = tpu.memref_squeeze %dma_start3A_119 : memref<1x128xi32, #tpu.memory_space<vmem>> -> memref<128xi32, #tpu.memory_space<vmem>>
        %dma_start3A_121 = arith.constant 0 : i32
        %dma_start3A_122 = arith.constant 0 : i32
        %dma_start3A_123 = tpu.memref_slice %arg8[%dma_start3A_121, %dma_start3A_122] : memref<10008x128xf32, #tpu.memory_space<vmem_shared>> -> memref<10008x128xf32, #tpu.memory_space<vmem_shared>>
        tpu.enqueue_indirect_dma source(%arg11 : memref<128x128xf32, #tpu.memory_space<vmem>>) target(%dma_start3A_123 : memref<10008x128xf32, #tpu.memory_space<vmem_shared>>) offsets(%dma_start3A_120 : memref<128xi32, #tpu.memory_space<vmem>>) semaphore(%run_scoped3A_118 : memref<!tpu.dma_semaphore, #tpu.memory_space<semaphore_mem>>) {add = true}
        %dma_wait3A = arith.constant 0 : i32
        %dma_wait3A_124 = tpu.memref_slice %arg10[%run_scoped3A_84, %dma_wait3A] : memref<8x128xi32, #tpu.memory_space<vmem>> -> memref<1x128xi32, #tpu.memory_space<vmem>>
        %dma_wait3A_125 = tpu.memref_squeeze %dma_wait3A_124 : memref<1x128xi32, #tpu.memory_space<vmem>> -> memref<128xi32, #tpu.memory_space<vmem>>
        %dma_wait3A_126 = arith.constant 0 : i32
        %dma_wait3A_127 = arith.constant 0 : i32
        %dma_wait3A_128 = tpu.memref_slice %arg8[%dma_wait3A_126, %dma_wait3A_127] : memref<10008x128xf32, #tpu.memory_space<vmem_shared>> -> memref<10008x128xf32, #tpu.memory_space<vmem_shared>>
        tpu.wait_indirect_dma semaphore(%run_scoped3A_118 : memref<!tpu.dma_semaphore, #tpu.memory_space<semaphore_mem>>) src(%arg11 : memref<128x128xf32, #tpu.memory_space<vmem>>) dst(%dma_wait3A_128 : memref<10008x128xf32, #tpu.memory_space<vmem_shared>>)
        tpu.yield
      }) : () -> ()
      %eq3A_85 = arith.constant 0 : i32
      %eq3A_86 = arith.cmpi eq, %arg0, %eq3A_85 : i32
      %convert_element_type3A_87 = arith.extui %eq3A_86 : i1 to i32
      %cond3A_88 = arith.constant 0 : i32
      %cond3A_89 = arith.cmpi ne, %convert_element_type3A_87, %cond3A_88 : i32
      scf.if %cond3A_89 {
        %dma_start3A = arith.constant 5 : i32
        %dma_start3A_118 = arith.constant 0 : i32
        %dma_start3A_119 = tpu.memref_slice %arg9[%dma_start3A, %dma_start3A_118] : memref<8x128xi32, #tpu.memory_space<vmem>> -> memref<1x128xi32, #tpu.memory_space<vmem>>
        %dma_start3A_120 = tpu.memref_squeeze %dma_start3A_119 : memref<1x128xi32, #tpu.memory_space<vmem>> -> memref<128xi32, #tpu.memory_space<vmem>>
        %dma_start3A_121 = arith.constant 0 : i32
        %dma_start3A_122 = arith.constant 0 : i32
        %dma_start3A_123 = tpu.memref_slice %arg2[%dma_start3A_121, %dma_start3A_122] : memref<10000x128xf32, #tpu.memory_space<hbm>> -> memref<10000x128xf32, #tpu.memory_space<hbm>>
        tpu.enqueue_indirect_dma source(%dma_start3A_123 : memref<10000x128xf32, #tpu.memory_space<hbm>>) target(%arg11 : memref<128x128xf32, #tpu.memory_space<vmem>>) offsets(%dma_start3A_120 : memref<128xi32, #tpu.memory_space<vmem>>) semaphore(%arg12 : memref<!tpu.dma_semaphore, #tpu.memory_space<semaphore_mem>>)
        %dma_wait3A = arith.constant 5 : i32
        %dma_wait3A_124 = arith.constant 0 : i32
        %dma_wait3A_125 = tpu.memref_slice %arg9[%dma_wait3A, %dma_wait3A_124] : memref<8x128xi32, #tpu.memory_space<vmem>> -> memref<1x128xi32, #tpu.memory_space<vmem>>
        %dma_wait3A_126 = tpu.memref_squeeze %dma_wait3A_125 : memref<1x128xi32, #tpu.memory_space<vmem>> -> memref<128xi32, #tpu.memory_space<vmem>>
        %dma_wait3A_127 = arith.constant 0 : i32
        %dma_wait3A_128 = arith.constant 0 : i32
        %dma_wait3A_129 = tpu.memref_slice %arg2[%dma_wait3A_127, %dma_wait3A_128] : memref<10000x128xf32, #tpu.memory_space<hbm>> -> memref<10000x128xf32, #tpu.memory_space<hbm>>
        tpu.wait_indirect_dma semaphore(%arg12 : memref<!tpu.dma_semaphore, #tpu.memory_space<semaphore_mem>>) src(%dma_wait3A_129 : memref<10000x128xf32, #tpu.memory_space<hbm>>) dst(%arg11 : memref<128x128xf32, #tpu.memory_space<vmem>>)
      } else {
      }
      %ne3A_90 = arith.constant 0 : i32
      %ne3A_91 = arith.cmpi ne, %arg0, %ne3A_90 : i32
      %convert_element_type3A_92 = arith.extui %ne3A_91 : i1 to i32
      %cond3A_93 = arith.constant 0 : i32
      %cond3A_94 = arith.cmpi ne, %convert_element_type3A_92, %cond3A_93 : i32
      scf.if %cond3A_94 {
        %dma_start3A = arith.constant 5 : i32
        %dma_start3A_118 = arith.constant 0 : i32
        %dma_start3A_119 = tpu.memref_slice %arg9[%dma_start3A, %dma_start3A_118] : memref<8x128xi32, #tpu.memory_space<vmem>> -> memref<1x128xi32, #tpu.memory_space<vmem>>
        %dma_start3A_120 = tpu.memref_squeeze %dma_start3A_119 : memref<1x128xi32, #tpu.memory_space<vmem>> -> memref<128xi32, #tpu.memory_space<vmem>>
        %dma_start3A_121 = arith.constant 0 : i32
        %dma_start3A_122 = arith.constant 0 : i32
        %dma_start3A_123 = tpu.memref_slice %arg3[%dma_start3A_121, %dma_start3A_122] : memref<10000x128xf32, #tpu.memory_space<hbm>> -> memref<10000x128xf32, #tpu.memory_space<hbm>>
        tpu.enqueue_indirect_dma source(%dma_start3A_123 : memref<10000x128xf32, #tpu.memory_space<hbm>>) target(%arg11 : memref<128x128xf32, #tpu.memory_space<vmem>>) offsets(%dma_start3A_120 : memref<128xi32, #tpu.memory_space<vmem>>) semaphore(%arg12 : memref<!tpu.dma_semaphore, #tpu.memory_space<semaphore_mem>>)
        %dma_wait3A = arith.constant 5 : i32
        %dma_wait3A_124 = arith.constant 0 : i32
        %dma_wait3A_125 = tpu.memref_slice %arg9[%dma_wait3A, %dma_wait3A_124] : memref<8x128xi32, #tpu.memory_space<vmem>> -> memref<1x128xi32, #tpu.memory_space<vmem>>
        %dma_wait3A_126 = tpu.memref_squeeze %dma_wait3A_125 : memref<1x128xi32, #tpu.memory_space<vmem>> -> memref<128xi32, #tpu.memory_space<vmem>>
        %dma_wait3A_127 = arith.constant 0 : i32
        %dma_wait3A_128 = arith.constant 0 : i32
        %dma_wait3A_129 = tpu.memref_slice %arg3[%dma_wait3A_127, %dma_wait3A_128] : memref<10000x128xf32, #tpu.memory_space<hbm>> -> memref<10000x128xf32, #tpu.memory_space<hbm>>
        tpu.wait_indirect_dma semaphore(%arg12 : memref<!tpu.dma_semaphore, #tpu.memory_space<semaphore_mem>>) src(%dma_wait3A_129 : memref<10000x128xf32, #tpu.memory_space<hbm>>) dst(%arg11 : memref<128x128xf32, #tpu.memory_space<vmem>>)
      } else {
      }
      %run_scoped3A_95 = arith.constant 5 : i32
      "tpu.region"() ({
        %run_scoped3A_118 = tpu.sem_alloc : memref<!tpu.dma_semaphore, #tpu.memory_space<semaphore_mem>>
        %dma_start3A = arith.constant 0 : i32
        %dma_start3A_119 = tpu.memref_slice %arg10[%run_scoped3A_95, %dma_start3A] : memref<8x128xi32, #tpu.memory_space<vmem>> -> memref<1x128xi32, #tpu.memory_space<vmem>>
        %dma_start3A_120 = tpu.memref_squeeze %dma_start3A_119 : memref<1x128xi32, #tpu.memory_space<vmem>> -> memref<128xi32, #tpu.memory_space<vmem>>
        %dma_start3A_121 = arith.constant 0 : i32
        %dma_start3A_122 = arith.constant 0 : i32
        %dma_start3A_123 = tpu.memref_slice %arg8[%dma_start3A_121, %dma_start3A_122] : memref<10008x128xf32, #tpu.memory_space<vmem_shared>> -> memref<10008x128xf32, #tpu.memory_space<vmem_shared>>
        tpu.enqueue_indirect_dma source(%arg11 : memref<128x128xf32, #tpu.memory_space<vmem>>) target(%dma_start3A_123 : memref<10008x128xf32, #tpu.memory_space<vmem_shared>>) offsets(%dma_start3A_120 : memref<128xi32, #tpu.memory_space<vmem>>) semaphore(%run_scoped3A_118 : memref<!tpu.dma_semaphore, #tpu.memory_space<semaphore_mem>>) {add = true}
        %dma_wait3A = arith.constant 0 : i32
        %dma_wait3A_124 = tpu.memref_slice %arg10[%run_scoped3A_95, %dma_wait3A] : memref<8x128xi32, #tpu.memory_space<vmem>> -> memref<1x128xi32, #tpu.memory_space<vmem>>
        %dma_wait3A_125 = tpu.memref_squeeze %dma_wait3A_124 : memref<1x128xi32, #tpu.memory_space<vmem>> -> memref<128xi32, #tpu.memory_space<vmem>>
        %dma_wait3A_126 = arith.constant 0 : i32
        %dma_wait3A_127 = arith.constant 0 : i32
        %dma_wait3A_128 = tpu.memref_slice %arg8[%dma_wait3A_126, %dma_wait3A_127] : memref<10008x128xf32, #tpu.memory_space<vmem_shared>> -> memref<10008x128xf32, #tpu.memory_space<vmem_shared>>
        tpu.wait_indirect_dma semaphore(%run_scoped3A_118 : memref<!tpu.dma_semaphore, #tpu.memory_space<semaphore_mem>>) src(%arg11 : memref<128x128xf32, #tpu.memory_space<vmem>>) dst(%dma_wait3A_128 : memref<10008x128xf32, #tpu.memory_space<vmem_shared>>)
        tpu.yield
      }) : () -> ()
      %eq3A_96 = arith.constant 0 : i32
      %eq3A_97 = arith.cmpi eq, %arg0, %eq3A_96 : i32
      %convert_element_type3A_98 = arith.extui %eq3A_97 : i1 to i32
      %cond3A_99 = arith.constant 0 : i32
      %cond3A_100 = arith.cmpi ne, %convert_element_type3A_98, %cond3A_99 : i32
      scf.if %cond3A_100 {
        %dma_start3A = arith.constant 6 : i32
        %dma_start3A_118 = arith.constant 0 : i32
        %dma_start3A_119 = tpu.memref_slice %arg9[%dma_start3A, %dma_start3A_118] : memref<8x128xi32, #tpu.memory_space<vmem>> -> memref<1x128xi32, #tpu.memory_space<vmem>>
        %dma_start3A_120 = tpu.memref_squeeze %dma_start3A_119 : memref<1x128xi32, #tpu.memory_space<vmem>> -> memref<128xi32, #tpu.memory_space<vmem>>
        %dma_start3A_121 = arith.constant 0 : i32
        %dma_start3A_122 = arith.constant 0 : i32
        %dma_start3A_123 = tpu.memref_slice %arg2[%dma_start3A_121, %dma_start3A_122] : memref<10000x128xf32, #tpu.memory_space<hbm>> -> memref<10000x128xf32, #tpu.memory_space<hbm>>
        tpu.enqueue_indirect_dma source(%dma_start3A_123 : memref<10000x128xf32, #tpu.memory_space<hbm>>) target(%arg11 : memref<128x128xf32, #tpu.memory_space<vmem>>) offsets(%dma_start3A_120 : memref<128xi32, #tpu.memory_space<vmem>>) semaphore(%arg12 : memref<!tpu.dma_semaphore, #tpu.memory_space<semaphore_mem>>)
        %dma_wait3A = arith.constant 6 : i32
        %dma_wait3A_124 = arith.constant 0 : i32
        %dma_wait3A_125 = tpu.memref_slice %arg9[%dma_wait3A, %dma_wait3A_124] : memref<8x128xi32, #tpu.memory_space<vmem>> -> memref<1x128xi32, #tpu.memory_space<vmem>>
        %dma_wait3A_126 = tpu.memref_squeeze %dma_wait3A_125 : memref<1x128xi32, #tpu.memory_space<vmem>> -> memref<128xi32, #tpu.memory_space<vmem>>
        %dma_wait3A_127 = arith.constant 0 : i32
        %dma_wait3A_128 = arith.constant 0 : i32
        %dma_wait3A_129 = tpu.memref_slice %arg2[%dma_wait3A_127, %dma_wait3A_128] : memref<10000x128xf32, #tpu.memory_space<hbm>> -> memref<10000x128xf32, #tpu.memory_space<hbm>>
        tpu.wait_indirect_dma semaphore(%arg12 : memref<!tpu.dma_semaphore, #tpu.memory_space<semaphore_mem>>) src(%dma_wait3A_129 : memref<10000x128xf32, #tpu.memory_space<hbm>>) dst(%arg11 : memref<128x128xf32, #tpu.memory_space<vmem>>)
      } else {
      }
      %ne3A_101 = arith.constant 0 : i32
      %ne3A_102 = arith.cmpi ne, %arg0, %ne3A_101 : i32
      %convert_element_type3A_103 = arith.extui %ne3A_102 : i1 to i32
      %cond3A_104 = arith.constant 0 : i32
      %cond3A_105 = arith.cmpi ne, %convert_element_type3A_103, %cond3A_104 : i32
      scf.if %cond3A_105 {
        %dma_start3A = arith.constant 6 : i32
        %dma_start3A_118 = arith.constant 0 : i32
        %dma_start3A_119 = tpu.memref_slice %arg9[%dma_start3A, %dma_start3A_118] : memref<8x128xi32, #tpu.memory_space<vmem>> -> memref<1x128xi32, #tpu.memory_space<vmem>>
        %dma_start3A_120 = tpu.memref_squeeze %dma_start3A_119 : memref<1x128xi32, #tpu.memory_space<vmem>> -> memref<128xi32, #tpu.memory_space<vmem>>
        %dma_start3A_121 = arith.constant 0 : i32
        %dma_start3A_122 = arith.constant 0 : i32
        %dma_start3A_123 = tpu.memref_slice %arg3[%dma_start3A_121, %dma_start3A_122] : memref<10000x128xf32, #tpu.memory_space<hbm>> -> memref<10000x128xf32, #tpu.memory_space<hbm>>
        tpu.enqueue_indirect_dma source(%dma_start3A_123 : memref<10000x128xf32, #tpu.memory_space<hbm>>) target(%arg11 : memref<128x128xf32, #tpu.memory_space<vmem>>) offsets(%dma_start3A_120 : memref<128xi32, #tpu.memory_space<vmem>>) semaphore(%arg12 : memref<!tpu.dma_semaphore, #tpu.memory_space<semaphore_mem>>)
        %dma_wait3A = arith.constant 6 : i32
        %dma_wait3A_124 = arith.constant 0 : i32
        %dma_wait3A_125 = tpu.memref_slice %arg9[%dma_wait3A, %dma_wait3A_124] : memref<8x128xi32, #tpu.memory_space<vmem>> -> memref<1x128xi32, #tpu.memory_space<vmem>>
        %dma_wait3A_126 = tpu.memref_squeeze %dma_wait3A_125 : memref<1x128xi32, #tpu.memory_space<vmem>> -> memref<128xi32, #tpu.memory_space<vmem>>
        %dma_wait3A_127 = arith.constant 0 : i32
        %dma_wait3A_128 = arith.constant 0 : i32
        %dma_wait3A_129 = tpu.memref_slice %arg3[%dma_wait3A_127, %dma_wait3A_128] : memref<10000x128xf32, #tpu.memory_space<hbm>> -> memref<10000x128xf32, #tpu.memory_space<hbm>>
        tpu.wait_indirect_dma semaphore(%arg12 : memref<!tpu.dma_semaphore, #tpu.memory_space<semaphore_mem>>) src(%dma_wait3A_129 : memref<10000x128xf32, #tpu.memory_space<hbm>>) dst(%arg11 : memref<128x128xf32, #tpu.memory_space<vmem>>)
      } else {
      }
      %run_scoped3A_106 = arith.constant 6 : i32
      "tpu.region"() ({
        %run_scoped3A_118 = tpu.sem_alloc : memref<!tpu.dma_semaphore, #tpu.memory_space<semaphore_mem>>
        %dma_start3A = arith.constant 0 : i32
        %dma_start3A_119 = tpu.memref_slice %arg10[%run_scoped3A_106, %dma_start3A] : memref<8x128xi32, #tpu.memory_space<vmem>> -> memref<1x128xi32, #tpu.memory_space<vmem>>
        %dma_start3A_120 = tpu.memref_squeeze %dma_start3A_119 : memref<1x128xi32, #tpu.memory_space<vmem>> -> memref<128xi32, #tpu.memory_space<vmem>>
        %dma_start3A_121 = arith.constant 0 : i32
        %dma_start3A_122 = arith.constant 0 : i32
        %dma_start3A_123 = tpu.memref_slice %arg8[%dma_start3A_121, %dma_start3A_122] : memref<10008x128xf32, #tpu.memory_space<vmem_shared>> -> memref<10008x128xf32, #tpu.memory_space<vmem_shared>>
        tpu.enqueue_indirect_dma source(%arg11 : memref<128x128xf32, #tpu.memory_space<vmem>>) target(%dma_start3A_123 : memref<10008x128xf32, #tpu.memory_space<vmem_shared>>) offsets(%dma_start3A_120 : memref<128xi32, #tpu.memory_space<vmem>>) semaphore(%run_scoped3A_118 : memref<!tpu.dma_semaphore, #tpu.memory_space<semaphore_mem>>) {add = true}
        %dma_wait3A = arith.constant 0 : i32
        %dma_wait3A_124 = tpu.memref_slice %arg10[%run_scoped3A_106, %dma_wait3A] : memref<8x128xi32, #tpu.memory_space<vmem>> -> memref<1x128xi32, #tpu.memory_space<vmem>>
        %dma_wait3A_125 = tpu.memref_squeeze %dma_wait3A_124 : memref<1x128xi32, #tpu.memory_space<vmem>> -> memref<128xi32, #tpu.memory_space<vmem>>
        %dma_wait3A_126 = arith.constant 0 : i32
        %dma_wait3A_127 = arith.constant 0 : i32
        %dma_wait3A_128 = tpu.memref_slice %arg8[%dma_wait3A_126, %dma_wait3A_127] : memref<10008x128xf32, #tpu.memory_space<vmem_shared>> -> memref<10008x128xf32, #tpu.memory_space<vmem_shared>>
        tpu.wait_indirect_dma semaphore(%run_scoped3A_118 : memref<!tpu.dma_semaphore, #tpu.memory_space<semaphore_mem>>) src(%arg11 : memref<128x128xf32, #tpu.memory_space<vmem>>) dst(%dma_wait3A_128 : memref<10008x128xf32, #tpu.memory_space<vmem_shared>>)
        tpu.yield
      }) : () -> ()
      %eq3A_107 = arith.constant 0 : i32
      %eq3A_108 = arith.cmpi eq, %arg0, %eq3A_107 : i32
      %convert_element_type3A_109 = arith.extui %eq3A_108 : i1 to i32
      %cond3A_110 = arith.constant 0 : i32
      %cond3A_111 = arith.cmpi ne, %convert_element_type3A_109, %cond3A_110 : i32
      scf.if %cond3A_111 {
        %dma_start3A = arith.constant 7 : i32
        %dma_start3A_118 = arith.constant 0 : i32
        %dma_start3A_119 = tpu.memref_slice %arg9[%dma_start3A, %dma_start3A_118] : memref<8x128xi32, #tpu.memory_space<vmem>> -> memref<1x128xi32, #tpu.memory_space<vmem>>
        %dma_start3A_120 = tpu.memref_squeeze %dma_start3A_119 : memref<1x128xi32, #tpu.memory_space<vmem>> -> memref<128xi32, #tpu.memory_space<vmem>>
        %dma_start3A_121 = arith.constant 0 : i32
        %dma_start3A_122 = arith.constant 0 : i32
        %dma_start3A_123 = tpu.memref_slice %arg2[%dma_start3A_121, %dma_start3A_122] : memref<10000x128xf32, #tpu.memory_space<hbm>> -> memref<10000x128xf32, #tpu.memory_space<hbm>>
        tpu.enqueue_indirect_dma source(%dma_start3A_123 : memref<10000x128xf32, #tpu.memory_space<hbm>>) target(%arg11 : memref<128x128xf32, #tpu.memory_space<vmem>>) offsets(%dma_start3A_120 : memref<128xi32, #tpu.memory_space<vmem>>) semaphore(%arg12 : memref<!tpu.dma_semaphore, #tpu.memory_space<semaphore_mem>>)
        %dma_wait3A = arith.constant 7 : i32
        %dma_wait3A_124 = arith.constant 0 : i32
        %dma_wait3A_125 = tpu.memref_slice %arg9[%dma_wait3A, %dma_wait3A_124] : memref<8x128xi32, #tpu.memory_space<vmem>> -> memref<1x128xi32, #tpu.memory_space<vmem>>
        %dma_wait3A_126 = tpu.memref_squeeze %dma_wait3A_125 : memref<1x128xi32, #tpu.memory_space<vmem>> -> memref<128xi32, #tpu.memory_space<vmem>>
        %dma_wait3A_127 = arith.constant 0 : i32
        %dma_wait3A_128 = arith.constant 0 : i32
        %dma_wait3A_129 = tpu.memref_slice %arg2[%dma_wait3A_127, %dma_wait3A_128] : memref<10000x128xf32, #tpu.memory_space<hbm>> -> memref<10000x128xf32, #tpu.memory_space<hbm>>
        tpu.wait_indirect_dma semaphore(%arg12 : memref<!tpu.dma_semaphore, #tpu.memory_space<semaphore_mem>>) src(%dma_wait3A_129 : memref<10000x128xf32, #tpu.memory_space<hbm>>) dst(%arg11 : memref<128x128xf32, #tpu.memory_space<vmem>>)
      } else {
      }
      %ne3A_112 = arith.constant 0 : i32
      %ne3A_113 = arith.cmpi ne, %arg0, %ne3A_112 : i32
      %convert_element_type3A_114 = arith.extui %ne3A_113 : i1 to i32
      %cond3A_115 = arith.constant 0 : i32
      %cond3A_116 = arith.cmpi ne, %convert_element_type3A_114, %cond3A_115 : i32
      scf.if %cond3A_116 {
        %dma_start3A = arith.constant 7 : i32
        %dma_start3A_118 = arith.constant 0 : i32
        %dma_start3A_119 = tpu.memref_slice %arg9[%dma_start3A, %dma_start3A_118] : memref<8x128xi32, #tpu.memory_space<vmem>> -> memref<1x128xi32, #tpu.memory_space<vmem>>
        %dma_start3A_120 = tpu.memref_squeeze %dma_start3A_119 : memref<1x128xi32, #tpu.memory_space<vmem>> -> memref<128xi32, #tpu.memory_space<vmem>>
        %dma_start3A_121 = arith.constant 0 : i32
        %dma_start3A_122 = arith.constant 0 : i32
        %dma_start3A_123 = tpu.memref_slice %arg3[%dma_start3A_121, %dma_start3A_122] : memref<10000x128xf32, #tpu.memory_space<hbm>> -> memref<10000x128xf32, #tpu.memory_space<hbm>>
        tpu.enqueue_indirect_dma source(%dma_start3A_123 : memref<10000x128xf32, #tpu.memory_space<hbm>>) target(%arg11 : memref<128x128xf32, #tpu.memory_space<vmem>>) offsets(%dma_start3A_120 : memref<128xi32, #tpu.memory_space<vmem>>) semaphore(%arg12 : memref<!tpu.dma_semaphore, #tpu.memory_space<semaphore_mem>>)
        %dma_wait3A = arith.constant 7 : i32
        %dma_wait3A_124 = arith.constant 0 : i32
        %dma_wait3A_125 = tpu.memref_slice %arg9[%dma_wait3A, %dma_wait3A_124] : memref<8x128xi32, #tpu.memory_space<vmem>> -> memref<1x128xi32, #tpu.memory_space<vmem>>
        %dma_wait3A_126 = tpu.memref_squeeze %dma_wait3A_125 : memref<1x128xi32, #tpu.memory_space<vmem>> -> memref<128xi32, #tpu.memory_space<vmem>>
        %dma_wait3A_127 = arith.constant 0 : i32
        %dma_wait3A_128 = arith.constant 0 : i32
        %dma_wait3A_129 = tpu.memref_slice %arg3[%dma_wait3A_127, %dma_wait3A_128] : memref<10000x128xf32, #tpu.memory_space<hbm>> -> memref<10000x128xf32, #tpu.memory_space<hbm>>
        tpu.wait_indirect_dma semaphore(%arg12 : memref<!tpu.dma_semaphore, #tpu.memory_space<semaphore_mem>>) src(%dma_wait3A_129 : memref<10000x128xf32, #tpu.memory_space<hbm>>) dst(%arg11 : memref<128x128xf32, #tpu.memory_space<vmem>>)
      } else {
      }
      %run_scoped3A_117 = arith.constant 7 : i32
      "tpu.region"() ({
        %run_scoped3A_118 = tpu.sem_alloc : memref<!tpu.dma_semaphore, #tpu.memory_space<semaphore_mem>>
        %dma_start3A = arith.constant 0 : i32
        %dma_start3A_119 = tpu.memref_slice %arg10[%run_scoped3A_117, %dma_start3A] : memref<8x128xi32, #tpu.memory_space<vmem>> -> memref<1x128xi32, #tpu.memory_space<vmem>>
        %dma_start3A_120 = tpu.memref_squeeze %dma_start3A_119 : memref<1x128xi32, #tpu.memory_space<vmem>> -> memref<128xi32, #tpu.memory_space<vmem>>
        %dma_start3A_121 = arith.constant 0 : i32
        %dma_start3A_122 = arith.constant 0 : i32
        %dma_start3A_123 = tpu.memref_slice %arg8[%dma_start3A_121, %dma_start3A_122] : memref<10008x128xf32, #tpu.memory_space<vmem_shared>> -> memref<10008x128xf32, #tpu.memory_space<vmem_shared>>
        tpu.enqueue_indirect_dma source(%arg11 : memref<128x128xf32, #tpu.memory_space<vmem>>) target(%dma_start3A_123 : memref<10008x128xf32, #tpu.memory_space<vmem_shared>>) offsets(%dma_start3A_120 : memref<128xi32, #tpu.memory_space<vmem>>) semaphore(%run_scoped3A_118 : memref<!tpu.dma_semaphore, #tpu.memory_space<semaphore_mem>>) {add = true}
        %dma_wait3A = arith.constant 0 : i32
        %dma_wait3A_124 = tpu.memref_slice %arg10[%run_scoped3A_117, %dma_wait3A] : memref<8x128xi32, #tpu.memory_space<vmem>> -> memref<1x128xi32, #tpu.memory_space<vmem>>
        %dma_wait3A_125 = tpu.memref_squeeze %dma_wait3A_124 : memref<1x128xi32, #tpu.memory_space<vmem>> -> memref<128xi32, #tpu.memory_space<vmem>>
        %dma_wait3A_126 = arith.constant 0 : i32
        %dma_wait3A_127 = arith.constant 0 : i32
        %dma_wait3A_128 = tpu.memref_slice %arg8[%dma_wait3A_126, %dma_wait3A_127] : memref<10008x128xf32, #tpu.memory_space<vmem_shared>> -> memref<10008x128xf32, #tpu.memory_space<vmem_shared>>
        tpu.wait_indirect_dma semaphore(%run_scoped3A_118 : memref<!tpu.dma_semaphore, #tpu.memory_space<semaphore_mem>>) src(%arg11 : memref<128x128xf32, #tpu.memory_space<vmem>>) dst(%dma_wait3A_128 : memref<10008x128xf32, #tpu.memory_space<vmem_shared>>)
        tpu.yield
      }) : () -> ()
    }
    %scan3A_15 = arith.constant 10 : i32
    %barrier3A_16 = arith.constant 0 : index
    tpu.barrier barrier_id(%barrier3A_16)
    %eq3A_17 = arith.constant 0 : i32
    %eq3A_18 = arith.cmpi eq, %arg0, %eq3A_17 : i32
    %convert_element_type3A_19 = arith.extui %eq3A_18 : i1 to i32
    %cond3A_20 = arith.constant 0 : i32
    %cond3A_21 = arith.cmpi ne, %convert_element_type3A_19, %cond3A_20 : i32
    scf.if %cond3A_21 {
      %lt3A = arith.constant 15 : i32
      %lt3A_27 = arith.cmpi slt, %arg1, %lt3A : i32
      %convert_element_type3A_28 = arith.extui %lt3A_27 : i1 to i32
      %cond3A_29 = arith.constant 0 : i32
      %cond3A_30 = arith.cmpi ne, %convert_element_type3A_28, %cond3A_29 : i32
      scf.if %cond3A_30 {
        "tpu.region"() ({
          %run_scoped3A = tpu.sem_alloc : memref<!tpu.dma_semaphore, #tpu.memory_space<semaphore_mem>>
          %dma_start3A = arith.constant 0 : i32
          %dma_start3A_36 = tpu.memref_slice %arg6[%mul3A_0, %dma_start3A] : memref<10000x128xf32, #tpu.memory_space<hbm>> -> memref<632x128xf32, #tpu.memory_space<hbm>>
          %dma_start3A_37 = arith.constant 0 : i32
          %dma_start3A_38 = tpu.memref_slice %arg8[%mul3A_0, %dma_start3A_37] : memref<10008x128xf32, #tpu.memory_space<vmem_shared>> -> memref<632x128xf32, #tpu.memory_space<vmem_shared>>
          tpu.enqueue_dma source(%dma_start3A_38 : memref<632x128xf32, #tpu.memory_space<vmem_shared>>) target(%dma_start3A_36 : memref<632x128xf32, #tpu.memory_space<hbm>>) target_semaphore(%run_scoped3A : memref<!tpu.dma_semaphore, #tpu.memory_space<semaphore_mem>>)
          %dma_wait3A = arith.constant 0 : i32
          %dma_wait3A_39 = tpu.memref_slice %arg6[%mul3A_0, %dma_wait3A] : memref<10000x128xf32, #tpu.memory_space<hbm>> -> memref<632x128xf32, #tpu.memory_space<hbm>>
          %dma_wait3A_40 = arith.constant 0 : i32
          %dma_wait3A_41 = tpu.memref_slice %arg8[%mul3A_0, %dma_wait3A_40] : memref<10008x128xf32, #tpu.memory_space<vmem_shared>> -> memref<632x128xf32, #tpu.memory_space<vmem_shared>>
          tpu.wait_dma2 semaphore(%run_scoped3A : memref<!tpu.dma_semaphore, #tpu.memory_space<semaphore_mem>>) src(%dma_wait3A_41 : memref<632x128xf32, #tpu.memory_space<vmem_shared>>) dst(%dma_wait3A_39 : memref<632x128xf32, #tpu.memory_space<hbm>>)
          tpu.yield
        }) : () -> ()
      } else {
      }
      %eq3A_31 = arith.constant 15 : i32
      %eq3A_32 = arith.cmpi eq, %arg1, %eq3A_31 : i32
      %convert_element_type3A_33 = arith.extui %eq3A_32 : i1 to i32
      %cond3A_34 = arith.constant 0 : i32
      %cond3A_35 = arith.cmpi ne, %convert_element_type3A_33, %cond3A_34 : i32
      scf.if %cond3A_35 {
        "tpu.region"() ({
          %run_scoped3A = tpu.sem_alloc : memref<!tpu.dma_semaphore, #tpu.memory_space<semaphore_mem>>
          %dma_start3A = arith.constant 0 : i32
          %dma_start3A_36 = tpu.memref_slice %arg6[%mul3A_0, %dma_start3A] : memref<10000x128xf32, #tpu.memory_space<hbm>> -> memref<520x128xf32, #tpu.memory_space<hbm>>
          %dma_start3A_37 = arith.constant 0 : i32
          %dma_start3A_38 = tpu.memref_slice %arg8[%mul3A_0, %dma_start3A_37] : memref<10008x128xf32, #tpu.memory_space<vmem_shared>> -> memref<520x128xf32, #tpu.memory_space<vmem_shared>>
          tpu.enqueue_dma source(%dma_start3A_38 : memref<520x128xf32, #tpu.memory_space<vmem_shared>>) target(%dma_start3A_36 : memref<520x128xf32, #tpu.memory_space<hbm>>) target_semaphore(%run_scoped3A : memref<!tpu.dma_semaphore, #tpu.memory_space<semaphore_mem>>)
          %dma_wait3A = arith.constant 0 : i32
          %dma_wait3A_39 = tpu.memref_slice %arg6[%mul3A_0, %dma_wait3A] : memref<10000x128xf32, #tpu.memory_space<hbm>> -> memref<520x128xf32, #tpu.memory_space<hbm>>
          %dma_wait3A_40 = arith.constant 0 : i32
          %dma_wait3A_41 = tpu.memref_slice %arg8[%mul3A_0, %dma_wait3A_40] : memref<10008x128xf32, #tpu.memory_space<vmem_shared>> -> memref<520x128xf32, #tpu.memory_space<vmem_shared>>
          tpu.wait_dma2 semaphore(%run_scoped3A : memref<!tpu.dma_semaphore, #tpu.memory_space<semaphore_mem>>) src(%dma_wait3A_41 : memref<520x128xf32, #tpu.memory_space<vmem_shared>>) dst(%dma_wait3A_39 : memref<520x128xf32, #tpu.memory_space<hbm>>)
          tpu.yield
        }) : () -> ()
      } else {
      }
    } else {
    }
    %ne3A_22 = arith.constant 0 : i32
    %ne3A_23 = arith.cmpi ne, %arg0, %ne3A_22 : i32
    %convert_element_type3A_24 = arith.extui %ne3A_23 : i1 to i32
    %cond3A_25 = arith.constant 0 : i32
    %cond3A_26 = arith.cmpi ne, %convert_element_type3A_24, %cond3A_25 : i32
    scf.if %cond3A_26 {
      %lt3A = arith.constant 15 : i32
      %lt3A_27 = arith.cmpi slt, %arg1, %lt3A : i32
      %convert_element_type3A_28 = arith.extui %lt3A_27 : i1 to i32
      %cond3A_29 = arith.constant 0 : i32
      %cond3A_30 = arith.cmpi ne, %convert_element_type3A_28, %cond3A_29 : i32
      scf.if %cond3A_30 {
        "tpu.region"() ({
          %run_scoped3A = tpu.sem_alloc : memref<!tpu.dma_semaphore, #tpu.memory_space<semaphore_mem>>
          %dma_start3A = arith.constant 0 : i32
          %dma_start3A_36 = tpu.memref_slice %arg7[%mul3A_0, %dma_start3A] : memref<10000x128xf32, #tpu.memory_space<hbm>> -> memref<632x128xf32, #tpu.memory_space<hbm>>
          %dma_start3A_37 = arith.constant 0 : i32
          %dma_start3A_38 = tpu.memref_slice %arg8[%mul3A_0, %dma_start3A_37] : memref<10008x128xf32, #tpu.memory_space<vmem_shared>> -> memref<632x128xf32, #tpu.memory_space<vmem_shared>>
          tpu.enqueue_dma source(%dma_start3A_38 : memref<632x128xf32, #tpu.memory_space<vmem_shared>>) target(%dma_start3A_36 : memref<632x128xf32, #tpu.memory_space<hbm>>) target_semaphore(%run_scoped3A : memref<!tpu.dma_semaphore, #tpu.memory_space<semaphore_mem>>)
          %dma_wait3A = arith.constant 0 : i32
          %dma_wait3A_39 = tpu.memref_slice %arg7[%mul3A_0, %dma_wait3A] : memref<10000x128xf32, #tpu.memory_space<hbm>> -> memref<632x128xf32, #tpu.memory_space<hbm>>
          %dma_wait3A_40 = arith.constant 0 : i32
          %dma_wait3A_41 = tpu.memref_slice %arg8[%mul3A_0, %dma_wait3A_40] : memref<10008x128xf32, #tpu.memory_space<vmem_shared>> -> memref<632x128xf32, #tpu.memory_space<vmem_shared>>
          tpu.wait_dma2 semaphore(%run_scoped3A : memref<!tpu.dma_semaphore, #tpu.memory_space<semaphore_mem>>) src(%dma_wait3A_41 : memref<632x128xf32, #tpu.memory_space<vmem_shared>>) dst(%dma_wait3A_39 : memref<632x128xf32, #tpu.memory_space<hbm>>)
          tpu.yield
        }) : () -> ()
      } else {
      }
      %eq3A_31 = arith.constant 15 : i32
      %eq3A_32 = arith.cmpi eq, %arg1, %eq3A_31 : i32
      %convert_element_type3A_33 = arith.extui %eq3A_32 : i1 to i32
      %cond3A_34 = arith.constant 0 : i32
      %cond3A_35 = arith.cmpi ne, %convert_element_type3A_33, %cond3A_34 : i32
      scf.if %cond3A_35 {
        "tpu.region"() ({
          %run_scoped3A = tpu.sem_alloc : memref<!tpu.dma_semaphore, #tpu.memory_space<semaphore_mem>>
          %dma_start3A = arith.constant 0 : i32
          %dma_start3A_36 = tpu.memref_slice %arg7[%mul3A_0, %dma_start3A] : memref<10000x128xf32, #tpu.memory_space<hbm>> -> memref<520x128xf32, #tpu.memory_space<hbm>>
          %dma_start3A_37 = arith.constant 0 : i32
          %dma_start3A_38 = tpu.memref_slice %arg8[%mul3A_0, %dma_start3A_37] : memref<10008x128xf32, #tpu.memory_space<vmem_shared>> -> memref<520x128xf32, #tpu.memory_space<vmem_shared>>
          tpu.enqueue_dma source(%dma_start3A_38 : memref<520x128xf32, #tpu.memory_space<vmem_shared>>) target(%dma_start3A_36 : memref<520x128xf32, #tpu.memory_space<hbm>>) target_semaphore(%run_scoped3A : memref<!tpu.dma_semaphore, #tpu.memory_space<semaphore_mem>>)
          %dma_wait3A = arith.constant 0 : i32
          %dma_wait3A_39 = tpu.memref_slice %arg7[%mul3A_0, %dma_wait3A] : memref<10000x128xf32, #tpu.memory_space<hbm>> -> memref<520x128xf32, #tpu.memory_space<hbm>>
          %dma_wait3A_40 = arith.constant 0 : i32
          %dma_wait3A_41 = tpu.memref_slice %arg8[%mul3A_0, %dma_wait3A_40] : memref<10008x128xf32, #tpu.memory_space<vmem_shared>> -> memref<520x128xf32, #tpu.memory_space<vmem_shared>>
          tpu.wait_dma2 semaphore(%run_scoped3A : memref<!tpu.dma_semaphore, #tpu.memory_space<semaphore_mem>>) src(%dma_wait3A_41 : memref<520x128xf32, #tpu.memory_space<vmem_shared>>) dst(%dma_wait3A_39 : memref<520x128xf32, #tpu.memory_space<hbm>>)
          tpu.yield
        }) : () -> ()
      } else {
      }
    } else {
    }
    return
  }
}

#map = affine_map<(d0, d1) -> (0, 0)>
module attributes {stable_mosaic.version = 14 : i64} {
  func.func @segsum_f128(%arg0: i32, %arg1: i32, %arg2: memref<10000x128xf32, #tpu.memory_space<hbm>>, %arg3: memref<10000x128xf32, #tpu.memory_space<hbm>>, %arg4: memref<2560x128xi32, #tpu.memory_space<hbm>>, %arg5: memref<2560x128xi32, #tpu.memory_space<hbm>>, %arg6: memref<10000x128xf32, #tpu.memory_space<hbm>>, %arg7: memref<10000x128xf32, #tpu.memory_space<hbm>>, %arg8: memref<10008x128xf32, #tpu.memory_space<vmem_shared>>, %arg9: memref<8x128xi32, #tpu.memory_space<vmem>>, %arg10: memref<8x128xi32, #tpu.memory_space<vmem>>, %arg11: memref<128x128xf32, #tpu.memory_space<vmem>>, %arg12: memref<!tpu.dma_semaphore, #tpu.memory_space<semaphore_mem>>) attributes {dimension_semantics = [#tpu.dimension_semantics<core_parallel>, #tpu.dimension_semantics<subcore_parallel>], iteration_bounds = array<i64: 2, 16>, scalar_prefetch = 0 : i64, scratch_operands = 5 : i64, tpu.core_type = #tpu.core_type<sc_vector_subcore>, window_params = [{transform_indices = #map}, {transform_indices = #map}, {transform_indices = #map}, {transform_indices = #map}, {transform_indices = #map}, {transform_indices = #map}]} {
    %mul3A = arith.constant 632 : i32
    %mul3A_0 = arith.muli %arg1, %mul3A : i32
    %eq3A = arith.constant 0 : i32
    %eq3A_1 = arith.cmpi eq, %arg0, %eq3A : i32
    %convert_element_type3A = arith.extui %eq3A_1 : i1 to i32
    %cond3A = arith.constant 0 : i32
    %cond3A_2 = arith.cmpi ne, %convert_element_type3A, %cond3A : i32
    scf.if %cond3A_2 {
      %lt3A = arith.constant 15 : i32
      %lt3A_26 = arith.cmpi slt, %arg1, %lt3A : i32
      %convert_element_type3A_27 = arith.extui %lt3A_26 : i1 to i32
      %cond3A_28 = arith.constant 0 : i32
      %cond3A_29 = arith.cmpi ne, %convert_element_type3A_27, %cond3A_28 : i32
      scf.if %cond3A_29 {
        "tpu.region"() ({
          %run_scoped3A = tpu.sem_alloc : memref<!tpu.dma_semaphore, #tpu.memory_space<semaphore_mem>>
          %dma_start3A = arith.constant 0 : i32
          %dma_start3A_35 = tpu.memref_slice %arg8[%mul3A_0, %dma_start3A] : memref<10008x128xf32, #tpu.memory_space<vmem_shared>> -> memref<632x128xf32, #tpu.memory_space<vmem_shared>>
          %dma_start3A_36 = arith.constant 0 : i32
          %dma_start3A_37 = tpu.memref_slice %arg2[%mul3A_0, %dma_start3A_36] : memref<10000x128xf32, #tpu.memory_space<hbm>> -> memref<632x128xf32, #tpu.memory_space<hbm>>
          tpu.enqueue_dma source(%dma_start3A_37 : memref<632x128xf32, #tpu.memory_space<hbm>>) target(%dma_start3A_35 : memref<632x128xf32, #tpu.memory_space<vmem_shared>>) target_semaphore(%run_scoped3A : memref<!tpu.dma_semaphore, #tpu.memory_space<semaphore_mem>>)
          %dma_wait3A = arith.constant 0 : i32
          %dma_wait3A_38 = tpu.memref_slice %arg8[%mul3A_0, %dma_wait3A] : memref<10008x128xf32, #tpu.memory_space<vmem_shared>> -> memref<632x128xf32, #tpu.memory_space<vmem_shared>>
          %dma_wait3A_39 = arith.constant 0 : i32
          %dma_wait3A_40 = tpu.memref_slice %arg2[%mul3A_0, %dma_wait3A_39] : memref<10000x128xf32, #tpu.memory_space<hbm>> -> memref<632x128xf32, #tpu.memory_space<hbm>>
          tpu.wait_dma2 semaphore(%run_scoped3A : memref<!tpu.dma_semaphore, #tpu.memory_space<semaphore_mem>>) src(%dma_wait3A_40 : memref<632x128xf32, #tpu.memory_space<hbm>>) dst(%dma_wait3A_38 : memref<632x128xf32, #tpu.memory_space<vmem_shared>>)
          tpu.yield
        }) : () -> ()
      } else {
      }
      %eq3A_30 = arith.constant 15 : i32
      %eq3A_31 = arith.cmpi eq, %arg1, %eq3A_30 : i32
      %convert_element_type3A_32 = arith.extui %eq3A_31 : i1 to i32
      %cond3A_33 = arith.constant 0 : i32
      %cond3A_34 = arith.cmpi ne, %convert_element_type3A_32, %cond3A_33 : i32
      scf.if %cond3A_34 {
        "tpu.region"() ({
          %run_scoped3A = tpu.sem_alloc : memref<!tpu.dma_semaphore, #tpu.memory_space<semaphore_mem>>
          %dma_start3A = arith.constant 0 : i32
          %dma_start3A_35 = tpu.memref_slice %arg8[%mul3A_0, %dma_start3A] : memref<10008x128xf32, #tpu.memory_space<vmem_shared>> -> memref<520x128xf32, #tpu.memory_space<vmem_shared>>
          %dma_start3A_36 = arith.constant 0 : i32
          %dma_start3A_37 = tpu.memref_slice %arg2[%mul3A_0, %dma_start3A_36] : memref<10000x128xf32, #tpu.memory_space<hbm>> -> memref<520x128xf32, #tpu.memory_space<hbm>>
          tpu.enqueue_dma source(%dma_start3A_37 : memref<520x128xf32, #tpu.memory_space<hbm>>) target(%dma_start3A_35 : memref<520x128xf32, #tpu.memory_space<vmem_shared>>) target_semaphore(%run_scoped3A : memref<!tpu.dma_semaphore, #tpu.memory_space<semaphore_mem>>)
          %dma_wait3A = arith.constant 0 : i32
          %dma_wait3A_38 = tpu.memref_slice %arg8[%mul3A_0, %dma_wait3A] : memref<10008x128xf32, #tpu.memory_space<vmem_shared>> -> memref<520x128xf32, #tpu.memory_space<vmem_shared>>
          %dma_wait3A_39 = arith.constant 0 : i32
          %dma_wait3A_40 = tpu.memref_slice %arg2[%mul3A_0, %dma_wait3A_39] : memref<10000x128xf32, #tpu.memory_space<hbm>> -> memref<520x128xf32, #tpu.memory_space<hbm>>
          tpu.wait_dma2 semaphore(%run_scoped3A : memref<!tpu.dma_semaphore, #tpu.memory_space<semaphore_mem>>) src(%dma_wait3A_40 : memref<520x128xf32, #tpu.memory_space<hbm>>) dst(%dma_wait3A_38 : memref<520x128xf32, #tpu.memory_space<vmem_shared>>)
          tpu.yield
        }) : () -> ()
      } else {
      }
    } else {
    }
    %ne3A = arith.constant 0 : i32
    %ne3A_3 = arith.cmpi ne, %arg0, %ne3A : i32
    %convert_element_type3A_4 = arith.extui %ne3A_3 : i1 to i32
    %cond3A_5 = arith.constant 0 : i32
    %cond3A_6 = arith.cmpi ne, %convert_element_type3A_4, %cond3A_5 : i32
    scf.if %cond3A_6 {
      %lt3A = arith.constant 15 : i32
      %lt3A_26 = arith.cmpi slt, %arg1, %lt3A : i32
      %convert_element_type3A_27 = arith.extui %lt3A_26 : i1 to i32
      %cond3A_28 = arith.constant 0 : i32
      %cond3A_29 = arith.cmpi ne, %convert_element_type3A_27, %cond3A_28 : i32
      scf.if %cond3A_29 {
        "tpu.region"() ({
          %run_scoped3A = tpu.sem_alloc : memref<!tpu.dma_semaphore, #tpu.memory_space<semaphore_mem>>
          %dma_start3A = arith.constant 0 : i32
          %dma_start3A_35 = tpu.memref_slice %arg8[%mul3A_0, %dma_start3A] : memref<10008x128xf32, #tpu.memory_space<vmem_shared>> -> memref<632x128xf32, #tpu.memory_space<vmem_shared>>
          %dma_start3A_36 = arith.constant 0 : i32
          %dma_start3A_37 = tpu.memref_slice %arg3[%mul3A_0, %dma_start3A_36] : memref<10000x128xf32, #tpu.memory_space<hbm>> -> memref<632x128xf32, #tpu.memory_space<hbm>>
          tpu.enqueue_dma source(%dma_start3A_37 : memref<632x128xf32, #tpu.memory_space<hbm>>) target(%dma_start3A_35 : memref<632x128xf32, #tpu.memory_space<vmem_shared>>) target_semaphore(%run_scoped3A : memref<!tpu.dma_semaphore, #tpu.memory_space<semaphore_mem>>)
          %dma_wait3A = arith.constant 0 : i32
          %dma_wait3A_38 = tpu.memref_slice %arg8[%mul3A_0, %dma_wait3A] : memref<10008x128xf32, #tpu.memory_space<vmem_shared>> -> memref<632x128xf32, #tpu.memory_space<vmem_shared>>
          %dma_wait3A_39 = arith.constant 0 : i32
          %dma_wait3A_40 = tpu.memref_slice %arg3[%mul3A_0, %dma_wait3A_39] : memref<10000x128xf32, #tpu.memory_space<hbm>> -> memref<632x128xf32, #tpu.memory_space<hbm>>
          tpu.wait_dma2 semaphore(%run_scoped3A : memref<!tpu.dma_semaphore, #tpu.memory_space<semaphore_mem>>) src(%dma_wait3A_40 : memref<632x128xf32, #tpu.memory_space<hbm>>) dst(%dma_wait3A_38 : memref<632x128xf32, #tpu.memory_space<vmem_shared>>)
          tpu.yield
        }) : () -> ()
      } else {
      }
      %eq3A_30 = arith.constant 15 : i32
      %eq3A_31 = arith.cmpi eq, %arg1, %eq3A_30 : i32
      %convert_element_type3A_32 = arith.extui %eq3A_31 : i1 to i32
      %cond3A_33 = arith.constant 0 : i32
      %cond3A_34 = arith.cmpi ne, %convert_element_type3A_32, %cond3A_33 : i32
      scf.if %cond3A_34 {
        "tpu.region"() ({
          %run_scoped3A = tpu.sem_alloc : memref<!tpu.dma_semaphore, #tpu.memory_space<semaphore_mem>>
          %dma_start3A = arith.constant 0 : i32
          %dma_start3A_35 = tpu.memref_slice %arg8[%mul3A_0, %dma_start3A] : memref<10008x128xf32, #tpu.memory_space<vmem_shared>> -> memref<520x128xf32, #tpu.memory_space<vmem_shared>>
          %dma_start3A_36 = arith.constant 0 : i32
          %dma_start3A_37 = tpu.memref_slice %arg3[%mul3A_0, %dma_start3A_36] : memref<10000x128xf32, #tpu.memory_space<hbm>> -> memref<520x128xf32, #tpu.memory_space<hbm>>
          tpu.enqueue_dma source(%dma_start3A_37 : memref<520x128xf32, #tpu.memory_space<hbm>>) target(%dma_start3A_35 : memref<520x128xf32, #tpu.memory_space<vmem_shared>>) target_semaphore(%run_scoped3A : memref<!tpu.dma_semaphore, #tpu.memory_space<semaphore_mem>>)
          %dma_wait3A = arith.constant 0 : i32
          %dma_wait3A_38 = tpu.memref_slice %arg8[%mul3A_0, %dma_wait3A] : memref<10008x128xf32, #tpu.memory_space<vmem_shared>> -> memref<520x128xf32, #tpu.memory_space<vmem_shared>>
          %dma_wait3A_39 = arith.constant 0 : i32
          %dma_wait3A_40 = tpu.memref_slice %arg3[%mul3A_0, %dma_wait3A_39] : memref<10000x128xf32, #tpu.memory_space<hbm>> -> memref<520x128xf32, #tpu.memory_space<hbm>>
          tpu.wait_dma2 semaphore(%run_scoped3A : memref<!tpu.dma_semaphore, #tpu.memory_space<semaphore_mem>>) src(%dma_wait3A_40 : memref<520x128xf32, #tpu.memory_space<hbm>>) dst(%dma_wait3A_38 : memref<520x128xf32, #tpu.memory_space<vmem_shared>>)
          tpu.yield
        }) : () -> ()
      } else {
      }
    } else {
    }
    %mul3A_7 = arith.constant 160 : i32
    %mul3A_8 = arith.muli %arg1, %mul3A_7 : i32
    %add3A = arith.constant 0 : i32
    %add3A_9 = arith.addi %mul3A_8, %add3A : i32
    %barrier3A = arith.constant 0 : index
    tpu.barrier barrier_id(%barrier3A)
    %scan3A = arith.constant 0 : i32
    %scan3A_10 = arith.constant 0 : i32
    %scan3A_11 = arith.constant 20 : i32
    %scan3A_12 = arith.addi %scan3A_10, %scan3A_11 : i32
    %scan3A_13 = arith.constant 1 : i32
    scf.for %scan3A_26 = %scan3A_10 to %scan3A_12 step %scan3A_13  : i32 {
      %mul3A_27 = arith.constant 8 : i32
      %mul3A_28 = arith.muli %scan3A_26, %mul3A_27 : i32
      %add3A_29 = arith.addi %add3A_9, %mul3A_28 : i32
      "tpu.region"() ({
        %run_scoped3A_117 = tpu.sem_alloc : memref<!tpu.dma_semaphore, #tpu.memory_space<semaphore_mem>>
        %dma_start3A = arith.constant 0 : i32
        %dma_start3A_118 = tpu.memref_slice %arg4[%add3A_29, %dma_start3A] : memref<2560x128xi32, #tpu.memory_space<hbm>> -> memref<8x128xi32, #tpu.memory_space<hbm>>
        %dma_start3A_119 = arith.constant 0 : i32
        %dma_start3A_120 = tpu.memref_slice %arg4[%add3A_29, %dma_start3A_119] : memref<2560x128xi32, #tpu.memory_space<hbm>> -> memref<8x128xi32, #tpu.memory_space<hbm>>
        tpu.enqueue_dma source(%dma_start3A_120 : memref<8x128xi32, #tpu.memory_space<hbm>>) target(%arg9 : memref<8x128xi32, #tpu.memory_space<vmem>>) target_semaphore(%run_scoped3A_117 : memref<!tpu.dma_semaphore, #tpu.memory_space<semaphore_mem>>)
        %dma_wait3A = arith.constant 0 : i32
        %dma_wait3A_121 = tpu.memref_slice %arg4[%add3A_29, %dma_wait3A] : memref<2560x128xi32, #tpu.memory_space<hbm>> -> memref<8x128xi32, #tpu.memory_space<hbm>>
        %dma_wait3A_122 = arith.constant 0 : i32
        %dma_wait3A_123 = tpu.memref_slice %arg4[%add3A_29, %dma_wait3A_122] : memref<2560x128xi32, #tpu.memory_space<hbm>> -> memref<8x128xi32, #tpu.memory_space<hbm>>
        tpu.wait_dma2 semaphore(%run_scoped3A_117 : memref<!tpu.dma_semaphore, #tpu.memory_space<semaphore_mem>>) src(%dma_wait3A_123 : memref<8x128xi32, #tpu.memory_space<hbm>>) dst(%arg9 : memref<8x128xi32, #tpu.memory_space<vmem>>)
        tpu.yield
      }) : () -> ()
      "tpu.region"() ({
        %run_scoped3A_117 = tpu.sem_alloc : memref<!tpu.dma_semaphore, #tpu.memory_space<semaphore_mem>>
        %dma_start3A = arith.constant 0 : i32
        %dma_start3A_118 = tpu.memref_slice %arg5[%add3A_29, %dma_start3A] : memref<2560x128xi32, #tpu.memory_space<hbm>> -> memref<8x128xi32, #tpu.memory_space<hbm>>
        %dma_start3A_119 = arith.constant 0 : i32
        %dma_start3A_120 = tpu.memref_slice %arg5[%add3A_29, %dma_start3A_119] : memref<2560x128xi32, #tpu.memory_space<hbm>> -> memref<8x128xi32, #tpu.memory_space<hbm>>
        tpu.enqueue_dma source(%dma_start3A_120 : memref<8x128xi32, #tpu.memory_space<hbm>>) target(%arg10 : memref<8x128xi32, #tpu.memory_space<vmem>>) target_semaphore(%run_scoped3A_117 : memref<!tpu.dma_semaphore, #tpu.memory_space<semaphore_mem>>)
        %dma_wait3A = arith.constant 0 : i32
        %dma_wait3A_121 = tpu.memref_slice %arg5[%add3A_29, %dma_wait3A] : memref<2560x128xi32, #tpu.memory_space<hbm>> -> memref<8x128xi32, #tpu.memory_space<hbm>>
        %dma_wait3A_122 = arith.constant 0 : i32
        %dma_wait3A_123 = tpu.memref_slice %arg5[%add3A_29, %dma_wait3A_122] : memref<2560x128xi32, #tpu.memory_space<hbm>> -> memref<8x128xi32, #tpu.memory_space<hbm>>
        tpu.wait_dma2 semaphore(%run_scoped3A_117 : memref<!tpu.dma_semaphore, #tpu.memory_space<semaphore_mem>>) src(%dma_wait3A_123 : memref<8x128xi32, #tpu.memory_space<hbm>>) dst(%arg10 : memref<8x128xi32, #tpu.memory_space<vmem>>)
        tpu.yield
      }) : () -> ()
      %eq3A_30 = arith.constant 0 : i32
      %eq3A_31 = arith.cmpi eq, %arg0, %eq3A_30 : i32
      %convert_element_type3A_32 = arith.extui %eq3A_31 : i1 to i32
      %cond3A_33 = arith.constant 0 : i32
      %cond3A_34 = arith.cmpi ne, %convert_element_type3A_32, %cond3A_33 : i32
      scf.if %cond3A_34 {
        %dma_start3A = arith.constant 0 : i32
        %dma_start3A_117 = arith.constant 0 : i32
        %dma_start3A_118 = tpu.memref_slice %arg9[%dma_start3A, %dma_start3A_117] : memref<8x128xi32, #tpu.memory_space<vmem>> -> memref<1x128xi32, #tpu.memory_space<vmem>>
        %dma_start3A_119 = tpu.memref_squeeze %dma_start3A_118 : memref<1x128xi32, #tpu.memory_space<vmem>> -> memref<128xi32, #tpu.memory_space<vmem>>
        %dma_start3A_120 = arith.constant 0 : i32
        %dma_start3A_121 = arith.constant 0 : i32
        %dma_start3A_122 = tpu.memref_slice %arg2[%dma_start3A_120, %dma_start3A_121] : memref<10000x128xf32, #tpu.memory_space<hbm>> -> memref<10000x128xf32, #tpu.memory_space<hbm>>
        tpu.enqueue_indirect_dma source(%dma_start3A_122 : memref<10000x128xf32, #tpu.memory_space<hbm>>) target(%arg11 : memref<128x128xf32, #tpu.memory_space<vmem>>) offsets(%dma_start3A_119 : memref<128xi32, #tpu.memory_space<vmem>>) semaphore(%arg12 : memref<!tpu.dma_semaphore, #tpu.memory_space<semaphore_mem>>)
        %dma_wait3A = arith.constant 0 : i32
        %dma_wait3A_123 = arith.constant 0 : i32
        %dma_wait3A_124 = tpu.memref_slice %arg9[%dma_wait3A, %dma_wait3A_123] : memref<8x128xi32, #tpu.memory_space<vmem>> -> memref<1x128xi32, #tpu.memory_space<vmem>>
        %dma_wait3A_125 = tpu.memref_squeeze %dma_wait3A_124 : memref<1x128xi32, #tpu.memory_space<vmem>> -> memref<128xi32, #tpu.memory_space<vmem>>
        %dma_wait3A_126 = arith.constant 0 : i32
        %dma_wait3A_127 = arith.constant 0 : i32
        %dma_wait3A_128 = tpu.memref_slice %arg2[%dma_wait3A_126, %dma_wait3A_127] : memref<10000x128xf32, #tpu.memory_space<hbm>> -> memref<10000x128xf32, #tpu.memory_space<hbm>>
        tpu.wait_indirect_dma semaphore(%arg12 : memref<!tpu.dma_semaphore, #tpu.memory_space<semaphore_mem>>) src(%dma_wait3A_128 : memref<10000x128xf32, #tpu.memory_space<hbm>>) dst(%arg11 : memref<128x128xf32, #tpu.memory_space<vmem>>)
      } else {
      }
      %ne3A_35 = arith.constant 0 : i32
      %ne3A_36 = arith.cmpi ne, %arg0, %ne3A_35 : i32
      %convert_element_type3A_37 = arith.extui %ne3A_36 : i1 to i32
      %cond3A_38 = arith.constant 0 : i32
      %cond3A_39 = arith.cmpi ne, %convert_element_type3A_37, %cond3A_38 : i32
      scf.if %cond3A_39 {
        %dma_start3A = arith.constant 0 : i32
        %dma_start3A_117 = arith.constant 0 : i32
        %dma_start3A_118 = tpu.memref_slice %arg9[%dma_start3A, %dma_start3A_117] : memref<8x128xi32, #tpu.memory_space<vmem>> -> memref<1x128xi32, #tpu.memory_space<vmem>>
        %dma_start3A_119 = tpu.memref_squeeze %dma_start3A_118 : memref<1x128xi32, #tpu.memory_space<vmem>> -> memref<128xi32, #tpu.memory_space<vmem>>
        %dma_start3A_120 = arith.constant 0 : i32
        %dma_start3A_121 = arith.constant 0 : i32
        %dma_start3A_122 = tpu.memref_slice %arg3[%dma_start3A_120, %dma_start3A_121] : memref<10000x128xf32, #tpu.memory_space<hbm>> -> memref<10000x128xf32, #tpu.memory_space<hbm>>
        tpu.enqueue_indirect_dma source(%dma_start3A_122 : memref<10000x128xf32, #tpu.memory_space<hbm>>) target(%arg11 : memref<128x128xf32, #tpu.memory_space<vmem>>) offsets(%dma_start3A_119 : memref<128xi32, #tpu.memory_space<vmem>>) semaphore(%arg12 : memref<!tpu.dma_semaphore, #tpu.memory_space<semaphore_mem>>)
        %dma_wait3A = arith.constant 0 : i32
        %dma_wait3A_123 = arith.constant 0 : i32
        %dma_wait3A_124 = tpu.memref_slice %arg9[%dma_wait3A, %dma_wait3A_123] : memref<8x128xi32, #tpu.memory_space<vmem>> -> memref<1x128xi32, #tpu.memory_space<vmem>>
        %dma_wait3A_125 = tpu.memref_squeeze %dma_wait3A_124 : memref<1x128xi32, #tpu.memory_space<vmem>> -> memref<128xi32, #tpu.memory_space<vmem>>
        %dma_wait3A_126 = arith.constant 0 : i32
        %dma_wait3A_127 = arith.constant 0 : i32
        %dma_wait3A_128 = tpu.memref_slice %arg3[%dma_wait3A_126, %dma_wait3A_127] : memref<10000x128xf32, #tpu.memory_space<hbm>> -> memref<10000x128xf32, #tpu.memory_space<hbm>>
        tpu.wait_indirect_dma semaphore(%arg12 : memref<!tpu.dma_semaphore, #tpu.memory_space<semaphore_mem>>) src(%dma_wait3A_128 : memref<10000x128xf32, #tpu.memory_space<hbm>>) dst(%arg11 : memref<128x128xf32, #tpu.memory_space<vmem>>)
      } else {
      }
      %run_scoped3A = arith.constant 0 : i32
      "tpu.region"() ({
        %run_scoped3A_117 = tpu.sem_alloc : memref<!tpu.dma_semaphore, #tpu.memory_space<semaphore_mem>>
        %dma_start3A = arith.constant 0 : i32
        %dma_start3A_118 = tpu.memref_slice %arg10[%run_scoped3A, %dma_start3A] : memref<8x128xi32, #tpu.memory_space<vmem>> -> memref<1x128xi32, #tpu.memory_space<vmem>>
        %dma_start3A_119 = tpu.memref_squeeze %dma_start3A_118 : memref<1x128xi32, #tpu.memory_space<vmem>> -> memref<128xi32, #tpu.memory_space<vmem>>
        %dma_start3A_120 = arith.constant 0 : i32
        %dma_start3A_121 = arith.constant 0 : i32
        %dma_start3A_122 = tpu.memref_slice %arg8[%dma_start3A_120, %dma_start3A_121] : memref<10008x128xf32, #tpu.memory_space<vmem_shared>> -> memref<10008x128xf32, #tpu.memory_space<vmem_shared>>
        tpu.enqueue_indirect_dma source(%arg11 : memref<128x128xf32, #tpu.memory_space<vmem>>) target(%dma_start3A_122 : memref<10008x128xf32, #tpu.memory_space<vmem_shared>>) offsets(%dma_start3A_119 : memref<128xi32, #tpu.memory_space<vmem>>) semaphore(%run_scoped3A_117 : memref<!tpu.dma_semaphore, #tpu.memory_space<semaphore_mem>>) {add = true}
        %dma_wait3A = arith.constant 0 : i32
        %dma_wait3A_123 = tpu.memref_slice %arg10[%run_scoped3A, %dma_wait3A] : memref<8x128xi32, #tpu.memory_space<vmem>> -> memref<1x128xi32, #tpu.memory_space<vmem>>
        %dma_wait3A_124 = tpu.memref_squeeze %dma_wait3A_123 : memref<1x128xi32, #tpu.memory_space<vmem>> -> memref<128xi32, #tpu.memory_space<vmem>>
        %dma_wait3A_125 = arith.constant 0 : i32
        %dma_wait3A_126 = arith.constant 0 : i32
        %dma_wait3A_127 = tpu.memref_slice %arg8[%dma_wait3A_125, %dma_wait3A_126] : memref<10008x128xf32, #tpu.memory_space<vmem_shared>> -> memref<10008x128xf32, #tpu.memory_space<vmem_shared>>
        tpu.wait_indirect_dma semaphore(%run_scoped3A_117 : memref<!tpu.dma_semaphore, #tpu.memory_space<semaphore_mem>>) src(%arg11 : memref<128x128xf32, #tpu.memory_space<vmem>>) dst(%dma_wait3A_127 : memref<10008x128xf32, #tpu.memory_space<vmem_shared>>)
        tpu.yield
      }) : () -> ()
      %eq3A_40 = arith.constant 0 : i32
      %eq3A_41 = arith.cmpi eq, %arg0, %eq3A_40 : i32
      %convert_element_type3A_42 = arith.extui %eq3A_41 : i1 to i32
      %cond3A_43 = arith.constant 0 : i32
      %cond3A_44 = arith.cmpi ne, %convert_element_type3A_42, %cond3A_43 : i32
      scf.if %cond3A_44 {
        %dma_start3A = arith.constant 1 : i32
        %dma_start3A_117 = arith.constant 0 : i32
        %dma_start3A_118 = tpu.memref_slice %arg9[%dma_start3A, %dma_start3A_117] : memref<8x128xi32, #tpu.memory_space<vmem>> -> memref<1x128xi32, #tpu.memory_space<vmem>>
        %dma_start3A_119 = tpu.memref_squeeze %dma_start3A_118 : memref<1x128xi32, #tpu.memory_space<vmem>> -> memref<128xi32, #tpu.memory_space<vmem>>
        %dma_start3A_120 = arith.constant 0 : i32
        %dma_start3A_121 = arith.constant 0 : i32
        %dma_start3A_122 = tpu.memref_slice %arg2[%dma_start3A_120, %dma_start3A_121] : memref<10000x128xf32, #tpu.memory_space<hbm>> -> memref<10000x128xf32, #tpu.memory_space<hbm>>
        tpu.enqueue_indirect_dma source(%dma_start3A_122 : memref<10000x128xf32, #tpu.memory_space<hbm>>) target(%arg11 : memref<128x128xf32, #tpu.memory_space<vmem>>) offsets(%dma_start3A_119 : memref<128xi32, #tpu.memory_space<vmem>>) semaphore(%arg12 : memref<!tpu.dma_semaphore, #tpu.memory_space<semaphore_mem>>)
        %dma_wait3A = arith.constant 1 : i32
        %dma_wait3A_123 = arith.constant 0 : i32
        %dma_wait3A_124 = tpu.memref_slice %arg9[%dma_wait3A, %dma_wait3A_123] : memref<8x128xi32, #tpu.memory_space<vmem>> -> memref<1x128xi32, #tpu.memory_space<vmem>>
        %dma_wait3A_125 = tpu.memref_squeeze %dma_wait3A_124 : memref<1x128xi32, #tpu.memory_space<vmem>> -> memref<128xi32, #tpu.memory_space<vmem>>
        %dma_wait3A_126 = arith.constant 0 : i32
        %dma_wait3A_127 = arith.constant 0 : i32
        %dma_wait3A_128 = tpu.memref_slice %arg2[%dma_wait3A_126, %dma_wait3A_127] : memref<10000x128xf32, #tpu.memory_space<hbm>> -> memref<10000x128xf32, #tpu.memory_space<hbm>>
        tpu.wait_indirect_dma semaphore(%arg12 : memref<!tpu.dma_semaphore, #tpu.memory_space<semaphore_mem>>) src(%dma_wait3A_128 : memref<10000x128xf32, #tpu.memory_space<hbm>>) dst(%arg11 : memref<128x128xf32, #tpu.memory_space<vmem>>)
      } else {
      }
      %ne3A_45 = arith.constant 0 : i32
      %ne3A_46 = arith.cmpi ne, %arg0, %ne3A_45 : i32
      %convert_element_type3A_47 = arith.extui %ne3A_46 : i1 to i32
      %cond3A_48 = arith.constant 0 : i32
      %cond3A_49 = arith.cmpi ne, %convert_element_type3A_47, %cond3A_48 : i32
      scf.if %cond3A_49 {
        %dma_start3A = arith.constant 1 : i32
        %dma_start3A_117 = arith.constant 0 : i32
        %dma_start3A_118 = tpu.memref_slice %arg9[%dma_start3A, %dma_start3A_117] : memref<8x128xi32, #tpu.memory_space<vmem>> -> memref<1x128xi32, #tpu.memory_space<vmem>>
        %dma_start3A_119 = tpu.memref_squeeze %dma_start3A_118 : memref<1x128xi32, #tpu.memory_space<vmem>> -> memref<128xi32, #tpu.memory_space<vmem>>
        %dma_start3A_120 = arith.constant 0 : i32
        %dma_start3A_121 = arith.constant 0 : i32
        %dma_start3A_122 = tpu.memref_slice %arg3[%dma_start3A_120, %dma_start3A_121] : memref<10000x128xf32, #tpu.memory_space<hbm>> -> memref<10000x128xf32, #tpu.memory_space<hbm>>
        tpu.enqueue_indirect_dma source(%dma_start3A_122 : memref<10000x128xf32, #tpu.memory_space<hbm>>) target(%arg11 : memref<128x128xf32, #tpu.memory_space<vmem>>) offsets(%dma_start3A_119 : memref<128xi32, #tpu.memory_space<vmem>>) semaphore(%arg12 : memref<!tpu.dma_semaphore, #tpu.memory_space<semaphore_mem>>)
        %dma_wait3A = arith.constant 1 : i32
        %dma_wait3A_123 = arith.constant 0 : i32
        %dma_wait3A_124 = tpu.memref_slice %arg9[%dma_wait3A, %dma_wait3A_123] : memref<8x128xi32, #tpu.memory_space<vmem>> -> memref<1x128xi32, #tpu.memory_space<vmem>>
        %dma_wait3A_125 = tpu.memref_squeeze %dma_wait3A_124 : memref<1x128xi32, #tpu.memory_space<vmem>> -> memref<128xi32, #tpu.memory_space<vmem>>
        %dma_wait3A_126 = arith.constant 0 : i32
        %dma_wait3A_127 = arith.constant 0 : i32
        %dma_wait3A_128 = tpu.memref_slice %arg3[%dma_wait3A_126, %dma_wait3A_127] : memref<10000x128xf32, #tpu.memory_space<hbm>> -> memref<10000x128xf32, #tpu.memory_space<hbm>>
        tpu.wait_indirect_dma semaphore(%arg12 : memref<!tpu.dma_semaphore, #tpu.memory_space<semaphore_mem>>) src(%dma_wait3A_128 : memref<10000x128xf32, #tpu.memory_space<hbm>>) dst(%arg11 : memref<128x128xf32, #tpu.memory_space<vmem>>)
      } else {
      }
      %run_scoped3A_50 = arith.constant 1 : i32
      "tpu.region"() ({
        %run_scoped3A_117 = tpu.sem_alloc : memref<!tpu.dma_semaphore, #tpu.memory_space<semaphore_mem>>
        %dma_start3A = arith.constant 0 : i32
        %dma_start3A_118 = tpu.memref_slice %arg10[%run_scoped3A_50, %dma_start3A] : memref<8x128xi32, #tpu.memory_space<vmem>> -> memref<1x128xi32, #tpu.memory_space<vmem>>
        %dma_start3A_119 = tpu.memref_squeeze %dma_start3A_118 : memref<1x128xi32, #tpu.memory_space<vmem>> -> memref<128xi32, #tpu.memory_space<vmem>>
        %dma_start3A_120 = arith.constant 0 : i32
        %dma_start3A_121 = arith.constant 0 : i32
        %dma_start3A_122 = tpu.memref_slice %arg8[%dma_start3A_120, %dma_start3A_121] : memref<10008x128xf32, #tpu.memory_space<vmem_shared>> -> memref<10008x128xf32, #tpu.memory_space<vmem_shared>>
        tpu.enqueue_indirect_dma source(%arg11 : memref<128x128xf32, #tpu.memory_space<vmem>>) target(%dma_start3A_122 : memref<10008x128xf32, #tpu.memory_space<vmem_shared>>) offsets(%dma_start3A_119 : memref<128xi32, #tpu.memory_space<vmem>>) semaphore(%run_scoped3A_117 : memref<!tpu.dma_semaphore, #tpu.memory_space<semaphore_mem>>) {add = true}
        %dma_wait3A = arith.constant 0 : i32
        %dma_wait3A_123 = tpu.memref_slice %arg10[%run_scoped3A_50, %dma_wait3A] : memref<8x128xi32, #tpu.memory_space<vmem>> -> memref<1x128xi32, #tpu.memory_space<vmem>>
        %dma_wait3A_124 = tpu.memref_squeeze %dma_wait3A_123 : memref<1x128xi32, #tpu.memory_space<vmem>> -> memref<128xi32, #tpu.memory_space<vmem>>
        %dma_wait3A_125 = arith.constant 0 : i32
        %dma_wait3A_126 = arith.constant 0 : i32
        %dma_wait3A_127 = tpu.memref_slice %arg8[%dma_wait3A_125, %dma_wait3A_126] : memref<10008x128xf32, #tpu.memory_space<vmem_shared>> -> memref<10008x128xf32, #tpu.memory_space<vmem_shared>>
        tpu.wait_indirect_dma semaphore(%run_scoped3A_117 : memref<!tpu.dma_semaphore, #tpu.memory_space<semaphore_mem>>) src(%arg11 : memref<128x128xf32, #tpu.memory_space<vmem>>) dst(%dma_wait3A_127 : memref<10008x128xf32, #tpu.memory_space<vmem_shared>>)
        tpu.yield
      }) : () -> ()
      %eq3A_51 = arith.constant 0 : i32
      %eq3A_52 = arith.cmpi eq, %arg0, %eq3A_51 : i32
      %convert_element_type3A_53 = arith.extui %eq3A_52 : i1 to i32
      %cond3A_54 = arith.constant 0 : i32
      %cond3A_55 = arith.cmpi ne, %convert_element_type3A_53, %cond3A_54 : i32
      scf.if %cond3A_55 {
        %dma_start3A = arith.constant 2 : i32
        %dma_start3A_117 = arith.constant 0 : i32
        %dma_start3A_118 = tpu.memref_slice %arg9[%dma_start3A, %dma_start3A_117] : memref<8x128xi32, #tpu.memory_space<vmem>> -> memref<1x128xi32, #tpu.memory_space<vmem>>
        %dma_start3A_119 = tpu.memref_squeeze %dma_start3A_118 : memref<1x128xi32, #tpu.memory_space<vmem>> -> memref<128xi32, #tpu.memory_space<vmem>>
        %dma_start3A_120 = arith.constant 0 : i32
        %dma_start3A_121 = arith.constant 0 : i32
        %dma_start3A_122 = tpu.memref_slice %arg2[%dma_start3A_120, %dma_start3A_121] : memref<10000x128xf32, #tpu.memory_space<hbm>> -> memref<10000x128xf32, #tpu.memory_space<hbm>>
        tpu.enqueue_indirect_dma source(%dma_start3A_122 : memref<10000x128xf32, #tpu.memory_space<hbm>>) target(%arg11 : memref<128x128xf32, #tpu.memory_space<vmem>>) offsets(%dma_start3A_119 : memref<128xi32, #tpu.memory_space<vmem>>) semaphore(%arg12 : memref<!tpu.dma_semaphore, #tpu.memory_space<semaphore_mem>>)
        %dma_wait3A = arith.constant 2 : i32
        %dma_wait3A_123 = arith.constant 0 : i32
        %dma_wait3A_124 = tpu.memref_slice %arg9[%dma_wait3A, %dma_wait3A_123] : memref<8x128xi32, #tpu.memory_space<vmem>> -> memref<1x128xi32, #tpu.memory_space<vmem>>
        %dma_wait3A_125 = tpu.memref_squeeze %dma_wait3A_124 : memref<1x128xi32, #tpu.memory_space<vmem>> -> memref<128xi32, #tpu.memory_space<vmem>>
        %dma_wait3A_126 = arith.constant 0 : i32
        %dma_wait3A_127 = arith.constant 0 : i32
        %dma_wait3A_128 = tpu.memref_slice %arg2[%dma_wait3A_126, %dma_wait3A_127] : memref<10000x128xf32, #tpu.memory_space<hbm>> -> memref<10000x128xf32, #tpu.memory_space<hbm>>
        tpu.wait_indirect_dma semaphore(%arg12 : memref<!tpu.dma_semaphore, #tpu.memory_space<semaphore_mem>>) src(%dma_wait3A_128 : memref<10000x128xf32, #tpu.memory_space<hbm>>) dst(%arg11 : memref<128x128xf32, #tpu.memory_space<vmem>>)
      } else {
      }
      %ne3A_56 = arith.constant 0 : i32
      %ne3A_57 = arith.cmpi ne, %arg0, %ne3A_56 : i32
      %convert_element_type3A_58 = arith.extui %ne3A_57 : i1 to i32
      %cond3A_59 = arith.constant 0 : i32
      %cond3A_60 = arith.cmpi ne, %convert_element_type3A_58, %cond3A_59 : i32
      scf.if %cond3A_60 {
        %dma_start3A = arith.constant 2 : i32
        %dma_start3A_117 = arith.constant 0 : i32
        %dma_start3A_118 = tpu.memref_slice %arg9[%dma_start3A, %dma_start3A_117] : memref<8x128xi32, #tpu.memory_space<vmem>> -> memref<1x128xi32, #tpu.memory_space<vmem>>
        %dma_start3A_119 = tpu.memref_squeeze %dma_start3A_118 : memref<1x128xi32, #tpu.memory_space<vmem>> -> memref<128xi32, #tpu.memory_space<vmem>>
        %dma_start3A_120 = arith.constant 0 : i32
        %dma_start3A_121 = arith.constant 0 : i32
        %dma_start3A_122 = tpu.memref_slice %arg3[%dma_start3A_120, %dma_start3A_121] : memref<10000x128xf32, #tpu.memory_space<hbm>> -> memref<10000x128xf32, #tpu.memory_space<hbm>>
        tpu.enqueue_indirect_dma source(%dma_start3A_122 : memref<10000x128xf32, #tpu.memory_space<hbm>>) target(%arg11 : memref<128x128xf32, #tpu.memory_space<vmem>>) offsets(%dma_start3A_119 : memref<128xi32, #tpu.memory_space<vmem>>) semaphore(%arg12 : memref<!tpu.dma_semaphore, #tpu.memory_space<semaphore_mem>>)
        %dma_wait3A = arith.constant 2 : i32
        %dma_wait3A_123 = arith.constant 0 : i32
        %dma_wait3A_124 = tpu.memref_slice %arg9[%dma_wait3A, %dma_wait3A_123] : memref<8x128xi32, #tpu.memory_space<vmem>> -> memref<1x128xi32, #tpu.memory_space<vmem>>
        %dma_wait3A_125 = tpu.memref_squeeze %dma_wait3A_124 : memref<1x128xi32, #tpu.memory_space<vmem>> -> memref<128xi32, #tpu.memory_space<vmem>>
        %dma_wait3A_126 = arith.constant 0 : i32
        %dma_wait3A_127 = arith.constant 0 : i32
        %dma_wait3A_128 = tpu.memref_slice %arg3[%dma_wait3A_126, %dma_wait3A_127] : memref<10000x128xf32, #tpu.memory_space<hbm>> -> memref<10000x128xf32, #tpu.memory_space<hbm>>
        tpu.wait_indirect_dma semaphore(%arg12 : memref<!tpu.dma_semaphore, #tpu.memory_space<semaphore_mem>>) src(%dma_wait3A_128 : memref<10000x128xf32, #tpu.memory_space<hbm>>) dst(%arg11 : memref<128x128xf32, #tpu.memory_space<vmem>>)
      } else {
      }
      %run_scoped3A_61 = arith.constant 2 : i32
      "tpu.region"() ({
        %run_scoped3A_117 = tpu.sem_alloc : memref<!tpu.dma_semaphore, #tpu.memory_space<semaphore_mem>>
        %dma_start3A = arith.constant 0 : i32
        %dma_start3A_118 = tpu.memref_slice %arg10[%run_scoped3A_61, %dma_start3A] : memref<8x128xi32, #tpu.memory_space<vmem>> -> memref<1x128xi32, #tpu.memory_space<vmem>>
        %dma_start3A_119 = tpu.memref_squeeze %dma_start3A_118 : memref<1x128xi32, #tpu.memory_space<vmem>> -> memref<128xi32, #tpu.memory_space<vmem>>
        %dma_start3A_120 = arith.constant 0 : i32
        %dma_start3A_121 = arith.constant 0 : i32
        %dma_start3A_122 = tpu.memref_slice %arg8[%dma_start3A_120, %dma_start3A_121] : memref<10008x128xf32, #tpu.memory_space<vmem_shared>> -> memref<10008x128xf32, #tpu.memory_space<vmem_shared>>
        tpu.enqueue_indirect_dma source(%arg11 : memref<128x128xf32, #tpu.memory_space<vmem>>) target(%dma_start3A_122 : memref<10008x128xf32, #tpu.memory_space<vmem_shared>>) offsets(%dma_start3A_119 : memref<128xi32, #tpu.memory_space<vmem>>) semaphore(%run_scoped3A_117 : memref<!tpu.dma_semaphore, #tpu.memory_space<semaphore_mem>>) {add = true}
        %dma_wait3A = arith.constant 0 : i32
        %dma_wait3A_123 = tpu.memref_slice %arg10[%run_scoped3A_61, %dma_wait3A] : memref<8x128xi32, #tpu.memory_space<vmem>> -> memref<1x128xi32, #tpu.memory_space<vmem>>
        %dma_wait3A_124 = tpu.memref_squeeze %dma_wait3A_123 : memref<1x128xi32, #tpu.memory_space<vmem>> -> memref<128xi32, #tpu.memory_space<vmem>>
        %dma_wait3A_125 = arith.constant 0 : i32
        %dma_wait3A_126 = arith.constant 0 : i32
        %dma_wait3A_127 = tpu.memref_slice %arg8[%dma_wait3A_125, %dma_wait3A_126] : memref<10008x128xf32, #tpu.memory_space<vmem_shared>> -> memref<10008x128xf32, #tpu.memory_space<vmem_shared>>
        tpu.wait_indirect_dma semaphore(%run_scoped3A_117 : memref<!tpu.dma_semaphore, #tpu.memory_space<semaphore_mem>>) src(%arg11 : memref<128x128xf32, #tpu.memory_space<vmem>>) dst(%dma_wait3A_127 : memref<10008x128xf32, #tpu.memory_space<vmem_shared>>)
        tpu.yield
      }) : () -> ()
      %eq3A_62 = arith.constant 0 : i32
      %eq3A_63 = arith.cmpi eq, %arg0, %eq3A_62 : i32
      %convert_element_type3A_64 = arith.extui %eq3A_63 : i1 to i32
      %cond3A_65 = arith.constant 0 : i32
      %cond3A_66 = arith.cmpi ne, %convert_element_type3A_64, %cond3A_65 : i32
      scf.if %cond3A_66 {
        %dma_start3A = arith.constant 3 : i32
        %dma_start3A_117 = arith.constant 0 : i32
        %dma_start3A_118 = tpu.memref_slice %arg9[%dma_start3A, %dma_start3A_117] : memref<8x128xi32, #tpu.memory_space<vmem>> -> memref<1x128xi32, #tpu.memory_space<vmem>>
        %dma_start3A_119 = tpu.memref_squeeze %dma_start3A_118 : memref<1x128xi32, #tpu.memory_space<vmem>> -> memref<128xi32, #tpu.memory_space<vmem>>
        %dma_start3A_120 = arith.constant 0 : i32
        %dma_start3A_121 = arith.constant 0 : i32
        %dma_start3A_122 = tpu.memref_slice %arg2[%dma_start3A_120, %dma_start3A_121] : memref<10000x128xf32, #tpu.memory_space<hbm>> -> memref<10000x128xf32, #tpu.memory_space<hbm>>
        tpu.enqueue_indirect_dma source(%dma_start3A_122 : memref<10000x128xf32, #tpu.memory_space<hbm>>) target(%arg11 : memref<128x128xf32, #tpu.memory_space<vmem>>) offsets(%dma_start3A_119 : memref<128xi32, #tpu.memory_space<vmem>>) semaphore(%arg12 : memref<!tpu.dma_semaphore, #tpu.memory_space<semaphore_mem>>)
        %dma_wait3A = arith.constant 3 : i32
        %dma_wait3A_123 = arith.constant 0 : i32
        %dma_wait3A_124 = tpu.memref_slice %arg9[%dma_wait3A, %dma_wait3A_123] : memref<8x128xi32, #tpu.memory_space<vmem>> -> memref<1x128xi32, #tpu.memory_space<vmem>>
        %dma_wait3A_125 = tpu.memref_squeeze %dma_wait3A_124 : memref<1x128xi32, #tpu.memory_space<vmem>> -> memref<128xi32, #tpu.memory_space<vmem>>
        %dma_wait3A_126 = arith.constant 0 : i32
        %dma_wait3A_127 = arith.constant 0 : i32
        %dma_wait3A_128 = tpu.memref_slice %arg2[%dma_wait3A_126, %dma_wait3A_127] : memref<10000x128xf32, #tpu.memory_space<hbm>> -> memref<10000x128xf32, #tpu.memory_space<hbm>>
        tpu.wait_indirect_dma semaphore(%arg12 : memref<!tpu.dma_semaphore, #tpu.memory_space<semaphore_mem>>) src(%dma_wait3A_128 : memref<10000x128xf32, #tpu.memory_space<hbm>>) dst(%arg11 : memref<128x128xf32, #tpu.memory_space<vmem>>)
      } else {
      }
      %ne3A_67 = arith.constant 0 : i32
      %ne3A_68 = arith.cmpi ne, %arg0, %ne3A_67 : i32
      %convert_element_type3A_69 = arith.extui %ne3A_68 : i1 to i32
      %cond3A_70 = arith.constant 0 : i32
      %cond3A_71 = arith.cmpi ne, %convert_element_type3A_69, %cond3A_70 : i32
      scf.if %cond3A_71 {
        %dma_start3A = arith.constant 3 : i32
        %dma_start3A_117 = arith.constant 0 : i32
        %dma_start3A_118 = tpu.memref_slice %arg9[%dma_start3A, %dma_start3A_117] : memref<8x128xi32, #tpu.memory_space<vmem>> -> memref<1x128xi32, #tpu.memory_space<vmem>>
        %dma_start3A_119 = tpu.memref_squeeze %dma_start3A_118 : memref<1x128xi32, #tpu.memory_space<vmem>> -> memref<128xi32, #tpu.memory_space<vmem>>
        %dma_start3A_120 = arith.constant 0 : i32
        %dma_start3A_121 = arith.constant 0 : i32
        %dma_start3A_122 = tpu.memref_slice %arg3[%dma_start3A_120, %dma_start3A_121] : memref<10000x128xf32, #tpu.memory_space<hbm>> -> memref<10000x128xf32, #tpu.memory_space<hbm>>
        tpu.enqueue_indirect_dma source(%dma_start3A_122 : memref<10000x128xf32, #tpu.memory_space<hbm>>) target(%arg11 : memref<128x128xf32, #tpu.memory_space<vmem>>) offsets(%dma_start3A_119 : memref<128xi32, #tpu.memory_space<vmem>>) semaphore(%arg12 : memref<!tpu.dma_semaphore, #tpu.memory_space<semaphore_mem>>)
        %dma_wait3A = arith.constant 3 : i32
        %dma_wait3A_123 = arith.constant 0 : i32
        %dma_wait3A_124 = tpu.memref_slice %arg9[%dma_wait3A, %dma_wait3A_123] : memref<8x128xi32, #tpu.memory_space<vmem>> -> memref<1x128xi32, #tpu.memory_space<vmem>>
        %dma_wait3A_125 = tpu.memref_squeeze %dma_wait3A_124 : memref<1x128xi32, #tpu.memory_space<vmem>> -> memref<128xi32, #tpu.memory_space<vmem>>
        %dma_wait3A_126 = arith.constant 0 : i32
        %dma_wait3A_127 = arith.constant 0 : i32
        %dma_wait3A_128 = tpu.memref_slice %arg3[%dma_wait3A_126, %dma_wait3A_127] : memref<10000x128xf32, #tpu.memory_space<hbm>> -> memref<10000x128xf32, #tpu.memory_space<hbm>>
        tpu.wait_indirect_dma semaphore(%arg12 : memref<!tpu.dma_semaphore, #tpu.memory_space<semaphore_mem>>) src(%dma_wait3A_128 : memref<10000x128xf32, #tpu.memory_space<hbm>>) dst(%arg11 : memref<128x128xf32, #tpu.memory_space<vmem>>)
      } else {
      }
      %run_scoped3A_72 = arith.constant 3 : i32
      "tpu.region"() ({
        %run_scoped3A_117 = tpu.sem_alloc : memref<!tpu.dma_semaphore, #tpu.memory_space<semaphore_mem>>
        %dma_start3A = arith.constant 0 : i32
        %dma_start3A_118 = tpu.memref_slice %arg10[%run_scoped3A_72, %dma_start3A] : memref<8x128xi32, #tpu.memory_space<vmem>> -> memref<1x128xi32, #tpu.memory_space<vmem>>
        %dma_start3A_119 = tpu.memref_squeeze %dma_start3A_118 : memref<1x128xi32, #tpu.memory_space<vmem>> -> memref<128xi32, #tpu.memory_space<vmem>>
        %dma_start3A_120 = arith.constant 0 : i32
        %dma_start3A_121 = arith.constant 0 : i32
        %dma_start3A_122 = tpu.memref_slice %arg8[%dma_start3A_120, %dma_start3A_121] : memref<10008x128xf32, #tpu.memory_space<vmem_shared>> -> memref<10008x128xf32, #tpu.memory_space<vmem_shared>>
        tpu.enqueue_indirect_dma source(%arg11 : memref<128x128xf32, #tpu.memory_space<vmem>>) target(%dma_start3A_122 : memref<10008x128xf32, #tpu.memory_space<vmem_shared>>) offsets(%dma_start3A_119 : memref<128xi32, #tpu.memory_space<vmem>>) semaphore(%run_scoped3A_117 : memref<!tpu.dma_semaphore, #tpu.memory_space<semaphore_mem>>) {add = true}
        %dma_wait3A = arith.constant 0 : i32
        %dma_wait3A_123 = tpu.memref_slice %arg10[%run_scoped3A_72, %dma_wait3A] : memref<8x128xi32, #tpu.memory_space<vmem>> -> memref<1x128xi32, #tpu.memory_space<vmem>>
        %dma_wait3A_124 = tpu.memref_squeeze %dma_wait3A_123 : memref<1x128xi32, #tpu.memory_space<vmem>> -> memref<128xi32, #tpu.memory_space<vmem>>
        %dma_wait3A_125 = arith.constant 0 : i32
        %dma_wait3A_126 = arith.constant 0 : i32
        %dma_wait3A_127 = tpu.memref_slice %arg8[%dma_wait3A_125, %dma_wait3A_126] : memref<10008x128xf32, #tpu.memory_space<vmem_shared>> -> memref<10008x128xf32, #tpu.memory_space<vmem_shared>>
        tpu.wait_indirect_dma semaphore(%run_scoped3A_117 : memref<!tpu.dma_semaphore, #tpu.memory_space<semaphore_mem>>) src(%arg11 : memref<128x128xf32, #tpu.memory_space<vmem>>) dst(%dma_wait3A_127 : memref<10008x128xf32, #tpu.memory_space<vmem_shared>>)
        tpu.yield
      }) : () -> ()
      %eq3A_73 = arith.constant 0 : i32
      %eq3A_74 = arith.cmpi eq, %arg0, %eq3A_73 : i32
      %convert_element_type3A_75 = arith.extui %eq3A_74 : i1 to i32
      %cond3A_76 = arith.constant 0 : i32
      %cond3A_77 = arith.cmpi ne, %convert_element_type3A_75, %cond3A_76 : i32
      scf.if %cond3A_77 {
        %dma_start3A = arith.constant 4 : i32
        %dma_start3A_117 = arith.constant 0 : i32
        %dma_start3A_118 = tpu.memref_slice %arg9[%dma_start3A, %dma_start3A_117] : memref<8x128xi32, #tpu.memory_space<vmem>> -> memref<1x128xi32, #tpu.memory_space<vmem>>
        %dma_start3A_119 = tpu.memref_squeeze %dma_start3A_118 : memref<1x128xi32, #tpu.memory_space<vmem>> -> memref<128xi32, #tpu.memory_space<vmem>>
        %dma_start3A_120 = arith.constant 0 : i32
        %dma_start3A_121 = arith.constant 0 : i32
        %dma_start3A_122 = tpu.memref_slice %arg2[%dma_start3A_120, %dma_start3A_121] : memref<10000x128xf32, #tpu.memory_space<hbm>> -> memref<10000x128xf32, #tpu.memory_space<hbm>>
        tpu.enqueue_indirect_dma source(%dma_start3A_122 : memref<10000x128xf32, #tpu.memory_space<hbm>>) target(%arg11 : memref<128x128xf32, #tpu.memory_space<vmem>>) offsets(%dma_start3A_119 : memref<128xi32, #tpu.memory_space<vmem>>) semaphore(%arg12 : memref<!tpu.dma_semaphore, #tpu.memory_space<semaphore_mem>>)
        %dma_wait3A = arith.constant 4 : i32
        %dma_wait3A_123 = arith.constant 0 : i32
        %dma_wait3A_124 = tpu.memref_slice %arg9[%dma_wait3A, %dma_wait3A_123] : memref<8x128xi32, #tpu.memory_space<vmem>> -> memref<1x128xi32, #tpu.memory_space<vmem>>
        %dma_wait3A_125 = tpu.memref_squeeze %dma_wait3A_124 : memref<1x128xi32, #tpu.memory_space<vmem>> -> memref<128xi32, #tpu.memory_space<vmem>>
        %dma_wait3A_126 = arith.constant 0 : i32
        %dma_wait3A_127 = arith.constant 0 : i32
        %dma_wait3A_128 = tpu.memref_slice %arg2[%dma_wait3A_126, %dma_wait3A_127] : memref<10000x128xf32, #tpu.memory_space<hbm>> -> memref<10000x128xf32, #tpu.memory_space<hbm>>
        tpu.wait_indirect_dma semaphore(%arg12 : memref<!tpu.dma_semaphore, #tpu.memory_space<semaphore_mem>>) src(%dma_wait3A_128 : memref<10000x128xf32, #tpu.memory_space<hbm>>) dst(%arg11 : memref<128x128xf32, #tpu.memory_space<vmem>>)
      } else {
      }
      %ne3A_78 = arith.constant 0 : i32
      %ne3A_79 = arith.cmpi ne, %arg0, %ne3A_78 : i32
      %convert_element_type3A_80 = arith.extui %ne3A_79 : i1 to i32
      %cond3A_81 = arith.constant 0 : i32
      %cond3A_82 = arith.cmpi ne, %convert_element_type3A_80, %cond3A_81 : i32
      scf.if %cond3A_82 {
        %dma_start3A = arith.constant 4 : i32
        %dma_start3A_117 = arith.constant 0 : i32
        %dma_start3A_118 = tpu.memref_slice %arg9[%dma_start3A, %dma_start3A_117] : memref<8x128xi32, #tpu.memory_space<vmem>> -> memref<1x128xi32, #tpu.memory_space<vmem>>
        %dma_start3A_119 = tpu.memref_squeeze %dma_start3A_118 : memref<1x128xi32, #tpu.memory_space<vmem>> -> memref<128xi32, #tpu.memory_space<vmem>>
        %dma_start3A_120 = arith.constant 0 : i32
        %dma_start3A_121 = arith.constant 0 : i32
        %dma_start3A_122 = tpu.memref_slice %arg3[%dma_start3A_120, %dma_start3A_121] : memref<10000x128xf32, #tpu.memory_space<hbm>> -> memref<10000x128xf32, #tpu.memory_space<hbm>>
        tpu.enqueue_indirect_dma source(%dma_start3A_122 : memref<10000x128xf32, #tpu.memory_space<hbm>>) target(%arg11 : memref<128x128xf32, #tpu.memory_space<vmem>>) offsets(%dma_start3A_119 : memref<128xi32, #tpu.memory_space<vmem>>) semaphore(%arg12 : memref<!tpu.dma_semaphore, #tpu.memory_space<semaphore_mem>>)
        %dma_wait3A = arith.constant 4 : i32
        %dma_wait3A_123 = arith.constant 0 : i32
        %dma_wait3A_124 = tpu.memref_slice %arg9[%dma_wait3A, %dma_wait3A_123] : memref<8x128xi32, #tpu.memory_space<vmem>> -> memref<1x128xi32, #tpu.memory_space<vmem>>
        %dma_wait3A_125 = tpu.memref_squeeze %dma_wait3A_124 : memref<1x128xi32, #tpu.memory_space<vmem>> -> memref<128xi32, #tpu.memory_space<vmem>>
        %dma_wait3A_126 = arith.constant 0 : i32
        %dma_wait3A_127 = arith.constant 0 : i32
        %dma_wait3A_128 = tpu.memref_slice %arg3[%dma_wait3A_126, %dma_wait3A_127] : memref<10000x128xf32, #tpu.memory_space<hbm>> -> memref<10000x128xf32, #tpu.memory_space<hbm>>
        tpu.wait_indirect_dma semaphore(%arg12 : memref<!tpu.dma_semaphore, #tpu.memory_space<semaphore_mem>>) src(%dma_wait3A_128 : memref<10000x128xf32, #tpu.memory_space<hbm>>) dst(%arg11 : memref<128x128xf32, #tpu.memory_space<vmem>>)
      } else {
      }
      %run_scoped3A_83 = arith.constant 4 : i32
      "tpu.region"() ({
        %run_scoped3A_117 = tpu.sem_alloc : memref<!tpu.dma_semaphore, #tpu.memory_space<semaphore_mem>>
        %dma_start3A = arith.constant 0 : i32
        %dma_start3A_118 = tpu.memref_slice %arg10[%run_scoped3A_83, %dma_start3A] : memref<8x128xi32, #tpu.memory_space<vmem>> -> memref<1x128xi32, #tpu.memory_space<vmem>>
        %dma_start3A_119 = tpu.memref_squeeze %dma_start3A_118 : memref<1x128xi32, #tpu.memory_space<vmem>> -> memref<128xi32, #tpu.memory_space<vmem>>
        %dma_start3A_120 = arith.constant 0 : i32
        %dma_start3A_121 = arith.constant 0 : i32
        %dma_start3A_122 = tpu.memref_slice %arg8[%dma_start3A_120, %dma_start3A_121] : memref<10008x128xf32, #tpu.memory_space<vmem_shared>> -> memref<10008x128xf32, #tpu.memory_space<vmem_shared>>
        tpu.enqueue_indirect_dma source(%arg11 : memref<128x128xf32, #tpu.memory_space<vmem>>) target(%dma_start3A_122 : memref<10008x128xf32, #tpu.memory_space<vmem_shared>>) offsets(%dma_start3A_119 : memref<128xi32, #tpu.memory_space<vmem>>) semaphore(%run_scoped3A_117 : memref<!tpu.dma_semaphore, #tpu.memory_space<semaphore_mem>>) {add = true}
        %dma_wait3A = arith.constant 0 : i32
        %dma_wait3A_123 = tpu.memref_slice %arg10[%run_scoped3A_83, %dma_wait3A] : memref<8x128xi32, #tpu.memory_space<vmem>> -> memref<1x128xi32, #tpu.memory_space<vmem>>
        %dma_wait3A_124 = tpu.memref_squeeze %dma_wait3A_123 : memref<1x128xi32, #tpu.memory_space<vmem>> -> memref<128xi32, #tpu.memory_space<vmem>>
        %dma_wait3A_125 = arith.constant 0 : i32
        %dma_wait3A_126 = arith.constant 0 : i32
        %dma_wait3A_127 = tpu.memref_slice %arg8[%dma_wait3A_125, %dma_wait3A_126] : memref<10008x128xf32, #tpu.memory_space<vmem_shared>> -> memref<10008x128xf32, #tpu.memory_space<vmem_shared>>
        tpu.wait_indirect_dma semaphore(%run_scoped3A_117 : memref<!tpu.dma_semaphore, #tpu.memory_space<semaphore_mem>>) src(%arg11 : memref<128x128xf32, #tpu.memory_space<vmem>>) dst(%dma_wait3A_127 : memref<10008x128xf32, #tpu.memory_space<vmem_shared>>)
        tpu.yield
      }) : () -> ()
      %eq3A_84 = arith.constant 0 : i32
      %eq3A_85 = arith.cmpi eq, %arg0, %eq3A_84 : i32
      %convert_element_type3A_86 = arith.extui %eq3A_85 : i1 to i32
      %cond3A_87 = arith.constant 0 : i32
      %cond3A_88 = arith.cmpi ne, %convert_element_type3A_86, %cond3A_87 : i32
      scf.if %cond3A_88 {
        %dma_start3A = arith.constant 5 : i32
        %dma_start3A_117 = arith.constant 0 : i32
        %dma_start3A_118 = tpu.memref_slice %arg9[%dma_start3A, %dma_start3A_117] : memref<8x128xi32, #tpu.memory_space<vmem>> -> memref<1x128xi32, #tpu.memory_space<vmem>>
        %dma_start3A_119 = tpu.memref_squeeze %dma_start3A_118 : memref<1x128xi32, #tpu.memory_space<vmem>> -> memref<128xi32, #tpu.memory_space<vmem>>
        %dma_start3A_120 = arith.constant 0 : i32
        %dma_start3A_121 = arith.constant 0 : i32
        %dma_start3A_122 = tpu.memref_slice %arg2[%dma_start3A_120, %dma_start3A_121] : memref<10000x128xf32, #tpu.memory_space<hbm>> -> memref<10000x128xf32, #tpu.memory_space<hbm>>
        tpu.enqueue_indirect_dma source(%dma_start3A_122 : memref<10000x128xf32, #tpu.memory_space<hbm>>) target(%arg11 : memref<128x128xf32, #tpu.memory_space<vmem>>) offsets(%dma_start3A_119 : memref<128xi32, #tpu.memory_space<vmem>>) semaphore(%arg12 : memref<!tpu.dma_semaphore, #tpu.memory_space<semaphore_mem>>)
        %dma_wait3A = arith.constant 5 : i32
        %dma_wait3A_123 = arith.constant 0 : i32
        %dma_wait3A_124 = tpu.memref_slice %arg9[%dma_wait3A, %dma_wait3A_123] : memref<8x128xi32, #tpu.memory_space<vmem>> -> memref<1x128xi32, #tpu.memory_space<vmem>>
        %dma_wait3A_125 = tpu.memref_squeeze %dma_wait3A_124 : memref<1x128xi32, #tpu.memory_space<vmem>> -> memref<128xi32, #tpu.memory_space<vmem>>
        %dma_wait3A_126 = arith.constant 0 : i32
        %dma_wait3A_127 = arith.constant 0 : i32
        %dma_wait3A_128 = tpu.memref_slice %arg2[%dma_wait3A_126, %dma_wait3A_127] : memref<10000x128xf32, #tpu.memory_space<hbm>> -> memref<10000x128xf32, #tpu.memory_space<hbm>>
        tpu.wait_indirect_dma semaphore(%arg12 : memref<!tpu.dma_semaphore, #tpu.memory_space<semaphore_mem>>) src(%dma_wait3A_128 : memref<10000x128xf32, #tpu.memory_space<hbm>>) dst(%arg11 : memref<128x128xf32, #tpu.memory_space<vmem>>)
      } else {
      }
      %ne3A_89 = arith.constant 0 : i32
      %ne3A_90 = arith.cmpi ne, %arg0, %ne3A_89 : i32
      %convert_element_type3A_91 = arith.extui %ne3A_90 : i1 to i32
      %cond3A_92 = arith.constant 0 : i32
      %cond3A_93 = arith.cmpi ne, %convert_element_type3A_91, %cond3A_92 : i32
      scf.if %cond3A_93 {
        %dma_start3A = arith.constant 5 : i32
        %dma_start3A_117 = arith.constant 0 : i32
        %dma_start3A_118 = tpu.memref_slice %arg9[%dma_start3A, %dma_start3A_117] : memref<8x128xi32, #tpu.memory_space<vmem>> -> memref<1x128xi32, #tpu.memory_space<vmem>>
        %dma_start3A_119 = tpu.memref_squeeze %dma_start3A_118 : memref<1x128xi32, #tpu.memory_space<vmem>> -> memref<128xi32, #tpu.memory_space<vmem>>
        %dma_start3A_120 = arith.constant 0 : i32
        %dma_start3A_121 = arith.constant 0 : i32
        %dma_start3A_122 = tpu.memref_slice %arg3[%dma_start3A_120, %dma_start3A_121] : memref<10000x128xf32, #tpu.memory_space<hbm>> -> memref<10000x128xf32, #tpu.memory_space<hbm>>
        tpu.enqueue_indirect_dma source(%dma_start3A_122 : memref<10000x128xf32, #tpu.memory_space<hbm>>) target(%arg11 : memref<128x128xf32, #tpu.memory_space<vmem>>) offsets(%dma_start3A_119 : memref<128xi32, #tpu.memory_space<vmem>>) semaphore(%arg12 : memref<!tpu.dma_semaphore, #tpu.memory_space<semaphore_mem>>)
        %dma_wait3A = arith.constant 5 : i32
        %dma_wait3A_123 = arith.constant 0 : i32
        %dma_wait3A_124 = tpu.memref_slice %arg9[%dma_wait3A, %dma_wait3A_123] : memref<8x128xi32, #tpu.memory_space<vmem>> -> memref<1x128xi32, #tpu.memory_space<vmem>>
        %dma_wait3A_125 = tpu.memref_squeeze %dma_wait3A_124 : memref<1x128xi32, #tpu.memory_space<vmem>> -> memref<128xi32, #tpu.memory_space<vmem>>
        %dma_wait3A_126 = arith.constant 0 : i32
        %dma_wait3A_127 = arith.constant 0 : i32
        %dma_wait3A_128 = tpu.memref_slice %arg3[%dma_wait3A_126, %dma_wait3A_127] : memref<10000x128xf32, #tpu.memory_space<hbm>> -> memref<10000x128xf32, #tpu.memory_space<hbm>>
        tpu.wait_indirect_dma semaphore(%arg12 : memref<!tpu.dma_semaphore, #tpu.memory_space<semaphore_mem>>) src(%dma_wait3A_128 : memref<10000x128xf32, #tpu.memory_space<hbm>>) dst(%arg11 : memref<128x128xf32, #tpu.memory_space<vmem>>)
      } else {
      }
      %run_scoped3A_94 = arith.constant 5 : i32
      "tpu.region"() ({
        %run_scoped3A_117 = tpu.sem_alloc : memref<!tpu.dma_semaphore, #tpu.memory_space<semaphore_mem>>
        %dma_start3A = arith.constant 0 : i32
        %dma_start3A_118 = tpu.memref_slice %arg10[%run_scoped3A_94, %dma_start3A] : memref<8x128xi32, #tpu.memory_space<vmem>> -> memref<1x128xi32, #tpu.memory_space<vmem>>
        %dma_start3A_119 = tpu.memref_squeeze %dma_start3A_118 : memref<1x128xi32, #tpu.memory_space<vmem>> -> memref<128xi32, #tpu.memory_space<vmem>>
        %dma_start3A_120 = arith.constant 0 : i32
        %dma_start3A_121 = arith.constant 0 : i32
        %dma_start3A_122 = tpu.memref_slice %arg8[%dma_start3A_120, %dma_start3A_121] : memref<10008x128xf32, #tpu.memory_space<vmem_shared>> -> memref<10008x128xf32, #tpu.memory_space<vmem_shared>>
        tpu.enqueue_indirect_dma source(%arg11 : memref<128x128xf32, #tpu.memory_space<vmem>>) target(%dma_start3A_122 : memref<10008x128xf32, #tpu.memory_space<vmem_shared>>) offsets(%dma_start3A_119 : memref<128xi32, #tpu.memory_space<vmem>>) semaphore(%run_scoped3A_117 : memref<!tpu.dma_semaphore, #tpu.memory_space<semaphore_mem>>) {add = true}
        %dma_wait3A = arith.constant 0 : i32
        %dma_wait3A_123 = tpu.memref_slice %arg10[%run_scoped3A_94, %dma_wait3A] : memref<8x128xi32, #tpu.memory_space<vmem>> -> memref<1x128xi32, #tpu.memory_space<vmem>>
        %dma_wait3A_124 = tpu.memref_squeeze %dma_wait3A_123 : memref<1x128xi32, #tpu.memory_space<vmem>> -> memref<128xi32, #tpu.memory_space<vmem>>
        %dma_wait3A_125 = arith.constant 0 : i32
        %dma_wait3A_126 = arith.constant 0 : i32
        %dma_wait3A_127 = tpu.memref_slice %arg8[%dma_wait3A_125, %dma_wait3A_126] : memref<10008x128xf32, #tpu.memory_space<vmem_shared>> -> memref<10008x128xf32, #tpu.memory_space<vmem_shared>>
        tpu.wait_indirect_dma semaphore(%run_scoped3A_117 : memref<!tpu.dma_semaphore, #tpu.memory_space<semaphore_mem>>) src(%arg11 : memref<128x128xf32, #tpu.memory_space<vmem>>) dst(%dma_wait3A_127 : memref<10008x128xf32, #tpu.memory_space<vmem_shared>>)
        tpu.yield
      }) : () -> ()
      %eq3A_95 = arith.constant 0 : i32
      %eq3A_96 = arith.cmpi eq, %arg0, %eq3A_95 : i32
      %convert_element_type3A_97 = arith.extui %eq3A_96 : i1 to i32
      %cond3A_98 = arith.constant 0 : i32
      %cond3A_99 = arith.cmpi ne, %convert_element_type3A_97, %cond3A_98 : i32
      scf.if %cond3A_99 {
        %dma_start3A = arith.constant 6 : i32
        %dma_start3A_117 = arith.constant 0 : i32
        %dma_start3A_118 = tpu.memref_slice %arg9[%dma_start3A, %dma_start3A_117] : memref<8x128xi32, #tpu.memory_space<vmem>> -> memref<1x128xi32, #tpu.memory_space<vmem>>
        %dma_start3A_119 = tpu.memref_squeeze %dma_start3A_118 : memref<1x128xi32, #tpu.memory_space<vmem>> -> memref<128xi32, #tpu.memory_space<vmem>>
        %dma_start3A_120 = arith.constant 0 : i32
        %dma_start3A_121 = arith.constant 0 : i32
        %dma_start3A_122 = tpu.memref_slice %arg2[%dma_start3A_120, %dma_start3A_121] : memref<10000x128xf32, #tpu.memory_space<hbm>> -> memref<10000x128xf32, #tpu.memory_space<hbm>>
        tpu.enqueue_indirect_dma source(%dma_start3A_122 : memref<10000x128xf32, #tpu.memory_space<hbm>>) target(%arg11 : memref<128x128xf32, #tpu.memory_space<vmem>>) offsets(%dma_start3A_119 : memref<128xi32, #tpu.memory_space<vmem>>) semaphore(%arg12 : memref<!tpu.dma_semaphore, #tpu.memory_space<semaphore_mem>>)
        %dma_wait3A = arith.constant 6 : i32
        %dma_wait3A_123 = arith.constant 0 : i32
        %dma_wait3A_124 = tpu.memref_slice %arg9[%dma_wait3A, %dma_wait3A_123] : memref<8x128xi32, #tpu.memory_space<vmem>> -> memref<1x128xi32, #tpu.memory_space<vmem>>
        %dma_wait3A_125 = tpu.memref_squeeze %dma_wait3A_124 : memref<1x128xi32, #tpu.memory_space<vmem>> -> memref<128xi32, #tpu.memory_space<vmem>>
        %dma_wait3A_126 = arith.constant 0 : i32
        %dma_wait3A_127 = arith.constant 0 : i32
        %dma_wait3A_128 = tpu.memref_slice %arg2[%dma_wait3A_126, %dma_wait3A_127] : memref<10000x128xf32, #tpu.memory_space<hbm>> -> memref<10000x128xf32, #tpu.memory_space<hbm>>
        tpu.wait_indirect_dma semaphore(%arg12 : memref<!tpu.dma_semaphore, #tpu.memory_space<semaphore_mem>>) src(%dma_wait3A_128 : memref<10000x128xf32, #tpu.memory_space<hbm>>) dst(%arg11 : memref<128x128xf32, #tpu.memory_space<vmem>>)
      } else {
      }
      %ne3A_100 = arith.constant 0 : i32
      %ne3A_101 = arith.cmpi ne, %arg0, %ne3A_100 : i32
      %convert_element_type3A_102 = arith.extui %ne3A_101 : i1 to i32
      %cond3A_103 = arith.constant 0 : i32
      %cond3A_104 = arith.cmpi ne, %convert_element_type3A_102, %cond3A_103 : i32
      scf.if %cond3A_104 {
        %dma_start3A = arith.constant 6 : i32
        %dma_start3A_117 = arith.constant 0 : i32
        %dma_start3A_118 = tpu.memref_slice %arg9[%dma_start3A, %dma_start3A_117] : memref<8x128xi32, #tpu.memory_space<vmem>> -> memref<1x128xi32, #tpu.memory_space<vmem>>
        %dma_start3A_119 = tpu.memref_squeeze %dma_start3A_118 : memref<1x128xi32, #tpu.memory_space<vmem>> -> memref<128xi32, #tpu.memory_space<vmem>>
        %dma_start3A_120 = arith.constant 0 : i32
        %dma_start3A_121 = arith.constant 0 : i32
        %dma_start3A_122 = tpu.memref_slice %arg3[%dma_start3A_120, %dma_start3A_121] : memref<10000x128xf32, #tpu.memory_space<hbm>> -> memref<10000x128xf32, #tpu.memory_space<hbm>>
        tpu.enqueue_indirect_dma source(%dma_start3A_122 : memref<10000x128xf32, #tpu.memory_space<hbm>>) target(%arg11 : memref<128x128xf32, #tpu.memory_space<vmem>>) offsets(%dma_start3A_119 : memref<128xi32, #tpu.memory_space<vmem>>) semaphore(%arg12 : memref<!tpu.dma_semaphore, #tpu.memory_space<semaphore_mem>>)
        %dma_wait3A = arith.constant 6 : i32
        %dma_wait3A_123 = arith.constant 0 : i32
        %dma_wait3A_124 = tpu.memref_slice %arg9[%dma_wait3A, %dma_wait3A_123] : memref<8x128xi32, #tpu.memory_space<vmem>> -> memref<1x128xi32, #tpu.memory_space<vmem>>
        %dma_wait3A_125 = tpu.memref_squeeze %dma_wait3A_124 : memref<1x128xi32, #tpu.memory_space<vmem>> -> memref<128xi32, #tpu.memory_space<vmem>>
        %dma_wait3A_126 = arith.constant 0 : i32
        %dma_wait3A_127 = arith.constant 0 : i32
        %dma_wait3A_128 = tpu.memref_slice %arg3[%dma_wait3A_126, %dma_wait3A_127] : memref<10000x128xf32, #tpu.memory_space<hbm>> -> memref<10000x128xf32, #tpu.memory_space<hbm>>
        tpu.wait_indirect_dma semaphore(%arg12 : memref<!tpu.dma_semaphore, #tpu.memory_space<semaphore_mem>>) src(%dma_wait3A_128 : memref<10000x128xf32, #tpu.memory_space<hbm>>) dst(%arg11 : memref<128x128xf32, #tpu.memory_space<vmem>>)
      } else {
      }
      %run_scoped3A_105 = arith.constant 6 : i32
      "tpu.region"() ({
        %run_scoped3A_117 = tpu.sem_alloc : memref<!tpu.dma_semaphore, #tpu.memory_space<semaphore_mem>>
        %dma_start3A = arith.constant 0 : i32
        %dma_start3A_118 = tpu.memref_slice %arg10[%run_scoped3A_105, %dma_start3A] : memref<8x128xi32, #tpu.memory_space<vmem>> -> memref<1x128xi32, #tpu.memory_space<vmem>>
        %dma_start3A_119 = tpu.memref_squeeze %dma_start3A_118 : memref<1x128xi32, #tpu.memory_space<vmem>> -> memref<128xi32, #tpu.memory_space<vmem>>
        %dma_start3A_120 = arith.constant 0 : i32
        %dma_start3A_121 = arith.constant 0 : i32
        %dma_start3A_122 = tpu.memref_slice %arg8[%dma_start3A_120, %dma_start3A_121] : memref<10008x128xf32, #tpu.memory_space<vmem_shared>> -> memref<10008x128xf32, #tpu.memory_space<vmem_shared>>
        tpu.enqueue_indirect_dma source(%arg11 : memref<128x128xf32, #tpu.memory_space<vmem>>) target(%dma_start3A_122 : memref<10008x128xf32, #tpu.memory_space<vmem_shared>>) offsets(%dma_start3A_119 : memref<128xi32, #tpu.memory_space<vmem>>) semaphore(%run_scoped3A_117 : memref<!tpu.dma_semaphore, #tpu.memory_space<semaphore_mem>>) {add = true}
        %dma_wait3A = arith.constant 0 : i32
        %dma_wait3A_123 = tpu.memref_slice %arg10[%run_scoped3A_105, %dma_wait3A] : memref<8x128xi32, #tpu.memory_space<vmem>> -> memref<1x128xi32, #tpu.memory_space<vmem>>
        %dma_wait3A_124 = tpu.memref_squeeze %dma_wait3A_123 : memref<1x128xi32, #tpu.memory_space<vmem>> -> memref<128xi32, #tpu.memory_space<vmem>>
        %dma_wait3A_125 = arith.constant 0 : i32
        %dma_wait3A_126 = arith.constant 0 : i32
        %dma_wait3A_127 = tpu.memref_slice %arg8[%dma_wait3A_125, %dma_wait3A_126] : memref<10008x128xf32, #tpu.memory_space<vmem_shared>> -> memref<10008x128xf32, #tpu.memory_space<vmem_shared>>
        tpu.wait_indirect_dma semaphore(%run_scoped3A_117 : memref<!tpu.dma_semaphore, #tpu.memory_space<semaphore_mem>>) src(%arg11 : memref<128x128xf32, #tpu.memory_space<vmem>>) dst(%dma_wait3A_127 : memref<10008x128xf32, #tpu.memory_space<vmem_shared>>)
        tpu.yield
      }) : () -> ()
      %eq3A_106 = arith.constant 0 : i32
      %eq3A_107 = arith.cmpi eq, %arg0, %eq3A_106 : i32
      %convert_element_type3A_108 = arith.extui %eq3A_107 : i1 to i32
      %cond3A_109 = arith.constant 0 : i32
      %cond3A_110 = arith.cmpi ne, %convert_element_type3A_108, %cond3A_109 : i32
      scf.if %cond3A_110 {
        %dma_start3A = arith.constant 7 : i32
        %dma_start3A_117 = arith.constant 0 : i32
        %dma_start3A_118 = tpu.memref_slice %arg9[%dma_start3A, %dma_start3A_117] : memref<8x128xi32, #tpu.memory_space<vmem>> -> memref<1x128xi32, #tpu.memory_space<vmem>>
        %dma_start3A_119 = tpu.memref_squeeze %dma_start3A_118 : memref<1x128xi32, #tpu.memory_space<vmem>> -> memref<128xi32, #tpu.memory_space<vmem>>
        %dma_start3A_120 = arith.constant 0 : i32
        %dma_start3A_121 = arith.constant 0 : i32
        %dma_start3A_122 = tpu.memref_slice %arg2[%dma_start3A_120, %dma_start3A_121] : memref<10000x128xf32, #tpu.memory_space<hbm>> -> memref<10000x128xf32, #tpu.memory_space<hbm>>
        tpu.enqueue_indirect_dma source(%dma_start3A_122 : memref<10000x128xf32, #tpu.memory_space<hbm>>) target(%arg11 : memref<128x128xf32, #tpu.memory_space<vmem>>) offsets(%dma_start3A_119 : memref<128xi32, #tpu.memory_space<vmem>>) semaphore(%arg12 : memref<!tpu.dma_semaphore, #tpu.memory_space<semaphore_mem>>)
        %dma_wait3A = arith.constant 7 : i32
        %dma_wait3A_123 = arith.constant 0 : i32
        %dma_wait3A_124 = tpu.memref_slice %arg9[%dma_wait3A, %dma_wait3A_123] : memref<8x128xi32, #tpu.memory_space<vmem>> -> memref<1x128xi32, #tpu.memory_space<vmem>>
        %dma_wait3A_125 = tpu.memref_squeeze %dma_wait3A_124 : memref<1x128xi32, #tpu.memory_space<vmem>> -> memref<128xi32, #tpu.memory_space<vmem>>
        %dma_wait3A_126 = arith.constant 0 : i32
        %dma_wait3A_127 = arith.constant 0 : i32
        %dma_wait3A_128 = tpu.memref_slice %arg2[%dma_wait3A_126, %dma_wait3A_127] : memref<10000x128xf32, #tpu.memory_space<hbm>> -> memref<10000x128xf32, #tpu.memory_space<hbm>>
        tpu.wait_indirect_dma semaphore(%arg12 : memref<!tpu.dma_semaphore, #tpu.memory_space<semaphore_mem>>) src(%dma_wait3A_128 : memref<10000x128xf32, #tpu.memory_space<hbm>>) dst(%arg11 : memref<128x128xf32, #tpu.memory_space<vmem>>)
      } else {
      }
      %ne3A_111 = arith.constant 0 : i32
      %ne3A_112 = arith.cmpi ne, %arg0, %ne3A_111 : i32
      %convert_element_type3A_113 = arith.extui %ne3A_112 : i1 to i32
      %cond3A_114 = arith.constant 0 : i32
      %cond3A_115 = arith.cmpi ne, %convert_element_type3A_113, %cond3A_114 : i32
      scf.if %cond3A_115 {
        %dma_start3A = arith.constant 7 : i32
        %dma_start3A_117 = arith.constant 0 : i32
        %dma_start3A_118 = tpu.memref_slice %arg9[%dma_start3A, %dma_start3A_117] : memref<8x128xi32, #tpu.memory_space<vmem>> -> memref<1x128xi32, #tpu.memory_space<vmem>>
        %dma_start3A_119 = tpu.memref_squeeze %dma_start3A_118 : memref<1x128xi32, #tpu.memory_space<vmem>> -> memref<128xi32, #tpu.memory_space<vmem>>
        %dma_start3A_120 = arith.constant 0 : i32
        %dma_start3A_121 = arith.constant 0 : i32
        %dma_start3A_122 = tpu.memref_slice %arg3[%dma_start3A_120, %dma_start3A_121] : memref<10000x128xf32, #tpu.memory_space<hbm>> -> memref<10000x128xf32, #tpu.memory_space<hbm>>
        tpu.enqueue_indirect_dma source(%dma_start3A_122 : memref<10000x128xf32, #tpu.memory_space<hbm>>) target(%arg11 : memref<128x128xf32, #tpu.memory_space<vmem>>) offsets(%dma_start3A_119 : memref<128xi32, #tpu.memory_space<vmem>>) semaphore(%arg12 : memref<!tpu.dma_semaphore, #tpu.memory_space<semaphore_mem>>)
        %dma_wait3A = arith.constant 7 : i32
        %dma_wait3A_123 = arith.constant 0 : i32
        %dma_wait3A_124 = tpu.memref_slice %arg9[%dma_wait3A, %dma_wait3A_123] : memref<8x128xi32, #tpu.memory_space<vmem>> -> memref<1x128xi32, #tpu.memory_space<vmem>>
        %dma_wait3A_125 = tpu.memref_squeeze %dma_wait3A_124 : memref<1x128xi32, #tpu.memory_space<vmem>> -> memref<128xi32, #tpu.memory_space<vmem>>
        %dma_wait3A_126 = arith.constant 0 : i32
        %dma_wait3A_127 = arith.constant 0 : i32
        %dma_wait3A_128 = tpu.memref_slice %arg3[%dma_wait3A_126, %dma_wait3A_127] : memref<10000x128xf32, #tpu.memory_space<hbm>> -> memref<10000x128xf32, #tpu.memory_space<hbm>>
        tpu.wait_indirect_dma semaphore(%arg12 : memref<!tpu.dma_semaphore, #tpu.memory_space<semaphore_mem>>) src(%dma_wait3A_128 : memref<10000x128xf32, #tpu.memory_space<hbm>>) dst(%arg11 : memref<128x128xf32, #tpu.memory_space<vmem>>)
      } else {
      }
      %run_scoped3A_116 = arith.constant 7 : i32
      "tpu.region"() ({
        %run_scoped3A_117 = tpu.sem_alloc : memref<!tpu.dma_semaphore, #tpu.memory_space<semaphore_mem>>
        %dma_start3A = arith.constant 0 : i32
        %dma_start3A_118 = tpu.memref_slice %arg10[%run_scoped3A_116, %dma_start3A] : memref<8x128xi32, #tpu.memory_space<vmem>> -> memref<1x128xi32, #tpu.memory_space<vmem>>
        %dma_start3A_119 = tpu.memref_squeeze %dma_start3A_118 : memref<1x128xi32, #tpu.memory_space<vmem>> -> memref<128xi32, #tpu.memory_space<vmem>>
        %dma_start3A_120 = arith.constant 0 : i32
        %dma_start3A_121 = arith.constant 0 : i32
        %dma_start3A_122 = tpu.memref_slice %arg8[%dma_start3A_120, %dma_start3A_121] : memref<10008x128xf32, #tpu.memory_space<vmem_shared>> -> memref<10008x128xf32, #tpu.memory_space<vmem_shared>>
        tpu.enqueue_indirect_dma source(%arg11 : memref<128x128xf32, #tpu.memory_space<vmem>>) target(%dma_start3A_122 : memref<10008x128xf32, #tpu.memory_space<vmem_shared>>) offsets(%dma_start3A_119 : memref<128xi32, #tpu.memory_space<vmem>>) semaphore(%run_scoped3A_117 : memref<!tpu.dma_semaphore, #tpu.memory_space<semaphore_mem>>) {add = true}
        %dma_wait3A = arith.constant 0 : i32
        %dma_wait3A_123 = tpu.memref_slice %arg10[%run_scoped3A_116, %dma_wait3A] : memref<8x128xi32, #tpu.memory_space<vmem>> -> memref<1x128xi32, #tpu.memory_space<vmem>>
        %dma_wait3A_124 = tpu.memref_squeeze %dma_wait3A_123 : memref<1x128xi32, #tpu.memory_space<vmem>> -> memref<128xi32, #tpu.memory_space<vmem>>
        %dma_wait3A_125 = arith.constant 0 : i32
        %dma_wait3A_126 = arith.constant 0 : i32
        %dma_wait3A_127 = tpu.memref_slice %arg8[%dma_wait3A_125, %dma_wait3A_126] : memref<10008x128xf32, #tpu.memory_space<vmem_shared>> -> memref<10008x128xf32, #tpu.memory_space<vmem_shared>>
        tpu.wait_indirect_dma semaphore(%run_scoped3A_117 : memref<!tpu.dma_semaphore, #tpu.memory_space<semaphore_mem>>) src(%arg11 : memref<128x128xf32, #tpu.memory_space<vmem>>) dst(%dma_wait3A_127 : memref<10008x128xf32, #tpu.memory_space<vmem_shared>>)
        tpu.yield
      }) : () -> ()
    }
    %scan3A_14 = arith.constant 20 : i32
    %barrier3A_15 = arith.constant 0 : index
    tpu.barrier barrier_id(%barrier3A_15)
    %eq3A_16 = arith.constant 0 : i32
    %eq3A_17 = arith.cmpi eq, %arg0, %eq3A_16 : i32
    %convert_element_type3A_18 = arith.extui %eq3A_17 : i1 to i32
    %cond3A_19 = arith.constant 0 : i32
    %cond3A_20 = arith.cmpi ne, %convert_element_type3A_18, %cond3A_19 : i32
    scf.if %cond3A_20 {
      %lt3A = arith.constant 15 : i32
      %lt3A_26 = arith.cmpi slt, %arg1, %lt3A : i32
      %convert_element_type3A_27 = arith.extui %lt3A_26 : i1 to i32
      %cond3A_28 = arith.constant 0 : i32
      %cond3A_29 = arith.cmpi ne, %convert_element_type3A_27, %cond3A_28 : i32
      scf.if %cond3A_29 {
        "tpu.region"() ({
          %run_scoped3A = tpu.sem_alloc : memref<!tpu.dma_semaphore, #tpu.memory_space<semaphore_mem>>
          %dma_start3A = arith.constant 0 : i32
          %dma_start3A_35 = tpu.memref_slice %arg6[%mul3A_0, %dma_start3A] : memref<10000x128xf32, #tpu.memory_space<hbm>> -> memref<632x128xf32, #tpu.memory_space<hbm>>
          %dma_start3A_36 = arith.constant 0 : i32
          %dma_start3A_37 = tpu.memref_slice %arg8[%mul3A_0, %dma_start3A_36] : memref<10008x128xf32, #tpu.memory_space<vmem_shared>> -> memref<632x128xf32, #tpu.memory_space<vmem_shared>>
          tpu.enqueue_dma source(%dma_start3A_37 : memref<632x128xf32, #tpu.memory_space<vmem_shared>>) target(%dma_start3A_35 : memref<632x128xf32, #tpu.memory_space<hbm>>) target_semaphore(%run_scoped3A : memref<!tpu.dma_semaphore, #tpu.memory_space<semaphore_mem>>)
          %dma_wait3A = arith.constant 0 : i32
          %dma_wait3A_38 = tpu.memref_slice %arg6[%mul3A_0, %dma_wait3A] : memref<10000x128xf32, #tpu.memory_space<hbm>> -> memref<632x128xf32, #tpu.memory_space<hbm>>
          %dma_wait3A_39 = arith.constant 0 : i32
          %dma_wait3A_40 = tpu.memref_slice %arg8[%mul3A_0, %dma_wait3A_39] : memref<10008x128xf32, #tpu.memory_space<vmem_shared>> -> memref<632x128xf32, #tpu.memory_space<vmem_shared>>
          tpu.wait_dma2 semaphore(%run_scoped3A : memref<!tpu.dma_semaphore, #tpu.memory_space<semaphore_mem>>) src(%dma_wait3A_40 : memref<632x128xf32, #tpu.memory_space<vmem_shared>>) dst(%dma_wait3A_38 : memref<632x128xf32, #tpu.memory_space<hbm>>)
          tpu.yield
        }) : () -> ()
      } else {
      }
      %eq3A_30 = arith.constant 15 : i32
      %eq3A_31 = arith.cmpi eq, %arg1, %eq3A_30 : i32
      %convert_element_type3A_32 = arith.extui %eq3A_31 : i1 to i32
      %cond3A_33 = arith.constant 0 : i32
      %cond3A_34 = arith.cmpi ne, %convert_element_type3A_32, %cond3A_33 : i32
      scf.if %cond3A_34 {
        "tpu.region"() ({
          %run_scoped3A = tpu.sem_alloc : memref<!tpu.dma_semaphore, #tpu.memory_space<semaphore_mem>>
          %dma_start3A = arith.constant 0 : i32
          %dma_start3A_35 = tpu.memref_slice %arg6[%mul3A_0, %dma_start3A] : memref<10000x128xf32, #tpu.memory_space<hbm>> -> memref<520x128xf32, #tpu.memory_space<hbm>>
          %dma_start3A_36 = arith.constant 0 : i32
          %dma_start3A_37 = tpu.memref_slice %arg8[%mul3A_0, %dma_start3A_36] : memref<10008x128xf32, #tpu.memory_space<vmem_shared>> -> memref<520x128xf32, #tpu.memory_space<vmem_shared>>
          tpu.enqueue_dma source(%dma_start3A_37 : memref<520x128xf32, #tpu.memory_space<vmem_shared>>) target(%dma_start3A_35 : memref<520x128xf32, #tpu.memory_space<hbm>>) target_semaphore(%run_scoped3A : memref<!tpu.dma_semaphore, #tpu.memory_space<semaphore_mem>>)
          %dma_wait3A = arith.constant 0 : i32
          %dma_wait3A_38 = tpu.memref_slice %arg6[%mul3A_0, %dma_wait3A] : memref<10000x128xf32, #tpu.memory_space<hbm>> -> memref<520x128xf32, #tpu.memory_space<hbm>>
          %dma_wait3A_39 = arith.constant 0 : i32
          %dma_wait3A_40 = tpu.memref_slice %arg8[%mul3A_0, %dma_wait3A_39] : memref<10008x128xf32, #tpu.memory_space<vmem_shared>> -> memref<520x128xf32, #tpu.memory_space<vmem_shared>>
          tpu.wait_dma2 semaphore(%run_scoped3A : memref<!tpu.dma_semaphore, #tpu.memory_space<semaphore_mem>>) src(%dma_wait3A_40 : memref<520x128xf32, #tpu.memory_space<vmem_shared>>) dst(%dma_wait3A_38 : memref<520x128xf32, #tpu.memory_space<hbm>>)
          tpu.yield
        }) : () -> ()
      } else {
      }
    } else {
    }
    %ne3A_21 = arith.constant 0 : i32
    %ne3A_22 = arith.cmpi ne, %arg0, %ne3A_21 : i32
    %convert_element_type3A_23 = arith.extui %ne3A_22 : i1 to i32
    %cond3A_24 = arith.constant 0 : i32
    %cond3A_25 = arith.cmpi ne, %convert_element_type3A_23, %cond3A_24 : i32
    scf.if %cond3A_25 {
      %lt3A = arith.constant 15 : i32
      %lt3A_26 = arith.cmpi slt, %arg1, %lt3A : i32
      %convert_element_type3A_27 = arith.extui %lt3A_26 : i1 to i32
      %cond3A_28 = arith.constant 0 : i32
      %cond3A_29 = arith.cmpi ne, %convert_element_type3A_27, %cond3A_28 : i32
      scf.if %cond3A_29 {
        "tpu.region"() ({
          %run_scoped3A = tpu.sem_alloc : memref<!tpu.dma_semaphore, #tpu.memory_space<semaphore_mem>>
          %dma_start3A = arith.constant 0 : i32
          %dma_start3A_35 = tpu.memref_slice %arg7[%mul3A_0, %dma_start3A] : memref<10000x128xf32, #tpu.memory_space<hbm>> -> memref<632x128xf32, #tpu.memory_space<hbm>>
          %dma_start3A_36 = arith.constant 0 : i32
          %dma_start3A_37 = tpu.memref_slice %arg8[%mul3A_0, %dma_start3A_36] : memref<10008x128xf32, #tpu.memory_space<vmem_shared>> -> memref<632x128xf32, #tpu.memory_space<vmem_shared>>
          tpu.enqueue_dma source(%dma_start3A_37 : memref<632x128xf32, #tpu.memory_space<vmem_shared>>) target(%dma_start3A_35 : memref<632x128xf32, #tpu.memory_space<hbm>>) target_semaphore(%run_scoped3A : memref<!tpu.dma_semaphore, #tpu.memory_space<semaphore_mem>>)
          %dma_wait3A = arith.constant 0 : i32
          %dma_wait3A_38 = tpu.memref_slice %arg7[%mul3A_0, %dma_wait3A] : memref<10000x128xf32, #tpu.memory_space<hbm>> -> memref<632x128xf32, #tpu.memory_space<hbm>>
          %dma_wait3A_39 = arith.constant 0 : i32
          %dma_wait3A_40 = tpu.memref_slice %arg8[%mul3A_0, %dma_wait3A_39] : memref<10008x128xf32, #tpu.memory_space<vmem_shared>> -> memref<632x128xf32, #tpu.memory_space<vmem_shared>>
          tpu.wait_dma2 semaphore(%run_scoped3A : memref<!tpu.dma_semaphore, #tpu.memory_space<semaphore_mem>>) src(%dma_wait3A_40 : memref<632x128xf32, #tpu.memory_space<vmem_shared>>) dst(%dma_wait3A_38 : memref<632x128xf32, #tpu.memory_space<hbm>>)
          tpu.yield
        }) : () -> ()
      } else {
      }
      %eq3A_30 = arith.constant 15 : i32
      %eq3A_31 = arith.cmpi eq, %arg1, %eq3A_30 : i32
      %convert_element_type3A_32 = arith.extui %eq3A_31 : i1 to i32
      %cond3A_33 = arith.constant 0 : i32
      %cond3A_34 = arith.cmpi ne, %convert_element_type3A_32, %cond3A_33 : i32
      scf.if %cond3A_34 {
        "tpu.region"() ({
          %run_scoped3A = tpu.sem_alloc : memref<!tpu.dma_semaphore, #tpu.memory_space<semaphore_mem>>
          %dma_start3A = arith.constant 0 : i32
          %dma_start3A_35 = tpu.memref_slice %arg7[%mul3A_0, %dma_start3A] : memref<10000x128xf32, #tpu.memory_space<hbm>> -> memref<520x128xf32, #tpu.memory_space<hbm>>
          %dma_start3A_36 = arith.constant 0 : i32
          %dma_start3A_37 = tpu.memref_slice %arg8[%mul3A_0, %dma_start3A_36] : memref<10008x128xf32, #tpu.memory_space<vmem_shared>> -> memref<520x128xf32, #tpu.memory_space<vmem_shared>>
          tpu.enqueue_dma source(%dma_start3A_37 : memref<520x128xf32, #tpu.memory_space<vmem_shared>>) target(%dma_start3A_35 : memref<520x128xf32, #tpu.memory_space<hbm>>) target_semaphore(%run_scoped3A : memref<!tpu.dma_semaphore, #tpu.memory_space<semaphore_mem>>)
          %dma_wait3A = arith.constant 0 : i32
          %dma_wait3A_38 = tpu.memref_slice %arg7[%mul3A_0, %dma_wait3A] : memref<10000x128xf32, #tpu.memory_space<hbm>> -> memref<520x128xf32, #tpu.memory_space<hbm>>
          %dma_wait3A_39 = arith.constant 0 : i32
          %dma_wait3A_40 = tpu.memref_slice %arg8[%mul3A_0, %dma_wait3A_39] : memref<10008x128xf32, #tpu.memory_space<vmem_shared>> -> memref<520x128xf32, #tpu.memory_space<vmem_shared>>
          tpu.wait_dma2 semaphore(%run_scoped3A : memref<!tpu.dma_semaphore, #tpu.memory_space<semaphore_mem>>) src(%dma_wait3A_40 : memref<520x128xf32, #tpu.memory_space<vmem_shared>>) dst(%dma_wait3A_38 : memref<520x128xf32, #tpu.memory_space<hbm>>)
          tpu.yield
        }) : () -> ()
      } else {
      }
    } else {
    }
    return
  }
}

module attributes {stable_mosaic.version = 14 : i64} {
  func.func @body(%arg0: i32, %arg1: memref<1000x128xf32, #tpu.memory_space<vmem>>, %arg2: memref<1000x128xf32, #tpu.memory_space<vmem>>, %arg3: memref<1000x128xf32, #tpu.memory_space<vmem>>, %arg4: memref<128x128xf32, #tpu.memory_space<vmem>>, %arg5: memref<1x128xf32, #tpu.memory_space<vmem>>, %arg6: memref<1000x128xf32, #tpu.memory_space<vmem>>, %arg7: memref<8x128xf32, #tpu.memory_space<vmem>>) attributes {dimension_semantics = [#tpu.dimension_semantics<arbitrary>], iteration_bounds = array<i64: 10>, scalar_prefetch = 0 : i64, scratch_operands = 0 : i64, tpu.core_type = #tpu.core_type<tc>, window_params = [{transform_indices = @transform_0, window_bounds = array<i64: 1000, 128>}, {transform_indices = @transform_1, window_bounds = array<i64: 1000, 128>}, {transform_indices = @transform_2, window_bounds = array<i64: 1000, 128>}, {pipeline_mode = #tpu.pipeline_mode<synchronous>, transform_indices = @transform_3, window_bounds = array<i64: 128, 128>}, {pipeline_mode = #tpu.pipeline_mode<synchronous>, transform_indices = @transform_4, window_bounds = array<i64: 1, 128>}, {transform_indices = @transform_5, window_bounds = array<i64: 1000, 128>}, {pipeline_mode = #tpu.pipeline_mode<synchronous>, transform_indices = @transform_6, window_bounds = array<i64: 8, 128>}]} {
    %get3A = arith.constant 0 : index
    %get3A_0 = arith.constant 0 : index
    %get3A_1 = vector.load %arg1[%get3A, %get3A_0] : memref<1000x128xf32, #tpu.memory_space<vmem>>, vector<1000x128xf32>
    %get3A_2 = arith.constant 0 : index
    %get3A_3 = arith.constant 0 : index
    %get3A_4 = vector.load %arg2[%get3A_2, %get3A_3] : memref<1000x128xf32, #tpu.memory_space<vmem>>, vector<1000x128xf32>
    %add3A = arith.addf %get3A_1, %get3A_4 : vector<1000x128xf32>
    %get3A_5 = arith.constant 0 : index
    %get3A_6 = arith.constant 0 : index
    %get3A_7 = vector.load %arg3[%get3A_5, %get3A_6] : memref<1000x128xf32, #tpu.memory_space<vmem>>, vector<1000x128xf32>
    %sub3A = arith.subf %add3A, %get3A_7 : vector<1000x128xf32>
    %get3A_8 = arith.constant 0 : index
    %get3A_9 = arith.constant 0 : index
    %get3A_10 = vector.load %arg4[%get3A_8, %get3A_9] : memref<128x128xf32, #tpu.memory_space<vmem>>, vector<128x128xf32>
    %convert_element_type3A = arith.truncf %sub3A : vector<1000x128xf32> to vector<1000x128xbf16>
    %convert_element_type3A_11 = arith.truncf %get3A_10 : vector<128x128xf32> to vector<128x128xbf16>
    %dot_general3A = arith.constant dense<0.000000e+00> : vector<1000x128xf32>
    %dot_general3A_12 = tpu.matmul %convert_element_type3A, %convert_element_type3A_11, %dot_general3A {dimension_numbers = #tpu.dot_dimension_numbers<[1], [0], [0], [1], [0, 0, 1, 1], [], []>, transpose_lhs_hint = false} : vector<1000x128xbf16>, vector<128x128xbf16>, vector<1000x128xf32> -> vector<1000x128xf32>
    %get3A_13 = arith.constant 0 : index
    %get3A_14 = arith.constant 0 : index
    %get3A_15 = vector.load %arg5[%get3A_13, %get3A_14] : memref<1x128xf32, #tpu.memory_space<vmem>>, vector<1x128xf32>
    %add3A_16 = vector.broadcast %get3A_15 : vector<1x128xf32> to vector<1000x128xf32>
    %add3A_17 = arith.addf %dot_general3A_12, %add3A_16 : vector<1000x128xf32>
    %swap3A = arith.constant 0 : index
    %swap3A_18 = arith.constant 0 : index
    %swap3A_19 = vector.load %arg6[%swap3A, %swap3A_18] : memref<1000x128xf32, #tpu.memory_space<vmem>>, vector<1000x128xf32>
    tpu.vector_store %arg6[%swap3A, %swap3A_18], %add3A_17 {strides = array<i32>} : memref<1000x128xf32, #tpu.memory_space<vmem>>, vector<1000x128xf32>,
    %eq3A = arith.constant 0 : i32
    %eq3A_20 = arith.cmpi eq, %arg0, %eq3A : i32
    %convert_element_type3A_21 = arith.extui %eq3A_20 : i1 to i32
    %cond3A = arith.constant 0 : i32
    %cond3A_22 = arith.cmpi ne, %convert_element_type3A_21, %cond3A : i32
    scf.if %cond3A_22 {
      %broadcast_in_dim3A_41 = arith.constant 0.000000e+00 : f32
      %broadcast_in_dim3A_42 = vector.broadcast %broadcast_in_dim3A_41 : f32 to vector<8x128xf32>
      %swap3A_43 = arith.constant 0 : index
      %swap3A_44 = arith.constant 0 : index
      %swap3A_45 = vector.load %arg7[%swap3A_43, %swap3A_44] : memref<8x128xf32, #tpu.memory_space<vmem>>, vector<8x128xf32>
      tpu.vector_store %arg7[%swap3A_43, %swap3A_44], %broadcast_in_dim3A_42 {strides = array<i32>} : memref<8x128xf32, #tpu.memory_space<vmem>>, vector<8x128xf32>,
    } else {
    }
    %get3A_23 = arith.constant 0 : index
    %get3A_24 = arith.constant 0 : index
    %get3A_25 = vector.load %arg7[%get3A_23, %get3A_24] : memref<8x128xf32, #tpu.memory_space<vmem>>, vector<1x128xf32>
    %reduce_sum3A = arith.constant dense<0.000000e+00> : vector<128xf32>
    %reduce_sum3A_26 = vector.multi_reduction <add>, %add3A_17, %reduce_sum3A [0] : vector<1000x128xf32> to vector<128xf32>
    %broadcast_in_dim3A = vector.shape_cast %reduce_sum3A_26 : vector<128xf32> to vector<1x128xf32>
    %add3A_27 = arith.addf %get3A_25, %broadcast_in_dim3A : vector<1x128xf32>
    %swap3A_28 = arith.constant 0 : index
    %swap3A_29 = arith.constant 0 : index
    %swap3A_30 = vector.load %arg7[%swap3A_28, %swap3A_29] : memref<8x128xf32, #tpu.memory_space<vmem>>, vector<1x128xf32>
    tpu.vector_store %arg7[%swap3A_28, %swap3A_29], %add3A_27 {strides = array<i32>} : memref<8x128xf32, #tpu.memory_space<vmem>>, vector<1x128xf32>,
    %get3A_31 = arith.constant 1 : index
    %get3A_32 = arith.constant 0 : index
    %get3A_33 = vector.load %arg7[%get3A_31, %get3A_32] : memref<8x128xf32, #tpu.memory_space<vmem>>, vector<1x128xf32>
    %mul3A = arith.mulf %add3A_17, %add3A_17 : vector<1000x128xf32>
    %reduce_sum3A_34 = arith.constant dense<0.000000e+00> : vector<128xf32>
    %reduce_sum3A_35 = vector.multi_reduction <add>, %mul3A, %reduce_sum3A_34 [0] : vector<1000x128xf32> to vector<128xf32>
    %broadcast_in_dim3A_36 = vector.shape_cast %reduce_sum3A_35 : vector<128xf32> to vector<1x128xf32>
    %add3A_37 = arith.addf %get3A_33, %broadcast_in_dim3A_36 : vector<1x128xf32>
    %swap3A_38 = arith.constant 1 : index
    %swap3A_39 = arith.constant 0 : index
    %swap3A_40 = vector.load %arg7[%swap3A_38, %swap3A_39] : memref<8x128xf32, #tpu.memory_space<vmem>>, vector<1x128xf32>
    tpu.vector_store %arg7[%swap3A_38, %swap3A_39], %add3A_37 {strides = array<i32>} : memref<8x128xf32, #tpu.memory_space<vmem>>, vector<1x128xf32>,
    return
  }
  func.func @transform_0(%arg0: i32) -> (i32, i32) {
    %c0_i32 = arith.constant 0 : i32
    %c0_i32_0 = arith.constant 0 : i32
    return %arg0, %c0_i32 : i32, i32
  }
  func.func @transform_1(%arg0: i32) -> (i32, i32) {
    %c0_i32 = arith.constant 0 : i32
    %c0_i32_0 = arith.constant 0 : i32
    return %arg0, %c0_i32 : i32, i32
  }
  func.func @transform_2(%arg0: i32) -> (i32, i32) {
    %c0_i32 = arith.constant 0 : i32
    %c0_i32_0 = arith.constant 0 : i32
    return %arg0, %c0_i32 : i32, i32
  }
  func.func @transform_3(%arg0: i32) -> (i32, i32) {
    %c0_i32 = arith.constant 0 : i32
    %c0_i32_0 = arith.constant 0 : i32
    %c0_i32_1 = arith.constant 0 : i32
    return %c0_i32, %c0_i32_0 : i32, i32
  }
  func.func @transform_4(%arg0: i32) -> (i32, i32) {
    %c0_i32 = arith.constant 0 : i32
    %c0_i32_0 = arith.constant 0 : i32
    %c0_i32_1 = arith.constant 0 : i32
    return %c0_i32, %c0_i32_0 : i32, i32
  }
  func.func @transform_5(%arg0: i32) -> (i32, i32) {
    %c0_i32 = arith.constant 0 : i32
    %c0_i32_0 = arith.constant 0 : i32
    return %arg0, %c0_i32 : i32, i32
  }
  func.func @transform_6(%arg0: i32) -> (i32, i32) {
    %c0_i32 = arith.constant 0 : i32
    %c0_i32_0 = arith.constant 0 : i32
    %c0_i32_1 = arith.constant 0 : i32
    return %c0_i32, %c0_i32_0 : i32, i32
  }
}

module attributes {stable_mosaic.version = 14 : i64} {
  func.func @body(%arg0: i32, %arg1: memref<1000x128xf32, #tpu.memory_space<vmem>>, %arg2: memref<8x128xf32, #tpu.memory_space<vmem>>, %arg3: memref<1x128xf32, #tpu.memory_space<vmem>>, %arg4: memref<1x128xf32, #tpu.memory_space<vmem>>, %arg5: memref<128x128xf32, #tpu.memory_space<vmem>>, %arg6: memref<1x128xf32, #tpu.memory_space<vmem>>, %arg7: memref<1000x128xf32, #tpu.memory_space<vmem>>, %arg8: memref<8x128xf32, #tpu.memory_space<vmem>>) attributes {dimension_semantics = [#tpu.dimension_semantics<arbitrary>], iteration_bounds = array<i64: 10>, scalar_prefetch = 0 : i64, scratch_operands = 0 : i64, tpu.core_type = #tpu.core_type<tc>, window_params = [{transform_indices = @transform_0, window_bounds = array<i64: 1000, 128>}, {pipeline_mode = #tpu.pipeline_mode<synchronous>, transform_indices = @transform_1, window_bounds = array<i64: 8, 128>}, {pipeline_mode = #tpu.pipeline_mode<synchronous>, transform_indices = @transform_2, window_bounds = array<i64: 1, 128>}, {pipeline_mode = #tpu.pipeline_mode<synchronous>, transform_indices = @transform_3, window_bounds = array<i64: 1, 128>}, {pipeline_mode = #tpu.pipeline_mode<synchronous>, transform_indices = @transform_4, window_bounds = array<i64: 128, 128>}, {pipeline_mode = #tpu.pipeline_mode<synchronous>, transform_indices = @transform_5, window_bounds = array<i64: 1, 128>}, {transform_indices = @transform_6, window_bounds = array<i64: 1000, 128>}, {pipeline_mode = #tpu.pipeline_mode<synchronous>, transform_indices = @transform_7, window_bounds = array<i64: 8, 128>}]} {
    %get3A = arith.constant 0 : index
    %get3A_0 = arith.constant 0 : index
    %get3A_1 = vector.load %arg2[%get3A, %get3A_0] : memref<8x128xf32, #tpu.memory_space<vmem>>, vector<1x128xf32>
    %div3A = arith.constant 1.000000e+04 : f32
    %div3A_2 = vector.broadcast %div3A : f32 to vector<1x128xf32>
    %div3A_3 = arith.divf %get3A_1, %div3A_2 : vector<1x128xf32>
    %get3A_4 = arith.constant 1 : index
    %get3A_5 = arith.constant 0 : index
    %get3A_6 = vector.load %arg2[%get3A_4, %get3A_5] : memref<8x128xf32, #tpu.memory_space<vmem>>, vector<1x128xf32>
    %div3A_7 = arith.constant 1.000000e+04 : f32
    %div3A_8 = vector.broadcast %div3A_7 : f32 to vector<1x128xf32>
    %div3A_9 = arith.divf %get3A_6, %div3A_8 : vector<1x128xf32>
    %mul3A = arith.mulf %div3A_3, %div3A_3 : vector<1x128xf32>
    %sub3A = arith.subf %div3A_9, %mul3A : vector<1x128xf32>
    %get3A_10 = arith.constant 0 : index
    %get3A_11 = arith.constant 0 : index
    %get3A_12 = vector.load %arg3[%get3A_10, %get3A_11] : memref<1x128xf32, #tpu.memory_space<vmem>>, vector<1x128xf32>
    %add3A = arith.constant 9.99999974E-6 : f32
    %add3A_13 = vector.broadcast %add3A : f32 to vector<1x128xf32>
    %add3A_14 = arith.addf %sub3A, %add3A_13 : vector<1x128xf32>
    %rsqrt3A = math.rsqrt %add3A_14 : vector<1x128xf32>
    %mul3A_15 = arith.mulf %get3A_12, %rsqrt3A : vector<1x128xf32>
    %get3A_16 = arith.constant 0 : index
    %get3A_17 = arith.constant 0 : index
    %get3A_18 = vector.load %arg1[%get3A_16, %get3A_17] : memref<1000x128xf32, #tpu.memory_space<vmem>>, vector<1000x128xf32>
    %mul3A_19 = vector.broadcast %mul3A_15 : vector<1x128xf32> to vector<1000x128xf32>
    %mul3A_20 = arith.mulf %get3A_18, %mul3A_19 : vector<1000x128xf32>
    %get3A_21 = arith.constant 0 : index
    %get3A_22 = arith.constant 0 : index
    %get3A_23 = vector.load %arg4[%get3A_21, %get3A_22] : memref<1x128xf32, #tpu.memory_space<vmem>>, vector<1x128xf32>
    %mul3A_24 = arith.mulf %div3A_3, %mul3A_15 : vector<1x128xf32>
    %sub3A_25 = arith.subf %get3A_23, %mul3A_24 : vector<1x128xf32>
    %add3A_26 = vector.broadcast %sub3A_25 : vector<1x128xf32> to vector<1000x128xf32>
    %add3A_27 = arith.addf %mul3A_20, %add3A_26 : vector<1000x128xf32>
    %max3A = arith.constant 0.000000e+00 : f32
    %max3A_28 = vector.broadcast %max3A : f32 to vector<1000x128xf32>
    %max3A_29 = arith.maximumf %add3A_27, %max3A_28 : vector<1000x128xf32>
    %get3A_30 = arith.constant 0 : index
    %get3A_31 = arith.constant 0 : index
    %get3A_32 = vector.load %arg5[%get3A_30, %get3A_31] : memref<128x128xf32, #tpu.memory_space<vmem>>, vector<128x128xf32>
    %convert_element_type3A = arith.truncf %max3A_29 : vector<1000x128xf32> to vector<1000x128xbf16>
    %convert_element_type3A_33 = arith.truncf %get3A_32 : vector<128x128xf32> to vector<128x128xbf16>
    %dot_general3A = arith.constant dense<0.000000e+00> : vector<1000x128xf32>
    %dot_general3A_34 = tpu.matmul %convert_element_type3A, %convert_element_type3A_33, %dot_general3A {dimension_numbers = #tpu.dot_dimension_numbers<[1], [0], [0], [1], [0, 0, 1, 1], [], []>, transpose_lhs_hint = false} : vector<1000x128xbf16>, vector<128x128xbf16>, vector<1000x128xf32> -> vector<1000x128xf32>
    %get3A_35 = arith.constant 0 : index
    %get3A_36 = arith.constant 0 : index
    %get3A_37 = vector.load %arg6[%get3A_35, %get3A_36] : memref<1x128xf32, #tpu.memory_space<vmem>>, vector<1x128xf32>
    %add3A_38 = vector.broadcast %get3A_37 : vector<1x128xf32> to vector<1000x128xf32>
    %add3A_39 = arith.addf %dot_general3A_34, %add3A_38 : vector<1000x128xf32>
    %swap3A = arith.constant 0 : index
    %swap3A_40 = arith.constant 0 : index
    %swap3A_41 = vector.load %arg7[%swap3A, %swap3A_40] : memref<1000x128xf32, #tpu.memory_space<vmem>>, vector<1000x128xf32>
    tpu.vector_store %arg7[%swap3A, %swap3A_40], %add3A_39 {strides = array<i32>} : memref<1000x128xf32, #tpu.memory_space<vmem>>, vector<1000x128xf32>,
    %eq3A = arith.constant 0 : i32
    %eq3A_42 = arith.cmpi eq, %arg0, %eq3A : i32
    %convert_element_type3A_43 = arith.extui %eq3A_42 : i1 to i32
    %cond3A = arith.constant 0 : i32
    %cond3A_44 = arith.cmpi ne, %convert_element_type3A_43, %cond3A : i32
    scf.if %cond3A_44 {
      %broadcast_in_dim3A_64 = arith.constant 0.000000e+00 : f32
      %broadcast_in_dim3A_65 = vector.broadcast %broadcast_in_dim3A_64 : f32 to vector<8x128xf32>
      %swap3A_66 = arith.constant 0 : index
      %swap3A_67 = arith.constant 0 : index
      %swap3A_68 = vector.load %arg8[%swap3A_66, %swap3A_67] : memref<8x128xf32, #tpu.memory_space<vmem>>, vector<8x128xf32>
      tpu.vector_store %arg8[%swap3A_66, %swap3A_67], %broadcast_in_dim3A_65 {strides = array<i32>} : memref<8x128xf32, #tpu.memory_space<vmem>>, vector<8x128xf32>,
    } else {
    }
    %get3A_45 = arith.constant 0 : index
    %get3A_46 = arith.constant 0 : index
    %get3A_47 = vector.load %arg8[%get3A_45, %get3A_46] : memref<8x128xf32, #tpu.memory_space<vmem>>, vector<1x128xf32>
    %reduce_sum3A = arith.constant dense<0.000000e+00> : vector<128xf32>
    %reduce_sum3A_48 = vector.multi_reduction <add>, %add3A_39, %reduce_sum3A [0] : vector<1000x128xf32> to vector<128xf32>
    %broadcast_in_dim3A = vector.shape_cast %reduce_sum3A_48 : vector<128xf32> to vector<1x128xf32>
    %add3A_49 = arith.addf %get3A_47, %broadcast_in_dim3A : vector<1x128xf32>
    %swap3A_50 = arith.constant 0 : index
    %swap3A_51 = arith.constant 0 : index
    %swap3A_52 = vector.load %arg8[%swap3A_50, %swap3A_51] : memref<8x128xf32, #tpu.memory_space<vmem>>, vector<1x128xf32>
    tpu.vector_store %arg8[%swap3A_50, %swap3A_51], %add3A_49 {strides = array<i32>} : memref<8x128xf32, #tpu.memory_space<vmem>>, vector<1x128xf32>,
    %get3A_53 = arith.constant 1 : index
    %get3A_54 = arith.constant 0 : index
    %get3A_55 = vector.load %arg8[%get3A_53, %get3A_54] : memref<8x128xf32, #tpu.memory_space<vmem>>, vector<1x128xf32>
    %mul3A_56 = arith.mulf %add3A_39, %add3A_39 : vector<1000x128xf32>
    %reduce_sum3A_57 = arith.constant dense<0.000000e+00> : vector<128xf32>
    %reduce_sum3A_58 = vector.multi_reduction <add>, %mul3A_56, %reduce_sum3A_57 [0] : vector<1000x128xf32> to vector<128xf32>
    %broadcast_in_dim3A_59 = vector.shape_cast %reduce_sum3A_58 : vector<128xf32> to vector<1x128xf32>
    %add3A_60 = arith.addf %get3A_55, %broadcast_in_dim3A_59 : vector<1x128xf32>
    %swap3A_61 = arith.constant 1 : index
    %swap3A_62 = arith.constant 0 : index
    %swap3A_63 = vector.load %arg8[%swap3A_61, %swap3A_62] : memref<8x128xf32, #tpu.memory_space<vmem>>, vector<1x128xf32>
    tpu.vector_store %arg8[%swap3A_61, %swap3A_62], %add3A_60 {strides = array<i32>} : memref<8x128xf32, #tpu.memory_space<vmem>>, vector<1x128xf32>,
    return
  }
  func.func @transform_0(%arg0: i32) -> (i32, i32) {
    %c0_i32 = arith.constant 0 : i32
    %c0_i32_0 = arith.constant 0 : i32
    return %arg0, %c0_i32 : i32, i32
  }
  func.func @transform_1(%arg0: i32) -> (i32, i32) {
    %c0_i32 = arith.constant 0 : i32
    %c0_i32_0 = arith.constant 0 : i32
    %c0_i32_1 = arith.constant 0 : i32
    return %c0_i32, %c0_i32_0 : i32, i32
  }
  func.func @transform_2(%arg0: i32) -> (i32, i32) {
    %c0_i32 = arith.constant 0 : i32
    %c0_i32_0 = arith.constant 0 : i32
    %c0_i32_1 = arith.constant 0 : i32
    return %c0_i32, %c0_i32_0 : i32, i32
  }
  func.func @transform_3(%arg0: i32) -> (i32, i32) {
    %c0_i32 = arith.constant 0 : i32
    %c0_i32_0 = arith.constant 0 : i32
    %c0_i32_1 = arith.constant 0 : i32
    return %c0_i32, %c0_i32_0 : i32, i32
  }
  func.func @transform_4(%arg0: i32) -> (i32, i32) {
    %c0_i32 = arith.constant 0 : i32
    %c0_i32_0 = arith.constant 0 : i32
    %c0_i32_1 = arith.constant 0 : i32
    return %c0_i32, %c0_i32_0 : i32, i32
  }
  func.func @transform_5(%arg0: i32) -> (i32, i32) {
    %c0_i32 = arith.constant 0 : i32
    %c0_i32_0 = arith.constant 0 : i32
    %c0_i32_1 = arith.constant 0 : i32
    return %c0_i32, %c0_i32_0 : i32, i32
  }
  func.func @transform_6(%arg0: i32) -> (i32, i32) {
    %c0_i32 = arith.constant 0 : i32
    %c0_i32_0 = arith.constant 0 : i32
    return %arg0, %c0_i32 : i32, i32
  }
  func.func @transform_7(%arg0: i32) -> (i32, i32) {
    %c0_i32 = arith.constant 0 : i32
    %c0_i32_0 = arith.constant 0 : i32
    %c0_i32_1 = arith.constant 0 : i32
    return %c0_i32, %c0_i32_0 : i32, i32
  }
}

module attributes {stable_mosaic.version = 14 : i64} {
  func.func @body(%arg0: i32, %arg1: memref<1000x128xf32, #tpu.memory_space<vmem>>, %arg2: memref<1000x128xf32, #tpu.memory_space<vmem>>, %arg3: memref<1000x128xf32, #tpu.memory_space<vmem>>, %arg4: memref<128x256xf32, #tpu.memory_space<vmem>>, %arg5: memref<1x256xf32, #tpu.memory_space<vmem>>, %arg6: memref<1000x256xf32, #tpu.memory_space<vmem>>, %arg7: memref<8x256xf32, #tpu.memory_space<vmem>>) attributes {dimension_semantics = [#tpu.dimension_semantics<arbitrary>], iteration_bounds = array<i64: 10>, scalar_prefetch = 0 : i64, scratch_operands = 0 : i64, tpu.core_type = #tpu.core_type<tc>, window_params = [{transform_indices = @transform_0, window_bounds = array<i64: 1000, 128>}, {transform_indices = @transform_1, window_bounds = array<i64: 1000, 128>}, {transform_indices = @transform_2, window_bounds = array<i64: 1000, 128>}, {pipeline_mode = #tpu.pipeline_mode<synchronous>, transform_indices = @transform_3, window_bounds = array<i64: 128, 256>}, {pipeline_mode = #tpu.pipeline_mode<synchronous>, transform_indices = @transform_4, window_bounds = array<i64: 1, 256>}, {transform_indices = @transform_5, window_bounds = array<i64: 1000, 256>}, {pipeline_mode = #tpu.pipeline_mode<synchronous>, transform_indices = @transform_6, window_bounds = array<i64: 8, 256>}]} {
    %get3A = arith.constant 0 : index
    %get3A_0 = arith.constant 0 : index
    %get3A_1 = vector.load %arg1[%get3A, %get3A_0] : memref<1000x128xf32, #tpu.memory_space<vmem>>, vector<1000x128xf32>
    %get3A_2 = arith.constant 0 : index
    %get3A_3 = arith.constant 0 : index
    %get3A_4 = vector.load %arg2[%get3A_2, %get3A_3] : memref<1000x128xf32, #tpu.memory_space<vmem>>, vector<1000x128xf32>
    %add3A = arith.addf %get3A_1, %get3A_4 : vector<1000x128xf32>
    %get3A_5 = arith.constant 0 : index
    %get3A_6 = arith.constant 0 : index
    %get3A_7 = vector.load %arg3[%get3A_5, %get3A_6] : memref<1000x128xf32, #tpu.memory_space<vmem>>, vector<1000x128xf32>
    %sub3A = arith.subf %add3A, %get3A_7 : vector<1000x128xf32>
    %get3A_8 = arith.constant 0 : index
    %get3A_9 = arith.constant 0 : index
    %get3A_10 = vector.load %arg4[%get3A_8, %get3A_9] : memref<128x256xf32, #tpu.memory_space<vmem>>, vector<128x256xf32>
    %convert_element_type3A = arith.truncf %sub3A : vector<1000x128xf32> to vector<1000x128xbf16>
    %convert_element_type3A_11 = arith.truncf %get3A_10 : vector<128x256xf32> to vector<128x256xbf16>
    %dot_general3A = arith.constant dense<0.000000e+00> : vector<1000x256xf32>
    %dot_general3A_12 = tpu.matmul %convert_element_type3A, %convert_element_type3A_11, %dot_general3A {dimension_numbers = #tpu.dot_dimension_numbers<[1], [0], [0], [1], [0, 0, 1, 1], [], []>, transpose_lhs_hint = false} : vector<1000x128xbf16>, vector<128x256xbf16>, vector<1000x256xf32> -> vector<1000x256xf32>
    %get3A_13 = arith.constant 0 : index
    %get3A_14 = arith.constant 0 : index
    %get3A_15 = vector.load %arg5[%get3A_13, %get3A_14] : memref<1x256xf32, #tpu.memory_space<vmem>>, vector<1x256xf32>
    %add3A_16 = vector.broadcast %get3A_15 : vector<1x256xf32> to vector<1000x256xf32>
    %add3A_17 = arith.addf %dot_general3A_12, %add3A_16 : vector<1000x256xf32>
    %swap3A = arith.constant 0 : index
    %swap3A_18 = arith.constant 0 : index
    %swap3A_19 = vector.load %arg6[%swap3A, %swap3A_18] : memref<1000x256xf32, #tpu.memory_space<vmem>>, vector<1000x256xf32>
    tpu.vector_store %arg6[%swap3A, %swap3A_18], %add3A_17 {strides = array<i32>} : memref<1000x256xf32, #tpu.memory_space<vmem>>, vector<1000x256xf32>,
    %eq3A = arith.constant 0 : i32
    %eq3A_20 = arith.cmpi eq, %arg0, %eq3A : i32
    %convert_element_type3A_21 = arith.extui %eq3A_20 : i1 to i32
    %cond3A = arith.constant 0 : i32
    %cond3A_22 = arith.cmpi ne, %convert_element_type3A_21, %cond3A : i32
    scf.if %cond3A_22 {
      %broadcast_in_dim3A_41 = arith.constant 0.000000e+00 : f32
      %broadcast_in_dim3A_42 = vector.broadcast %broadcast_in_dim3A_41 : f32 to vector<8x256xf32>
      %swap3A_43 = arith.constant 0 : index
      %swap3A_44 = arith.constant 0 : index
      %swap3A_45 = vector.load %arg7[%swap3A_43, %swap3A_44] : memref<8x256xf32, #tpu.memory_space<vmem>>, vector<8x256xf32>
      tpu.vector_store %arg7[%swap3A_43, %swap3A_44], %broadcast_in_dim3A_42 {strides = array<i32>} : memref<8x256xf32, #tpu.memory_space<vmem>>, vector<8x256xf32>,
    } else {
    }
    %get3A_23 = arith.constant 0 : index
    %get3A_24 = arith.constant 0 : index
    %get3A_25 = vector.load %arg7[%get3A_23, %get3A_24] : memref<8x256xf32, #tpu.memory_space<vmem>>, vector<1x256xf32>
    %reduce_sum3A = arith.constant dense<0.000000e+00> : vector<256xf32>
    %reduce_sum3A_26 = vector.multi_reduction <add>, %add3A_17, %reduce_sum3A [0] : vector<1000x256xf32> to vector<256xf32>
    %broadcast_in_dim3A = vector.shape_cast %reduce_sum3A_26 : vector<256xf32> to vector<1x256xf32>
    %add3A_27 = arith.addf %get3A_25, %broadcast_in_dim3A : vector<1x256xf32>
    %swap3A_28 = arith.constant 0 : index
    %swap3A_29 = arith.constant 0 : index
    %swap3A_30 = vector.load %arg7[%swap3A_28, %swap3A_29] : memref<8x256xf32, #tpu.memory_space<vmem>>, vector<1x256xf32>
    tpu.vector_store %arg7[%swap3A_28, %swap3A_29], %add3A_27 {strides = array<i32>} : memref<8x256xf32, #tpu.memory_space<vmem>>, vector<1x256xf32>,
    %get3A_31 = arith.constant 1 : index
    %get3A_32 = arith.constant 0 : index
    %get3A_33 = vector.load %arg7[%get3A_31, %get3A_32] : memref<8x256xf32, #tpu.memory_space<vmem>>, vector<1x256xf32>
    %mul3A = arith.mulf %add3A_17, %add3A_17 : vector<1000x256xf32>
    %reduce_sum3A_34 = arith.constant dense<0.000000e+00> : vector<256xf32>
    %reduce_sum3A_35 = vector.multi_reduction <add>, %mul3A, %reduce_sum3A_34 [0] : vector<1000x256xf32> to vector<256xf32>
    %broadcast_in_dim3A_36 = vector.shape_cast %reduce_sum3A_35 : vector<256xf32> to vector<1x256xf32>
    %add3A_37 = arith.addf %get3A_33, %broadcast_in_dim3A_36 : vector<1x256xf32>
    %swap3A_38 = arith.constant 1 : index
    %swap3A_39 = arith.constant 0 : index
    %swap3A_40 = vector.load %arg7[%swap3A_38, %swap3A_39] : memref<8x256xf32, #tpu.memory_space<vmem>>, vector<1x256xf32>
    tpu.vector_store %arg7[%swap3A_38, %swap3A_39], %add3A_37 {strides = array<i32>} : memref<8x256xf32, #tpu.memory_space<vmem>>, vector<1x256xf32>,
    return
  }
  func.func @transform_0(%arg0: i32) -> (i32, i32) {
    %c0_i32 = arith.constant 0 : i32
    %c0_i32_0 = arith.constant 0 : i32
    return %arg0, %c0_i32 : i32, i32
  }
  func.func @transform_1(%arg0: i32) -> (i32, i32) {
    %c0_i32 = arith.constant 0 : i32
    %c0_i32_0 = arith.constant 0 : i32
    return %arg0, %c0_i32 : i32, i32
  }
  func.func @transform_2(%arg0: i32) -> (i32, i32) {
    %c0_i32 = arith.constant 0 : i32
    %c0_i32_0 = arith.constant 0 : i32
    return %arg0, %c0_i32 : i32, i32
  }
  func.func @transform_3(%arg0: i32) -> (i32, i32) {
    %c0_i32 = arith.constant 0 : i32
    %c0_i32_0 = arith.constant 0 : i32
    %c0_i32_1 = arith.constant 0 : i32
    return %c0_i32, %c0_i32_0 : i32, i32
  }
  func.func @transform_4(%arg0: i32) -> (i32, i32) {
    %c0_i32 = arith.constant 0 : i32
    %c0_i32_0 = arith.constant 0 : i32
    %c0_i32_1 = arith.constant 0 : i32
    return %c0_i32, %c0_i32_0 : i32, i32
  }
  func.func @transform_5(%arg0: i32) -> (i32, i32) {
    %c0_i32 = arith.constant 0 : i32
    %c0_i32_0 = arith.constant 0 : i32
    return %arg0, %c0_i32 : i32, i32
  }
  func.func @transform_6(%arg0: i32) -> (i32, i32) {
    %c0_i32 = arith.constant 0 : i32
    %c0_i32_0 = arith.constant 0 : i32
    %c0_i32_1 = arith.constant 0 : i32
    return %c0_i32, %c0_i32_0 : i32, i32
  }
}

module attributes {stable_mosaic.version = 14 : i64} {
  func.func @body(%arg0: i32, %arg1: memref<1000x128xf32, #tpu.memory_space<vmem>>, %arg2: memref<8x128xf32, #tpu.memory_space<vmem>>, %arg3: memref<1x128xf32, #tpu.memory_space<vmem>>, %arg4: memref<1x128xf32, #tpu.memory_space<vmem>>, %arg5: memref<1000x128xf32, #tpu.memory_space<vmem>>) attributes {dimension_semantics = [#tpu.dimension_semantics<arbitrary>], iteration_bounds = array<i64: 10>, scalar_prefetch = 0 : i64, scratch_operands = 0 : i64, tpu.core_type = #tpu.core_type<tc>, window_params = [{transform_indices = @transform_0, window_bounds = array<i64: 1000, 128>}, {pipeline_mode = #tpu.pipeline_mode<synchronous>, transform_indices = @transform_1, window_bounds = array<i64: 8, 128>}, {pipeline_mode = #tpu.pipeline_mode<synchronous>, transform_indices = @transform_2, window_bounds = array<i64: 1, 128>}, {pipeline_mode = #tpu.pipeline_mode<synchronous>, transform_indices = @transform_3, window_bounds = array<i64: 1, 128>}, {transform_indices = @transform_4, window_bounds = array<i64: 1000, 128>}]} {
    %get3A = arith.constant 0 : index
    %get3A_0 = arith.constant 0 : index
    %get3A_1 = vector.load %arg2[%get3A, %get3A_0] : memref<8x128xf32, #tpu.memory_space<vmem>>, vector<1x128xf32>
    %div3A = arith.constant 1.000000e+04 : f32
    %div3A_2 = vector.broadcast %div3A : f32 to vector<1x128xf32>
    %div3A_3 = arith.divf %get3A_1, %div3A_2 : vector<1x128xf32>
    %get3A_4 = arith.constant 1 : index
    %get3A_5 = arith.constant 0 : index
    %get3A_6 = vector.load %arg2[%get3A_4, %get3A_5] : memref<8x128xf32, #tpu.memory_space<vmem>>, vector<1x128xf32>
    %div3A_7 = arith.constant 1.000000e+04 : f32
    %div3A_8 = vector.broadcast %div3A_7 : f32 to vector<1x128xf32>
    %div3A_9 = arith.divf %get3A_6, %div3A_8 : vector<1x128xf32>
    %mul3A = arith.mulf %div3A_3, %div3A_3 : vector<1x128xf32>
    %sub3A = arith.subf %div3A_9, %mul3A : vector<1x128xf32>
    %get3A_10 = arith.constant 0 : index
    %get3A_11 = arith.constant 0 : index
    %get3A_12 = vector.load %arg3[%get3A_10, %get3A_11] : memref<1x128xf32, #tpu.memory_space<vmem>>, vector<1x128xf32>
    %add3A = arith.constant 9.99999974E-6 : f32
    %add3A_13 = vector.broadcast %add3A : f32 to vector<1x128xf32>
    %add3A_14 = arith.addf %sub3A, %add3A_13 : vector<1x128xf32>
    %rsqrt3A = math.rsqrt %add3A_14 : vector<1x128xf32>
    %mul3A_15 = arith.mulf %get3A_12, %rsqrt3A : vector<1x128xf32>
    %get3A_16 = arith.constant 0 : index
    %get3A_17 = arith.constant 0 : index
    %get3A_18 = vector.load %arg1[%get3A_16, %get3A_17] : memref<1000x128xf32, #tpu.memory_space<vmem>>, vector<1000x128xf32>
    %mul3A_19 = vector.broadcast %mul3A_15 : vector<1x128xf32> to vector<1000x128xf32>
    %mul3A_20 = arith.mulf %get3A_18, %mul3A_19 : vector<1000x128xf32>
    %get3A_21 = arith.constant 0 : index
    %get3A_22 = arith.constant 0 : index
    %get3A_23 = vector.load %arg4[%get3A_21, %get3A_22] : memref<1x128xf32, #tpu.memory_space<vmem>>, vector<1x128xf32>
    %mul3A_24 = arith.mulf %div3A_3, %mul3A_15 : vector<1x128xf32>
    %sub3A_25 = arith.subf %get3A_23, %mul3A_24 : vector<1x128xf32>
    %add3A_26 = vector.broadcast %sub3A_25 : vector<1x128xf32> to vector<1000x128xf32>
    %add3A_27 = arith.addf %mul3A_20, %add3A_26 : vector<1000x128xf32>
    %max3A = arith.constant 0.000000e+00 : f32
    %max3A_28 = vector.broadcast %max3A : f32 to vector<1000x128xf32>
    %max3A_29 = arith.maximumf %add3A_27, %max3A_28 : vector<1000x128xf32>
    %swap3A = arith.constant 0 : index
    %swap3A_30 = arith.constant 0 : index
    %swap3A_31 = vector.load %arg5[%swap3A, %swap3A_30] : memref<1000x128xf32, #tpu.memory_space<vmem>>, vector<1000x128xf32>
    tpu.vector_store %arg5[%swap3A, %swap3A_30], %max3A_29 {strides = array<i32>} : memref<1000x128xf32, #tpu.memory_space<vmem>>, vector<1000x128xf32>,
    return
  }
  func.func @transform_0(%arg0: i32) -> (i32, i32) {
    %c0_i32 = arith.constant 0 : i32
    %c0_i32_0 = arith.constant 0 : i32
    return %arg0, %c0_i32 : i32, i32
  }
  func.func @transform_1(%arg0: i32) -> (i32, i32) {
    %c0_i32 = arith.constant 0 : i32
    %c0_i32_0 = arith.constant 0 : i32
    %c0_i32_1 = arith.constant 0 : i32
    return %c0_i32, %c0_i32_0 : i32, i32
  }
  func.func @transform_2(%arg0: i32) -> (i32, i32) {
    %c0_i32 = arith.constant 0 : i32
    %c0_i32_0 = arith.constant 0 : i32
    %c0_i32_1 = arith.constant 0 : i32
    return %c0_i32, %c0_i32_0 : i32, i32
  }
  func.func @transform_3(%arg0: i32) -> (i32, i32) {
    %c0_i32 = arith.constant 0 : i32
    %c0_i32_0 = arith.constant 0 : i32
    %c0_i32_1 = arith.constant 0 : i32
    return %c0_i32, %c0_i32_0 : i32, i32
  }
  func.func @transform_4(%arg0: i32) -> (i32, i32) {
    %c0_i32 = arith.constant 0 : i32
    %c0_i32_0 = arith.constant 0 : i32
    return %arg0, %c0_i32 : i32, i32
  }
}

module attributes {stable_mosaic.version = 14 : i64} {
  func.func @body(%arg0: i32, %arg1: memref<1000x256xf32, #tpu.memory_space<vmem>>, %arg2: memref<8x256xf32, #tpu.memory_space<vmem>>, %arg3: memref<1x256xf32, #tpu.memory_space<vmem>>, %arg4: memref<1x256xf32, #tpu.memory_space<vmem>>, %arg5: memref<256x256xf32, #tpu.memory_space<vmem>>, %arg6: memref<1x256xf32, #tpu.memory_space<vmem>>, %arg7: memref<1000x256xf32, #tpu.memory_space<vmem>>, %arg8: memref<8x256xf32, #tpu.memory_space<vmem>>) attributes {dimension_semantics = [#tpu.dimension_semantics<arbitrary>], iteration_bounds = array<i64: 10>, scalar_prefetch = 0 : i64, scratch_operands = 0 : i64, tpu.core_type = #tpu.core_type<tc>, window_params = [{transform_indices = @transform_0, window_bounds = array<i64: 1000, 256>}, {pipeline_mode = #tpu.pipeline_mode<synchronous>, transform_indices = @transform_1, window_bounds = array<i64: 8, 256>}, {pipeline_mode = #tpu.pipeline_mode<synchronous>, transform_indices = @transform_2, window_bounds = array<i64: 1, 256>}, {pipeline_mode = #tpu.pipeline_mode<synchronous>, transform_indices = @transform_3, window_bounds = array<i64: 1, 256>}, {pipeline_mode = #tpu.pipeline_mode<synchronous>, transform_indices = @transform_4, window_bounds = array<i64: 256, 256>}, {pipeline_mode = #tpu.pipeline_mode<synchronous>, transform_indices = @transform_5, window_bounds = array<i64: 1, 256>}, {transform_indices = @transform_6, window_bounds = array<i64: 1000, 256>}, {pipeline_mode = #tpu.pipeline_mode<synchronous>, transform_indices = @transform_7, window_bounds = array<i64: 8, 256>}]} {
    %get3A = arith.constant 0 : index
    %get3A_0 = arith.constant 0 : index
    %get3A_1 = vector.load %arg2[%get3A, %get3A_0] : memref<8x256xf32, #tpu.memory_space<vmem>>, vector<1x256xf32>
    %div3A = arith.constant 1.000000e+04 : f32
    %div3A_2 = vector.broadcast %div3A : f32 to vector<1x256xf32>
    %div3A_3 = arith.divf %get3A_1, %div3A_2 : vector<1x256xf32>
    %get3A_4 = arith.constant 1 : index
    %get3A_5 = arith.constant 0 : index
    %get3A_6 = vector.load %arg2[%get3A_4, %get3A_5] : memref<8x256xf32, #tpu.memory_space<vmem>>, vector<1x256xf32>
    %div3A_7 = arith.constant 1.000000e+04 : f32
    %div3A_8 = vector.broadcast %div3A_7 : f32 to vector<1x256xf32>
    %div3A_9 = arith.divf %get3A_6, %div3A_8 : vector<1x256xf32>
    %mul3A = arith.mulf %div3A_3, %div3A_3 : vector<1x256xf32>
    %sub3A = arith.subf %div3A_9, %mul3A : vector<1x256xf32>
    %get3A_10 = arith.constant 0 : index
    %get3A_11 = arith.constant 0 : index
    %get3A_12 = vector.load %arg3[%get3A_10, %get3A_11] : memref<1x256xf32, #tpu.memory_space<vmem>>, vector<1x256xf32>
    %add3A = arith.constant 9.99999974E-6 : f32
    %add3A_13 = vector.broadcast %add3A : f32 to vector<1x256xf32>
    %add3A_14 = arith.addf %sub3A, %add3A_13 : vector<1x256xf32>
    %rsqrt3A = math.rsqrt %add3A_14 : vector<1x256xf32>
    %mul3A_15 = arith.mulf %get3A_12, %rsqrt3A : vector<1x256xf32>
    %get3A_16 = arith.constant 0 : index
    %get3A_17 = arith.constant 0 : index
    %get3A_18 = vector.load %arg1[%get3A_16, %get3A_17] : memref<1000x256xf32, #tpu.memory_space<vmem>>, vector<1000x256xf32>
    %mul3A_19 = vector.broadcast %mul3A_15 : vector<1x256xf32> to vector<1000x256xf32>
    %mul3A_20 = arith.mulf %get3A_18, %mul3A_19 : vector<1000x256xf32>
    %get3A_21 = arith.constant 0 : index
    %get3A_22 = arith.constant 0 : index
    %get3A_23 = vector.load %arg4[%get3A_21, %get3A_22] : memref<1x256xf32, #tpu.memory_space<vmem>>, vector<1x256xf32>
    %mul3A_24 = arith.mulf %div3A_3, %mul3A_15 : vector<1x256xf32>
    %sub3A_25 = arith.subf %get3A_23, %mul3A_24 : vector<1x256xf32>
    %add3A_26 = vector.broadcast %sub3A_25 : vector<1x256xf32> to vector<1000x256xf32>
    %add3A_27 = arith.addf %mul3A_20, %add3A_26 : vector<1000x256xf32>
    %max3A = arith.constant 0.000000e+00 : f32
    %max3A_28 = vector.broadcast %max3A : f32 to vector<1000x256xf32>
    %max3A_29 = arith.maximumf %add3A_27, %max3A_28 : vector<1000x256xf32>
    %get3A_30 = arith.constant 0 : index
    %get3A_31 = arith.constant 0 : index
    %get3A_32 = vector.load %arg5[%get3A_30, %get3A_31] : memref<256x256xf32, #tpu.memory_space<vmem>>, vector<256x256xf32>
    %convert_element_type3A = arith.truncf %max3A_29 : vector<1000x256xf32> to vector<1000x256xbf16>
    %convert_element_type3A_33 = arith.truncf %get3A_32 : vector<256x256xf32> to vector<256x256xbf16>
    %dot_general3A = arith.constant dense<0.000000e+00> : vector<1000x256xf32>
    %dot_general3A_34 = tpu.matmul %convert_element_type3A, %convert_element_type3A_33, %dot_general3A {dimension_numbers = #tpu.dot_dimension_numbers<[1], [0], [0], [1], [0, 0, 1, 1], [], []>, transpose_lhs_hint = false} : vector<1000x256xbf16>, vector<256x256xbf16>, vector<1000x256xf32> -> vector<1000x256xf32>
    %get3A_35 = arith.constant 0 : index
    %get3A_36 = arith.constant 0 : index
    %get3A_37 = vector.load %arg6[%get3A_35, %get3A_36] : memref<1x256xf32, #tpu.memory_space<vmem>>, vector<1x256xf32>
    %add3A_38 = vector.broadcast %get3A_37 : vector<1x256xf32> to vector<1000x256xf32>
    %add3A_39 = arith.addf %dot_general3A_34, %add3A_38 : vector<1000x256xf32>
    %swap3A = arith.constant 0 : index
    %swap3A_40 = arith.constant 0 : index
    %swap3A_41 = vector.load %arg7[%swap3A, %swap3A_40] : memref<1000x256xf32, #tpu.memory_space<vmem>>, vector<1000x256xf32>
    tpu.vector_store %arg7[%swap3A, %swap3A_40], %add3A_39 {strides = array<i32>} : memref<1000x256xf32, #tpu.memory_space<vmem>>, vector<1000x256xf32>,
    %eq3A = arith.constant 0 : i32
    %eq3A_42 = arith.cmpi eq, %arg0, %eq3A : i32
    %convert_element_type3A_43 = arith.extui %eq3A_42 : i1 to i32
    %cond3A = arith.constant 0 : i32
    %cond3A_44 = arith.cmpi ne, %convert_element_type3A_43, %cond3A : i32
    scf.if %cond3A_44 {
      %broadcast_in_dim3A_64 = arith.constant 0.000000e+00 : f32
      %broadcast_in_dim3A_65 = vector.broadcast %broadcast_in_dim3A_64 : f32 to vector<8x256xf32>
      %swap3A_66 = arith.constant 0 : index
      %swap3A_67 = arith.constant 0 : index
      %swap3A_68 = vector.load %arg8[%swap3A_66, %swap3A_67] : memref<8x256xf32, #tpu.memory_space<vmem>>, vector<8x256xf32>
      tpu.vector_store %arg8[%swap3A_66, %swap3A_67], %broadcast_in_dim3A_65 {strides = array<i32>} : memref<8x256xf32, #tpu.memory_space<vmem>>, vector<8x256xf32>,
    } else {
    }
    %get3A_45 = arith.constant 0 : index
    %get3A_46 = arith.constant 0 : index
    %get3A_47 = vector.load %arg8[%get3A_45, %get3A_46] : memref<8x256xf32, #tpu.memory_space<vmem>>, vector<1x256xf32>
    %reduce_sum3A = arith.constant dense<0.000000e+00> : vector<256xf32>
    %reduce_sum3A_48 = vector.multi_reduction <add>, %add3A_39, %reduce_sum3A [0] : vector<1000x256xf32> to vector<256xf32>
    %broadcast_in_dim3A = vector.shape_cast %reduce_sum3A_48 : vector<256xf32> to vector<1x256xf32>
    %add3A_49 = arith.addf %get3A_47, %broadcast_in_dim3A : vector<1x256xf32>
    %swap3A_50 = arith.constant 0 : index
    %swap3A_51 = arith.constant 0 : index
    %swap3A_52 = vector.load %arg8[%swap3A_50, %swap3A_51] : memref<8x256xf32, #tpu.memory_space<vmem>>, vector<1x256xf32>
    tpu.vector_store %arg8[%swap3A_50, %swap3A_51], %add3A_49 {strides = array<i32>} : memref<8x256xf32, #tpu.memory_space<vmem>>, vector<1x256xf32>,
    %get3A_53 = arith.constant 1 : index
    %get3A_54 = arith.constant 0 : index
    %get3A_55 = vector.load %arg8[%get3A_53, %get3A_54] : memref<8x256xf32, #tpu.memory_space<vmem>>, vector<1x256xf32>
    %mul3A_56 = arith.mulf %add3A_39, %add3A_39 : vector<1000x256xf32>
    %reduce_sum3A_57 = arith.constant dense<0.000000e+00> : vector<256xf32>
    %reduce_sum3A_58 = vector.multi_reduction <add>, %mul3A_56, %reduce_sum3A_57 [0] : vector<1000x256xf32> to vector<256xf32>
    %broadcast_in_dim3A_59 = vector.shape_cast %reduce_sum3A_58 : vector<256xf32> to vector<1x256xf32>
    %add3A_60 = arith.addf %get3A_55, %broadcast_in_dim3A_59 : vector<1x256xf32>
    %swap3A_61 = arith.constant 1 : index
    %swap3A_62 = arith.constant 0 : index
    %swap3A_63 = vector.load %arg8[%swap3A_61, %swap3A_62] : memref<8x256xf32, #tpu.memory_space<vmem>>, vector<1x256xf32>
    tpu.vector_store %arg8[%swap3A_61, %swap3A_62], %add3A_60 {strides = array<i32>} : memref<8x256xf32, #tpu.memory_space<vmem>>, vector<1x256xf32>,
    return
  }
  func.func @transform_0(%arg0: i32) -> (i32, i32) {
    %c0_i32 = arith.constant 0 : i32
    %c0_i32_0 = arith.constant 0 : i32
    return %arg0, %c0_i32 : i32, i32
  }
  func.func @transform_1(%arg0: i32) -> (i32, i32) {
    %c0_i32 = arith.constant 0 : i32
    %c0_i32_0 = arith.constant 0 : i32
    %c0_i32_1 = arith.constant 0 : i32
    return %c0_i32, %c0_i32_0 : i32, i32
  }
  func.func @transform_2(%arg0: i32) -> (i32, i32) {
    %c0_i32 = arith.constant 0 : i32
    %c0_i32_0 = arith.constant 0 : i32
    %c0_i32_1 = arith.constant 0 : i32
    return %c0_i32, %c0_i32_0 : i32, i32
  }
  func.func @transform_3(%arg0: i32) -> (i32, i32) {
    %c0_i32 = arith.constant 0 : i32
    %c0_i32_0 = arith.constant 0 : i32
    %c0_i32_1 = arith.constant 0 : i32
    return %c0_i32, %c0_i32_0 : i32, i32
  }
  func.func @transform_4(%arg0: i32) -> (i32, i32) {
    %c0_i32 = arith.constant 0 : i32
    %c0_i32_0 = arith.constant 0 : i32
    %c0_i32_1 = arith.constant 0 : i32
    return %c0_i32, %c0_i32_0 : i32, i32
  }
  func.func @transform_5(%arg0: i32) -> (i32, i32) {
    %c0_i32 = arith.constant 0 : i32
    %c0_i32_0 = arith.constant 0 : i32
    %c0_i32_1 = arith.constant 0 : i32
    return %c0_i32, %c0_i32_0 : i32, i32
  }
  func.func @transform_6(%arg0: i32) -> (i32, i32) {
    %c0_i32 = arith.constant 0 : i32
    %c0_i32_0 = arith.constant 0 : i32
    return %arg0, %c0_i32 : i32, i32
  }
  func.func @transform_7(%arg0: i32) -> (i32, i32) {
    %c0_i32 = arith.constant 0 : i32
    %c0_i32_0 = arith.constant 0 : i32
    %c0_i32_1 = arith.constant 0 : i32
    return %c0_i32, %c0_i32_0 : i32, i32
  }
}

module attributes {stable_mosaic.version = 14 : i64} {
  func.func @body(%arg0: i32, %arg1: memref<1000x256xf32, #tpu.memory_space<vmem>>, %arg2: memref<8x256xf32, #tpu.memory_space<vmem>>, %arg3: memref<1x256xf32, #tpu.memory_space<vmem>>, %arg4: memref<1x256xf32, #tpu.memory_space<vmem>>, %arg5: memref<1000x128xf32, #tpu.memory_space<vmem>>, %arg6: memref<1000x128xf32, #tpu.memory_space<vmem>>) attributes {dimension_semantics = [#tpu.dimension_semantics<arbitrary>], iteration_bounds = array<i64: 10>, scalar_prefetch = 0 : i64, scratch_operands = 0 : i64, tpu.core_type = #tpu.core_type<tc>, window_params = [{transform_indices = @transform_0, window_bounds = array<i64: 1000, 256>}, {pipeline_mode = #tpu.pipeline_mode<synchronous>, transform_indices = @transform_1, window_bounds = array<i64: 8, 256>}, {pipeline_mode = #tpu.pipeline_mode<synchronous>, transform_indices = @transform_2, window_bounds = array<i64: 1, 256>}, {pipeline_mode = #tpu.pipeline_mode<synchronous>, transform_indices = @transform_3, window_bounds = array<i64: 1, 256>}, {transform_indices = @transform_4, window_bounds = array<i64: 1000, 128>}, {transform_indices = @transform_5, window_bounds = array<i64: 1000, 128>}]} {
    %get3A = arith.constant 0 : index
    %get3A_0 = arith.constant 0 : index
    %get3A_1 = vector.load %arg2[%get3A, %get3A_0] : memref<8x256xf32, #tpu.memory_space<vmem>>, vector<1x256xf32>
    %div3A = arith.constant 1.000000e+04 : f32
    %div3A_2 = vector.broadcast %div3A : f32 to vector<1x256xf32>
    %div3A_3 = arith.divf %get3A_1, %div3A_2 : vector<1x256xf32>
    %get3A_4 = arith.constant 1 : index
    %get3A_5 = arith.constant 0 : index
    %get3A_6 = vector.load %arg2[%get3A_4, %get3A_5] : memref<8x256xf32, #tpu.memory_space<vmem>>, vector<1x256xf32>
    %div3A_7 = arith.constant 1.000000e+04 : f32
    %div3A_8 = vector.broadcast %div3A_7 : f32 to vector<1x256xf32>
    %div3A_9 = arith.divf %get3A_6, %div3A_8 : vector<1x256xf32>
    %mul3A = arith.mulf %div3A_3, %div3A_3 : vector<1x256xf32>
    %sub3A = arith.subf %div3A_9, %mul3A : vector<1x256xf32>
    %get3A_10 = arith.constant 0 : index
    %get3A_11 = arith.constant 0 : index
    %get3A_12 = vector.load %arg3[%get3A_10, %get3A_11] : memref<1x256xf32, #tpu.memory_space<vmem>>, vector<1x256xf32>
    %add3A = arith.constant 9.99999974E-6 : f32
    %add3A_13 = vector.broadcast %add3A : f32 to vector<1x256xf32>
    %add3A_14 = arith.addf %sub3A, %add3A_13 : vector<1x256xf32>
    %rsqrt3A = math.rsqrt %add3A_14 : vector<1x256xf32>
    %mul3A_15 = arith.mulf %get3A_12, %rsqrt3A : vector<1x256xf32>
    %get3A_16 = arith.constant 0 : index
    %get3A_17 = arith.constant 0 : index
    %get3A_18 = vector.load %arg1[%get3A_16, %get3A_17] : memref<1000x256xf32, #tpu.memory_space<vmem>>, vector<1000x256xf32>
    %mul3A_19 = vector.broadcast %mul3A_15 : vector<1x256xf32> to vector<1000x256xf32>
    %mul3A_20 = arith.mulf %get3A_18, %mul3A_19 : vector<1000x256xf32>
    %get3A_21 = arith.constant 0 : index
    %get3A_22 = arith.constant 0 : index
    %get3A_23 = vector.load %arg4[%get3A_21, %get3A_22] : memref<1x256xf32, #tpu.memory_space<vmem>>, vector<1x256xf32>
    %mul3A_24 = arith.mulf %div3A_3, %mul3A_15 : vector<1x256xf32>
    %sub3A_25 = arith.subf %get3A_23, %mul3A_24 : vector<1x256xf32>
    %add3A_26 = vector.broadcast %sub3A_25 : vector<1x256xf32> to vector<1000x256xf32>
    %add3A_27 = arith.addf %mul3A_20, %add3A_26 : vector<1000x256xf32>
    %max3A = arith.constant 0.000000e+00 : f32
    %max3A_28 = vector.broadcast %max3A : f32 to vector<1000x256xf32>
    %max3A_29 = arith.maximumf %add3A_27, %max3A_28 : vector<1000x256xf32>
    %slice3A = vector.extract_strided_slice %max3A_29 {offsets = [0, 0], sizes = [1000, 128], strides = [1, 1]} : vector<1000x256xf32> to vector<1000x128xf32>
    %swap3A = arith.constant 0 : index
    %swap3A_30 = arith.constant 0 : index
    %swap3A_31 = vector.load %arg5[%swap3A, %swap3A_30] : memref<1000x128xf32, #tpu.memory_space<vmem>>, vector<1000x128xf32>
    tpu.vector_store %arg5[%swap3A, %swap3A_30], %slice3A {strides = array<i32>} : memref<1000x128xf32, #tpu.memory_space<vmem>>, vector<1000x128xf32>,
    %slice3A_32 = vector.extract_strided_slice %max3A_29 {offsets = [0, 128], sizes = [1000, 128], strides = [1, 1]} : vector<1000x256xf32> to vector<1000x128xf32>
    %swap3A_33 = arith.constant 0 : index
    %swap3A_34 = arith.constant 0 : index
    %swap3A_35 = vector.load %arg6[%swap3A_33, %swap3A_34] : memref<1000x128xf32, #tpu.memory_space<vmem>>, vector<1000x128xf32>
    tpu.vector_store %arg6[%swap3A_33, %swap3A_34], %slice3A_32 {strides = array<i32>} : memref<1000x128xf32, #tpu.memory_space<vmem>>, vector<1000x128xf32>,
    return
  }
  func.func @transform_0(%arg0: i32) -> (i32, i32) {
    %c0_i32 = arith.constant 0 : i32
    %c0_i32_0 = arith.constant 0 : i32
    return %arg0, %c0_i32 : i32, i32
  }
  func.func @transform_1(%arg0: i32) -> (i32, i32) {
    %c0_i32 = arith.constant 0 : i32
    %c0_i32_0 = arith.constant 0 : i32
    %c0_i32_1 = arith.constant 0 : i32
    return %c0_i32, %c0_i32_0 : i32, i32
  }
  func.func @transform_2(%arg0: i32) -> (i32, i32) {
    %c0_i32 = arith.constant 0 : i32
    %c0_i32_0 = arith.constant 0 : i32
    %c0_i32_1 = arith.constant 0 : i32
    return %c0_i32, %c0_i32_0 : i32, i32
  }
  func.func @transform_3(%arg0: i32) -> (i32, i32) {
    %c0_i32 = arith.constant 0 : i32
    %c0_i32_0 = arith.constant 0 : i32
    %c0_i32_1 = arith.constant 0 : i32
    return %c0_i32, %c0_i32_0 : i32, i32
  }
  func.func @transform_4(%arg0: i32) -> (i32, i32) {
    %c0_i32 = arith.constant 0 : i32
    %c0_i32_0 = arith.constant 0 : i32
    return %arg0, %c0_i32 : i32, i32
  }
  func.func @transform_5(%arg0: i32) -> (i32, i32) {
    %c0_i32 = arith.constant 0 : i32
    %c0_i32_0 = arith.constant 0 : i32
    return %arg0, %c0_i32 : i32, i32
  }
}

module attributes {stable_mosaic.version = 14 : i64} {
  func.func @body(%arg0: i32, %arg1: memref<1000x128xf32, #tpu.memory_space<vmem>>, %arg2: memref<1000x128xf32, #tpu.memory_space<vmem>>, %arg3: memref<256x256xf32, #tpu.memory_space<vmem>>, %arg4: memref<1x256xf32, #tpu.memory_space<vmem>>, %arg5: memref<1000x256xf32, #tpu.memory_space<vmem>>, %arg6: memref<8x256xf32, #tpu.memory_space<vmem>>) attributes {dimension_semantics = [#tpu.dimension_semantics<arbitrary>], iteration_bounds = array<i64: 10>, scalar_prefetch = 0 : i64, scratch_operands = 0 : i64, tpu.core_type = #tpu.core_type<tc>, window_params = [{transform_indices = @transform_0, window_bounds = array<i64: 1000, 128>}, {transform_indices = @transform_1, window_bounds = array<i64: 1000, 128>}, {pipeline_mode = #tpu.pipeline_mode<synchronous>, transform_indices = @transform_2, window_bounds = array<i64: 256, 256>}, {pipeline_mode = #tpu.pipeline_mode<synchronous>, transform_indices = @transform_3, window_bounds = array<i64: 1, 256>}, {transform_indices = @transform_4, window_bounds = array<i64: 1000, 256>}, {pipeline_mode = #tpu.pipeline_mode<synchronous>, transform_indices = @transform_5, window_bounds = array<i64: 8, 256>}]} {
    %get3A = arith.constant 0 : index
    %get3A_0 = arith.constant 0 : index
    %get3A_1 = vector.load %arg1[%get3A, %get3A_0] : memref<1000x128xf32, #tpu.memory_space<vmem>>, vector<1000x128xf32>
    %get3A_2 = arith.constant 0 : index
    %get3A_3 = arith.constant 0 : index
    %get3A_4 = vector.load %arg2[%get3A_2, %get3A_3] : memref<1000x128xf32, #tpu.memory_space<vmem>>, vector<1000x128xf32>
    %concatenate3A = tpu.concatenate %get3A_1, %get3A_4 in 1 : vector<1000x128xf32>, vector<1000x128xf32> -> vector<1000x256xf32>
    %get3A_5 = arith.constant 0 : index
    %get3A_6 = arith.constant 0 : index
    %get3A_7 = vector.load %arg3[%get3A_5, %get3A_6] : memref<256x256xf32, #tpu.memory_space<vmem>>, vector<256x256xf32>
    %convert_element_type3A = arith.truncf %concatenate3A : vector<1000x256xf32> to vector<1000x256xbf16>
    %convert_element_type3A_8 = arith.truncf %get3A_7 : vector<256x256xf32> to vector<256x256xbf16>
    %dot_general3A = arith.constant dense<0.000000e+00> : vector<1000x256xf32>
    %dot_general3A_9 = tpu.matmul %convert_element_type3A, %convert_element_type3A_8, %dot_general3A {dimension_numbers = #tpu.dot_dimension_numbers<[1], [0], [0], [1], [0, 0, 1, 1], [], []>, transpose_lhs_hint = false} : vector<1000x256xbf16>, vector<256x256xbf16>, vector<1000x256xf32> -> vector<1000x256xf32>
    %get3A_10 = arith.constant 0 : index
    %get3A_11 = arith.constant 0 : index
    %get3A_12 = vector.load %arg4[%get3A_10, %get3A_11] : memref<1x256xf32, #tpu.memory_space<vmem>>, vector<1x256xf32>
    %add3A = vector.broadcast %get3A_12 : vector<1x256xf32> to vector<1000x256xf32>
    %add3A_13 = arith.addf %dot_general3A_9, %add3A : vector<1000x256xf32>
    %swap3A = arith.constant 0 : index
    %swap3A_14 = arith.constant 0 : index
    %swap3A_15 = vector.load %arg5[%swap3A, %swap3A_14] : memref<1000x256xf32, #tpu.memory_space<vmem>>, vector<1000x256xf32>
    tpu.vector_store %arg5[%swap3A, %swap3A_14], %add3A_13 {strides = array<i32>} : memref<1000x256xf32, #tpu.memory_space<vmem>>, vector<1000x256xf32>,
    %eq3A = arith.constant 0 : i32
    %eq3A_16 = arith.cmpi eq, %arg0, %eq3A : i32
    %convert_element_type3A_17 = arith.extui %eq3A_16 : i1 to i32
    %cond3A = arith.constant 0 : i32
    %cond3A_18 = arith.cmpi ne, %convert_element_type3A_17, %cond3A : i32
    scf.if %cond3A_18 {
      %broadcast_in_dim3A_37 = arith.constant 0.000000e+00 : f32
      %broadcast_in_dim3A_38 = vector.broadcast %broadcast_in_dim3A_37 : f32 to vector<8x256xf32>
      %swap3A_39 = arith.constant 0 : index
      %swap3A_40 = arith.constant 0 : index
      %swap3A_41 = vector.load %arg6[%swap3A_39, %swap3A_40] : memref<8x256xf32, #tpu.memory_space<vmem>>, vector<8x256xf32>
      tpu.vector_store %arg6[%swap3A_39, %swap3A_40], %broadcast_in_dim3A_38 {strides = array<i32>} : memref<8x256xf32, #tpu.memory_space<vmem>>, vector<8x256xf32>,
    } else {
    }
    %get3A_19 = arith.constant 0 : index
    %get3A_20 = arith.constant 0 : index
    %get3A_21 = vector.load %arg6[%get3A_19, %get3A_20] : memref<8x256xf32, #tpu.memory_space<vmem>>, vector<1x256xf32>
    %reduce_sum3A = arith.constant dense<0.000000e+00> : vector<256xf32>
    %reduce_sum3A_22 = vector.multi_reduction <add>, %add3A_13, %reduce_sum3A [0] : vector<1000x256xf32> to vector<256xf32>
    %broadcast_in_dim3A = vector.shape_cast %reduce_sum3A_22 : vector<256xf32> to vector<1x256xf32>
    %add3A_23 = arith.addf %get3A_21, %broadcast_in_dim3A : vector<1x256xf32>
    %swap3A_24 = arith.constant 0 : index
    %swap3A_25 = arith.constant 0 : index
    %swap3A_26 = vector.load %arg6[%swap3A_24, %swap3A_25] : memref<8x256xf32, #tpu.memory_space<vmem>>, vector<1x256xf32>
    tpu.vector_store %arg6[%swap3A_24, %swap3A_25], %add3A_23 {strides = array<i32>} : memref<8x256xf32, #tpu.memory_space<vmem>>, vector<1x256xf32>,
    %get3A_27 = arith.constant 1 : index
    %get3A_28 = arith.constant 0 : index
    %get3A_29 = vector.load %arg6[%get3A_27, %get3A_28] : memref<8x256xf32, #tpu.memory_space<vmem>>, vector<1x256xf32>
    %mul3A = arith.mulf %add3A_13, %add3A_13 : vector<1000x256xf32>
    %reduce_sum3A_30 = arith.constant dense<0.000000e+00> : vector<256xf32>
    %reduce_sum3A_31 = vector.multi_reduction <add>, %mul3A, %reduce_sum3A_30 [0] : vector<1000x256xf32> to vector<256xf32>
    %broadcast_in_dim3A_32 = vector.shape_cast %reduce_sum3A_31 : vector<256xf32> to vector<1x256xf32>
    %add3A_33 = arith.addf %get3A_29, %broadcast_in_dim3A_32 : vector<1x256xf32>
    %swap3A_34 = arith.constant 1 : index
    %swap3A_35 = arith.constant 0 : index
    %swap3A_36 = vector.load %arg6[%swap3A_34, %swap3A_35] : memref<8x256xf32, #tpu.memory_space<vmem>>, vector<1x256xf32>
    tpu.vector_store %arg6[%swap3A_34, %swap3A_35], %add3A_33 {strides = array<i32>} : memref<8x256xf32, #tpu.memory_space<vmem>>, vector<1x256xf32>,
    return
  }
  func.func @transform_0(%arg0: i32) -> (i32, i32) {
    %c0_i32 = arith.constant 0 : i32
    %c0_i32_0 = arith.constant 0 : i32
    return %arg0, %c0_i32 : i32, i32
  }
  func.func @transform_1(%arg0: i32) -> (i32, i32) {
    %c0_i32 = arith.constant 0 : i32
    %c0_i32_0 = arith.constant 0 : i32
    return %arg0, %c0_i32 : i32, i32
  }
  func.func @transform_2(%arg0: i32) -> (i32, i32) {
    %c0_i32 = arith.constant 0 : i32
    %c0_i32_0 = arith.constant 0 : i32
    %c0_i32_1 = arith.constant 0 : i32
    return %c0_i32, %c0_i32_0 : i32, i32
  }
  func.func @transform_3(%arg0: i32) -> (i32, i32) {
    %c0_i32 = arith.constant 0 : i32
    %c0_i32_0 = arith.constant 0 : i32
    %c0_i32_1 = arith.constant 0 : i32
    return %c0_i32, %c0_i32_0 : i32, i32
  }
  func.func @transform_4(%arg0: i32) -> (i32, i32) {
    %c0_i32 = arith.constant 0 : i32
    %c0_i32_0 = arith.constant 0 : i32
    return %arg0, %c0_i32 : i32, i32
  }
  func.func @transform_5(%arg0: i32) -> (i32, i32) {
    %c0_i32 = arith.constant 0 : i32
    %c0_i32_0 = arith.constant 0 : i32
    %c0_i32_1 = arith.constant 0 : i32
    return %c0_i32, %c0_i32_0 : i32, i32
  }
}

module attributes {stable_mosaic.version = 14 : i64} {
  func.func @body(%arg0: i32, %arg1: memref<1000x256xf32, #tpu.memory_space<vmem>>, %arg2: memref<8x256xf32, #tpu.memory_space<vmem>>, %arg3: memref<1x256xf32, #tpu.memory_space<vmem>>, %arg4: memref<1x256xf32, #tpu.memory_space<vmem>>, %arg5: memref<1x1x1000xi32, #tpu.memory_space<vmem>>, %arg6: memref<64x256xf32, #tpu.memory_space<vmem>>) attributes {dimension_semantics = [#tpu.dimension_semantics<arbitrary>], iteration_bounds = array<i64: 10>, scalar_prefetch = 0 : i64, scratch_operands = 0 : i64, tpu.core_type = #tpu.core_type<tc>, window_params = [{transform_indices = @transform_0, window_bounds = array<i64: 1000, 256>}, {pipeline_mode = #tpu.pipeline_mode<synchronous>, transform_indices = @transform_1, window_bounds = array<i64: 8, 256>}, {pipeline_mode = #tpu.pipeline_mode<synchronous>, transform_indices = @transform_2, window_bounds = array<i64: 1, 256>}, {pipeline_mode = #tpu.pipeline_mode<synchronous>, transform_indices = @transform_3, window_bounds = array<i64: 1, 256>}, {transform_indices = @transform_4, window_bounds = array<i64: 1, 1, 1000>}, {pipeline_mode = #tpu.pipeline_mode<synchronous>, transform_indices = @transform_5, window_bounds = array<i64: 64, 256>}]} {
    %get3A = arith.constant 0 : index
    %get3A_0 = arith.constant 0 : index
    %get3A_1 = vector.load %arg2[%get3A, %get3A_0] : memref<8x256xf32, #tpu.memory_space<vmem>>, vector<1x256xf32>
    %div3A = arith.constant 1.000000e+04 : f32
    %div3A_2 = vector.broadcast %div3A : f32 to vector<1x256xf32>
    %div3A_3 = arith.divf %get3A_1, %div3A_2 : vector<1x256xf32>
    %get3A_4 = arith.constant 1 : index
    %get3A_5 = arith.constant 0 : index
    %get3A_6 = vector.load %arg2[%get3A_4, %get3A_5] : memref<8x256xf32, #tpu.memory_space<vmem>>, vector<1x256xf32>
    %div3A_7 = arith.constant 1.000000e+04 : f32
    %div3A_8 = vector.broadcast %div3A_7 : f32 to vector<1x256xf32>
    %div3A_9 = arith.divf %get3A_6, %div3A_8 : vector<1x256xf32>
    %mul3A = arith.mulf %div3A_3, %div3A_3 : vector<1x256xf32>
    %sub3A = arith.subf %div3A_9, %mul3A : vector<1x256xf32>
    %get3A_10 = arith.constant 0 : index
    %get3A_11 = arith.constant 0 : index
    %get3A_12 = vector.load %arg3[%get3A_10, %get3A_11] : memref<1x256xf32, #tpu.memory_space<vmem>>, vector<1x256xf32>
    %add3A = arith.constant 9.99999974E-6 : f32
    %add3A_13 = vector.broadcast %add3A : f32 to vector<1x256xf32>
    %add3A_14 = arith.addf %sub3A, %add3A_13 : vector<1x256xf32>
    %rsqrt3A = math.rsqrt %add3A_14 : vector<1x256xf32>
    %mul3A_15 = arith.mulf %get3A_12, %rsqrt3A : vector<1x256xf32>
    %get3A_16 = arith.constant 0 : index
    %get3A_17 = arith.constant 0 : index
    %get3A_18 = vector.load %arg1[%get3A_16, %get3A_17] : memref<1000x256xf32, #tpu.memory_space<vmem>>, vector<1000x256xf32>
    %mul3A_19 = vector.broadcast %mul3A_15 : vector<1x256xf32> to vector<1000x256xf32>
    %mul3A_20 = arith.mulf %get3A_18, %mul3A_19 : vector<1000x256xf32>
    %get3A_21 = arith.constant 0 : index
    %get3A_22 = arith.constant 0 : index
    %get3A_23 = vector.load %arg4[%get3A_21, %get3A_22] : memref<1x256xf32, #tpu.memory_space<vmem>>, vector<1x256xf32>
    %mul3A_24 = arith.mulf %div3A_3, %mul3A_15 : vector<1x256xf32>
    %sub3A_25 = arith.subf %get3A_23, %mul3A_24 : vector<1x256xf32>
    %add3A_26 = vector.broadcast %sub3A_25 : vector<1x256xf32> to vector<1000x256xf32>
    %add3A_27 = arith.addf %mul3A_20, %add3A_26 : vector<1000x256xf32>
    %max3A = arith.constant 0.000000e+00 : f32
    %max3A_28 = vector.broadcast %max3A : f32 to vector<1000x256xf32>
    %max3A_29 = arith.maximumf %add3A_27, %max3A_28 : vector<1000x256xf32>
    %get3A_30 = arith.constant 0 : index
    %get3A_31 = arith.constant 0 : index
    %get3A_32 = arith.constant 0 : index
    %get3A_33 = vector.load %arg5[%get3A_30, %get3A_31, %get3A_32] : memref<1x1x1000xi32, #tpu.memory_space<vmem>>, vector<1x1x1000xi32>
    %get3A_34 = vector.shape_cast %get3A_33 : vector<1x1x1000xi32> to vector<1000xi32>
    %broadcast_in_dim3A = vector.shape_cast %get3A_34 : vector<1000xi32> to vector<1000x1xi32>
    %iota3A = tpu.iota {dimensions = array<i32: 1>} : vector<1x64xi32>
    %eq3A = vector.broadcast %broadcast_in_dim3A : vector<1000x1xi32> to vector<1000x64xi32>
    %eq3A_35 = vector.broadcast %iota3A : vector<1x64xi32> to vector<1000x64xi32>
    %eq3A_36 = arith.cmpi eq, %eq3A, %eq3A_35 : vector<1000x64xi32>
    %convert_element_type3A = arith.extui %eq3A_36 : vector<1000x64xi1> to vector<1000x64xi32>
    %convert_element_type3A_37 = arith.sitofp %convert_element_type3A : vector<1000x64xi32> to vector<1000x64xf32>
    %eq3A_38 = arith.constant 0 : i32
    %eq3A_39 = arith.cmpi eq, %arg0, %eq3A_38 : i32
    %convert_element_type3A_40 = arith.extui %eq3A_39 : i1 to i32
    %cond3A = arith.constant 0 : i32
    %cond3A_41 = arith.cmpi ne, %convert_element_type3A_40, %cond3A : i32
    scf.if %cond3A_41 {
      %broadcast_in_dim3A_57 = arith.constant 0.000000e+00 : f32
      %broadcast_in_dim3A_58 = vector.broadcast %broadcast_in_dim3A_57 : f32 to vector<64x256xf32>
      %swap3A_59 = arith.constant 0 : index
      %swap3A_60 = arith.constant 0 : index
      %swap3A_61 = vector.load %arg6[%swap3A_59, %swap3A_60] : memref<64x256xf32, #tpu.memory_space<vmem>>, vector<64x256xf32>
      tpu.vector_store %arg6[%swap3A_59, %swap3A_60], %broadcast_in_dim3A_58 {strides = array<i32>} : memref<64x256xf32, #tpu.memory_space<vmem>>, vector<64x256xf32>,
    } else {
    }
    %convert_element_type3A_42 = arith.truncf %max3A_29 : vector<1000x256xf32> to vector<1000x256xbf16>
    %convert_element_type3A_43 = arith.extf %convert_element_type3A_42 : vector<1000x256xbf16> to vector<1000x256xf32>
    %sub3A_44 = arith.subf %max3A_29, %convert_element_type3A_43 : vector<1000x256xf32>
    %convert_element_type3A_45 = arith.truncf %sub3A_44 : vector<1000x256xf32> to vector<1000x256xbf16>
    %convert_element_type3A_46 = arith.truncf %convert_element_type3A_37 : vector<1000x64xf32> to vector<1000x64xbf16>
    %get3A_47 = arith.constant 0 : index
    %get3A_48 = arith.constant 0 : index
    %get3A_49 = vector.load %arg6[%get3A_47, %get3A_48] : memref<64x256xf32, #tpu.memory_space<vmem>>, vector<64x256xf32>
    %dot_general3A = arith.constant dense<0.000000e+00> : vector<64x256xf32>
    %dot_general3A_50 = tpu.matmul %convert_element_type3A_46, %convert_element_type3A_42, %dot_general3A {dimension_numbers = #tpu.dot_dimension_numbers<[0], [0], [1], [1], [0, 1, 1, 1], [], []>, transpose_lhs_hint = false} : vector<1000x64xbf16>, vector<1000x256xbf16>, vector<64x256xf32> -> vector<64x256xf32>
    %dot_general3A_51 = arith.constant dense<0.000000e+00> : vector<64x256xf32>
    %dot_general3A_52 = tpu.matmul %convert_element_type3A_46, %convert_element_type3A_45, %dot_general3A_51 {dimension_numbers = #tpu.dot_dimension_numbers<[0], [0], [1], [1], [0, 1, 1, 1], [], []>, transpose_lhs_hint = false} : vector<1000x64xbf16>, vector<1000x256xbf16>, vector<64x256xf32> -> vector<64x256xf32>
    %add3A_53 = arith.addf %dot_general3A_50, %dot_general3A_52 : vector<64x256xf32>
    %add3A_54 = arith.addf %get3A_49, %add3A_53 : vector<64x256xf32>
    %swap3A = arith.constant 0 : index
    %swap3A_55 = arith.constant 0 : index
    %swap3A_56 = vector.load %arg6[%swap3A, %swap3A_55] : memref<64x256xf32, #tpu.memory_space<vmem>>, vector<64x256xf32>
    tpu.vector_store %arg6[%swap3A, %swap3A_55], %add3A_54 {strides = array<i32>} : memref<64x256xf32, #tpu.memory_space<vmem>>, vector<64x256xf32>,
    return
  }
  func.func @transform_0(%arg0: i32) -> (i32, i32) {
    %c0_i32 = arith.constant 0 : i32
    %c0_i32_0 = arith.constant 0 : i32
    return %arg0, %c0_i32 : i32, i32
  }
  func.func @transform_1(%arg0: i32) -> (i32, i32) {
    %c0_i32 = arith.constant 0 : i32
    %c0_i32_0 = arith.constant 0 : i32
    %c0_i32_1 = arith.constant 0 : i32
    return %c0_i32, %c0_i32_0 : i32, i32
  }
  func.func @transform_2(%arg0: i32) -> (i32, i32) {
    %c0_i32 = arith.constant 0 : i32
    %c0_i32_0 = arith.constant 0 : i32
    %c0_i32_1 = arith.constant 0 : i32
    return %c0_i32, %c0_i32_0 : i32, i32
  }
  func.func @transform_3(%arg0: i32) -> (i32, i32) {
    %c0_i32 = arith.constant 0 : i32
    %c0_i32_0 = arith.constant 0 : i32
    %c0_i32_1 = arith.constant 0 : i32
    return %c0_i32, %c0_i32_0 : i32, i32
  }
  func.func @transform_4(%arg0: i32) -> (i32, i32, i32) {
    %c0_i32 = arith.constant 0 : i32
    %c0_i32_0 = arith.constant 0 : i32
    %c0_i32_1 = arith.constant 0 : i32
    return %arg0, %c0_i32, %c0_i32_0 : i32, i32, i32
  }
  func.func @transform_5(%arg0: i32) -> (i32, i32) {
    %c0_i32 = arith.constant 0 : i32
    %c0_i32_0 = arith.constant 0 : i32
    %c0_i32_1 = arith.constant 0 : i32
    return %c0_i32, %c0_i32_0 : i32, i32
  }
}

module attributes {stable_mosaic.version = 14 : i64} {
  func.func @body(%arg0: memref<64x256xf32, #tpu.memory_space<vmem>>, %arg1: memref<256x128xf32, #tpu.memory_space<vmem>>, %arg2: memref<1x128xf32, #tpu.memory_space<vmem>>, %arg3: memref<1x128xf32, #tpu.memory_space<vmem>>, %arg4: memref<1x128xf32, #tpu.memory_space<vmem>>, %arg5: memref<128x1xf32, #tpu.memory_space<vmem>>, %arg6: memref<1x1xf32, #tpu.memory_space<vmem>>, %arg7: memref<64x1xf32, #tpu.memory_space<vmem>>) attributes {dimension_semantics = [], scalar_prefetch = 0 : i64, scratch_operands = 0 : i64, tpu.core_type = #tpu.core_type<tc>} {
    %get3A = arith.constant 0 : index
    %get3A_0 = arith.constant 0 : index
    %get3A_1 = vector.load %arg0[%get3A, %get3A_0] : memref<64x256xf32, #tpu.memory_space<vmem>>, vector<64x256xf32>
    %get3A_2 = arith.constant 0 : index
    %get3A_3 = arith.constant 0 : index
    %get3A_4 = vector.load %arg1[%get3A_2, %get3A_3] : memref<256x128xf32, #tpu.memory_space<vmem>>, vector<256x128xf32>
    %convert_element_type3A = arith.truncf %get3A_1 : vector<64x256xf32> to vector<64x256xbf16>
    %convert_element_type3A_5 = arith.truncf %get3A_4 : vector<256x128xf32> to vector<256x128xbf16>
    %dot_general3A = arith.constant dense<0.000000e+00> : vector<64x128xf32>
    %dot_general3A_6 = tpu.matmul %convert_element_type3A, %convert_element_type3A_5, %dot_general3A {dimension_numbers = #tpu.dot_dimension_numbers<[1], [0], [0], [1], [0, 0, 1, 1], [], []>, transpose_lhs_hint = false} : vector<64x256xbf16>, vector<256x128xbf16>, vector<64x128xf32> -> vector<64x128xf32>
    %get3A_7 = arith.constant 0 : index
    %get3A_8 = arith.constant 0 : index
    %get3A_9 = vector.load %arg2[%get3A_7, %get3A_8] : memref<1x128xf32, #tpu.memory_space<vmem>>, vector<1x128xf32>
    %add3A = vector.broadcast %get3A_9 : vector<1x128xf32> to vector<64x128xf32>
    %add3A_10 = arith.addf %dot_general3A_6, %add3A : vector<64x128xf32>
    %reduce_sum3A = arith.constant dense<0.000000e+00> : vector<128xf32>
    %reduce_sum3A_11 = vector.multi_reduction <add>, %add3A_10, %reduce_sum3A [0] : vector<64x128xf32> to vector<128xf32>
    %broadcast_in_dim3A = vector.shape_cast %reduce_sum3A_11 : vector<128xf32> to vector<1x128xf32>
    %div3A = arith.constant 6.400000e+01 : f32
    %div3A_12 = vector.broadcast %div3A : f32 to vector<1x128xf32>
    %div3A_13 = arith.divf %broadcast_in_dim3A, %div3A_12 : vector<1x128xf32>
    %mul3A = arith.mulf %add3A_10, %add3A_10 : vector<64x128xf32>
    %reduce_sum3A_14 = arith.constant dense<0.000000e+00> : vector<128xf32>
    %reduce_sum3A_15 = vector.multi_reduction <add>, %mul3A, %reduce_sum3A_14 [0] : vector<64x128xf32> to vector<128xf32>
    %broadcast_in_dim3A_16 = vector.shape_cast %reduce_sum3A_15 : vector<128xf32> to vector<1x128xf32>
    %div3A_17 = arith.constant 6.400000e+01 : f32
    %div3A_18 = vector.broadcast %div3A_17 : f32 to vector<1x128xf32>
    %div3A_19 = arith.divf %broadcast_in_dim3A_16, %div3A_18 : vector<1x128xf32>
    %mul3A_20 = arith.mulf %div3A_13, %div3A_13 : vector<1x128xf32>
    %sub3A = arith.subf %div3A_19, %mul3A_20 : vector<1x128xf32>
    %get3A_21 = arith.constant 0 : index
    %get3A_22 = arith.constant 0 : index
    %get3A_23 = vector.load %arg3[%get3A_21, %get3A_22] : memref<1x128xf32, #tpu.memory_space<vmem>>, vector<1x128xf32>
    %add3A_24 = arith.constant 9.99999974E-6 : f32
    %add3A_25 = vector.broadcast %add3A_24 : f32 to vector<1x128xf32>
    %add3A_26 = arith.addf %sub3A, %add3A_25 : vector<1x128xf32>
    %rsqrt3A = math.rsqrt %add3A_26 : vector<1x128xf32>
    %mul3A_27 = arith.mulf %get3A_23, %rsqrt3A : vector<1x128xf32>
    %mul3A_28 = vector.broadcast %mul3A_27 : vector<1x128xf32> to vector<64x128xf32>
    %mul3A_29 = arith.mulf %add3A_10, %mul3A_28 : vector<64x128xf32>
    %get3A_30 = arith.constant 0 : index
    %get3A_31 = arith.constant 0 : index
    %get3A_32 = vector.load %arg4[%get3A_30, %get3A_31] : memref<1x128xf32, #tpu.memory_space<vmem>>, vector<1x128xf32>
    %mul3A_33 = arith.mulf %div3A_13, %mul3A_27 : vector<1x128xf32>
    %sub3A_34 = arith.subf %get3A_32, %mul3A_33 : vector<1x128xf32>
    %add3A_35 = vector.broadcast %sub3A_34 : vector<1x128xf32> to vector<64x128xf32>
    %add3A_36 = arith.addf %mul3A_29, %add3A_35 : vector<64x128xf32>
    %max3A = arith.constant 0.000000e+00 : f32
    %max3A_37 = vector.broadcast %max3A : f32 to vector<64x128xf32>
    %max3A_38 = arith.maximumf %add3A_36, %max3A_37 : vector<64x128xf32>
    %get3A_39 = arith.constant 0 : index
    %get3A_40 = arith.constant 0 : index
    %get3A_41 = vector.load %arg5[%get3A_39, %get3A_40] : memref<128x1xf32, #tpu.memory_space<vmem>>, vector<128x1xf32>
    %convert_element_type3A_42 = arith.truncf %max3A_38 : vector<64x128xf32> to vector<64x128xbf16>
    %convert_element_type3A_43 = arith.truncf %get3A_41 : vector<128x1xf32> to vector<128x1xbf16>
    %dot_general3A_44 = arith.constant dense<0.000000e+00> : vector<64x1xf32>
    %dot_general3A_45 = tpu.matmul %convert_element_type3A_42, %convert_element_type3A_43, %dot_general3A_44 {dimension_numbers = #tpu.dot_dimension_numbers<[1], [0], [0], [1], [0, 0, 1, 1], [], []>, transpose_lhs_hint = false} : vector<64x128xbf16>, vector<128x1xbf16>, vector<64x1xf32> -> vector<64x1xf32>
    %get3A_46 = arith.constant 0 : index
    %get3A_47 = arith.constant 0 : index
    %get3A_48 = vector.load %arg6[%get3A_46, %get3A_47] : memref<1x1xf32, #tpu.memory_space<vmem>>, vector<1x1xf32>
    %add3A_49 = vector.broadcast %get3A_48 : vector<1x1xf32> to vector<64x1xf32>
    %add3A_50 = arith.addf %dot_general3A_45, %add3A_49 : vector<64x1xf32>
    %swap3A = arith.constant 0 : index
    %swap3A_51 = arith.constant 0 : index
    %swap3A_52 = vector.load %arg7[%swap3A, %swap3A_51] : memref<64x1xf32, #tpu.memory_space<vmem>>, vector<64x1xf32>
    tpu.vector_store %arg7[%swap3A, %swap3A_51], %add3A_50 {strides = array<i32>} : memref<64x1xf32, #tpu.memory_space<vmem>>, vector<64x1xf32>,
    return
  }
}

</mosaic_0001>

<sc_bundles>
// kernel: gather_offload_async_start.1
scs
__scs_entry_jumppad:
0x0: {  	(pc) =	sbr.rel $0x88, $3  }
0x1: {  	(tag) =	ssettag $0x0;
	lr =	simm.s32 $0x1  }
0x2: {  	[smem:$0x3F80] =	sst lr;
	_ =	strace $0xD0000000  }
0x3: {  	_ = 	snop  }
0x4: {  	_ = 	snop  }
0x5: {  	_ = 	snop  }
0x6: {  	_ = 	snop  }
0x7: {  	_ = 	snop  }
__scs_overlays_trampoline_lowered:
0x8: {  	[smem:$0x3F8F] =	sst s0  }
0x9: {  	[smem:$0x3F90] =	sst s1  }
0xa: {  	[smem:$0x3F91] =	sst s2  }
0xb: {  	[smem:$0x3F92] =	sst s3  }
0xc: {  	[smem:$0x3F93] =	sst s4  }
0xd: {  	[smem:$0x3F94] =	sst s5  }
0xe: {  	[smem:$0x3F95] =	sst s6  }
0xf: {  	[smem:$0x3F96] =	sst s7  }
0x10: {  	[smem:$0x3F97] =	sst s8  }
0x11: {  	[smem:$0x3F98] =	sst s9;
	s0 =	simm.s32 @!p0 $0x0  }
0x12: {  	s1 =	sld [smem:$0x3F7E];
	s0 =	simm.s32 @p0 $0x1  }
0x13: {  	[smem:$0x3F99] =	sst s0;
	s0 =	simm.s32 @!p1 $0x0  }
0x14: {  	s2 =	sld [smem:$0x3F7D];
	s0 =	simm.s32 @p1 $0x1  }
0x15: {  	[smem:$0x3F9A] =	sst s0;
	s0 =	simm.s32 @!p2 $0x0  }
0x16: {  	s3 =	sld [smem:$0x3FDB];
	s0 =	simm.s32 @p2 $0x1  }
0x17: {  	s4 =	simm.s32 $0x1BF5;
	[smem:$0x3F9C] =	sst s0  }
0x18: {  	s0 =	sld [smem:$0x3F7F];
	_ =	swait.ge [sflag:s4], $0x0  }
0x19: {  	s7 =	sld [smem:$0x3F80]  }
0x1a: {  	s8 =	sadd.s32 $0xFFFFE003, lr  }
0x1b: {  	s9 =	sadd.s32 $0xFFFFFEF7, lr;
	s5 =	simm.s32 $0xFFFFFFFF;
	p2 =	slt.u32 s8, $0xFFFFF086  }
0x1c: {  	p1 =	slt.u32 s9, $0xF7A;
	s5 =	simm.s32 @!p2 $0x0  }
0x1d: {  	s5 =	simm.s32 @p1 $0x1;
	p0 =	seq.s32 s7, s2  }
0x1e: {  	s7 =	smul.u32 @!p0 $0xF7A, s2;
	p2 =	seq.s32 @!p0 s5, $0x0  }
0x1f: {  	s9 =	smul.u32 $0xF7A, s1;
	s8 =	simm.s32 @!p0 $0x1BF5;
	p2 =	por !p2, p0  }
0x20: {  	[sflag:s8] =	ssyncset.s32 @!p0 $0xFFFFF086;
	s6 =	sadd.s32 @!p0 s3, s7;
	s7 =	simm.s32 @!p0 $0x108  }
0x21: {  	s3 =	sadd.s32 s3, s9;
	s6 =	sadd.s32 @!p0 $0x88, s6;
	s7 =	simm.s32 @p2 $0x1082  }
0x22: {  	[simem:s7], [sflag:s8] =	dma.local @!p0 [hbm:s6], $0xF7A  }
0x23: {  	s9 =	sor.u32 $0xD0000000, s2;
	s6 =	simm.s32 $0x108;
	_ =	swait.ge @!p0 [sflag:s8], $0x0  }
0x24: {  	s3 =	sadd.s32 $0x88, s3;
	s6 =	simm.s32 @!p1 $0x1082;
	[sflag:s4] =	ssyncset.s32 $0xFFFFF086  }
0x25: {  	[simem:s6], [sflag:s4] =	dma.local [hbm:s3], $0xF7A  }
0x26: {  	[smem:$0x3F80] =	sst s1;
	(tag) =	ssettag s2;
	_ =	strace s9  }
0x27: {  	s1 =	sld [smem:$0x3F90]  }
0x28: {  	s2 =	sld [smem:$0x3F91]  }
0x29: {  	s4 =	sld [smem:$0x3F93]  }
0x2a: {  	p0 =	seq.s32 s5, $0x0;
	s5 =	sld [smem:$0x3F94]  }
0x2b: {  	s6 =	sld [smem:$0x3F95]  }
0x2c: {  	s7 =	sld [smem:$0x3F96]  }
0x2d: {  	s3 =	simm.s32 $0x108;
	s8 =	sld [smem:$0x3F97]  }
0x2e: {  	s3 =	simm.s32 @!p0 $0x1082;
	s9 =	sld [smem:$0x3F98]  }
0x2f: {  	lr =	sadd.s32 s0, s3;
	s0 =	sld [smem:$0x3F8F]  }
0x30: {  	s3 =	sld [smem:$0x3F92]  }
0x31: {  	[smem:$0x3F9B] =	sst s10  }
0x32: {  	s10 =	sld [smem:$0x3F99];
	_ =	sdelay $0x3  }
0x33: {  	p0 =	seq.s32 s10, $0x1;
	s10 =	sld [smem:$0x3F9B];
	_ =	sdelay $0x3  }
0x34: {  	[smem:$0x3F9B] =	sst s10  }
0x35: {  	s10 =	sld [smem:$0x3F9A];
	_ =	sdelay $0x3  }
0x36: {  	p1 =	seq.s32 s10, $0x1;
	s10 =	sld [smem:$0x3F9B];
	_ =	sdelay $0x3  }
0x37: {  	[smem:$0x3F9B] =	sst s10  }
0x38: {  	s10 =	sld [smem:$0x3F9C]  }
0x39: {  	_ = 	snop;
	(pc) =	sbr.ind lr, $3  }
0x3a: {  	_ = 	snop  }
0x3b: {  	_ = 	snop  }
0x3c: {  	p2 =	seq.s32 s10, $0x1;
	s10 =	sld [smem:$0x3F9B]  }
0x3d: {  	_ =	shalt  }
0x3e: {  	_ =	shalt  }
0x3f: {  	_ =	shalt  }
0x40: {  	_ =	shalt  }
0x41: {  	_ =	shalt  }
0x42: {  	_ =	shalt  }
0x43: {  	_ =	shalt  }
0x44: {  	_ =	shalt  }
0x45: {  	_ =	shalt  }
0x46: {  	_ =	shalt  }
0x47: {  	_ =	shalt  }
0x48: {  	_ =	shalt  }
0x49: {  	_ =	shalt  }
0x4a: {  	_ =	shalt  }
0x4b: {  	_ =	shalt  }
0x4c: {  	_ =	shalt  }
0x4d: {  	_ =	shalt  }
0x4e: {  	_ =	shalt  }
0x4f: {  	_ =	shalt  }
0x50: {  	_ =	shalt  }
0x51: {  	_ =	shalt  }
0x52: {  	_ =	shalt  }
0x53: {  	_ =	shalt  }
0x54: {  	_ =	shalt  }
0x55: {  	_ =	shalt  }
0x56: {  	_ =	shalt  }
0x57: {  	_ =	shalt  }
0x58: {  	_ =	shalt  }
0x59: {  	_ =	shalt  }
0x5a: {  	_ =	shalt  }
0x5b: {  	_ =	shalt  }
0x5c: {  	_ =	shalt  }
0x5d: {  	_ =	shalt  }
0x5e: {  	_ =	shalt  }
0x5f: {  	_ =	shalt  }
0x60: {  	_ =	shalt  }
0x61: {  	_ =	shalt  }
0x62: {  	_ =	shalt  }
0x63: {  	_ =	shalt  }
0x64: {  	_ =	shalt  }
0x65: {  	_ =	shalt  }
0x66: {  	_ =	shalt  }
0x67: {  	_ =	shalt  }
0x68: {  	_ =	shalt  }
0x69: {  	_ =	shalt  }
0x6a: {  	_ =	shalt  }
0x6b: {  	_ =	shalt  }
0x6c: {  	_ =	shalt  }
0x6d: {  	_ =	shalt  }
0x6e: {  	_ =	shalt  }
0x6f: {  	_ =	shalt  }
0x70: {  	_ =	shalt  }
0x71: {  	_ =	shalt  }
0x72: {  	_ =	shalt  }
0x73: {  	_ =	shalt  }
0x74: {  	_ =	shalt  }
0x75: {  	_ =	shalt  }
0x76: {  	_ =	shalt  }
0x77: {  	_ =	shalt  }
0x78: {  	_ =	shalt  }
0x79: {  	_ =	shalt  }
0x7a: {  	_ =	shalt  }
0x7b: {  	_ =	shalt  }
0x7c: {  	_ =	shalt  }
0x7d: {  	_ =	shalt  }
0x7e: {  	_ =	shalt  }
0x7f: {  	_ =	shalt  }
0x80: {  	_ =	shalt  }
0x81: {  	_ =	shalt  }
0x82: {  	_ =	shalt  }
0x83: {  	_ =	shalt  }
0x84: {  	_ =	shalt  }
0x85: {  	_ =	shalt  }
0x86: {  	_ =	shalt  }
0x87: {  	_ =	shalt  }
.Lfunc_end0:
.L_simem_size_0:
called_computation.1_lowered:
.L_overlay_start_0:
0x88: {  	s2 =	sld [smem:$0x3FD9]  }
0x89: {  	s3 =	sld [smem:$0x3FFE];
	_ =	sdelay $0x1  }
0x8a: {  	s1 =	srdreg.scid  }
0x8b: {  	s0 =	sand.u32 $0x1, s1  }
0x8c: {  	s16 =	sshll.u32 s0, $0xA;
	s2 =	sadd.s32 s3, s2  }
0x8d: {  	s2 =	sadd.s32 s2, s16  }
0x8e: {  	[smem:$0x3FA7] =	sst s2  }
0x8f: {  	_ = 	snop  }
0x90: {  	(tm) =	ssettm $0x1  }
0x91: {  	s17 =	sld [smem:$0x3FFB];
	_ =	sdelay $0x3  }
0x92: {  	_ =	strace s17  }
0x93: {  	s2 =	sld [smem:$0x3FFC];
	_ =	sdelay $0x3  }
0x94: {  	_ =	strace s2  }
0x95: {  	s2 =	sld [smem:$0x3FFD];
	_ =	sdelay $0x3  }
0x96: {  	_ =	strace s2  }
0x97: {  	_ =	strace $0x8FFFFFFF  }
0x98: {  	s18 =	sld [smem:$0x3FDB];
	_ =	sdelay $0x1  }
0x99: {  	s19 =	simm.s32 $_scs_section_size  }
0x9a: {  	s4 =	simm.s32 $_size__tile_overlayer_lowered;
	s5 =	simm.s32 $_tile_overlayer_lowered  }
0x9b: {  	s22 =	simm.s32 $0x1BFF;
	s21 =	sshll.u32 s5, $0x1;
	s2 =	sadd.s32 s19, s18  }
0x9c: {  	s6 =	simm.s32 $0x0;
	s20 =	sshll.u32 s4, $0x1;
	s4 =	sadd.s32 s21, s2  }
0x9d: {  	[timem:s6], [sflag:s22] =	dma.local [hbm:s4], s20  }
0x9e: {  	_ =	swait.ge [sflag:s22], s20  }
0x9f: {  	s3 =	ssub.s32 $0x0, s20;
	[sflag:s22] =	ssyncset.done $0x0  }
0xa0: {  	[sflag:s22] =	ssyncadd.s32 s3;
	_ =	sdelay $0x1  }
0xa1: {  	s23 =	simm.s32 $0x1B8B  }
0xa2: {  	_ =	swait.ge [sflag:s23], $0x1  }
0xa3: {  	[sflag:s23] =	ssyncset.done $0x0  }
0xa4: {  	s25 =	simm.s32 $0x1B8E;
	s24 =	sld [smem:$0x3FFE];
	[sflag:s23] =	ssyncadd.s32 $0xFFFFFFFF  }
0xa5: {  	s26 =	simm.s32 $execute0_lowered;
	[smem:$0x3FD2] =	sst s25  }
0xa6: {  	s4 =	sshll.u32 s26, $0x1;
	_ =	strace $0x80000046;
	[dreg:$0x1] =	wrdreg $0xFFFFFFFF  }
0xa7: {  	s28 =	simm.s32 $_size_execute0_lowered;
	s2 =	sadd.s32 s2, s4;
	[dreg:$0x0] =	wrdreg $0x0  }
0xa8: {  	s4 =	sshll.u32 s28, $0x1;
	[dreg:$0x2] =	wrdreg s2  }
0xa9: {  	[dreg:$0x3] =	wrdreg s4  }
0xaa: {  	[dreg:$0x4] =	wrdreg $0xC0  }
0xab: {  	_ =	task [dreg:s6], $0x5FFFF  }
0xac: {  	[dreg:$0x1] =	wrdreg $0xFFFFFFFF  }
0xad: {  	[dreg:$0x0] =	wrdreg $0x60  }
0xae: {  	[dreg:$0x2] =	wrdreg s24  }
0xaf: {  	[dreg:$0x3] =	wrdreg $0x9  }
0xb0: {  	_ =	task.clear_ibuf [dreg:s6], $0x4FFFF;
	_ =	strace $0x90000046  }
0xb1: {  	s29 =	simm.s32 $0x9;
	_ =	strace $0x80000048  }
0xb2: {  	_ =	swait.ge [sflag:s29], $0x1  }
0xb3: {  	[sflag:s29] =	ssyncadd.s32 $0xFFFFFFFF  }
0xb4: {  	_ =	strace $0x90000048  }
0xb5: {  	_ =	sfence  }
0xb6: {  	s30 =	sld [smem:$0x0];
	_ =	sdelay $0x2  }
0xb7: {  	s31 =	sshll.u32 s1, $0xD;
	s1 =	sshrl.u32 s1, $0x2  }
0xb8: {  	s3 =	sand.u32 $0x4000, s31;
	s1 =	sadd.s32 s1, s30  }
0xb9: {  	s0 =	sor.u32 s3, s0;
	s1 =	sshll.u32 s1, $0x11  }
0xba: {  	s0 =	sor.u32 s1, s0  }
0xbb: {  	s0 =	sadd.s32 $0x8F2B, s0  }
0xbc: {  	[sflag:s0] =	ssyncadd.remote.s32 $0x1  }
0xbd: {  	_ =	sfence.sel $0xFFFF  }
0xbe: {  	[dreg:$0x0] =	wrdreg $0xFFFFFFFF;
	(pc) =	sbr.abs _section_cstart, $3  }
0xbf: {  	[dreg:$0x1] =	wrdreg $0xFFFFFFFF  }
0xc0: {  	_ =	task.clear_ibuf [dreg:s6], $0x2FFFF;
	_ =	strace $0x9FFFFFFF  }
0xc1: {  	(tm) =	ssettm $0x7FFFFFFF  }
tec
execute0_lowered:
.L_overlay_start_1:
0x0: {  	(tag) =	ssettag $0x1  }
0x1: {  	s8 =	rddreg [dreg:$0x0]  }
0x2: {  	s0 =	rddreg [dreg:$0x1];
	_ =	strace $0x80000047;
	s1 =	stileid.u32  }
0x3: {  	s3 =	srdreg.scid;
	s4 =	simm.s32 $0x1;
	s7 =	simm.s32 $0x1  }
0x4: {  	s9 =	simm.s32 $0x1;
	s10 =	simm.s32 $0x3;
	s13 =	simm.s32 $0x0  }
0x5: {  	s12 =	simm.s32 $0x0;
	s5 =	sand.u32 $0x1, s3;
	s6 =	sshll.u32 s1, $0x1  }
0x6: {  	s2 =	sadd.s32 $0x10C00, s8;
	s3 =	sadd.s32 $0x1AA00, s8;
	s5 =	sor.u32 s6, s5  }
.Ltmp0:
0x7: {  	[sflag:s4] =	ssyncpa.u1 $0x0;
	p0 =	slt.u32 s5, $0x9;
	(pc) =	sbr.rel .LBB2_1-.Ltmp0, $4  }
0x8: {  	s6 =	simm.s32 $0x2;
	s7 =	simm.s32 @!p0 $0x0;
	p0 =	sne.s32 s5, $0x8  }
0x9: {  	[sflag:s6] =	ssyncpa.u1 $0x0;
	s5 =	smul.u32 $0x1F40, s5;
	s9 =	simm.s32 @!p0 $0x0  }
0xa: {  	s8 =	sadd.s32 $0x24800, s8;
	[sflag:s10] =	ssyncpa.u1 $0x0;
	s7 =	sadd.s32 s9, s7  }
0xb: {  	vm0 =	vmmov $0xffff;
	s10 =	simm.s32 $0x0;
	s11 =	smov.u32 s5;
	s9 =	sadd.s32 $0x1, s7  }
.LBB2_4:
0xc: {  	v2 =	vnsel vm1, $0x0, v2  }
0xd: {  	vm1 =	vgt.s32 v0, $0x0;
	v2 =	vmin.u32 v2, $0x4E1FF  }
0xe: {  	v0 =	vnsel vm1, $0x0, v0  }
0xf: {  	v0 =	vmin.u32 v0, $0x4E1FF  }
0x10: {  	[tilespmem:s18], [sflag:$0x1] =	stream.indirect_vreg.gather [hbm4b:s2+s10], $0x1, v1, vm0, $0x4038;
	[tilespmem:$0x7D00] =	vst v63  }
0x11: {  	(ifvalue) =	ssetifvalue $0x7FFFFFFF  }
0x12: {  	[tilespmem:s15], [sflag:$0x1] =	stream.indirect_vreg.gather [hbm4b:s2+s10], $0x1, v2, vm0, $0x4038;
	[tilespmem:$0x7D00] =	vst v63  }
0x13: {  	s29 =	sadd.s32 $0x10, s15;
	(ifvalue) =	ssetifvalue $0x7FFFFFFF  }
0x14: {  	[tilespmem:s29], [sflag:$0x1] =	stream.indirect_vreg.gather [hbm4b:s2+s10], $0x1, v0, vm0, $0x4038;
	[tilespmem:$0x7D00] =	vst v63  }
0x15: {  	_ =	swait.ge [sflag:s4], $0x1F40  }
0x16: {  	s30 =	sshrl.u32 s13, $0x3;
	[sflag:s4] =	ssyncset.done $0x0  }
0x17: {  	s31 =	sand.u32 $0x7, s13;
	s15 =	sadd.s32 s8, s30;
	[sflag:s4] =	ssyncadd.s32 $0xFFFFE0C0  }
0x18: {  	[hbm4b:s15+s31] =	stream.linear.scatter [tilespmem:s14], [sflag:$0x3], $0x1F40, $0x38;
	[tilespmem:$0x7D00] =	vst v63  }
.LBB2_5:
0x19: {  	s15 =	sadd.s32 $0x3E800, s11  }
0x1a: {  	p1 =	sgt.s32 s15, $0x4E1FF  }
0x1b: {  	s15 =	smov.u32 @p1 s5;
	p1 =	sne.s32 s12, s9  }
.Ltmp1:
0x1c: {  	p0 =	slt.u32 s12, $0x2;
	(pc) =	sbr.rel @!p1 .LBB2_6-.Ltmp1, $4  }
0x1d: {  	s14 =	simm.s32 @!p0 $0x3  }
0x1e: {  	_ =	swait.ge @!p0 [sflag:s14], $0x1F40  }
0x1f: {  	s16 =	sadd.s32 $0x1, s12;
	s13 =	smov.u32 s11;
	[sflag:s14] =	ssyncset.done @!p0 $0x0  }
0x20: {  	s12 =	smov.u32 s16;
	s11 =	smov.u32 s15;
	[sflag:s14] =	ssyncadd.s32 @!p0 $0xFFFFE0C0  }
.LBB2_1:
0x21: {  	p0 =	sge.u32 s12, s7  }
0x22: {  	s14 =	sxor.u32 @!p0 $0x1, s12  }
0x23: {  	s14 =	smul.u32 @!p0 $0x7D00, s14  }
0x24: {  	s31 =	sadd.s32 $0xFFFFFFFF, s12;
	s15 =	sshrl.u32 @!p0 s11, $0x3  }
0x25: {  	s16 =	sand.u32 @!p0 $0x7, s11;
	s15 =	sadd.s32 @!p0 s3, s15;
	s14 =	sshra.s32 @!p0 s14, $0x2  }
0x26: {  	[tilespmem:s14], [sflag:$0x2] =	stream.linear.gather @!p0 [hbm4b:s15+s16], $0x1F40, $0x38;
	[tilespmem:$0x7D00] =	vst v63  }
0x27: {  	p0 =	sge.u32 s31, s7  }
.Ltmp2:
0x28: {  	_ = 	snop;
	(pc) =	sbr.rel @p0 .LBB2_5-.Ltmp2, $1  }
0x29: {  	_ =	sdelay $0x3  }
0x2a: {  	s14 =	sand.u32 $0x1, s12  }
0x2b: {  	_ =	swait.ge [sflag:s6], $0x1F40;
	p0 =	seq.s32 s14, $0x1;
	s14 =	simm.s32 $0x1F40  }
0x2c: {  	[sflag:s6] =	ssyncset.done $0x0;
	s14 =	simm.s32 @!p0 $0x0  }
0x2d: {  	[sflag:s6] =	ssyncadd.s32 $0xFFFFE0C0;
	(ifvalue) =	ssetifvalue $0x7FFFFFFF;
	v0 =	vld.msk [tilespmem:s14+$0x0 ss:$0x1], $0xffff;
	_ =	sdelay $0x4  }
0x2e: {  	s15 =	sadd.s32 $0x10, s14;
	vm1 =	vgt.s32 v0, $0x0  }
0x2f: {  	v2 =	vld.msk [tilespmem:s15+$0x0 ss:$0x1], $0xffff;
	v1 =	vnsel vm1, $0x0, v0  }
0x30: {  	v1 =	vmin.u32 v1, $0x4E1FF;
	_ =	sdelay $0x2  }
0x31: {  	s17 =	simm.s32 $0x20;
	s14 =	sadd.s32 $0x3E80, s14;
	s16 =	sadd.s32 $0x10, s15  }
0x32: {  	s15 =	sadd.s32 $0x10, s14;
	s18 =	smov.u32 s14;
	v0 =	vld.msk [tilespmem:s16+$0x0 ss:$0x1], $0xffff;
	vm1 =	vgt.s32 v2, $0x0;
	(ifvalue) =	ssetifvalue $0x7FFFFFFF  }
.LBB2_3:
0x33: {  	[tilespmem:s18], [sflag:$0x1] =	stream.indirect_vreg.gather [hbm4b:s2+s10], $0x1, v1, vm0, $0x4038;
	[tilespmem:$0x7D00] =	vst v63  }
0x34: {  	s17 =	sadd.s32 $0x10, s17  }
0x35: {  	v2 =	vnsel vm1, $0x0, v2;
	p0 =	slt.u32 s17, $0x1F30  }
.Ltmp3:
0x36: {  	s18 =	smov.u32 s15;
	v1 =	vmin.u32 v2, $0x4E1FF;
	(pc) =	sbr.rel @p0 .LBB2_3-.Ltmp3, $3  }
0x37: {  	_ =	sdelay $0x1  }
0x38: {  	s16 =	sadd.s32 $0x10, s16  }
0x39: {  	vm1 =	vgt.s32 v0, $0x0;
	s15 =	sadd.s32 $0x10, s15;
	v2 =	vmov v0;
	(ifvalue) =	ssetifvalue $0x7FFFFFFF;
	v0 =	vld.msk [tilespmem:s16+$0x0 ss:$0x1], $0xffff  }
.Ltmp4:
0x3a: {  	_ = 	snop;
	(pc) =	sbr.rel .LBB2_4-.Ltmp4, $1  }
0x3b: {  	_ =	sdelay $0x3  }
.LBB2_6:
0x3c: {  	_ =	sfence.sel $0x180000  }
0x3d: {  	s2 =	simm.s32 $0x2;
	[bflag:$0x0] =	sbarrier.arrive $0xFFFF  }
0x3e: {  	s30 =	simm.s32 $0x3;
	[sflag:s2] =	ssyncpa.u1 $0x1  }
0x3f: {  	s31 =	simm.s32 $0x1;
	[sflag:s30] =	ssyncpa.u1 $0x1  }
0x40: {  	[sflag:s31] =	ssyncpa.u1 $0x1  }
0x41: {  	p0 =	sne.s32 s1, $0x0;
	_ =	strace $0x90000047  }
0x42: {  	s0 =	sadd.s32 @!p0 $0x100000, s0;
	[bflag:$0x2] =	sbarrier.arrive $0xFFFF  }
0x43: {  	[sflag:s0] =	ssyncadd.tile.s32 @!p0 $0x1;
	_ =	shalt  }
.Lfunc_end2:
_tile_overlayer_lowered:
.L_overlay_start_2:
0x44: {  	(tag) =	ssettag $0x2  }
0x45: {  	s0 =	rddreg [dreg:$0x0];
	s2 =	stileid.u32  }
0x46: {  	s1 =	rddreg [dreg:$0x1];
	p0 =	sne.s32 s2, $0x0  }
0x47: {  	s3 =	rddreg [dreg:$0x2];
	[bflag:$0x3] =	sbarrier.arrive $0xFFFF;
	s2 =	simm.s32 @!p0 $0x1C01  }
0x48: {  	[timem:s3], [sflag:s2] =	dma.local @!p0 [hbm:s0], s1  }
0x49: {  	s0 =	simm.s32 @!p0 $0x1  }
0x4a: {  	_ =	swait.ge @!p0 [sflag:s0], s1  }
0x4b: {  	s1 =	ssub.s32 @!p0 $0x0, s1;
	[sflag:s0] =	ssyncset.done @!p0 $0x0  }
0x4c: {  	[sflag:s0] =	ssyncadd.s32 @!p0 s1  }
0x4d: {  	[bflag:$0x3] =	sbarrier.arrive $0xFFFF  }
0x4e: {  	_ =	shalt  }

// kernel: gather_offload_async_start
scs
__scs_entry_jumppad:
0x0: {  	(pc) =	sbr.rel $0x88, $3  }
0x1: {  	(tag) =	ssettag $0x0;
	lr =	simm.s32 $0x1  }
0x2: {  	[smem:$0x3F80] =	sst lr;
	_ =	strace $0xD0000000  }
0x3: {  	_ = 	snop  }
0x4: {  	_ = 	snop  }
0x5: {  	_ = 	snop  }
0x6: {  	_ = 	snop  }
0x7: {  	_ = 	snop  }
__scs_overlays_trampoline_lowered:
0x8: {  	[smem:$0x3F8F] =	sst s0  }
0x9: {  	[smem:$0x3F90] =	sst s1  }
0xa: {  	[smem:$0x3F91] =	sst s2  }
0xb: {  	[smem:$0x3F92] =	sst s3  }
0xc: {  	[smem:$0x3F93] =	sst s4  }
0xd: {  	[smem:$0x3F94] =	sst s5  }
0xe: {  	[smem:$0x3F95] =	sst s6  }
0xf: {  	[smem:$0x3F96] =	sst s7  }
0x10: {  	[smem:$0x3F97] =	sst s8  }
0x11: {  	[smem:$0x3F98] =	sst s9;
	s0 =	simm.s32 @!p0 $0x0  }
0x12: {  	s1 =	sld [smem:$0x3F7E];
	s0 =	simm.s32 @p0 $0x1  }
0x13: {  	[smem:$0x3F99] =	sst s0;
	s0 =	simm.s32 @!p1 $0x0  }
0x14: {  	s2 =	sld [smem:$0x3F7D];
	s0 =	simm.s32 @p1 $0x1  }
0x15: {  	[smem:$0x3F9A] =	sst s0;
	s0 =	simm.s32 @!p2 $0x0  }
0x16: {  	s3 =	sld [smem:$0x3FDB];
	s0 =	simm.s32 @p2 $0x1  }
0x17: {  	s4 =	simm.s32 $0x1BF5;
	[smem:$0x3F9C] =	sst s0  }
0x18: {  	s0 =	sld [smem:$0x3F7F];
	_ =	swait.ge [sflag:s4], $0x0  }
0x19: {  	s7 =	sld [smem:$0x3F80]  }
0x1a: {  	s8 =	sadd.s32 $0xFFFFE003, lr  }
0x1b: {  	s9 =	sadd.s32 $0xFFFFFEF7, lr;
	s5 =	simm.s32 $0xFFFFFFFF;
	p2 =	slt.u32 s8, $0xFFFFF086  }
0x1c: {  	p1 =	slt.u32 s9, $0xF7A;
	s5 =	simm.s32 @!p2 $0x0  }
0x1d: {  	s5 =	simm.s32 @p1 $0x1;
	p0 =	seq.s32 s7, s2  }
0x1e: {  	s7 =	smul.u32 @!p0 $0xF7A, s2;
	p2 =	seq.s32 @!p0 s5, $0x0  }
0x1f: {  	s9 =	smul.u32 $0xF7A, s1;
	s8 =	simm.s32 @!p0 $0x1BF5;
	p2 =	por !p2, p0  }
0x20: {  	[sflag:s8] =	ssyncset.s32 @!p0 $0xFFFFF086;
	s6 =	sadd.s32 @!p0 s3, s7;
	s7 =	simm.s32 @!p0 $0x108  }
0x21: {  	s3 =	sadd.s32 s3, s9;
	s6 =	sadd.s32 @!p0 $0x88, s6;
	s7 =	simm.s32 @p2 $0x1082  }
0x22: {  	[simem:s7], [sflag:s8] =	dma.local @!p0 [hbm:s6], $0xF7A  }
0x23: {  	s9 =	sor.u32 $0xD0000000, s2;
	s6 =	simm.s32 $0x108;
	_ =	swait.ge @!p0 [sflag:s8], $0x0  }
0x24: {  	s3 =	sadd.s32 $0x88, s3;
	s6 =	simm.s32 @!p1 $0x1082;
	[sflag:s4] =	ssyncset.s32 $0xFFFFF086  }
0x25: {  	[simem:s6], [sflag:s4] =	dma.local [hbm:s3], $0xF7A  }
0x26: {  	[smem:$0x3F80] =	sst s1;
	(tag) =	ssettag s2;
	_ =	strace s9  }
0x27: {  	s1 =	sld [smem:$0x3F90]  }
0x28: {  	s2 =	sld [smem:$0x3F91]  }
0x29: {  	s4 =	sld [smem:$0x3F93]  }
0x2a: {  	p0 =	seq.s32 s5, $0x0;
	s5 =	sld [smem:$0x3F94]  }
0x2b: {  	s6 =	sld [smem:$0x3F95]  }
0x2c: {  	s7 =	sld [smem:$0x3F96]  }
0x2d: {  	s3 =	simm.s32 $0x108;
	s8 =	sld [smem:$0x3F97]  }
0x2e: {  	s3 =	simm.s32 @!p0 $0x1082;
	s9 =	sld [smem:$0x3F98]  }
0x2f: {  	lr =	sadd.s32 s0, s3;
	s0 =	sld [smem:$0x3F8F]  }
0x30: {  	s3 =	sld [smem:$0x3F92]  }
0x31: {  	[smem:$0x3F9B] =	sst s10  }
0x32: {  	s10 =	sld [smem:$0x3F99];
	_ =	sdelay $0x3  }
0x33: {  	p0 =	seq.s32 s10, $0x1;
	s10 =	sld [smem:$0x3F9B];
	_ =	sdelay $0x3  }
0x34: {  	[smem:$0x3F9B] =	sst s10  }
0x35: {  	s10 =	sld [smem:$0x3F9A];
	_ =	sdelay $0x3  }
0x36: {  	p1 =	seq.s32 s10, $0x1;
	s10 =	sld [smem:$0x3F9B];
	_ =	sdelay $0x3  }
0x37: {  	[smem:$0x3F9B] =	sst s10  }
0x38: {  	s10 =	sld [smem:$0x3F9C]  }
0x39: {  	_ = 	snop;
	(pc) =	sbr.ind lr, $3  }
0x3a: {  	_ = 	snop  }
0x3b: {  	_ = 	snop  }
0x3c: {  	p2 =	seq.s32 s10, $0x1;
	s10 =	sld [smem:$0x3F9B]  }
0x3d: {  	_ =	shalt  }
0x3e: {  	_ =	shalt  }
0x3f: {  	_ =	shalt  }
0x40: {  	_ =	shalt  }
0x41: {  	_ =	shalt  }
0x42: {  	_ =	shalt  }
0x43: {  	_ =	shalt  }
0x44: {  	_ =	shalt  }
0x45: {  	_ =	shalt  }
0x46: {  	_ =	shalt  }
0x47: {  	_ =	shalt  }
0x48: {  	_ =	shalt  }
0x49: {  	_ =	shalt  }
0x4a: {  	_ =	shalt  }
0x4b: {  	_ =	shalt  }
0x4c: {  	_ =	shalt  }
0x4d: {  	_ =	shalt  }
0x4e: {  	_ =	shalt  }
0x4f: {  	_ =	shalt  }
0x50: {  	_ =	shalt  }
0x51: {  	_ =	shalt  }
0x52: {  	_ =	shalt  }
0x53: {  	_ =	shalt  }
0x54: {  	_ =	shalt  }
0x55: {  	_ =	shalt  }
0x56: {  	_ =	shalt  }
0x57: {  	_ =	shalt  }
0x58: {  	_ =	shalt  }
0x59: {  	_ =	shalt  }
0x5a: {  	_ =	shalt  }
0x5b: {  	_ =	shalt  }
0x5c: {  	_ =	shalt  }
0x5d: {  	_ =	shalt  }
0x5e: {  	_ =	shalt  }
0x5f: {  	_ =	shalt  }
0x60: {  	_ =	shalt  }
0x61: {  	_ =	shalt  }
0x62: {  	_ =	shalt  }
0x63: {  	_ =	shalt  }
0x64: {  	_ =	shalt  }
0x65: {  	_ =	shalt  }
0x66: {  	_ =	shalt  }
0x67: {  	_ =	shalt  }
0x68: {  	_ =	shalt  }
0x69: {  	_ =	shalt  }
0x6a: {  	_ =	shalt  }
0x6b: {  	_ =	shalt  }
0x6c: {  	_ =	shalt  }
0x6d: {  	_ =	shalt  }
0x6e: {  	_ =	shalt  }
0x6f: {  	_ =	shalt  }
0x70: {  	_ =	shalt  }
0x71: {  	_ =	shalt  }
0x72: {  	_ =	shalt  }
0x73: {  	_ =	shalt  }
0x74: {  	_ =	shalt  }
0x75: {  	_ =	shalt  }
0x76: {  	_ =	shalt  }
0x77: {  	_ =	shalt  }
0x78: {  	_ =	shalt  }
0x79: {  	_ =	shalt  }
0x7a: {  	_ =	shalt  }
0x7b: {  	_ =	shalt  }
0x7c: {  	_ =	shalt  }
0x7d: {  	_ =	shalt  }
0x7e: {  	_ =	shalt  }
0x7f: {  	_ =	shalt  }
0x80: {  	_ =	shalt  }
0x81: {  	_ =	shalt  }
0x82: {  	_ =	shalt  }
0x83: {  	_ =	shalt  }
0x84: {  	_ =	shalt  }
0x85: {  	_ =	shalt  }
0x86: {  	_ =	shalt  }
0x87: {  	_ =	shalt  }
.Lfunc_end0:
.L_simem_size_0:
called_computation_lowered:
.L_overlay_start_0:
0x88: {  	s2 =	sld [smem:$0x3FD9]  }
0x89: {  	s3 =	sld [smem:$0x3FFE];
	_ =	sdelay $0x1  }
0x8a: {  	s1 =	srdreg.scid  }
0x8b: {  	s0 =	sand.u32 $0x1, s1  }
0x8c: {  	s16 =	sshll.u32 s0, $0xA;
	s2 =	sadd.s32 s3, s2  }
0x8d: {  	s2 =	sadd.s32 s2, s16  }
0x8e: {  	[smem:$0x3FA7] =	sst s2  }
0x8f: {  	_ = 	snop  }
0x90: {  	(tm) =	ssettm $0x1  }
0x91: {  	s17 =	sld [smem:$0x3FFB];
	_ =	sdelay $0x3  }
0x92: {  	_ =	strace s17  }
0x93: {  	s2 =	sld [smem:$0x3FFC];
	_ =	sdelay $0x3  }
0x94: {  	_ =	strace s2  }
0x95: {  	s2 =	sld [smem:$0x3FFD];
	_ =	sdelay $0x3  }
0x96: {  	_ =	strace s2  }
0x97: {  	_ =	strace $0x8FFFFFFF  }
0x98: {  	s18 =	sld [smem:$0x3FDB];
	_ =	sdelay $0x1  }
0x99: {  	s19 =	simm.s32 $_scs_section_size  }
0x9a: {  	s4 =	simm.s32 $_size__tile_overlayer_lowered;
	s5 =	simm.s32 $_tile_overlayer_lowered  }
0x9b: {  	s22 =	simm.s32 $0x1BFF;
	s21 =	sshll.u32 s5, $0x1;
	s2 =	sadd.s32 s19, s18  }
0x9c: {  	s6 =	simm.s32 $0x0;
	s20 =	sshll.u32 s4, $0x1;
	s4 =	sadd.s32 s21, s2  }
0x9d: {  	[timem:s6], [sflag:s22] =	dma.local [hbm:s4], s20  }
0x9e: {  	_ =	swait.ge [sflag:s22], s20  }
0x9f: {  	s3 =	ssub.s32 $0x0, s20;
	[sflag:s22] =	ssyncset.done $0x0  }
0xa0: {  	[sflag:s22] =	ssyncadd.s32 s3;
	_ =	sdelay $0x1  }
0xa1: {  	s23 =	simm.s32 $0x1B8B  }
0xa2: {  	_ =	swait.ge [sflag:s23], $0x1  }
0xa3: {  	[sflag:s23] =	ssyncset.done $0x0  }
0xa4: {  	s25 =	simm.s32 $0x1B8E;
	s24 =	sld [smem:$0x3FFE];
	[sflag:s23] =	ssyncadd.s32 $0xFFFFFFFF  }
0xa5: {  	s26 =	simm.s32 $execute0_lowered;
	[smem:$0x3FD2] =	sst s25  }
0xa6: {  	s4 =	sshll.u32 s26, $0x1;
	_ =	strace $0x80000049;
	[dreg:$0x1] =	wrdreg $0xFFFFFFFF  }
0xa7: {  	s28 =	simm.s32 $_size_execute0_lowered;
	s2 =	sadd.s32 s2, s4;
	[dreg:$0x0] =	wrdreg $0x0  }
0xa8: {  	s4 =	sshll.u32 s28, $0x1;
	[dreg:$0x2] =	wrdreg s2  }
0xa9: {  	[dreg:$0x3] =	wrdreg s4  }
0xaa: {  	[dreg:$0x4] =	wrdreg $0xC0  }
0xab: {  	_ =	task [dreg:s6], $0x5FFFF  }
0xac: {  	[dreg:$0x1] =	wrdreg $0xFFFFFFFF  }
0xad: {  	[dreg:$0x0] =	wrdreg $0x60  }
0xae: {  	[dreg:$0x2] =	wrdreg s24  }
0xaf: {  	[dreg:$0x3] =	wrdreg $0x9  }
0xb0: {  	_ =	task.clear_ibuf [dreg:s6], $0x4FFFF;
	_ =	strace $0x90000049  }
0xb1: {  	s29 =	simm.s32 $0x9;
	_ =	strace $0x8000004B  }
0xb2: {  	_ =	swait.ge [sflag:s29], $0x1  }
0xb3: {  	[sflag:s29] =	ssyncadd.s32 $0xFFFFFFFF  }
0xb4: {  	_ =	strace $0x9000004B  }
0xb5: {  	_ =	sfence  }
0xb6: {  	s30 =	sld [smem:$0x0];
	_ =	sdelay $0x2  }
0xb7: {  	s31 =	sshll.u32 s1, $0xD;
	s1 =	sshrl.u32 s1, $0x2  }
0xb8: {  	s3 =	sand.u32 $0x4000, s31;
	s1 =	sadd.s32 s1, s30  }
0xb9: {  	s0 =	sor.u32 s3, s0;
	s1 =	sshll.u32 s1, $0x11  }
0xba: {  	s0 =	sor.u32 s1, s0  }
0xbb: {  	s0 =	sadd.s32 $0x8F2B, s0  }
0xbc: {  	[sflag:s0] =	ssyncadd.remote.s32 $0x1  }
0xbd: {  	_ =	sfence.sel $0xFFFF  }
0xbe: {  	[dreg:$0x0] =	wrdreg $0xFFFFFFFF;
	(pc) =	sbr.abs _section_cstart, $3  }
0xbf: {  	[dreg:$0x1] =	wrdreg $0xFFFFFFFF  }
0xc0: {  	_ =	task.clear_ibuf [dreg:s6], $0x2FFFF;
	_ =	strace $0x9FFFFFFF  }
0xc1: {  	(tm) =	ssettm $0x7FFFFFFF  }
tec
execute0_lowered:
.L_overlay_start_1:
0x0: {  	(tag) =	ssettag $0x1  }
0x1: {  	s8 =	rddreg [dreg:$0x0]  }
0x2: {  	s0 =	rddreg [dreg:$0x1];
	_ =	strace $0x8000004A;
	s1 =	stileid.u32  }
0x3: {  	s3 =	srdreg.scid;
	s4 =	simm.s32 $0x1;
	s7 =	simm.s32 $0x1  }
0x4: {  	s9 =	simm.s32 $0x1;
	s10 =	simm.s32 $0x3;
	s13 =	simm.s32 $0x0  }
0x5: {  	s12 =	simm.s32 $0x0;
	s5 =	sand.u32 $0x1, s3;
	s6 =	sshll.u32 s1, $0x1  }
0x6: {  	s2 =	sadd.s32 $0x6E00, s8;
	s3 =	sadd.s32 $0x1AA00, s8;
	s5 =	sor.u32 s6, s5  }
.Ltmp0:
0x7: {  	[sflag:s4] =	ssyncpa.u1 $0x0;
	p0 =	slt.u32 s5, $0x9;
	(pc) =	sbr.rel .LBB2_1-.Ltmp0, $4  }
0x8: {  	s6 =	simm.s32 $0x2;
	s7 =	simm.s32 @!p0 $0x0;
	p0 =	sne.s32 s5, $0x8  }
0x9: {  	[sflag:s6] =	ssyncpa.u1 $0x0;
	s5 =	smul.u32 $0x1F40, s5;
	s9 =	simm.s32 @!p0 $0x0  }
0xa: {  	s8 =	sadd.s32 $0x10C00, s8;
	[sflag:s10] =	ssyncpa.u1 $0x0;
	s7 =	sadd.s32 s9, s7  }
0xb: {  	vm0 =	vmmov $0xffff;
	s10 =	simm.s32 $0x0;
	s11 =	smov.u32 s5;
	s9 =	sadd.s32 $0x1, s7  }
.LBB2_4:
0xc: {  	v2 =	vnsel vm1, $0x0, v2  }
0xd: {  	vm1 =	vgt.s32 v0, $0x0;
	v2 =	vmin.u32 v2, $0x4E1FF  }
0xe: {  	v0 =	vnsel vm1, $0x0, v0  }
0xf: {  	v0 =	vmin.u32 v0, $0x4E1FF  }
0x10: {  	[tilespmem:s18], [sflag:$0x1] =	stream.indirect_vreg.gather [hbm4b:s2+s10], $0x1, v1, vm0, $0x4038;
	[tilespmem:$0x7D00] =	vst v63  }
0x11: {  	(ifvalue) =	ssetifvalue $0x7FFFFFFF  }
0x12: {  	[tilespmem:s15], [sflag:$0x1] =	stream.indirect_vreg.gather [hbm4b:s2+s10], $0x1, v2, vm0, $0x4038;
	[tilespmem:$0x7D00] =	vst v63  }
0x13: {  	s29 =	sadd.s32 $0x10, s15;
	(ifvalue) =	ssetifvalue $0x7FFFFFFF  }
0x14: {  	[tilespmem:s29], [sflag:$0x1] =	stream.indirect_vreg.gather [hbm4b:s2+s10], $0x1, v0, vm0, $0x4038;
	[tilespmem:$0x7D00] =	vst v63  }
0x15: {  	_ =	swait.ge [sflag:s4], $0x1F40  }
0x16: {  	s30 =	sshrl.u32 s13, $0x3;
	[sflag:s4] =	ssyncset.done $0x0  }
0x17: {  	s31 =	sand.u32 $0x7, s13;
	s15 =	sadd.s32 s8, s30;
	[sflag:s4] =	ssyncadd.s32 $0xFFFFE0C0  }
0x18: {  	[hbm4b:s15+s31] =	stream.linear.scatter [tilespmem:s14], [sflag:$0x3], $0x1F40, $0x38;
	[tilespmem:$0x7D00] =	vst v63  }
.LBB2_5:
0x19: {  	s15 =	sadd.s32 $0x3E800, s11  }
0x1a: {  	p1 =	sgt.s32 s15, $0x4E1FF  }
0x1b: {  	s15 =	smov.u32 @p1 s5;
	p1 =	sne.s32 s12, s9  }
.Ltmp1:
0x1c: {  	p0 =	slt.u32 s12, $0x2;
	(pc) =	sbr.rel @!p1 .LBB2_6-.Ltmp1, $4  }
0x1d: {  	s14 =	simm.s32 @!p0 $0x3  }
0x1e: {  	_ =	swait.ge @!p0 [sflag:s14], $0x1F40  }
0x1f: {  	s16 =	sadd.s32 $0x1, s12;
	s13 =	smov.u32 s11;
	[sflag:s14] =	ssyncset.done @!p0 $0x0  }
0x20: {  	s12 =	smov.u32 s16;
	s11 =	smov.u32 s15;
	[sflag:s14] =	ssyncadd.s32 @!p0 $0xFFFFE0C0  }
.LBB2_1:
0x21: {  	p0 =	sge.u32 s12, s7  }
0x22: {  	s14 =	sxor.u32 @!p0 $0x1, s12  }
0x23: {  	s14 =	smul.u32 @!p0 $0x7D00, s14  }
0x24: {  	s31 =	sadd.s32 $0xFFFFFFFF, s12;
	s15 =	sshrl.u32 @!p0 s11, $0x3  }
0x25: {  	s16 =	sand.u32 @!p0 $0x7, s11;
	s15 =	sadd.s32 @!p0 s3, s15;
	s14 =	sshra.s32 @!p0 s14, $0x2  }
0x26: {  	[tilespmem:s14], [sflag:$0x2] =	stream.linear.gather @!p0 [hbm4b:s15+s16], $0x1F40, $0x38;
	[tilespmem:$0x7D00] =	vst v63  }
0x27: {  	p0 =	sge.u32 s31, s7  }
.Ltmp2:
0x28: {  	_ = 	snop;
	(pc) =	sbr.rel @p0 .LBB2_5-.Ltmp2, $1  }
0x29: {  	_ =	sdelay $0x3  }
0x2a: {  	s14 =	sand.u32 $0x1, s12  }
0x2b: {  	_ =	swait.ge [sflag:s6], $0x1F40;
	p0 =	seq.s32 s14, $0x1;
	s14 =	simm.s32 $0x1F40  }
0x2c: {  	[sflag:s6] =	ssyncset.done $0x0;
	s14 =	simm.s32 @!p0 $0x0  }
0x2d: {  	[sflag:s6] =	ssyncadd.s32 $0xFFFFE0C0;
	(ifvalue) =	ssetifvalue $0x7FFFFFFF;
	v0 =	vld.msk [tilespmem:s14+$0x0 ss:$0x1], $0xffff;
	_ =	sdelay $0x4  }
0x2e: {  	s15 =	sadd.s32 $0x10, s14;
	vm1 =	vgt.s32 v0, $0x0  }
0x2f: {  	v2 =	vld.msk [tilespmem:s15+$0x0 ss:$0x1], $0xffff;
	v1 =	vnsel vm1, $0x0, v0  }
0x30: {  	v1 =	vmin.u32 v1, $0x4E1FF;
	_ =	sdelay $0x2  }
0x31: {  	s17 =	simm.s32 $0x20;
	s14 =	sadd.s32 $0x3E80, s14;
	s16 =	sadd.s32 $0x10, s15  }
0x32: {  	s15 =	sadd.s32 $0x10, s14;
	s18 =	smov.u32 s14;
	v0 =	vld.msk [tilespmem:s16+$0x0 ss:$0x1], $0xffff;
	vm1 =	vgt.s32 v2, $0x0;
	(ifvalue) =	ssetifvalue $0x7FFFFFFF  }
.LBB2_3:
0x33: {  	[tilespmem:s18], [sflag:$0x1] =	stream.indirect_vreg.gather [hbm4b:s2+s10], $0x1, v1, vm0, $0x4038;
	[tilespmem:$0x7D00] =	vst v63  }
0x34: {  	s17 =	sadd.s32 $0x10, s17  }
0x35: {  	v2 =	vnsel vm1, $0x0, v2;
	p0 =	slt.u32 s17, $0x1F30  }
.Ltmp3:
0x36: {  	s18 =	smov.u32 s15;
	v1 =	vmin.u32 v2, $0x4E1FF;
	(pc) =	sbr.rel @p0 .LBB2_3-.Ltmp3, $3  }
0x37: {  	_ =	sdelay $0x1  }
0x38: {  	s16 =	sadd.s32 $0x10, s16  }
0x39: {  	vm1 =	vgt.s32 v0, $0x0;
	s15 =	sadd.s32 $0x10, s15;
	v2 =	vmov v0;
	(ifvalue) =	ssetifvalue $0x7FFFFFFF;
	v0 =	vld.msk [tilespmem:s16+$0x0 ss:$0x1], $0xffff  }
.Ltmp4:
0x3a: {  	_ = 	snop;
	(pc) =	sbr.rel .LBB2_4-.Ltmp4, $1  }
0x3b: {  	_ =	sdelay $0x3  }
.LBB2_6:
0x3c: {  	_ =	sfence.sel $0x180000  }
0x3d: {  	s2 =	simm.s32 $0x2;
	[bflag:$0x0] =	sbarrier.arrive $0xFFFF  }
0x3e: {  	s30 =	simm.s32 $0x3;
	[sflag:s2] =	ssyncpa.u1 $0x1  }
0x3f: {  	s31 =	simm.s32 $0x1;
	[sflag:s30] =	ssyncpa.u1 $0x1  }
0x40: {  	[sflag:s31] =	ssyncpa.u1 $0x1  }
0x41: {  	p0 =	sne.s32 s1, $0x0;
	_ =	strace $0x9000004A  }
0x42: {  	s0 =	sadd.s32 @!p0 $0x100000, s0;
	[bflag:$0x2] =	sbarrier.arrive $0xFFFF  }
0x43: {  	[sflag:s0] =	ssyncadd.tile.s32 @!p0 $0x1;
	_ =	shalt  }
.Lfunc_end2:
_tile_overlayer_lowered:
.L_overlay_start_2:
0x44: {  	(tag) =	ssettag $0x2  }
0x45: {  	s0 =	rddreg [dreg:$0x0];
	s2 =	stileid.u32  }
0x46: {  	s1 =	rddreg [dreg:$0x1];
	p0 =	sne.s32 s2, $0x0  }
0x47: {  	s3 =	rddreg [dreg:$0x2];
	[bflag:$0x3] =	sbarrier.arrive $0xFFFF;
	s2 =	simm.s32 @!p0 $0x1C01  }
0x48: {  	[timem:s3], [sflag:s2] =	dma.local @!p0 [hbm:s0], s1  }
0x49: {  	s0 =	simm.s32 @!p0 $0x1  }
0x4a: {  	_ =	swait.ge @!p0 [sflag:s0], s1  }
0x4b: {  	s1 =	ssub.s32 @!p0 $0x0, s1;
	[sflag:s0] =	ssyncset.done @!p0 $0x0  }
0x4c: {  	[sflag:s0] =	ssyncadd.s32 @!p0 s1  }
0x4d: {  	[bflag:$0x3] =	sbarrier.arrive $0xFFFF  }
0x4e: {  	_ =	shalt  }

// kernel: segsum_f128.11.cloned.1.call-start
scs
__scs_entry_jumppad:
0x0: {  	(pc) =	sbr.rel $0x88, $3  }
0x1: {  	(tag) =	ssettag $0x0;
	lr =	simm.s32 $0x1  }
0x2: {  	[smem:$0x3F80] =	sst lr;
	_ =	strace $0xD0000000  }
0x3: {  	_ = 	snop  }
0x4: {  	_ = 	snop  }
0x5: {  	_ = 	snop  }
0x6: {  	_ = 	snop  }
0x7: {  	_ = 	snop  }
__scs_overlays_trampoline_lowered:
0x8: {  	[smem:$0x3F8F] =	sst s0  }
0x9: {  	[smem:$0x3F90] =	sst s1  }
0xa: {  	[smem:$0x3F91] =	sst s2  }
0xb: {  	[smem:$0x3F92] =	sst s3  }
0xc: {  	[smem:$0x3F93] =	sst s4  }
0xd: {  	[smem:$0x3F94] =	sst s5  }
0xe: {  	[smem:$0x3F95] =	sst s6  }
0xf: {  	[smem:$0x3F96] =	sst s7  }
0x10: {  	[smem:$0x3F97] =	sst s8  }
0x11: {  	[smem:$0x3F98] =	sst s9;
	s0 =	simm.s32 @!p0 $0x0  }
0x12: {  	s1 =	sld [smem:$0x3F7E];
	s0 =	simm.s32 @p0 $0x1  }
0x13: {  	[smem:$0x3F99] =	sst s0;
	s0 =	simm.s32 @!p1 $0x0  }
0x14: {  	s2 =	sld [smem:$0x3F7D];
	s0 =	simm.s32 @p1 $0x1  }
0x15: {  	[smem:$0x3F9A] =	sst s0;
	s0 =	simm.s32 @!p2 $0x0  }
0x16: {  	s3 =	sld [smem:$0x3FDB];
	s0 =	simm.s32 @p2 $0x1  }
0x17: {  	s4 =	simm.s32 $0x1BF5;
	[smem:$0x3F9C] =	sst s0  }
0x18: {  	s0 =	sld [smem:$0x3F7F];
	_ =	swait.ge [sflag:s4], $0x0  }
0x19: {  	s7 =	sld [smem:$0x3F80]  }
0x1a: {  	s8 =	sadd.s32 $0xFFFFE003, lr  }
0x1b: {  	s9 =	sadd.s32 $0xFFFFFEF7, lr;
	s5 =	simm.s32 $0xFFFFFFFF;
	p2 =	slt.u32 s8, $0xFFFFF086  }
0x1c: {  	p1 =	slt.u32 s9, $0xF7A;
	s5 =	simm.s32 @!p2 $0x0  }
0x1d: {  	s5 =	simm.s32 @p1 $0x1;
	p0 =	seq.s32 s7, s2  }
0x1e: {  	s7 =	smul.u32 @!p0 $0xF7A, s2;
	p2 =	seq.s32 @!p0 s5, $0x0  }
0x1f: {  	s9 =	smul.u32 $0xF7A, s1;
	s8 =	simm.s32 @!p0 $0x1BF5;
	p2 =	por !p2, p0  }
0x20: {  	[sflag:s8] =	ssyncset.s32 @!p0 $0xFFFFF086;
	s6 =	sadd.s32 @!p0 s3, s7;
	s7 =	simm.s32 @!p0 $0x108  }
0x21: {  	s3 =	sadd.s32 s3, s9;
	s6 =	sadd.s32 @!p0 $0x88, s6;
	s7 =	simm.s32 @p2 $0x1082  }
0x22: {  	[simem:s7], [sflag:s8] =	dma.local @!p0 [hbm:s6], $0xF7A  }
0x23: {  	s9 =	sor.u32 $0xD0000000, s2;
	s6 =	simm.s32 $0x108;
	_ =	swait.ge @!p0 [sflag:s8], $0x0  }
0x24: {  	s3 =	sadd.s32 $0x88, s3;
	s6 =	simm.s32 @!p1 $0x1082;
	[sflag:s4] =	ssyncset.s32 $0xFFFFF086  }
0x25: {  	[simem:s6], [sflag:s4] =	dma.local [hbm:s3], $0xF7A  }
0x26: {  	[smem:$0x3F80] =	sst s1;
	(tag) =	ssettag s2;
	_ =	strace s9  }
0x27: {  	s1 =	sld [smem:$0x3F90]  }
0x28: {  	s2 =	sld [smem:$0x3F91]  }
0x29: {  	s4 =	sld [smem:$0x3F93]  }
0x2a: {  	p0 =	seq.s32 s5, $0x0;
	s5 =	sld [smem:$0x3F94]  }
0x2b: {  	s6 =	sld [smem:$0x3F95]  }
0x2c: {  	s7 =	sld [smem:$0x3F96]  }
0x2d: {  	s3 =	simm.s32 $0x108;
	s8 =	sld [smem:$0x3F97]  }
0x2e: {  	s3 =	simm.s32 @!p0 $0x1082;
	s9 =	sld [smem:$0x3F98]  }
0x2f: {  	lr =	sadd.s32 s0, s3;
	s0 =	sld [smem:$0x3F8F]  }
0x30: {  	s3 =	sld [smem:$0x3F92]  }
0x31: {  	[smem:$0x3F9B] =	sst s10  }
0x32: {  	s10 =	sld [smem:$0x3F99];
	_ =	sdelay $0x3  }
0x33: {  	p0 =	seq.s32 s10, $0x1;
	s10 =	sld [smem:$0x3F9B];
	_ =	sdelay $0x3  }
0x34: {  	[smem:$0x3F9B] =	sst s10  }
0x35: {  	s10 =	sld [smem:$0x3F9A];
	_ =	sdelay $0x3  }
0x36: {  	p1 =	seq.s32 s10, $0x1;
	s10 =	sld [smem:$0x3F9B];
	_ =	sdelay $0x3  }
0x37: {  	[smem:$0x3F9B] =	sst s10  }
0x38: {  	s10 =	sld [smem:$0x3F9C]  }
0x39: {  	_ = 	snop;
	(pc) =	sbr.ind lr, $3  }
0x3a: {  	_ = 	snop  }
0x3b: {  	_ = 	snop  }
0x3c: {  	p2 =	seq.s32 s10, $0x1;
	s10 =	sld [smem:$0x3F9B]  }
0x3d: {  	_ =	shalt  }
0x3e: {  	_ =	shalt  }
0x3f: {  	_ =	shalt  }
0x40: {  	_ =	shalt  }
0x41: {  	_ =	shalt  }
0x42: {  	_ =	shalt  }
0x43: {  	_ =	shalt  }
0x44: {  	_ =	shalt  }
0x45: {  	_ =	shalt  }
0x46: {  	_ =	shalt  }
0x47: {  	_ =	shalt  }
0x48: {  	_ =	shalt  }
0x49: {  	_ =	shalt  }
0x4a: {  	_ =	shalt  }
0x4b: {  	_ =	shalt  }
0x4c: {  	_ =	shalt  }
0x4d: {  	_ =	shalt  }
0x4e: {  	_ =	shalt  }
0x4f: {  	_ =	shalt  }
0x50: {  	_ =	shalt  }
0x51: {  	_ =	shalt  }
0x52: {  	_ =	shalt  }
0x53: {  	_ =	shalt  }
0x54: {  	_ =	shalt  }
0x55: {  	_ =	shalt  }
0x56: {  	_ =	shalt  }
0x57: {  	_ =	shalt  }
0x58: {  	_ =	shalt  }
0x59: {  	_ =	shalt  }
0x5a: {  	_ =	shalt  }
0x5b: {  	_ =	shalt  }
0x5c: {  	_ =	shalt  }
0x5d: {  	_ =	shalt  }
0x5e: {  	_ =	shalt  }
0x5f: {  	_ =	shalt  }
0x60: {  	_ =	shalt  }
0x61: {  	_ =	shalt  }
0x62: {  	_ =	shalt  }
0x63: {  	_ =	shalt  }
0x64: {  	_ =	shalt  }
0x65: {  	_ =	shalt  }
0x66: {  	_ =	shalt  }
0x67: {  	_ =	shalt  }
0x68: {  	_ =	shalt  }
0x69: {  	_ =	shalt  }
0x6a: {  	_ =	shalt  }
0x6b: {  	_ =	shalt  }
0x6c: {  	_ =	shalt  }
0x6d: {  	_ =	shalt  }
0x6e: {  	_ =	shalt  }
0x6f: {  	_ =	shalt  }
0x70: {  	_ =	shalt  }
0x71: {  	_ =	shalt  }
0x72: {  	_ =	shalt  }
0x73: {  	_ =	shalt  }
0x74: {  	_ =	shalt  }
0x75: {  	_ =	shalt  }
0x76: {  	_ =	shalt  }
0x77: {  	_ =	shalt  }
0x78: {  	_ =	shalt  }
0x79: {  	_ =	shalt  }
0x7a: {  	_ =	shalt  }
0x7b: {  	_ =	shalt  }
0x7c: {  	_ =	shalt  }
0x7d: {  	_ =	shalt  }
0x7e: {  	_ =	shalt  }
0x7f: {  	_ =	shalt  }
0x80: {  	_ =	shalt  }
0x81: {  	_ =	shalt  }
0x82: {  	_ =	shalt  }
0x83: {  	_ =	shalt  }
0x84: {  	_ =	shalt  }
0x85: {  	_ =	shalt  }
0x86: {  	_ =	shalt  }
0x87: {  	_ =	shalt  }
.Lfunc_end0:
.L_simem_size_0:
called_computation.4_lowered:
.L_overlay_start_0:
0x88: {  	s2 =	sld [smem:$0x3FD9]  }
0x89: {  	s3 =	sld [smem:$0x3FFE];
	_ =	sdelay $0x1  }
0x8a: {  	s1 =	srdreg.scid  }
0x8b: {  	s0 =	sand.u32 $0x1, s1  }
0x8c: {  	s16 =	sshll.u32 s0, $0xA;
	s2 =	sadd.s32 s3, s2  }
0x8d: {  	s2 =	sadd.s32 s2, s16  }
0x8e: {  	[smem:$0x3FA7] =	sst s2  }
0x8f: {  	_ = 	snop  }
0x90: {  	(tm) =	ssettm $0x1  }
0x91: {  	s17 =	sld [smem:$0x3FFB];
	_ =	sdelay $0x3  }
0x92: {  	_ =	strace s17  }
0x93: {  	s2 =	sld [smem:$0x3FFC];
	_ =	sdelay $0x3  }
0x94: {  	_ =	strace s2  }
0x95: {  	s2 =	sld [smem:$0x3FFD];
	_ =	sdelay $0x3  }
0x96: {  	_ =	strace s2  }
0x97: {  	_ =	strace $0x8FFFFFFF  }
0x98: {  	s18 =	sld [smem:$0x3FDB];
	_ =	sdelay $0x1  }
0x99: {  	s19 =	simm.s32 $_scs_section_size  }
0x9a: {  	s4 =	simm.s32 $_size__tile_overlayer_lowered;
	s5 =	simm.s32 $_tile_overlayer_lowered  }
0x9b: {  	s22 =	simm.s32 $0x1BFF;
	s21 =	sshll.u32 s5, $0x1;
	s2 =	sadd.s32 s19, s18  }
0x9c: {  	s6 =	simm.s32 $0x0;
	s20 =	sshll.u32 s4, $0x1;
	s4 =	sadd.s32 s21, s2  }
0x9d: {  	[timem:s6], [sflag:s22] =	dma.local [hbm:s4], s20  }
0x9e: {  	_ =	swait.ge [sflag:s22], s20  }
0x9f: {  	s3 =	ssub.s32 $0x0, s20;
	[sflag:s22] =	ssyncset.done $0x0  }
0xa0: {  	[sflag:s22] =	ssyncadd.s32 s3;
	_ =	sdelay $0x1  }
0xa1: {  	s23 =	simm.s32 $0x1B8B  }
0xa2: {  	_ =	swait.ge [sflag:s23], $0x1  }
0xa3: {  	[sflag:s23] =	ssyncset.done $0x0  }
0xa4: {  	s25 =	simm.s32 $0x1B8E;
	s24 =	sld [smem:$0x3FFE];
	[sflag:s23] =	ssyncadd.s32 $0xFFFFFFFF  }
0xa5: {  	s26 =	simm.s32 $execute0_lowered;
	[smem:$0x3FD2] =	sst s25  }
0xa6: {  	s4 =	sshll.u32 s26, $0x1;
	_ =	strace $0x80000052;
	[dreg:$0x1] =	wrdreg $0xFFFFFFFF  }
0xa7: {  	s28 =	simm.s32 $_size_execute0_lowered;
	s2 =	sadd.s32 s2, s4;
	[dreg:$0x0] =	wrdreg $0x0  }
0xa8: {  	s4 =	sshll.u32 s28, $0x1;
	[dreg:$0x2] =	wrdreg s2  }
0xa9: {  	[dreg:$0x3] =	wrdreg s4  }
0xaa: {  	[dreg:$0x4] =	wrdreg $0xC0  }
0xab: {  	_ =	task [dreg:s6], $0x5FFFF  }
0xac: {  	[dreg:$0x1] =	wrdreg $0xFFFFFFFF  }
0xad: {  	[dreg:$0x0] =	wrdreg $0x60  }
0xae: {  	[dreg:$0x2] =	wrdreg s24  }
0xaf: {  	[dreg:$0x3] =	wrdreg $0x0  }
0xb0: {  	[dreg:$0x4] =	wrdreg $0x9  }
0xb1: {  	_ =	task.clear_ibuf [dreg:s6], $0x5FFFF;
	_ =	strace $0x90000052  }
0xb2: {  	s29 =	simm.s32 $0x9;
	_ =	strace $0x80000054  }
0xb3: {  	_ =	swait.ge [sflag:s29], $0x1  }
0xb4: {  	[sflag:s29] =	ssyncadd.s32 $0xFFFFFFFF  }
0xb5: {  	_ =	strace $0x90000054  }
0xb6: {  	_ =	sfence  }
0xb7: {  	s30 =	sld [smem:$0x0];
	_ =	sdelay $0x2  }
0xb8: {  	s31 =	sshll.u32 s1, $0xD;
	s1 =	sshrl.u32 s1, $0x2  }
0xb9: {  	s3 =	sand.u32 $0x4000, s31;
	s1 =	sadd.s32 s1, s30  }
0xba: {  	s0 =	sor.u32 s3, s0;
	s1 =	sshll.u32 s1, $0x11  }
0xbb: {  	s0 =	sor.u32 s1, s0  }
0xbc: {  	s0 =	sadd.s32 $0x8F2B, s0  }
0xbd: {  	[sflag:s0] =	ssyncadd.remote.s32 $0x1  }
0xbe: {  	_ =	sfence.sel $0xFFFF  }
0xbf: {  	[dreg:$0x0] =	wrdreg $0xFFFFFFFF;
	(pc) =	sbr.abs _section_cstart, $3  }
0xc0: {  	[dreg:$0x1] =	wrdreg $0xFFFFFFFF  }
0xc1: {  	_ =	task.clear_ibuf [dreg:s6], $0x2FFFF;
	_ =	strace $0x9FFFFFFF  }
0xc2: {  	(tm) =	ssettm $0x7FFFFFFF  }
0xc3: {  	_ =	shalt  }
tec
execute0_lowered:
.L_overlay_start_1:
0x0: {  	(tag) =	ssettag $0x1  }
0x1: {  	s0 =	rddreg [dreg:$0x0]  }
0x2: {  	s2 =	rddreg [dreg:$0x1];
	s3 =	simm.s32 $0x0;
	s12 =	stileid.u32  }
0x3: {  	s4 =	srdreg.scid;
	s28 =	simm.s32 $0x1;
	s29 =	simm.s32 $0x13940  }
0x4: {  	s30 =	simm.s32 $0x13D40;
	s31 =	simm.s32 $0x139C0;
	s14 =	simm.s32 $0x14040  }
0x5: {  	s17 =	simm.s32 $0x0;
	[smem:$0x7FF] =	sst s3;
	s1 =	smul.u32 $0xA00, s12  }
0x6: {  	s5 =	smul.u32 $0x2780, s12;
	s6 =	sadd.s32 $0x2E800, s0;
	s7 =	sand.u32 $0x1, s4  }
0x7: {  	s8 =	smul.u32 $0x4F000, s12;
	s4 =	sadd.s32 $0x55A00, s0;
	s13 =	sadd.s32 $0x7AA80, s0  }
0x8: {  	s22 =	sadd.s32 $0x53880, s0;
	_ =	strace $0x80000053;
	[dreg:$0x5] =	wrdreg s13  }
0x9: {  	s24 =	sadd.s32 $0xC8E80, s0;
	s9 =	ssub.s32 $0x2, s7;
	[dreg:$0x7] =	wrdreg s22  }
0xa: {  	p0 =	seq.s32 s7, $0x0;
	[dreg:$0x9] =	wrdreg s24;
	p3 =	sne.s32 s7, $0x0  }
0xb: {  	s22 =	simm.s32 $0x138C0;
	s24 =	simm.s32 $0x13CC0;
	s7 =	simm.s32 $0x13AC0  }
0xc: {  	s13 =	simm.s32 $0x13C40;
	[dreg:$0x12] =	wrdreg s17;
	s1 =	sadd.s32 s1, s0  }
0xd: {  	s10 =	sadd.s32 s5, s0;
	s11 =	sshrl.u32 s9, $0x1;
	s8 =	sshrl.u32 s8, $0x2  }
0xe: {  	s21 =	sadd.s32 s4, s5;
	s5 =	sadd.s32 s6, s5;
	s0 =	sadd.s32 $0xA1C80, s0  }
0xf: {  	s4 =	smov.u32 @p0 s6;
	p1 =	seq.s32 @p3 s12, $0xF;
	p4 =	seq.s32 @!p3 s12, $0xF  }
0x10: {  	s6 =	simm.s32 $0x13E40;
	s9 =	ssub.s32 s9, s11;
	[dreg:$0x4] =	wrdreg s21  }
0x11: {  	s11 =	sadd.s32 s8, s2;
	s8 =	sadd.s32 $0x128400, s2;
	[dreg:$0x6] =	wrdreg s5  }
0x12: {  	s23 =	sadd.s32 $0xA3E00, s10;
	s25 =	sadd.s32 $0x7CC00, s10;
	[dreg:$0xb] =	wrdreg s0  }
0x13: {  	s15 =	sadd.s32 $0x24800, s1;
	s16 =	sadd.s32 $0x6E00, s1;
	p0 =	por !p1, !p3  }
0x14: {  	p1 =	por p1, !p3;
	p2 =	por p4, p3;
	p3 =	por !p4, p3  }
0x15: {  	s1 =	simm.s32 $0x13A40;
	s10 =	simm.s32 $0x13F40;
	[dreg:$0x8] =	wrdreg s23  }
0x16: {  	[dreg:$0xa] =	wrdreg s25;
	s26 =	smax.u32 s9, $0x1;
	s20 =	sshrl.u32 @!p0 s8, $0x3  }
0x17: {  	s0 =	sshll.u32 @!p1 s12, $0x6;
	[dreg:$0x3] =	wrdreg s11;
	s21 =	sshrl.u32 @!p1 s11, $0x3  }
0x18: {  	s5 =	sshrl.u32 @!p3 s8, $0x3;
	s23 =	simm.s32 $0x2;
	[dreg:$0xc] =	wrdreg s26  }
0x19: {  	s25 =	simm.s32 $0x80;
	s8 =	simm.s32 $0x13EC0;
	[dreg:$0xd] =	wrdreg s20  }
0x1a: {  	s9 =	simm.s32 $0x13B40;
	s0 =	sor.u32 @!p1 $0x1C02, s0;
	[dreg:$0xf] =	wrdreg s21  }
0x1b: {  	s11 =	simm.s32 $0x13BC0;
	[dreg:$0xe] =	wrdreg s0;
	s0 =	sshll.u32 @!p2 s12, $0x6  }
0x1c: {  	s26 =	simm.s32 $0x140C0;
	[dreg:$0x10] =	wrdreg s5;
	s19 =	sor.u32 @!p2 $0x1C02, s0  }
0x1d: {  	s12 =	simm.s32 $0x13FC0;
	s0 =	simm.s32 $0x13DC0;
	[dreg:$0x11] =	wrdreg s19  }
.LBB2_1:
0x1e: {  	s17 =	simm.s32 @!p0 $0x1FC2;
	s18 =	rddreg [dreg:$0x5]  }
0x1f: {  	[spmem:s20], [sflag:s17] =	dma.local @!p0 [hbm:s18], $0x2080  }
0x20: {  	s17 =	simm.s32 @!p0 $0x2  }
0x21: {  	_ =	swait.ge @!p0 [sflag:s17], $0x2080  }
0x22: {  	[sflag:s17] =	ssyncset.done @!p0 $0x0;
	s18 =	rddreg [dreg:$0xe]  }
0x23: {  	[sflag:s17] =	ssyncadd.s32 @!p0 $0xFFFFDF80;
	s17 =	rddreg [dreg:$0x4]  }
0x24: {  	[spmem:s21], [sflag:s18] =	dma.local @!p1 [hbm:s17], $0x2780  }
0x25: {  	s17 =	simm.s32 @!p1 $0x2  }
0x26: {  	_ =	swait.ge @!p1 [sflag:s17], $0x2780  }
0x27: {  	[sflag:s17] =	ssyncset.done @!p1 $0x0  }
0x28: {  	s18 =	rddreg [dreg:$0x7];
	[sflag:s17] =	ssyncadd.s32 @!p1 $0xFFFFD880;
	s17 =	simm.s32 @!p3 $0x1FC2  }
0x29: {  	[spmem:s5], [sflag:s17] =	dma.local @!p3 [hbm:s18], $0x2080  }
0x2a: {  	s17 =	simm.s32 @!p3 $0x2  }
0x2b: {  	_ =	swait.ge @!p3 [sflag:s17], $0x2080  }
0x2c: {  	[sflag:s17] =	ssyncset.done @!p3 $0x0  }
0x2d: {  	[sflag:s17] =	ssyncadd.s32 @!p3 $0xFFFFDF80;
	s17 =	rddreg [dreg:$0x3]  }
0x2e: {  	s5 =	sshrl.u32 @!p2 s17, $0x3;
	s17 =	rddreg [dreg:$0x6]  }
0x2f: {  	s18 =	simm.s32 @!p2 $0x2;
	[dreg:$0x13] =	wrdreg s5  }
0x30: {  	[spmem:s5], [sflag:s19] =	dma.local @!p2 [hbm:s17], $0x2780  }
0x31: {  	_ =	swait.ge @!p2 [sflag:s18], $0x2780  }
0x32: {  	[sflag:s18] =	ssyncset.done @!p2 $0x0  }
0x33: {  	[sflag:s18] =	ssyncadd.s32 @!p2 $0xFFFFD880  }
0x34: {  	s20 =	sadd.s32 $0x0, s16;
	[bflag:$0x0] =	sbarrier.arrive $0xFFFF  }
0x35: {  	[tilespmem:s22], [sflag:$0x2] =	stream.linear.gather [hbm4b:s20+s3], $0x400, $0x38;
	[tilespmem:$0x180C0] =	vst v63  }
0x36: {  	_ =	swait.ge [sflag:s23], $0x400  }
0x37: {  	[sflag:s23] =	ssyncset.done $0x0  }
0x38: {  	s21 =	sadd.s32 $0x0, s15;
	[sflag:s23] =	ssyncadd.s32 $0xFFFFFC00  }
0x39: {  	[tilespmem:s24], [sflag:$0x2] =	stream.linear.gather [hbm4b:s21+s3], $0x400, $0x38;
	[tilespmem:$0x180C0] =	vst v63  }
0x3a: {  	_ =	swait.ge [sflag:s23], $0x400  }
0x3b: {  	[sflag:s23] =	ssyncset.done $0x0  }
0x3c: {  	[sflag:s23] =	ssyncadd.s32 $0xFFFFFC00  }
0x3d: {  	[tilespmem:s26], [sflag:$0x1] =	stream.indirect.gather [hbm4b:s4+s25], $0x80, s22, s25, $0xb8;
	[tilespmem:$0x180C0] =	vst v63  }
0x3e: {  	_ =	swait.ge [sflag:s28], $0x4000  }
0x3f: {  	[sflag:s28] =	ssyncset.done $0x0  }
0x40: {  	[sflag:s28] =	ssyncadd.s32 $0xFFFFC000  }
0x41: {  	[spmem:s2] =	stream.indirect.scatter.add.f32 [tilespmem:s26], [sflag:$0x2], $0x80, s24, s25, $0xb8;
	[tilespmem:$0x180C0] =	vst v63  }
0x42: {  	_ =	swait.ge [sflag:s23], $0x4000  }
0x43: {  	[sflag:s23] =	ssyncset.done $0x0  }
0x44: {  	[sflag:s23] =	ssyncadd.s32 $0xFFFFC000  }
0x45: {  	[tilespmem:s26], [sflag:$0x1] =	stream.indirect.gather [hbm4b:s4+s25], $0x80, s29, s25, $0xb8;
	[tilespmem:$0x180C0] =	vst v63  }
0x46: {  	_ =	swait.ge [sflag:s28], $0x4000  }
0x47: {  	[sflag:s28] =	ssyncset.done $0x0  }
0x48: {  	[sflag:s28] =	ssyncadd.s32 $0xFFFFC000  }
0x49: {  	[spmem:s2] =	stream.indirect.scatter.add.f32 [tilespmem:s26], [sflag:$0x2], $0x80, s30, s25, $0xb8;
	[tilespmem:$0x180C0] =	vst v63  }
0x4a: {  	_ =	swait.ge [sflag:s23], $0x4000  }
0x4b: {  	[sflag:s23] =	ssyncset.done $0x0  }
0x4c: {  	[sflag:s23] =	ssyncadd.s32 $0xFFFFC000  }
0x4d: {  	[tilespmem:s26], [sflag:$0x1] =	stream.indirect.gather [hbm4b:s4+s25], $0x80, s31, s25, $0xb8;
	[tilespmem:$0x180C0] =	vst v63  }
0x4e: {  	_ =	swait.ge [sflag:s28], $0x4000  }
0x4f: {  	[sflag:s28] =	ssyncset.done $0x0  }
0x50: {  	[sflag:s28] =	ssyncadd.s32 $0xFFFFC000  }
0x51: {  	[spmem:s2] =	stream.indirect.scatter.add.f32 [tilespmem:s26], [sflag:$0x2], $0x80, s0, s25, $0xb8;
	[tilespmem:$0x180C0] =	vst v63  }
0x52: {  	_ =	swait.ge [sflag:s23], $0x4000  }
0x53: {  	[sflag:s23] =	ssyncset.done $0x0  }
0x54: {  	[sflag:s23] =	ssyncadd.s32 $0xFFFFC000  }
0x55: {  	[tilespmem:s26], [sflag:$0x1] =	stream.indirect.gather [hbm4b:s4+s25], $0x80, s1, s25, $0xb8;
	[tilespmem:$0x180C0] =	vst v63  }
0x56: {  	_ =	swait.ge [sflag:s28], $0x4000  }
0x57: {  	[sflag:s28] =	ssyncset.done $0x0  }
0x58: {  	[sflag:s28] =	ssyncadd.s32 $0xFFFFC000  }
0x59: {  	[spmem:s2] =	stream.indirect.scatter.add.f32 [tilespmem:s26], [sflag:$0x2], $0x80, s6, s25, $0xb8;
	[tilespmem:$0x180C0] =	vst v63  }
0x5a: {  	_ =	swait.ge [sflag:s23], $0x4000  }
0x5b: {  	[sflag:s23] =	ssyncset.done $0x0  }
0x5c: {  	[sflag:s23] =	ssyncadd.s32 $0xFFFFC000  }
0x5d: {  	[tilespmem:s26], [sflag:$0x1] =	stream.indirect.gather [hbm4b:s4+s25], $0x80, s7, s25, $0xb8;
	[tilespmem:$0x180C0] =	vst v63  }
0x5e: {  	_ =	swait.ge [sflag:s28], $0x4000  }
0x5f: {  	[sflag:s28] =	ssyncset.done $0x0  }
0x60: {  	[sflag:s28] =	ssyncadd.s32 $0xFFFFC000  }
0x61: {  	[spmem:s2] =	stream.indirect.scatter.add.f32 [tilespmem:s26], [sflag:$0x2], $0x80, s8, s25, $0xb8;
	[tilespmem:$0x180C0] =	vst v63  }
0x62: {  	_ =	swait.ge [sflag:s23], $0x4000  }
0x63: {  	[sflag:s23] =	ssyncset.done $0x0  }
0x64: {  	[sflag:s23] =	ssyncadd.s32 $0xFFFFC000  }
0x65: {  	[tilespmem:s26], [sflag:$0x1] =	stream.indirect.gather [hbm4b:s4+s25], $0x80, s9, s25, $0xb8;
	[tilespmem:$0x180C0] =	vst v63  }
0x66: {  	_ =	swait.ge [sflag:s28], $0x4000  }
0x67: {  	[sflag:s28] =	ssyncset.done $0x0  }
0x68: {  	[sflag:s28] =	ssyncadd.s32 $0xFFFFC000  }
0x69: {  	[spmem:s2] =	stream.indirect.scatter.add.f32 [tilespmem:s26], [sflag:$0x2], $0x80, s10, s25, $0xb8;
	[tilespmem:$0x180C0] =	vst v63  }
0x6a: {  	_ =	swait.ge [sflag:s23], $0x4000  }
0x6b: {  	[sflag:s23] =	ssyncset.done $0x0  }
0x6c: {  	[sflag:s23] =	ssyncadd.s32 $0xFFFFC000  }
0x6d: {  	[tilespmem:s26], [sflag:$0x1] =	stream.indirect.gather [hbm4b:s4+s25], $0x80, s11, s25, $0xb8;
	[tilespmem:$0x180C0] =	vst v63  }
0x6e: {  	_ =	swait.ge [sflag:s28], $0x4000  }
0x6f: {  	[sflag:s28] =	ssyncset.done $0x0  }
0x70: {  	[sflag:s28] =	ssyncadd.s32 $0xFFFFC000  }
0x71: {  	[spmem:s2] =	stream.indirect.scatter.add.f32 [tilespmem:s26], [sflag:$0x2], $0x80, s12, s25, $0xb8;
	[tilespmem:$0x180C0] =	vst v63  }
0x72: {  	_ =	swait.ge [sflag:s23], $0x4000  }
0x73: {  	[sflag:s23] =	ssyncset.done $0x0  }
0x74: {  	[sflag:s23] =	ssyncadd.s32 $0xFFFFC000  }
0x75: {  	[tilespmem:s26], [sflag:$0x1] =	stream.indirect.gather [hbm4b:s4+s25], $0x80, s13, s25, $0xb8;
	[tilespmem:$0x180C0] =	vst v63  }
0x76: {  	_ =	swait.ge [sflag:s28], $0x4000  }
0x77: {  	[sflag:s28] =	ssyncset.done $0x0  }
0x78: {  	[sflag:s28] =	ssyncadd.s32 $0xFFFFC000  }
0x79: {  	[spmem:s2] =	stream.indirect.scatter.add.f32 [tilespmem:s26], [sflag:$0x2], $0x80, s14, s25, $0xb8;
	[tilespmem:$0x180C0] =	vst v63  }
0x7a: {  	_ =	swait.ge [sflag:s23], $0x4000  }
0x7b: {  	s19 =	simm.s32 $0x100;
	s18 =	simm.s32 $0x80;
	[sflag:s23] =	ssyncset.done $0x0  }
.LBB2_2:
0x7c: {  	s21 =	sadd.s32 s18, s16  }
0x7d: {  	[sflag:s23] =	ssyncadd.s32 $0xFFFFC000;
	s17 =	smov.u32 s19;
	s20 =	sadd.s32 $0x80, s19  }
0x7e: {  	[tilespmem:s22], [sflag:$0x2] =	stream.linear.gather [hbm4b:s21+s3], $0x400, $0x38;
	[tilespmem:$0x180C0] =	vst v63  }
0x7f: {  	p4 =	sne.s32 s19, $0x980;
	_ =	swait.ge [sflag:s23], $0x400  }
0x80: {  	[sflag:s23] =	ssyncset.done $0x0  }
0x81: {  	s19 =	sadd.s32 s18, s15;
	s18 =	smov.u32 s17;
	[sflag:s23] =	ssyncadd.s32 $0xFFFFFC00  }
0x82: {  	[tilespmem:s24], [sflag:$0x2] =	stream.linear.gather [hbm4b:s19+s3], $0x400, $0x38;
	[tilespmem:$0x180C0] =	vst v63  }
0x83: {  	_ =	swait.ge [sflag:s23], $0x400  }
0x84: {  	[sflag:s23] =	ssyncset.done $0x0  }
0x85: {  	[sflag:s23] =	ssyncadd.s32 $0xFFFFFC00  }
0x86: {  	[tilespmem:s26], [sflag:$0x1] =	stream.indirect.gather [hbm4b:s4+s25], $0x80, s22, s25, $0xb8;
	[tilespmem:$0x180C0] =	vst v63  }
0x87: {  	_ =	swait.ge [sflag:s28], $0x4000  }
0x88: {  	[sflag:s28] =	ssyncset.done $0x0  }
0x89: {  	[sflag:s28] =	ssyncadd.s32 $0xFFFFC000  }
0x8a: {  	[spmem:s2] =	stream.indirect.scatter.add.f32 [tilespmem:s26], [sflag:$0x2], $0x80, s24, s25, $0xb8;
	[tilespmem:$0x180C0] =	vst v63  }
0x8b: {  	_ =	swait.ge [sflag:s23], $0x4000  }
0x8c: {  	[sflag:s23] =	ssyncset.done $0x0  }
0x8d: {  	[sflag:s23] =	ssyncadd.s32 $0xFFFFC000  }
0x8e: {  	[tilespmem:s26], [sflag:$0x1] =	stream.indirect.gather [hbm4b:s4+s25], $0x80, s29, s25, $0xb8;
	[tilespmem:$0x180C0] =	vst v63  }
0x8f: {  	_ =	swait.ge [sflag:s28], $0x4000  }
0x90: {  	[sflag:s28] =	ssyncset.done $0x0  }
0x91: {  	[sflag:s28] =	ssyncadd.s32 $0xFFFFC000  }
0x92: {  	[spmem:s2] =	stream.indirect.scatter.add.f32 [tilespmem:s26], [sflag:$0x2], $0x80, s30, s25, $0xb8;
	[tilespmem:$0x180C0] =	vst v63  }
0x93: {  	_ =	swait.ge [sflag:s23], $0x4000  }
0x94: {  	[sflag:s23] =	ssyncset.done $0x0  }
0x95: {  	[sflag:s23] =	ssyncadd.s32 $0xFFFFC000  }
0x96: {  	[tilespmem:s26], [sflag:$0x1] =	stream.indirect.gather [hbm4b:s4+s25], $0x80, s31, s25, $0xb8;
	[tilespmem:$0x180C0] =	vst v63  }
0x97: {  	_ =	swait.ge [sflag:s28], $0x4000  }
0x98: {  	[sflag:s28] =	ssyncset.done $0x0  }
0x99: {  	[sflag:s28] =	ssyncadd.s32 $0xFFFFC000  }
0x9a: {  	[spmem:s2] =	stream.indirect.scatter.add.f32 [tilespmem:s26], [sflag:$0x2], $0x80, s0, s25, $0xb8;
	[tilespmem:$0x180C0] =	vst v63  }
0x9b: {  	_ =	swait.ge [sflag:s23], $0x4000  }
0x9c: {  	[sflag:s23] =	ssyncset.done $0x0  }
0x9d: {  	[sflag:s23] =	ssyncadd.s32 $0xFFFFC000  }
0x9e: {  	[tilespmem:s26], [sflag:$0x1] =	stream.indirect.gather [hbm4b:s4+s25], $0x80, s1, s25, $0xb8;
	[tilespmem:$0x180C0] =	vst v63  }
0x9f: {  	_ =	swait.ge [sflag:s28], $0x4000  }
0xa0: {  	[sflag:s28] =	ssyncset.done $0x0  }
0xa1: {  	[sflag:s28] =	ssyncadd.s32 $0xFFFFC000  }
0xa2: {  	[spmem:s2] =	stream.indirect.scatter.add.f32 [tilespmem:s26], [sflag:$0x2], $0x80, s6, s25, $0xb8;
	[tilespmem:$0x180C0] =	vst v63  }
0xa3: {  	_ =	swait.ge [sflag:s23], $0x4000  }
0xa4: {  	[sflag:s23] =	ssyncset.done $0x0  }
0xa5: {  	[sflag:s23] =	ssyncadd.s32 $0xFFFFC000  }
0xa6: {  	[tilespmem:s26], [sflag:$0x1] =	stream.indirect.gather [hbm4b:s4+s25], $0x80, s7, s25, $0xb8;
	[tilespmem:$0x180C0] =	vst v63  }
0xa7: {  	_ =	swait.ge [sflag:s28], $0x4000  }
0xa8: {  	[sflag:s28] =	ssyncset.done $0x0  }
0xa9: {  	[sflag:s28] =	ssyncadd.s32 $0xFFFFC000  }
0xaa: {  	[spmem:s2] =	stream.indirect.scatter.add.f32 [tilespmem:s26], [sflag:$0x2], $0x80, s8, s25, $0xb8;
	[tilespmem:$0x180C0] =	vst v63  }
0xab: {  	_ =	swait.ge [sflag:s23], $0x4000  }
0xac: {  	[sflag:s23] =	ssyncset.done $0x0  }
0xad: {  	[sflag:s23] =	ssyncadd.s32 $0xFFFFC000  }
0xae: {  	[tilespmem:s26], [sflag:$0x1] =	stream.indirect.gather [hbm4b:s4+s25], $0x80, s9, s25, $0xb8;
	[tilespmem:$0x180C0] =	vst v63  }
0xaf: {  	_ =	swait.ge [sflag:s28], $0x4000  }
0xb0: {  	[sflag:s28] =	ssyncset.done $0x0  }
0xb1: {  	[sflag:s28] =	ssyncadd.s32 $0xFFFFC000  }
0xb2: {  	[spmem:s2] =	stream.indirect.scatter.add.f32 [tilespmem:s26], [sflag:$0x2], $0x80, s10, s25, $0xb8;
	[tilespmem:$0x180C0] =	vst v63  }
0xb3: {  	_ =	swait.ge [sflag:s23], $0x4000  }
0xb4: {  	[sflag:s23] =	ssyncset.done $0x0  }
0xb5: {  	[sflag:s23] =	ssyncadd.s32 $0xFFFFC000  }
0xb6: {  	[tilespmem:s26], [sflag:$0x1] =	stream.indirect.gather [hbm4b:s4+s25], $0x80, s11, s25, $0xb8;
	[tilespmem:$0x180C0] =	vst v63  }
0xb7: {  	_ =	swait.ge [sflag:s28], $0x4000  }
0xb8: {  	[sflag:s28] =	ssyncset.done $0x0  }
0xb9: {  	[sflag:s28] =	ssyncadd.s32 $0xFFFFC000  }
0xba: {  	[spmem:s2] =	stream.indirect.scatter.add.f32 [tilespmem:s26], [sflag:$0x2], $0x80, s12, s25, $0xb8;
	[tilespmem:$0x180C0] =	vst v63  }
0xbb: {  	_ =	swait.ge [sflag:s23], $0x4000  }
0xbc: {  	[sflag:s23] =	ssyncset.done $0x0  }
0xbd: {  	[sflag:s23] =	ssyncadd.s32 $0xFFFFC000  }
0xbe: {  	[tilespmem:s26], [sflag:$0x1] =	stream.indirect.gather [hbm4b:s4+s25], $0x80, s13, s25, $0xb8;
	[tilespmem:$0x180C0] =	vst v63  }
0xbf: {  	_ =	swait.ge [sflag:s28], $0x4000  }
.Ltmp0:
0xc0: {  	[sflag:s28] =	ssyncset.done $0x0;
	(pc) =	sbr.rel @p4 .LBB2_2-.Ltmp0, $4  }
0xc1: {  	[sflag:s28] =	ssyncadd.s32 $0xFFFFC000  }
0xc2: {  	[spmem:s2] =	stream.indirect.scatter.add.f32 [tilespmem:s26], [sflag:$0x2], $0x80, s14, s25, $0xb8;
	[tilespmem:$0x180C0] =	vst v63  }
0xc3: {  	_ =	swait.ge [sflag:s23], $0x4000  }
0xc4: {  	s19 =	smov.u32 s20;
	[sflag:s23] =	ssyncset.done $0x0  }
0xc5: {  	s17 =	sadd.s32 s18, s16;
	[sflag:s23] =	ssyncadd.s32 $0xFFFFC000  }
0xc6: {  	[tilespmem:s22], [sflag:$0x2] =	stream.linear.gather [hbm4b:s17+s3], $0x400, $0x38;
	[tilespmem:$0x180C0] =	vst v63  }
0xc7: {  	_ =	swait.ge [sflag:s23], $0x400  }
0xc8: {  	[sflag:s23] =	ssyncset.done $0x0  }
0xc9: {  	s21 =	sadd.s32 s18, s15;
	[sflag:s23] =	ssyncadd.s32 $0xFFFFFC00  }
0xca: {  	[tilespmem:s24], [sflag:$0x2] =	stream.linear.gather [hbm4b:s21+s3], $0x400, $0x38;
	[tilespmem:$0x180C0] =	vst v63  }
0xcb: {  	_ =	swait.ge [sflag:s23], $0x400  }
0xcc: {  	[sflag:s23] =	ssyncset.done $0x0  }
0xcd: {  	[sflag:s23] =	ssyncadd.s32 $0xFFFFFC00  }
0xce: {  	[tilespmem:s26], [sflag:$0x1] =	stream.indirect.gather [hbm4b:s4+s25], $0x80, s22, s25, $0xb8;
	[tilespmem:$0x180C0] =	vst v63  }
0xcf: {  	_ =	swait.ge [sflag:s28], $0x4000  }
0xd0: {  	[sflag:s28] =	ssyncset.done $0x0  }
0xd1: {  	[sflag:s28] =	ssyncadd.s32 $0xFFFFC000  }
0xd2: {  	[spmem:s2] =	stream.indirect.scatter.add.f32 [tilespmem:s26], [sflag:$0x2], $0x80, s24, s25, $0xb8;
	[tilespmem:$0x180C0] =	vst v63  }
0xd3: {  	_ =	swait.ge [sflag:s23], $0x4000  }
0xd4: {  	[sflag:s23] =	ssyncset.done $0x0  }
0xd5: {  	[sflag:s23] =	ssyncadd.s32 $0xFFFFC000  }
0xd6: {  	[tilespmem:s26], [sflag:$0x1] =	stream.indirect.gather [hbm4b:s4+s25], $0x80, s29, s25, $0xb8;
	[tilespmem:$0x180C0] =	vst v63  }
0xd7: {  	_ =	swait.ge [sflag:s28], $0x4000  }
0xd8: {  	[sflag:s28] =	ssyncset.done $0x0  }
0xd9: {  	[sflag:s28] =	ssyncadd.s32 $0xFFFFC000  }
0xda: {  	[spmem:s2] =	stream.indirect.scatter.add.f32 [tilespmem:s26], [sflag:$0x2], $0x80, s30, s25, $0xb8;
	[tilespmem:$0x180C0] =	vst v63  }
0xdb: {  	_ =	swait.ge [sflag:s23], $0x4000  }
0xdc: {  	[sflag:s23] =	ssyncset.done $0x0  }
0xdd: {  	[sflag:s23] =	ssyncadd.s32 $0xFFFFC000  }
0xde: {  	[tilespmem:s26], [sflag:$0x1] =	stream.indirect.gather [hbm4b:s4+s25], $0x80, s31, s25, $0xb8;
	[tilespmem:$0x180C0] =	vst v63  }
0xdf: {  	_ =	swait.ge [sflag:s28], $0x4000  }
0xe0: {  	[sflag:s28] =	ssyncset.done $0x0  }
0xe1: {  	[sflag:s28] =	ssyncadd.s32 $0xFFFFC000  }
0xe2: {  	[spmem:s2] =	stream.indirect.scatter.add.f32 [tilespmem:s26], [sflag:$0x2], $0x80, s0, s25, $0xb8;
	[tilespmem:$0x180C0] =	vst v63  }
0xe3: {  	_ =	swait.ge [sflag:s23], $0x4000  }
0xe4: {  	[sflag:s23] =	ssyncset.done $0x0  }
0xe5: {  	[sflag:s23] =	ssyncadd.s32 $0xFFFFC000  }
0xe6: {  	[tilespmem:s26], [sflag:$0x1] =	stream.indirect.gather [hbm4b:s4+s25], $0x80, s1, s25, $0xb8;
	[tilespmem:$0x180C0] =	vst v63  }
0xe7: {  	_ =	swait.ge [sflag:s28], $0x4000  }
0xe8: {  	[sflag:s28] =	ssyncset.done $0x0  }
0xe9: {  	[sflag:s28] =	ssyncadd.s32 $0xFFFFC000  }
0xea: {  	[spmem:s2] =	stream.indirect.scatter.add.f32 [tilespmem:s26], [sflag:$0x2], $0x80, s6, s25, $0xb8;
	[tilespmem:$0x180C0] =	vst v63  }
0xeb: {  	_ =	swait.ge [sflag:s23], $0x4000  }
0xec: {  	[sflag:s23] =	ssyncset.done $0x0  }
0xed: {  	[sflag:s23] =	ssyncadd.s32 $0xFFFFC000  }
0xee: {  	[tilespmem:s26], [sflag:$0x1] =	stream.indirect.gather [hbm4b:s4+s25], $0x80, s7, s25, $0xb8;
	[tilespmem:$0x180C0] =	vst v63  }
0xef: {  	_ =	swait.ge [sflag:s28], $0x4000  }
0xf0: {  	[sflag:s28] =	ssyncset.done $0x0  }
0xf1: {  	[sflag:s28] =	ssyncadd.s32 $0xFFFFC000  }
0xf2: {  	[spmem:s2] =	stream.indirect.scatter.add.f32 [tilespmem:s26], [sflag:$0x2], $0x80, s8, s25, $0xb8;
	[tilespmem:$0x180C0] =	vst v63  }
0xf3: {  	_ =	swait.ge [sflag:s23], $0x4000  }
0xf4: {  	[sflag:s23] =	ssyncset.done $0x0  }
0xf5: {  	[sflag:s23] =	ssyncadd.s32 $0xFFFFC000  }
0xf6: {  	[tilespmem:s26], [sflag:$0x1] =	stream.indirect.gather [hbm4b:s4+s25], $0x80, s9, s25, $0xb8;
	[tilespmem:$0x180C0] =	vst v63  }
0xf7: {  	_ =	swait.ge [sflag:s28], $0x4000  }
0xf8: {  	[sflag:s28] =	ssyncset.done $0x0  }
0xf9: {  	[sflag:s28] =	ssyncadd.s32 $0xFFFFC000  }
0xfa: {  	[spmem:s2] =	stream.indirect.scatter.add.f32 [tilespmem:s26], [sflag:$0x2], $0x80, s10, s25, $0xb8;
	[tilespmem:$0x180C0] =	vst v63  }
0xfb: {  	_ =	swait.ge [sflag:s23], $0x4000  }
0xfc: {  	[sflag:s23] =	ssyncset.done $0x0  }
0xfd: {  	[sflag:s23] =	ssyncadd.s32 $0xFFFFC000  }
0xfe: {  	[tilespmem:s26], [sflag:$0x1] =	stream.indirect.gather [hbm4b:s4+s25], $0x80, s11, s25, $0xb8;
	[tilespmem:$0x180C0] =	vst v63  }
0xff: {  	_ =	swait.ge [sflag:s28], $0x4000  }
0x100: {  	[sflag:s28] =	ssyncset.done $0x0  }
0x101: {  	[sflag:s28] =	ssyncadd.s32 $0xFFFFC000  }
0x102: {  	[spmem:s2] =	stream.indirect.scatter.add.f32 [tilespmem:s26], [sflag:$0x2], $0x80, s12, s25, $0xb8;
	[tilespmem:$0x180C0] =	vst v63  }
0x103: {  	_ =	swait.ge [sflag:s23], $0x4000  }
0x104: {  	[sflag:s23] =	ssyncset.done $0x0  }
0x105: {  	[sflag:s23] =	ssyncadd.s32 $0xFFFFC000  }
0x106: {  	[tilespmem:s26], [sflag:$0x1] =	stream.indirect.gather [hbm4b:s4+s25], $0x80, s13, s25, $0xb8;
	[tilespmem:$0x180C0] =	vst v63  }
0x107: {  	_ =	swait.ge [sflag:s28], $0x4000  }
0x108: {  	[sflag:s28] =	ssyncset.done $0x0  }
0x109: {  	[sflag:s28] =	ssyncadd.s32 $0xFFFFC000  }
0x10a: {  	[spmem:s2] =	stream.indirect.scatter.add.f32 [tilespmem:s26], [sflag:$0x2], $0x80, s14, s25, $0xb8;
	[tilespmem:$0x180C0] =	vst v63  }
0x10b: {  	_ =	swait.ge [sflag:s23], $0x4000  }
0x10c: {  	[sflag:s23] =	ssyncset.done $0x0  }
0x10d: {  	[sflag:s23] =	ssyncadd.s32 $0xFFFFC000  }
0x10e: {  	[bflag:$0x0] =	sbarrier.arrive $0xFFFF  }
0x10f: {  	s18 =	rddreg [dreg:$0x9]  }
0x110: {  	s17 =	simm.s32 @!p0 $0x1FC2;
	s5 =	rddreg [dreg:$0xd]  }
0x111: {  	[hbm:s18], [sflag:s17] =	dma.local @!p0 [spmem:s5], $0x2080  }
0x112: {  	s17 =	simm.s32 @!p0 $0x2  }
0x113: {  	_ =	swait.ge @!p0 [sflag:s17], $0x2080  }
0x114: {  	s5 =	rddreg [dreg:$0xe]  }
0x115: {  	[sflag:s17] =	ssyncset.done @!p0 $0x0;
	s21 =	rddreg [dreg:$0xf]  }
0x116: {  	[sflag:s17] =	ssyncadd.s32 @!p0 $0xFFFFDF80;
	s17 =	rddreg [dreg:$0x8]  }
0x117: {  	[hbm:s17], [sflag:s5] =	dma.local @!p1 [spmem:s21], $0x2780  }
0x118: {  	s17 =	simm.s32 @!p1 $0x2  }
0x119: {  	_ =	swait.ge @!p1 [sflag:s17], $0x2780  }
0x11a: {  	[sflag:s17] =	ssyncset.done @!p1 $0x0;
	s18 =	rddreg [dreg:$0xb]  }
0x11b: {  	s5 =	rddreg [dreg:$0x10];
	[sflag:s17] =	ssyncadd.s32 @!p1 $0xFFFFD880;
	s17 =	simm.s32 @!p3 $0x1FC2  }
0x11c: {  	[hbm:s18], [sflag:s17] =	dma.local @!p3 [spmem:s5], $0x2080  }
0x11d: {  	s17 =	simm.s32 @!p3 $0x2  }
0x11e: {  	_ =	swait.ge @!p3 [sflag:s17], $0x2080  }
0x11f: {  	s19 =	rddreg [dreg:$0x11]  }
0x120: {  	[sflag:s17] =	ssyncset.done @!p3 $0x0;
	s18 =	rddreg [dreg:$0x13]  }
0x121: {  	[sflag:s17] =	ssyncadd.s32 @!p3 $0xFFFFDF80;
	s17 =	rddreg [dreg:$0xa]  }
0x122: {  	[hbm:s17], [sflag:s19] =	dma.local @!p2 [spmem:s18], $0x2780  }
0x123: {  	s17 =	simm.s32 @!p2 $0x2  }
0x124: {  	_ =	swait.ge @!p2 [sflag:s17], $0x2780  }
0x125: {  	s20 =	rddreg [dreg:$0x12]  }
0x126: {  	s18 =	rddreg [dreg:$0xc];
	s20 =	sadd.s32 $0x1, s20  }
0x127: {  	p4 =	sne.s32 s20, s18  }
.Ltmp1:
0x128: {  	_ = 	snop;
	(pc) =	sbr.rel @p4 .LBB2_1-.Ltmp1, $3  }
0x129: {  	_ =	sdelay $0x1  }
0x12a: {  	[sflag:s17] =	ssyncset.done @!p2 $0x0;
	[dreg:$0x12] =	wrdreg s20  }
0x12b: {  	[sflag:s17] =	ssyncadd.s32 @!p2 $0xFFFFD880;
	s20 =	rddreg [dreg:$0xd]  }
0x12c: {  	_ =	sfence.sel $0x180000  }
0x12d: {  	[bflag:$0x0] =	sbarrier.arrive $0xFFFF  }
0x12e: {  	_ =	strace $0x90000053  }
0x12f: {  	s0 =	stileid.u32;
	[bflag:$0x2] =	sbarrier.arrive $0xFFFF  }
0x130: {  	p0 =	sne.s32 s0, $0x0;
	s0 =	rddreg [dreg:$0x2]  }
0x131: {  	s0 =	sadd.s32 @!p0 $0x100000, s0  }
0x132: {  	[sflag:s0] =	ssyncadd.tile.s32 @!p0 $0x1;
	_ =	shalt  }
.Lfunc_end2:
_tile_overlayer_lowered:
.L_overlay_start_2:
0x133: {  	(tag) =	ssettag $0x2  }
0x134: {  	s0 =	rddreg [dreg:$0x0];
	s2 =	stileid.u32  }
0x135: {  	s1 =	rddreg [dreg:$0x1];
	p0 =	sne.s32 s2, $0x0  }
0x136: {  	s3 =	rddreg [dreg:$0x2];
	[bflag:$0x3] =	sbarrier.arrive $0xFFFF;
	s2 =	simm.s32 @!p0 $0x1C02  }
0x137: {  	[timem:s3], [sflag:s2] =	dma.local @!p0 [hbm:s0], s1  }
0x138: {  	s0 =	simm.s32 @!p0 $0x2  }
0x139: {  	_ =	swait.ge @!p0 [sflag:s0], s1  }
0x13a: {  	s1 =	ssub.s32 @!p0 $0x0, s1;
	[sflag:s0] =	ssyncset.done @!p0 $0x0  }
0x13b: {  	[sflag:s0] =	ssyncadd.s32 @!p0 s1  }
0x13c: {  	[bflag:$0x3] =	sbarrier.arrive $0xFFFF  }
0x13d: {  	_ =	shalt  }

// kernel: segsum_f128.5.cloned.1.call-start
scs
__scs_entry_jumppad:
0x0: {  	(pc) =	sbr.rel $0x88, $3  }
0x1: {  	(tag) =	ssettag $0x0;
	lr =	simm.s32 $0x1  }
0x2: {  	[smem:$0x3F80] =	sst lr;
	_ =	strace $0xD0000000  }
0x3: {  	_ = 	snop  }
0x4: {  	_ = 	snop  }
0x5: {  	_ = 	snop  }
0x6: {  	_ = 	snop  }
0x7: {  	_ = 	snop  }
__scs_overlays_trampoline_lowered:
0x8: {  	[smem:$0x3F8F] =	sst s0  }
0x9: {  	[smem:$0x3F90] =	sst s1  }
0xa: {  	[smem:$0x3F91] =	sst s2  }
0xb: {  	[smem:$0x3F92] =	sst s3  }
0xc: {  	[smem:$0x3F93] =	sst s4  }
0xd: {  	[smem:$0x3F94] =	sst s5  }
0xe: {  	[smem:$0x3F95] =	sst s6  }
0xf: {  	[smem:$0x3F96] =	sst s7  }
0x10: {  	[smem:$0x3F97] =	sst s8  }
0x11: {  	[smem:$0x3F98] =	sst s9;
	s0 =	simm.s32 @!p0 $0x0  }
0x12: {  	s1 =	sld [smem:$0x3F7E];
	s0 =	simm.s32 @p0 $0x1  }
0x13: {  	[smem:$0x3F99] =	sst s0;
	s0 =	simm.s32 @!p1 $0x0  }
0x14: {  	s2 =	sld [smem:$0x3F7D];
	s0 =	simm.s32 @p1 $0x1  }
0x15: {  	[smem:$0x3F9A] =	sst s0;
	s0 =	simm.s32 @!p2 $0x0  }
0x16: {  	s3 =	sld [smem:$0x3FDB];
	s0 =	simm.s32 @p2 $0x1  }
0x17: {  	s4 =	simm.s32 $0x1BF5;
	[smem:$0x3F9C] =	sst s0  }
0x18: {  	s0 =	sld [smem:$0x3F7F];
	_ =	swait.ge [sflag:s4], $0x0  }
0x19: {  	s7 =	sld [smem:$0x3F80]  }
0x1a: {  	s8 =	sadd.s32 $0xFFFFE003, lr  }
0x1b: {  	s9 =	sadd.s32 $0xFFFFFEF7, lr;
	s5 =	simm.s32 $0xFFFFFFFF;
	p2 =	slt.u32 s8, $0xFFFFF086  }
0x1c: {  	p1 =	slt.u32 s9, $0xF7A;
	s5 =	simm.s32 @!p2 $0x0  }
0x1d: {  	s5 =	simm.s32 @p1 $0x1;
	p0 =	seq.s32 s7, s2  }
0x1e: {  	s7 =	smul.u32 @!p0 $0xF7A, s2;
	p2 =	seq.s32 @!p0 s5, $0x0  }
0x1f: {  	s9 =	smul.u32 $0xF7A, s1;
	s8 =	simm.s32 @!p0 $0x1BF5;
	p2 =	por !p2, p0  }
0x20: {  	[sflag:s8] =	ssyncset.s32 @!p0 $0xFFFFF086;
	s6 =	sadd.s32 @!p0 s3, s7;
	s7 =	simm.s32 @!p0 $0x108  }
0x21: {  	s3 =	sadd.s32 s3, s9;
	s6 =	sadd.s32 @!p0 $0x88, s6;
	s7 =	simm.s32 @p2 $0x1082  }
0x22: {  	[simem:s7], [sflag:s8] =	dma.local @!p0 [hbm:s6], $0xF7A  }
0x23: {  	s9 =	sor.u32 $0xD0000000, s2;
	s6 =	simm.s32 $0x108;
	_ =	swait.ge @!p0 [sflag:s8], $0x0  }
0x24: {  	s3 =	sadd.s32 $0x88, s3;
	s6 =	simm.s32 @!p1 $0x1082;
	[sflag:s4] =	ssyncset.s32 $0xFFFFF086  }
0x25: {  	[simem:s6], [sflag:s4] =	dma.local [hbm:s3], $0xF7A  }
0x26: {  	[smem:$0x3F80] =	sst s1;
	(tag) =	ssettag s2;
	_ =	strace s9  }
0x27: {  	s1 =	sld [smem:$0x3F90]  }
0x28: {  	s2 =	sld [smem:$0x3F91]  }
0x29: {  	s4 =	sld [smem:$0x3F93]  }
0x2a: {  	p0 =	seq.s32 s5, $0x0;
	s5 =	sld [smem:$0x3F94]  }
0x2b: {  	s6 =	sld [smem:$0x3F95]  }
0x2c: {  	s7 =	sld [smem:$0x3F96]  }
0x2d: {  	s3 =	simm.s32 $0x108;
	s8 =	sld [smem:$0x3F97]  }
0x2e: {  	s3 =	simm.s32 @!p0 $0x1082;
	s9 =	sld [smem:$0x3F98]  }
0x2f: {  	lr =	sadd.s32 s0, s3;
	s0 =	sld [smem:$0x3F8F]  }
0x30: {  	s3 =	sld [smem:$0x3F92]  }
0x31: {  	[smem:$0x3F9B] =	sst s10  }
0x32: {  	s10 =	sld [smem:$0x3F99];
	_ =	sdelay $0x3  }
0x33: {  	p0 =	seq.s32 s10, $0x1;
	s10 =	sld [smem:$0x3F9B];
	_ =	sdelay $0x3  }
0x34: {  	[smem:$0x3F9B] =	sst s10  }
0x35: {  	s10 =	sld [smem:$0x3F9A];
	_ =	sdelay $0x3  }
0x36: {  	p1 =	seq.s32 s10, $0x1;
	s10 =	sld [smem:$0x3F9B];
	_ =	sdelay $0x3  }
0x37: {  	[smem:$0x3F9B] =	sst s10  }
0x38: {  	s10 =	sld [smem:$0x3F9C]  }
0x39: {  	_ = 	snop;
	(pc) =	sbr.ind lr, $3  }
0x3a: {  	_ = 	snop  }
0x3b: {  	_ = 	snop  }
0x3c: {  	p2 =	seq.s32 s10, $0x1;
	s10 =	sld [smem:$0x3F9B]  }
0x3d: {  	_ =	shalt  }
0x3e: {  	_ =	shalt  }
0x3f: {  	_ =	shalt  }
0x40: {  	_ =	shalt  }
0x41: {  	_ =	shalt  }
0x42: {  	_ =	shalt  }
0x43: {  	_ =	shalt  }
0x44: {  	_ =	shalt  }
0x45: {  	_ =	shalt  }
0x46: {  	_ =	shalt  }
0x47: {  	_ =	shalt  }
0x48: {  	_ =	shalt  }
0x49: {  	_ =	shalt  }
0x4a: {  	_ =	shalt  }
0x4b: {  	_ =	shalt  }
0x4c: {  	_ =	shalt  }
0x4d: {  	_ =	shalt  }
0x4e: {  	_ =	shalt  }
0x4f: {  	_ =	shalt  }
0x50: {  	_ =	shalt  }
0x51: {  	_ =	shalt  }
0x52: {  	_ =	shalt  }
0x53: {  	_ =	shalt  }
0x54: {  	_ =	shalt  }
0x55: {  	_ =	shalt  }
0x56: {  	_ =	shalt  }
0x57: {  	_ =	shalt  }
0x58: {  	_ =	shalt  }
0x59: {  	_ =	shalt  }
0x5a: {  	_ =	shalt  }
0x5b: {  	_ =	shalt  }
0x5c: {  	_ =	shalt  }
0x5d: {  	_ =	shalt  }
0x5e: {  	_ =	shalt  }
0x5f: {  	_ =	shalt  }
0x60: {  	_ =	shalt  }
0x61: {  	_ =	shalt  }
0x62: {  	_ =	shalt  }
0x63: {  	_ =	shalt  }
0x64: {  	_ =	shalt  }
0x65: {  	_ =	shalt  }
0x66: {  	_ =	shalt  }
0x67: {  	_ =	shalt  }
0x68: {  	_ =	shalt  }
0x69: {  	_ =	shalt  }
0x6a: {  	_ =	shalt  }
0x6b: {  	_ =	shalt  }
0x6c: {  	_ =	shalt  }
0x6d: {  	_ =	shalt  }
0x6e: {  	_ =	shalt  }
0x6f: {  	_ =	shalt  }
0x70: {  	_ =	shalt  }
0x71: {  	_ =	shalt  }
0x72: {  	_ =	shalt  }
0x73: {  	_ =	shalt  }
0x74: {  	_ =	shalt  }
0x75: {  	_ =	shalt  }
0x76: {  	_ =	shalt  }
0x77: {  	_ =	shalt  }
0x78: {  	_ =	shalt  }
0x79: {  	_ =	shalt  }
0x7a: {  	_ =	shalt  }
0x7b: {  	_ =	shalt  }
0x7c: {  	_ =	shalt  }
0x7d: {  	_ =	shalt  }
0x7e: {  	_ =	shalt  }
0x7f: {  	_ =	shalt  }
0x80: {  	_ =	shalt  }
0x81: {  	_ =	shalt  }
0x82: {  	_ =	shalt  }
0x83: {  	_ =	shalt  }
0x84: {  	_ =	shalt  }
0x85: {  	_ =	shalt  }
0x86: {  	_ =	shalt  }
0x87: {  	_ =	shalt  }
.Lfunc_end0:
.L_simem_size_0:
called_computation.2_lowered:
.L_overlay_start_0:
0x88: {  	s2 =	sld [smem:$0x3FD9]  }
0x89: {  	s3 =	sld [smem:$0x3FFE];
	_ =	sdelay $0x1  }
0x8a: {  	s1 =	srdreg.scid  }
0x8b: {  	s0 =	sand.u32 $0x1, s1  }
0x8c: {  	s17 =	sshll.u32 s0, $0xA;
	s2 =	sadd.s32 s3, s2  }
0x8d: {  	s2 =	sadd.s32 s2, s17  }
0x8e: {  	[smem:$0x3FA7] =	sst s2  }
0x8f: {  	_ = 	snop  }
0x90: {  	s2 =	sld [smem:$0x3FC9];
	(tm) =	ssettm $0x1  }
0x91: {  	s18 =	sld [smem:$0x3FFB];
	_ =	sdelay $0x3  }
0x92: {  	_ =	strace s18  }
0x93: {  	s3 =	sld [smem:$0x3FFC];
	_ =	sdelay $0x3  }
0x94: {  	_ =	strace s3  }
0x95: {  	s3 =	sld [smem:$0x3FFD];
	_ =	sdelay $0x3  }
0x96: {  	_ =	strace s3  }
0x97: {  	_ =	strace $0x8FFFFFFF  }
0x98: {  	s19 =	sld [smem:$0x3FDB];
	_ =	sdelay $0x1  }
0x99: {  	s4 =	simm.s32 $_scs_section_size  }
0x9a: {  	s5 =	simm.s32 $_size__tile_overlayer_lowered;
	s6 =	simm.s32 $_tile_overlayer_lowered  }
0x9b: {  	s22 =	simm.s32 $0x1BFF;
	s21 =	sshll.u32 s6, $0x1;
	s3 =	sadd.s32 s4, s19  }
0x9c: {  	s7 =	simm.s32 $0x0;
	s20 =	sshll.u32 s5, $0x1;
	s5 =	sadd.s32 s21, s3  }
0x9d: {  	[timem:s7], [sflag:s22] =	dma.local [hbm:s5], s20  }
0x9e: {  	_ =	swait.ge [sflag:s22], s20  }
0x9f: {  	s4 =	ssub.s32 $0x0, s20;
	[sflag:s22] =	ssyncset.done $0x0  }
0xa0: {  	[sflag:s22] =	ssyncadd.s32 s4;
	_ =	sdelay $0x1  }
0xa1: {  	s23 =	simm.s32 $0x1B8B  }
0xa2: {  	_ =	swait.ge [sflag:s23], $0x1  }
0xa3: {  	[sflag:s23] =	ssyncset.done $0x0  }
0xa4: {  	s25 =	simm.s32 $0x1B8E;
	s24 =	sld [smem:$0x3FFE];
	[sflag:s23] =	ssyncadd.s32 $0xFFFFFFFF  }
0xa5: {  	s26 =	simm.s32 $execute0_lowered;
	[smem:$0x3FD2] =	sst s25  }
0xa6: {  	s5 =	sshll.u32 s26, $0x1;
	_ =	strace $0x8000004C;
	[dreg:$0x1] =	wrdreg $0xFFFFFFFF  }
0xa7: {  	s28 =	simm.s32 $_size_execute0_lowered;
	s3 =	sadd.s32 s3, s5;
	[dreg:$0x0] =	wrdreg $0x0  }
0xa8: {  	s5 =	sshll.u32 s28, $0x1;
	[dreg:$0x2] =	wrdreg s3  }
0xa9: {  	[dreg:$0x3] =	wrdreg s5  }
0xaa: {  	[dreg:$0x4] =	wrdreg $0xC0  }
0xab: {  	_ =	task [dreg:s7], $0x5FFFF  }
0xac: {  	[dreg:$0x1] =	wrdreg $0xFFFFFFFF  }
0xad: {  	[dreg:$0x0] =	wrdreg $0x60  }
0xae: {  	[dreg:$0x2] =	wrdreg s2  }
0xaf: {  	[dreg:$0x3] =	wrdreg s24  }
0xb0: {  	[dreg:$0x4] =	wrdreg $0x0  }
0xb1: {  	[dreg:$0x5] =	wrdreg $0x9  }
0xb2: {  	_ =	task.clear_ibuf [dreg:s7], $0x6FFFF;
	_ =	strace $0x9000004C  }
0xb3: {  	s29 =	simm.s32 $0x9;
	_ =	strace $0x8000004E  }
0xb4: {  	_ =	swait.ge [sflag:s29], $0x1  }
0xb5: {  	[sflag:s29] =	ssyncadd.s32 $0xFFFFFFFF  }
0xb6: {  	_ =	strace $0x9000004E  }
0xb7: {  	_ =	sfence  }
0xb8: {  	s30 =	sld [smem:$0x0];
	_ =	sdelay $0x2  }
0xb9: {  	s31 =	sshll.u32 s1, $0xD;
	s1 =	sshrl.u32 s1, $0x2  }
0xba: {  	s3 =	sand.u32 $0x4000, s31;
	s1 =	sadd.s32 s1, s30  }
0xbb: {  	s0 =	sor.u32 s3, s0;
	s1 =	sshll.u32 s1, $0x11  }
0xbc: {  	s0 =	sor.u32 s1, s0  }
0xbd: {  	s0 =	sadd.s32 $0x8F2B, s0  }
0xbe: {  	[sflag:s0] =	ssyncadd.remote.s32 $0x1  }
0xbf: {  	_ =	sfence.sel $0xFFFF  }
0xc0: {  	[dreg:$0x0] =	wrdreg $0xFFFFFFFF;
	(pc) =	sbr.abs _section_cstart, $3  }
0xc1: {  	[dreg:$0x1] =	wrdreg $0xFFFFFFFF  }
0xc2: {  	_ =	task.clear_ibuf [dreg:s7], $0x2FFFF;
	_ =	strace $0x9FFFFFFF  }
0xc3: {  	(tm) =	ssettm $0x7FFFFFFF  }
tec
execute0_lowered:
.L_overlay_start_1:
0x0: {  	(tag) =	ssettag $0x1  }
0x1: {  	s1 =	rddreg [dreg:$0x0];
	s0 =	srdreg.scid  }
0x2: {  	s11 =	stileid.u32;
	s2 =	rddreg [dreg:$0x1]  }
0x3: {  	s3 =	rddreg [dreg:$0x2];
	s4 =	simm.s32 $0x0;
	s20 =	simm.s32 $0x138C0  }
0x4: {  	s28 =	simm.s32 $0x13D40;
	s29 =	simm.s32 $0x139C0;
	s30 =	simm.s32 $0x13DC0  }
0x5: {  	s31 =	simm.s32 $0x13A40;
	s15 =	simm.s32 $0x0;
	s5 =	smul.u32 $0x50, s11  }
0x6: {  	s0 =	sand.u32 $0x1, s0;
	s21 =	smul.u32 $0x2780, s11;
	[smem:$0x7FF] =	sst s4  }
0x7: {  	s7 =	smul.u32 $0x4F000, s11;
	s22 =	sadd.s32 $0x25080, s1;
	s24 =	sadd.s32 $0x7AA80, s2  }
0x8: {  	s25 =	sadd.s32 $0x53880, s2;
	_ =	strace $0x8000004D;
	[dreg:$0x5] =	wrdreg s22  }
0x9: {  	s6 =	smul.u32 $0x500, s0;
	s8 =	ssub.s32 $0x2, s0;
	[dreg:$0x7] =	wrdreg s24  }
0xa: {  	p3 =	sne.s32 s0, $0x0;
	[dreg:$0x9] =	wrdreg s25;
	s22 =	simm.s32 $0x13CC0  }
0xb: {  	s24 =	simm.s32 $0x140C0;
	s25 =	simm.s32 $0x1;
	[dreg:$0x10] =	wrdreg s15  }
0xc: {  	s9 =	sadd.s32 s21, s2;
	s10 =	sshrl.u32 s8, $0x1;
	s7 =	sshrl.u32 s7, $0x2  }
0xd: {  	p1 =	seq.s32 @p3 s11, $0xF;
	p4 =	seq.s32 @!p3 s11, $0xF;
	s5 =	sadd.s32 s6, s5  }
0xe: {  	s8 =	ssub.s32 s8, s10;
	s7 =	sadd.s32 s7, s3;
	s6 =	sadd.s32 s1, s21  }
0xf: {  	s23 =	sadd.s32 $0x55A00, s9;
	s9 =	sadd.s32 $0x2E800, s9;
	p0 =	por p1, !p3  }
0x10: {  	p1 =	por !p1, !p3;
	p2 =	por p4, p3;
	p3 =	por !p4, p3  }
0x11: {  	s21 =	simm.s32 $0x2;
	s10 =	simm.s32 $0x13BC0;
	[dreg:$0x4] =	wrdreg s6  }
0x12: {  	s5 =	sshll.u32 s5, $0x4;
	s6 =	sadd.s32 $0x128400, s3;
	[dreg:$0x6] =	wrdreg s23  }
0x13: {  	[dreg:$0x8] =	wrdreg s9;
	s26 =	smax.u32 s8, $0x1;
	s0 =	sshll.u32 @!p0 s11, $0x6  }
0x14: {  	s17 =	sshrl.u32 @!p0 s7, $0x3;
	s19 =	sshrl.u32 @!p2 s7, $0x3;
	s23 =	simm.s32 $0x80  }
0x15: {  	s7 =	simm.s32 $0x13EC0;
	s8 =	simm.s32 $0x13B40;
	s9 =	simm.s32 $0x13F40  }
0x16: {  	s5 =	sadd.s32 s5, s2;
	[dreg:$0xa] =	wrdreg s26;
	s16 =	sshrl.u32 @!p1 s6, $0x3  }
0x17: {  	s0 =	sor.u32 @!p0 $0x1C02, s0;
	s2 =	sshrl.u32 @!p3 s6, $0x3;
	[dreg:$0xd] =	wrdreg s17  }
0x18: {  	s26 =	simm.s32 $0x13940;
	s6 =	simm.s32 $0x14040;
	[dreg:$0xf] =	wrdreg s19  }
0x19: {  	s12 =	sadd.s32 $0x24800, s5;
	s13 =	sadd.s32 $0x6E00, s5;
	[dreg:$0xc] =	wrdreg s0  }
0x1a: {  	s0 =	sshll.u32 @!p2 s11, $0x6;
	[dreg:$0x11] =	wrdreg s2;
	s2 =	simm.s32 $0x13E40  }
0x1b: {  	s11 =	simm.s32 $0x13FC0;
	[dreg:$0xb] =	wrdreg s16;
	s18 =	sor.u32 @!p2 $0x1C02, s0  }
0x1c: {  	s5 =	simm.s32 $0x13C40;
	s0 =	simm.s32 $0x13AC0;
	[dreg:$0xe] =	wrdreg s18  }
.LBB2_1:
0x1d: {  	s15 =	simm.s32 @!p1 $0x1FC2;
	s14 =	rddreg [dreg:$0x5]  }
0x1e: {  	[spmem:s16], [sflag:s15] =	dma.local @!p1 [hbm:s14], $0x2080  }
0x1f: {  	s15 =	simm.s32 @!p1 $0x2  }
0x20: {  	_ =	swait.ge @!p1 [sflag:s15], $0x2080  }
0x21: {  	[sflag:s15] =	ssyncset.done @!p1 $0x0;
	s16 =	rddreg [dreg:$0x4]  }
0x22: {  	[sflag:s15] =	ssyncadd.s32 @!p1 $0xFFFFDF80;
	s15 =	rddreg [dreg:$0xc]  }
0x23: {  	[spmem:s17], [sflag:s15] =	dma.local @!p0 [hbm:s16], $0x2780  }
0x24: {  	s15 =	simm.s32 @!p0 $0x2  }
0x25: {  	_ =	swait.ge @!p0 [sflag:s15], $0x2780  }
0x26: {  	[sflag:s15] =	ssyncset.done @!p0 $0x0  }
0x27: {  	s17 =	rddreg [dreg:$0x11];
	[sflag:s15] =	ssyncadd.s32 @!p0 $0xFFFFD880;
	s15 =	simm.s32 @!p3 $0x1FC2  }
0x28: {  	[spmem:s17], [sflag:s15] =	dma.local @!p3 [hbm:s14], $0x2080  }
0x29: {  	s15 =	simm.s32 @!p3 $0x2  }
0x2a: {  	_ =	swait.ge @!p3 [sflag:s15], $0x2080  }
0x2b: {  	[sflag:s15] =	ssyncset.done @!p3 $0x0  }
0x2c: {  	[sflag:s15] =	ssyncadd.s32 @!p3 $0xFFFFDF80;
	s15 =	simm.s32 @!p2 $0x2  }
0x2d: {  	[spmem:s19], [sflag:s18] =	dma.local @!p2 [hbm:s16], $0x2780  }
0x2e: {  	_ =	swait.ge @!p2 [sflag:s15], $0x2780  }
0x2f: {  	[sflag:s15] =	ssyncset.done @!p2 $0x0  }
0x30: {  	[sflag:s15] =	ssyncadd.s32 @!p2 $0xFFFFD880  }
0x31: {  	s18 =	sadd.s32 $0x0, s13;
	[bflag:$0x0] =	sbarrier.arrive $0xFFFF  }
0x32: {  	[tilespmem:s20], [sflag:$0x2] =	stream.linear.gather [hbm4b:s18+s4], $0x400, $0x38;
	[tilespmem:$0x180C0] =	vst v63  }
0x33: {  	_ =	swait.ge [sflag:s21], $0x400  }
0x34: {  	[sflag:s21] =	ssyncset.done $0x0  }
0x35: {  	s19 =	sadd.s32 $0x0, s12;
	[sflag:s21] =	ssyncadd.s32 $0xFFFFFC00  }
0x36: {  	[tilespmem:s22], [sflag:$0x2] =	stream.linear.gather [hbm4b:s19+s4], $0x400, $0x38;
	[tilespmem:$0x180C0] =	vst v63  }
0x37: {  	_ =	swait.ge [sflag:s21], $0x400  }
0x38: {  	[sflag:s21] =	ssyncset.done $0x0  }
0x39: {  	[sflag:s21] =	ssyncadd.s32 $0xFFFFFC00  }
0x3a: {  	[tilespmem:s24], [sflag:$0x1] =	stream.indirect.gather [hbm4b:s1+s23], $0x80, s20, s23, $0xb8;
	[tilespmem:$0x180C0] =	vst v63  }
0x3b: {  	_ =	swait.ge [sflag:s25], $0x4000  }
0x3c: {  	[sflag:s25] =	ssyncset.done $0x0  }
0x3d: {  	[sflag:s25] =	ssyncadd.s32 $0xFFFFC000  }
0x3e: {  	[spmem:s3] =	stream.indirect.scatter.add.f32 [tilespmem:s24], [sflag:$0x2], $0x80, s22, s23, $0xb8;
	[tilespmem:$0x180C0] =	vst v63  }
0x3f: {  	_ =	swait.ge [sflag:s21], $0x4000  }
0x40: {  	[sflag:s21] =	ssyncset.done $0x0  }
0x41: {  	[sflag:s21] =	ssyncadd.s32 $0xFFFFC000  }
0x42: {  	[tilespmem:s24], [sflag:$0x1] =	stream.indirect.gather [hbm4b:s1+s23], $0x80, s26, s23, $0xb8;
	[tilespmem:$0x180C0] =	vst v63  }
0x43: {  	_ =	swait.ge [sflag:s25], $0x4000  }
0x44: {  	[sflag:s25] =	ssyncset.done $0x0  }
0x45: {  	[sflag:s25] =	ssyncadd.s32 $0xFFFFC000  }
0x46: {  	[spmem:s3] =	stream.indirect.scatter.add.f32 [tilespmem:s24], [sflag:$0x2], $0x80, s28, s23, $0xb8;
	[tilespmem:$0x180C0] =	vst v63  }
0x47: {  	_ =	swait.ge [sflag:s21], $0x4000  }
0x48: {  	[sflag:s21] =	ssyncset.done $0x0  }
0x49: {  	[sflag:s21] =	ssyncadd.s32 $0xFFFFC000  }
0x4a: {  	[tilespmem:s24], [sflag:$0x1] =	stream.indirect.gather [hbm4b:s1+s23], $0x80, s29, s23, $0xb8;
	[tilespmem:$0x180C0] =	vst v63  }
0x4b: {  	_ =	swait.ge [sflag:s25], $0x4000  }
0x4c: {  	[sflag:s25] =	ssyncset.done $0x0  }
0x4d: {  	[sflag:s25] =	ssyncadd.s32 $0xFFFFC000  }
0x4e: {  	[spmem:s3] =	stream.indirect.scatter.add.f32 [tilespmem:s24], [sflag:$0x2], $0x80, s30, s23, $0xb8;
	[tilespmem:$0x180C0] =	vst v63  }
0x4f: {  	_ =	swait.ge [sflag:s21], $0x4000  }
0x50: {  	[sflag:s21] =	ssyncset.done $0x0  }
0x51: {  	[sflag:s21] =	ssyncadd.s32 $0xFFFFC000  }
0x52: {  	[tilespmem:s24], [sflag:$0x1] =	stream.indirect.gather [hbm4b:s1+s23], $0x80, s31, s23, $0xb8;
	[tilespmem:$0x180C0] =	vst v63  }
0x53: {  	_ =	swait.ge [sflag:s25], $0x4000  }
0x54: {  	[sflag:s25] =	ssyncset.done $0x0  }
0x55: {  	[sflag:s25] =	ssyncadd.s32 $0xFFFFC000  }
0x56: {  	[spmem:s3] =	stream.indirect.scatter.add.f32 [tilespmem:s24], [sflag:$0x2], $0x80, s2, s23, $0xb8;
	[tilespmem:$0x180C0] =	vst v63  }
0x57: {  	_ =	swait.ge [sflag:s21], $0x4000  }
0x58: {  	[sflag:s21] =	ssyncset.done $0x0  }
0x59: {  	[sflag:s21] =	ssyncadd.s32 $0xFFFFC000  }
0x5a: {  	[tilespmem:s24], [sflag:$0x1] =	stream.indirect.gather [hbm4b:s1+s23], $0x80, s0, s23, $0xb8;
	[tilespmem:$0x180C0] =	vst v63  }
0x5b: {  	_ =	swait.ge [sflag:s25], $0x4000  }
0x5c: {  	[sflag:s25] =	ssyncset.done $0x0  }
0x5d: {  	[sflag:s25] =	ssyncadd.s32 $0xFFFFC000  }
0x5e: {  	[spmem:s3] =	stream.indirect.scatter.add.f32 [tilespmem:s24], [sflag:$0x2], $0x80, s7, s23, $0xb8;
	[tilespmem:$0x180C0] =	vst v63  }
0x5f: {  	_ =	swait.ge [sflag:s21], $0x4000  }
0x60: {  	[sflag:s21] =	ssyncset.done $0x0  }
0x61: {  	[sflag:s21] =	ssyncadd.s32 $0xFFFFC000  }
0x62: {  	[tilespmem:s24], [sflag:$0x1] =	stream.indirect.gather [hbm4b:s1+s23], $0x80, s8, s23, $0xb8;
	[tilespmem:$0x180C0] =	vst v63  }
0x63: {  	_ =	swait.ge [sflag:s25], $0x4000  }
0x64: {  	[sflag:s25] =	ssyncset.done $0x0  }
0x65: {  	[sflag:s25] =	ssyncadd.s32 $0xFFFFC000  }
0x66: {  	[spmem:s3] =	stream.indirect.scatter.add.f32 [tilespmem:s24], [sflag:$0x2], $0x80, s9, s23, $0xb8;
	[tilespmem:$0x180C0] =	vst v63  }
0x67: {  	_ =	swait.ge [sflag:s21], $0x4000  }
0x68: {  	[sflag:s21] =	ssyncset.done $0x0  }
0x69: {  	[sflag:s21] =	ssyncadd.s32 $0xFFFFC000  }
0x6a: {  	[tilespmem:s24], [sflag:$0x1] =	stream.indirect.gather [hbm4b:s1+s23], $0x80, s10, s23, $0xb8;
	[tilespmem:$0x180C0] =	vst v63  }
0x6b: {  	_ =	swait.ge [sflag:s25], $0x4000  }
0x6c: {  	[sflag:s25] =	ssyncset.done $0x0  }
0x6d: {  	[sflag:s25] =	ssyncadd.s32 $0xFFFFC000  }
0x6e: {  	[spmem:s3] =	stream.indirect.scatter.add.f32 [tilespmem:s24], [sflag:$0x2], $0x80, s11, s23, $0xb8;
	[tilespmem:$0x180C0] =	vst v63  }
0x6f: {  	_ =	swait.ge [sflag:s21], $0x4000  }
0x70: {  	[sflag:s21] =	ssyncset.done $0x0  }
0x71: {  	[sflag:s21] =	ssyncadd.s32 $0xFFFFC000  }
0x72: {  	[tilespmem:s24], [sflag:$0x1] =	stream.indirect.gather [hbm4b:s1+s23], $0x80, s5, s23, $0xb8;
	[tilespmem:$0x180C0] =	vst v63  }
0x73: {  	_ =	swait.ge [sflag:s25], $0x4000  }
0x74: {  	[sflag:s25] =	ssyncset.done $0x0  }
0x75: {  	[sflag:s25] =	ssyncadd.s32 $0xFFFFC000  }
0x76: {  	[spmem:s3] =	stream.indirect.scatter.add.f32 [tilespmem:s24], [sflag:$0x2], $0x80, s6, s23, $0xb8;
	[tilespmem:$0x180C0] =	vst v63  }
0x77: {  	_ =	swait.ge [sflag:s21], $0x4000  }
0x78: {  	s16 =	simm.s32 $0x100;
	s15 =	simm.s32 $0x80;
	[sflag:s21] =	ssyncset.done $0x0  }
.LBB2_2:
0x79: {  	s18 =	sadd.s32 s15, s13  }
0x7a: {  	[sflag:s21] =	ssyncadd.s32 $0xFFFFC000;
	s19 =	smov.u32 s16;
	s17 =	sadd.s32 $0x80, s16  }
0x7b: {  	[tilespmem:s20], [sflag:$0x2] =	stream.linear.gather [hbm4b:s18+s4], $0x400, $0x38;
	[tilespmem:$0x180C0] =	vst v63  }
0x7c: {  	p4 =	sne.s32 s16, $0x480;
	_ =	swait.ge [sflag:s21], $0x400  }
0x7d: {  	[sflag:s21] =	ssyncset.done $0x0  }
0x7e: {  	s16 =	sadd.s32 s15, s12;
	s15 =	smov.u32 s19;
	[sflag:s21] =	ssyncadd.s32 $0xFFFFFC00  }
0x7f: {  	[tilespmem:s22], [sflag:$0x2] =	stream.linear.gather [hbm4b:s16+s4], $0x400, $0x38;
	[tilespmem:$0x180C0] =	vst v63  }
0x80: {  	_ =	swait.ge [sflag:s21], $0x400  }
0x81: {  	[sflag:s21] =	ssyncset.done $0x0  }
0x82: {  	[sflag:s21] =	ssyncadd.s32 $0xFFFFFC00  }
0x83: {  	[tilespmem:s24], [sflag:$0x1] =	stream.indirect.gather [hbm4b:s1+s23], $0x80, s20, s23, $0xb8;
	[tilespmem:$0x180C0] =	vst v63  }
0x84: {  	_ =	swait.ge [sflag:s25], $0x4000  }
0x85: {  	[sflag:s25] =	ssyncset.done $0x0  }
0x86: {  	[sflag:s25] =	ssyncadd.s32 $0xFFFFC000  }
0x87: {  	[spmem:s3] =	stream.indirect.scatter.add.f32 [tilespmem:s24], [sflag:$0x2], $0x80, s22, s23, $0xb8;
	[tilespmem:$0x180C0] =	vst v63  }
0x88: {  	_ =	swait.ge [sflag:s21], $0x4000  }
0x89: {  	[sflag:s21] =	ssyncset.done $0x0  }
0x8a: {  	[sflag:s21] =	ssyncadd.s32 $0xFFFFC000  }
0x8b: {  	[tilespmem:s24], [sflag:$0x1] =	stream.indirect.gather [hbm4b:s1+s23], $0x80, s26, s23, $0xb8;
	[tilespmem:$0x180C0] =	vst v63  }
0x8c: {  	_ =	swait.ge [sflag:s25], $0x4000  }
0x8d: {  	[sflag:s25] =	ssyncset.done $0x0  }
0x8e: {  	[sflag:s25] =	ssyncadd.s32 $0xFFFFC000  }
0x8f: {  	[spmem:s3] =	stream.indirect.scatter.add.f32 [tilespmem:s24], [sflag:$0x2], $0x80, s28, s23, $0xb8;
	[tilespmem:$0x180C0] =	vst v63  }
0x90: {  	_ =	swait.ge [sflag:s21], $0x4000  }
0x91: {  	[sflag:s21] =	ssyncset.done $0x0  }
0x92: {  	[sflag:s21] =	ssyncadd.s32 $0xFFFFC000  }
0x93: {  	[tilespmem:s24], [sflag:$0x1] =	stream.indirect.gather [hbm4b:s1+s23], $0x80, s29, s23, $0xb8;
	[tilespmem:$0x180C0] =	vst v63  }
0x94: {  	_ =	swait.ge [sflag:s25], $0x4000  }
0x95: {  	[sflag:s25] =	ssyncset.done $0x0  }
0x96: {  	[sflag:s25] =	ssyncadd.s32 $0xFFFFC000  }
0x97: {  	[spmem:s3] =	stream.indirect.scatter.add.f32 [tilespmem:s24], [sflag:$0x2], $0x80, s30, s23, $0xb8;
	[tilespmem:$0x180C0] =	vst v63  }
0x98: {  	_ =	swait.ge [sflag:s21], $0x4000  }
0x99: {  	[sflag:s21] =	ssyncset.done $0x0  }
0x9a: {  	[sflag:s21] =	ssyncadd.s32 $0xFFFFC000  }
0x9b: {  	[tilespmem:s24], [sflag:$0x1] =	stream.indirect.gather [hbm4b:s1+s23], $0x80, s31, s23, $0xb8;
	[tilespmem:$0x180C0] =	vst v63  }
0x9c: {  	_ =	swait.ge [sflag:s25], $0x4000  }
0x9d: {  	[sflag:s25] =	ssyncset.done $0x0  }
0x9e: {  	[sflag:s25] =	ssyncadd.s32 $0xFFFFC000  }
0x9f: {  	[spmem:s3] =	stream.indirect.scatter.add.f32 [tilespmem:s24], [sflag:$0x2], $0x80, s2, s23, $0xb8;
	[tilespmem:$0x180C0] =	vst v63  }
0xa0: {  	_ =	swait.ge [sflag:s21], $0x4000  }
0xa1: {  	[sflag:s21] =	ssyncset.done $0x0  }
0xa2: {  	[sflag:s21] =	ssyncadd.s32 $0xFFFFC000  }
0xa3: {  	[tilespmem:s24], [sflag:$0x1] =	stream.indirect.gather [hbm4b:s1+s23], $0x80, s0, s23, $0xb8;
	[tilespmem:$0x180C0] =	vst v63  }
0xa4: {  	_ =	swait.ge [sflag:s25], $0x4000  }
0xa5: {  	[sflag:s25] =	ssyncset.done $0x0  }
0xa6: {  	[sflag:s25] =	ssyncadd.s32 $0xFFFFC000  }
0xa7: {  	[spmem:s3] =	stream.indirect.scatter.add.f32 [tilespmem:s24], [sflag:$0x2], $0x80, s7, s23, $0xb8;
	[tilespmem:$0x180C0] =	vst v63  }
0xa8: {  	_ =	swait.ge [sflag:s21], $0x4000  }
0xa9: {  	[sflag:s21] =	ssyncset.done $0x0  }
0xaa: {  	[sflag:s21] =	ssyncadd.s32 $0xFFFFC000  }
0xab: {  	[tilespmem:s24], [sflag:$0x1] =	stream.indirect.gather [hbm4b:s1+s23], $0x80, s8, s23, $0xb8;
	[tilespmem:$0x180C0] =	vst v63  }
0xac: {  	_ =	swait.ge [sflag:s25], $0x4000  }
0xad: {  	[sflag:s25] =	ssyncset.done $0x0  }
0xae: {  	[sflag:s25] =	ssyncadd.s32 $0xFFFFC000  }
0xaf: {  	[spmem:s3] =	stream.indirect.scatter.add.f32 [tilespmem:s24], [sflag:$0x2], $0x80, s9, s23, $0xb8;
	[tilespmem:$0x180C0] =	vst v63  }
0xb0: {  	_ =	swait.ge [sflag:s21], $0x4000  }
0xb1: {  	[sflag:s21] =	ssyncset.done $0x0  }
0xb2: {  	[sflag:s21] =	ssyncadd.s32 $0xFFFFC000  }
0xb3: {  	[tilespmem:s24], [sflag:$0x1] =	stream.indirect.gather [hbm4b:s1+s23], $0x80, s10, s23, $0xb8;
	[tilespmem:$0x180C0] =	vst v63  }
0xb4: {  	_ =	swait.ge [sflag:s25], $0x4000  }
0xb5: {  	[sflag:s25] =	ssyncset.done $0x0  }
0xb6: {  	[sflag:s25] =	ssyncadd.s32 $0xFFFFC000  }
0xb7: {  	[spmem:s3] =	stream.indirect.scatter.add.f32 [tilespmem:s24], [sflag:$0x2], $0x80, s11, s23, $0xb8;
	[tilespmem:$0x180C0] =	vst v63  }
0xb8: {  	_ =	swait.ge [sflag:s21], $0x4000  }
0xb9: {  	[sflag:s21] =	ssyncset.done $0x0  }
0xba: {  	[sflag:s21] =	ssyncadd.s32 $0xFFFFC000  }
0xbb: {  	[tilespmem:s24], [sflag:$0x1] =	stream.indirect.gather [hbm4b:s1+s23], $0x80, s5, s23, $0xb8;
	[tilespmem:$0x180C0] =	vst v63  }
0xbc: {  	_ =	swait.ge [sflag:s25], $0x4000  }
.Ltmp0:
0xbd: {  	[sflag:s25] =	ssyncset.done $0x0;
	(pc) =	sbr.rel @p4 .LBB2_2-.Ltmp0, $4  }
0xbe: {  	[sflag:s25] =	ssyncadd.s32 $0xFFFFC000  }
0xbf: {  	[spmem:s3] =	stream.indirect.scatter.add.f32 [tilespmem:s24], [sflag:$0x2], $0x80, s6, s23, $0xb8;
	[tilespmem:$0x180C0] =	vst v63  }
0xc0: {  	_ =	swait.ge [sflag:s21], $0x4000  }
0xc1: {  	s16 =	smov.u32 s17;
	[sflag:s21] =	ssyncset.done $0x0  }
0xc2: {  	s16 =	sadd.s32 s15, s13;
	[sflag:s21] =	ssyncadd.s32 $0xFFFFC000  }
0xc3: {  	[tilespmem:s20], [sflag:$0x2] =	stream.linear.gather [hbm4b:s16+s4], $0x400, $0x38;
	[tilespmem:$0x180C0] =	vst v63  }
0xc4: {  	_ =	swait.ge [sflag:s21], $0x400  }
0xc5: {  	[sflag:s21] =	ssyncset.done $0x0  }
0xc6: {  	s14 =	sadd.s32 s15, s12;
	[sflag:s21] =	ssyncadd.s32 $0xFFFFFC00  }
0xc7: {  	[tilespmem:s22], [sflag:$0x2] =	stream.linear.gather [hbm4b:s14+s4], $0x400, $0x38;
	[tilespmem:$0x180C0] =	vst v63  }
0xc8: {  	_ =	swait.ge [sflag:s21], $0x400  }
0xc9: {  	[sflag:s21] =	ssyncset.done $0x0  }
0xca: {  	[sflag:s21] =	ssyncadd.s32 $0xFFFFFC00  }
0xcb: {  	[tilespmem:s24], [sflag:$0x1] =	stream.indirect.gather [hbm4b:s1+s23], $0x80, s20, s23, $0xb8;
	[tilespmem:$0x180C0] =	vst v63  }
0xcc: {  	_ =	swait.ge [sflag:s25], $0x4000  }
0xcd: {  	[sflag:s25] =	ssyncset.done $0x0  }
0xce: {  	[sflag:s25] =	ssyncadd.s32 $0xFFFFC000  }
0xcf: {  	[spmem:s3] =	stream.indirect.scatter.add.f32 [tilespmem:s24], [sflag:$0x2], $0x80, s22, s23, $0xb8;
	[tilespmem:$0x180C0] =	vst v63  }
0xd0: {  	_ =	swait.ge [sflag:s21], $0x4000  }
0xd1: {  	[sflag:s21] =	ssyncset.done $0x0  }
0xd2: {  	[sflag:s21] =	ssyncadd.s32 $0xFFFFC000  }
0xd3: {  	[tilespmem:s24], [sflag:$0x1] =	stream.indirect.gather [hbm4b:s1+s23], $0x80, s26, s23, $0xb8;
	[tilespmem:$0x180C0] =	vst v63  }
0xd4: {  	_ =	swait.ge [sflag:s25], $0x4000  }
0xd5: {  	[sflag:s25] =	ssyncset.done $0x0  }
0xd6: {  	[sflag:s25] =	ssyncadd.s32 $0xFFFFC000  }
0xd7: {  	[spmem:s3] =	stream.indirect.scatter.add.f32 [tilespmem:s24], [sflag:$0x2], $0x80, s28, s23, $0xb8;
	[tilespmem:$0x180C0] =	vst v63  }
0xd8: {  	_ =	swait.ge [sflag:s21], $0x4000  }
0xd9: {  	[sflag:s21] =	ssyncset.done $0x0  }
0xda: {  	[sflag:s21] =	ssyncadd.s32 $0xFFFFC000  }
0xdb: {  	[tilespmem:s24], [sflag:$0x1] =	stream.indirect.gather [hbm4b:s1+s23], $0x80, s29, s23, $0xb8;
	[tilespmem:$0x180C0] =	vst v63  }
0xdc: {  	_ =	swait.ge [sflag:s25], $0x4000  }
0xdd: {  	[sflag:s25] =	ssyncset.done $0x0  }
0xde: {  	[sflag:s25] =	ssyncadd.s32 $0xFFFFC000  }
0xdf: {  	[spmem:s3] =	stream.indirect.scatter.add.f32 [tilespmem:s24], [sflag:$0x2], $0x80, s30, s23, $0xb8;
	[tilespmem:$0x180C0] =	vst v63  }
0xe0: {  	_ =	swait.ge [sflag:s21], $0x4000  }
0xe1: {  	[sflag:s21] =	ssyncset.done $0x0  }
0xe2: {  	[sflag:s21] =	ssyncadd.s32 $0xFFFFC000  }
0xe3: {  	[tilespmem:s24], [sflag:$0x1] =	stream.indirect.gather [hbm4b:s1+s23], $0x80, s31, s23, $0xb8;
	[tilespmem:$0x180C0] =	vst v63  }
0xe4: {  	_ =	swait.ge [sflag:s25], $0x4000  }
0xe5: {  	[sflag:s25] =	ssyncset.done $0x0  }
0xe6: {  	[sflag:s25] =	ssyncadd.s32 $0xFFFFC000  }
0xe7: {  	[spmem:s3] =	stream.indirect.scatter.add.f32 [tilespmem:s24], [sflag:$0x2], $0x80, s2, s23, $0xb8;
	[tilespmem:$0x180C0] =	vst v63  }
0xe8: {  	_ =	swait.ge [sflag:s21], $0x4000  }
0xe9: {  	[sflag:s21] =	ssyncset.done $0x0  }
0xea: {  	[sflag:s21] =	ssyncadd.s32 $0xFFFFC000  }
0xeb: {  	[tilespmem:s24], [sflag:$0x1] =	stream.indirect.gather [hbm4b:s1+s23], $0x80, s0, s23, $0xb8;
	[tilespmem:$0x180C0] =	vst v63  }
0xec: {  	_ =	swait.ge [sflag:s25], $0x4000  }
0xed: {  	[sflag:s25] =	ssyncset.done $0x0  }
0xee: {  	[sflag:s25] =	ssyncadd.s32 $0xFFFFC000  }
0xef: {  	[spmem:s3] =	stream.indirect.scatter.add.f32 [tilespmem:s24], [sflag:$0x2], $0x80, s7, s23, $0xb8;
	[tilespmem:$0x180C0] =	vst v63  }
0xf0: {  	_ =	swait.ge [sflag:s21], $0x4000  }
0xf1: {  	[sflag:s21] =	ssyncset.done $0x0  }
0xf2: {  	[sflag:s21] =	ssyncadd.s32 $0xFFFFC000  }
0xf3: {  	[tilespmem:s24], [sflag:$0x1] =	stream.indirect.gather [hbm4b:s1+s23], $0x80, s8, s23, $0xb8;
	[tilespmem:$0x180C0] =	vst v63  }
0xf4: {  	_ =	swait.ge [sflag:s25], $0x4000  }
0xf5: {  	[sflag:s25] =	ssyncset.done $0x0  }
0xf6: {  	[sflag:s25] =	ssyncadd.s32 $0xFFFFC000  }
0xf7: {  	[spmem:s3] =	stream.indirect.scatter.add.f32 [tilespmem:s24], [sflag:$0x2], $0x80, s9, s23, $0xb8;
	[tilespmem:$0x180C0] =	vst v63  }
0xf8: {  	_ =	swait.ge [sflag:s21], $0x4000  }
0xf9: {  	[sflag:s21] =	ssyncset.done $0x0  }
0xfa: {  	[sflag:s21] =	ssyncadd.s32 $0xFFFFC000  }
0xfb: {  	[tilespmem:s24], [sflag:$0x1] =	stream.indirect.gather [hbm4b:s1+s23], $0x80, s10, s23, $0xb8;
	[tilespmem:$0x180C0] =	vst v63  }
0xfc: {  	_ =	swait.ge [sflag:s25], $0x4000  }
0xfd: {  	[sflag:s25] =	ssyncset.done $0x0  }
0xfe: {  	[sflag:s25] =	ssyncadd.s32 $0xFFFFC000  }
0xff: {  	[spmem:s3] =	stream.indirect.scatter.add.f32 [tilespmem:s24], [sflag:$0x2], $0x80, s11, s23, $0xb8;
	[tilespmem:$0x180C0] =	vst v63  }
0x100: {  	_ =	swait.ge [sflag:s21], $0x4000  }
0x101: {  	[sflag:s21] =	ssyncset.done $0x0  }
0x102: {  	[sflag:s21] =	ssyncadd.s32 $0xFFFFC000  }
0x103: {  	[tilespmem:s24], [sflag:$0x1] =	stream.indirect.gather [hbm4b:s1+s23], $0x80, s5, s23, $0xb8;
	[tilespmem:$0x180C0] =	vst v63  }
0x104: {  	_ =	swait.ge [sflag:s25], $0x4000  }
0x105: {  	[sflag:s25] =	ssyncset.done $0x0  }
0x106: {  	[sflag:s25] =	ssyncadd.s32 $0xFFFFC000  }
0x107: {  	[spmem:s3] =	stream.indirect.scatter.add.f32 [tilespmem:s24], [sflag:$0x2], $0x80, s6, s23, $0xb8;
	[tilespmem:$0x180C0] =	vst v63  }
0x108: {  	_ =	swait.ge [sflag:s21], $0x4000  }
0x109: {  	[sflag:s21] =	ssyncset.done $0x0  }
0x10a: {  	[sflag:s21] =	ssyncadd.s32 $0xFFFFC000  }
0x10b: {  	[bflag:$0x0] =	sbarrier.arrive $0xFFFF  }
0x10c: {  	s16 =	rddreg [dreg:$0x7]  }
0x10d: {  	s15 =	simm.s32 @!p1 $0x1FC2;
	s14 =	rddreg [dreg:$0xb]  }
0x10e: {  	[hbm:s16], [sflag:s15] =	dma.local @!p1 [spmem:s14], $0x2080  }
0x10f: {  	s15 =	simm.s32 @!p1 $0x2  }
0x110: {  	_ =	swait.ge @!p1 [sflag:s15], $0x2080  }
0x111: {  	s14 =	rddreg [dreg:$0xc]  }
0x112: {  	[sflag:s15] =	ssyncset.done @!p1 $0x0;
	s17 =	rddreg [dreg:$0xd]  }
0x113: {  	[sflag:s15] =	ssyncadd.s32 @!p1 $0xFFFFDF80;
	s15 =	rddreg [dreg:$0x6]  }
0x114: {  	[hbm:s15], [sflag:s14] =	dma.local @!p0 [spmem:s17], $0x2780  }
0x115: {  	s15 =	simm.s32 @!p0 $0x2  }
0x116: {  	_ =	swait.ge @!p0 [sflag:s15], $0x2780  }
0x117: {  	[sflag:s15] =	ssyncset.done @!p0 $0x0;
	s16 =	rddreg [dreg:$0x9]  }
0x118: {  	s14 =	rddreg [dreg:$0x11];
	[sflag:s15] =	ssyncadd.s32 @!p0 $0xFFFFD880;
	s15 =	simm.s32 @!p3 $0x1FC2  }
0x119: {  	[hbm:s16], [sflag:s15] =	dma.local @!p3 [spmem:s14], $0x2080  }
0x11a: {  	s15 =	simm.s32 @!p3 $0x2  }
0x11b: {  	_ =	swait.ge @!p3 [sflag:s15], $0x2080  }
0x11c: {  	s18 =	rddreg [dreg:$0xe]  }
0x11d: {  	[sflag:s15] =	ssyncset.done @!p3 $0x0;
	s19 =	rddreg [dreg:$0xf]  }
0x11e: {  	[sflag:s15] =	ssyncadd.s32 @!p3 $0xFFFFDF80;
	s15 =	rddreg [dreg:$0x8]  }
0x11f: {  	[hbm:s15], [sflag:s18] =	dma.local @!p2 [spmem:s19], $0x2780  }
0x120: {  	s15 =	simm.s32 @!p2 $0x2  }
0x121: {  	_ =	swait.ge @!p2 [sflag:s15], $0x2780  }
0x122: {  	s16 =	rddreg [dreg:$0x10]  }
0x123: {  	s14 =	sadd.s32 $0x1, s16;
	s16 =	rddreg [dreg:$0xa]  }
0x124: {  	p4 =	sne.s32 s14, s16  }
.Ltmp1:
0x125: {  	_ = 	snop;
	(pc) =	sbr.rel @p4 .LBB2_1-.Ltmp1, $3  }
0x126: {  	_ =	sdelay $0x1  }
0x127: {  	[sflag:s15] =	ssyncset.done @!p2 $0x0;
	[dreg:$0x10] =	wrdreg s14  }
0x128: {  	[sflag:s15] =	ssyncadd.s32 @!p2 $0xFFFFD880;
	s16 =	rddreg [dreg:$0xb]  }
0x129: {  	_ =	sfence.sel $0x180000  }
0x12a: {  	[bflag:$0x0] =	sbarrier.arrive $0xFFFF  }
0x12b: {  	_ =	strace $0x9000004D  }
0x12c: {  	s0 =	stileid.u32;
	[bflag:$0x2] =	sbarrier.arrive $0xFFFF  }
0x12d: {  	p0 =	sne.s32 s0, $0x0;
	s0 =	rddreg [dreg:$0x3]  }
0x12e: {  	s0 =	sadd.s32 @!p0 $0x100000, s0  }
0x12f: {  	[sflag:s0] =	ssyncadd.tile.s32 @!p0 $0x1;
	_ =	shalt  }
.Lfunc_end2:
_tile_overlayer_lowered:
.L_overlay_start_2:
0x130: {  	(tag) =	ssettag $0x2  }
0x131: {  	s0 =	rddreg [dreg:$0x0];
	s2 =	stileid.u32  }
0x132: {  	s1 =	rddreg [dreg:$0x1];
	p0 =	sne.s32 s2, $0x0  }
0x133: {  	s3 =	rddreg [dreg:$0x2];
	[bflag:$0x3] =	sbarrier.arrive $0xFFFF;
	s2 =	simm.s32 @!p0 $0x1C02  }
0x134: {  	[timem:s3], [sflag:s2] =	dma.local @!p0 [hbm:s0], s1  }
0x135: {  	s0 =	simm.s32 @!p0 $0x2  }
0x136: {  	_ =	swait.ge @!p0 [sflag:s0], s1  }
0x137: {  	s1 =	ssub.s32 @!p0 $0x0, s1;
	[sflag:s0] =	ssyncset.done @!p0 $0x0  }
0x138: {  	[sflag:s0] =	ssyncadd.s32 @!p0 s1  }
0x139: {  	[bflag:$0x3] =	sbarrier.arrive $0xFFFF  }
0x13a: {  	_ =	shalt  }

// kernel: segsum_f128.8.cloned.1.call-start
scs
__scs_entry_jumppad:
0x0: {  	(pc) =	sbr.rel $0x88, $3  }
0x1: {  	(tag) =	ssettag $0x0;
	lr =	simm.s32 $0x1  }
0x2: {  	[smem:$0x3F80] =	sst lr;
	_ =	strace $0xD0000000  }
0x3: {  	_ = 	snop  }
0x4: {  	_ = 	snop  }
0x5: {  	_ = 	snop  }
0x6: {  	_ = 	snop  }
0x7: {  	_ = 	snop  }
__scs_overlays_trampoline_lowered:
0x8: {  	[smem:$0x3F8F] =	sst s0  }
0x9: {  	[smem:$0x3F90] =	sst s1  }
0xa: {  	[smem:$0x3F91] =	sst s2  }
0xb: {  	[smem:$0x3F92] =	sst s3  }
0xc: {  	[smem:$0x3F93] =	sst s4  }
0xd: {  	[smem:$0x3F94] =	sst s5  }
0xe: {  	[smem:$0x3F95] =	sst s6  }
0xf: {  	[smem:$0x3F96] =	sst s7  }
0x10: {  	[smem:$0x3F97] =	sst s8  }
0x11: {  	[smem:$0x3F98] =	sst s9;
	s0 =	simm.s32 @!p0 $0x0  }
0x12: {  	s1 =	sld [smem:$0x3F7E];
	s0 =	simm.s32 @p0 $0x1  }
0x13: {  	[smem:$0x3F99] =	sst s0;
	s0 =	simm.s32 @!p1 $0x0  }
0x14: {  	s2 =	sld [smem:$0x3F7D];
	s0 =	simm.s32 @p1 $0x1  }
0x15: {  	[smem:$0x3F9A] =	sst s0;
	s0 =	simm.s32 @!p2 $0x0  }
0x16: {  	s3 =	sld [smem:$0x3FDB];
	s0 =	simm.s32 @p2 $0x1  }
0x17: {  	s4 =	simm.s32 $0x1BF5;
	[smem:$0x3F9C] =	sst s0  }
0x18: {  	s0 =	sld [smem:$0x3F7F];
	_ =	swait.ge [sflag:s4], $0x0  }
0x19: {  	s7 =	sld [smem:$0x3F80]  }
0x1a: {  	s8 =	sadd.s32 $0xFFFFE003, lr  }
0x1b: {  	s9 =	sadd.s32 $0xFFFFFEF7, lr;
	s5 =	simm.s32 $0xFFFFFFFF;
	p2 =	slt.u32 s8, $0xFFFFF086  }
0x1c: {  	p1 =	slt.u32 s9, $0xF7A;
	s5 =	simm.s32 @!p2 $0x0  }
0x1d: {  	s5 =	simm.s32 @p1 $0x1;
	p0 =	seq.s32 s7, s2  }
0x1e: {  	s7 =	smul.u32 @!p0 $0xF7A, s2;
	p2 =	seq.s32 @!p0 s5, $0x0  }
0x1f: {  	s9 =	smul.u32 $0xF7A, s1;
	s8 =	simm.s32 @!p0 $0x1BF5;
	p2 =	por !p2, p0  }
0x20: {  	[sflag:s8] =	ssyncset.s32 @!p0 $0xFFFFF086;
	s6 =	sadd.s32 @!p0 s3, s7;
	s7 =	simm.s32 @!p0 $0x108  }
0x21: {  	s3 =	sadd.s32 s3, s9;
	s6 =	sadd.s32 @!p0 $0x88, s6;
	s7 =	simm.s32 @p2 $0x1082  }
0x22: {  	[simem:s7], [sflag:s8] =	dma.local @!p0 [hbm:s6], $0xF7A  }
0x23: {  	s9 =	sor.u32 $0xD0000000, s2;
	s6 =	simm.s32 $0x108;
	_ =	swait.ge @!p0 [sflag:s8], $0x0  }
0x24: {  	s3 =	sadd.s32 $0x88, s3;
	s6 =	simm.s32 @!p1 $0x1082;
	[sflag:s4] =	ssyncset.s32 $0xFFFFF086  }
0x25: {  	[simem:s6], [sflag:s4] =	dma.local [hbm:s3], $0xF7A  }
0x26: {  	[smem:$0x3F80] =	sst s1;
	(tag) =	ssettag s2;
	_ =	strace s9  }
0x27: {  	s1 =	sld [smem:$0x3F90]  }
0x28: {  	s2 =	sld [smem:$0x3F91]  }
0x29: {  	s4 =	sld [smem:$0x3F93]  }
0x2a: {  	p0 =	seq.s32 s5, $0x0;
	s5 =	sld [smem:$0x3F94]  }
0x2b: {  	s6 =	sld [smem:$0x3F95]  }
0x2c: {  	s7 =	sld [smem:$0x3F96]  }
0x2d: {  	s3 =	simm.s32 $0x108;
	s8 =	sld [smem:$0x3F97]  }
0x2e: {  	s3 =	simm.s32 @!p0 $0x1082;
	s9 =	sld [smem:$0x3F98]  }
0x2f: {  	lr =	sadd.s32 s0, s3;
	s0 =	sld [smem:$0x3F8F]  }
0x30: {  	s3 =	sld [smem:$0x3F92]  }
0x31: {  	[smem:$0x3F9B] =	sst s10  }
0x32: {  	s10 =	sld [smem:$0x3F99];
	_ =	sdelay $0x3  }
0x33: {  	p0 =	seq.s32 s10, $0x1;
	s10 =	sld [smem:$0x3F9B];
	_ =	sdelay $0x3  }
0x34: {  	[smem:$0x3F9B] =	sst s10  }
0x35: {  	s10 =	sld [smem:$0x3F9A];
	_ =	sdelay $0x3  }
0x36: {  	p1 =	seq.s32 s10, $0x1;
	s10 =	sld [smem:$0x3F9B];
	_ =	sdelay $0x3  }
0x37: {  	[smem:$0x3F9B] =	sst s10  }
0x38: {  	s10 =	sld [smem:$0x3F9C]  }
0x39: {  	_ = 	snop;
	(pc) =	sbr.ind lr, $3  }
0x3a: {  	_ = 	snop  }
0x3b: {  	_ = 	snop  }
0x3c: {  	p2 =	seq.s32 s10, $0x1;
	s10 =	sld [smem:$0x3F9B]  }
0x3d: {  	_ =	shalt  }
0x3e: {  	_ =	shalt  }
0x3f: {  	_ =	shalt  }
0x40: {  	_ =	shalt  }
0x41: {  	_ =	shalt  }
0x42: {  	_ =	shalt  }
0x43: {  	_ =	shalt  }
0x44: {  	_ =	shalt  }
0x45: {  	_ =	shalt  }
0x46: {  	_ =	shalt  }
0x47: {  	_ =	shalt  }
0x48: {  	_ =	shalt  }
0x49: {  	_ =	shalt  }
0x4a: {  	_ =	shalt  }
0x4b: {  	_ =	shalt  }
0x4c: {  	_ =	shalt  }
0x4d: {  	_ =	shalt  }
0x4e: {  	_ =	shalt  }
0x4f: {  	_ =	shalt  }
0x50: {  	_ =	shalt  }
0x51: {  	_ =	shalt  }
0x52: {  	_ =	shalt  }
0x53: {  	_ =	shalt  }
0x54: {  	_ =	shalt  }
0x55: {  	_ =	shalt  }
0x56: {  	_ =	shalt  }
0x57: {  	_ =	shalt  }
0x58: {  	_ =	shalt  }
0x59: {  	_ =	shalt  }
0x5a: {  	_ =	shalt  }
0x5b: {  	_ =	shalt  }
0x5c: {  	_ =	shalt  }
0x5d: {  	_ =	shalt  }
0x5e: {  	_ =	shalt  }
0x5f: {  	_ =	shalt  }
0x60: {  	_ =	shalt  }
0x61: {  	_ =	shalt  }
0x62: {  	_ =	shalt  }
0x63: {  	_ =	shalt  }
0x64: {  	_ =	shalt  }
0x65: {  	_ =	shalt  }
0x66: {  	_ =	shalt  }
0x67: {  	_ =	shalt  }
0x68: {  	_ =	shalt  }
0x69: {  	_ =	shalt  }
0x6a: {  	_ =	shalt  }
0x6b: {  	_ =	shalt  }
0x6c: {  	_ =	shalt  }
0x6d: {  	_ =	shalt  }
0x6e: {  	_ =	shalt  }
0x6f: {  	_ =	shalt  }
0x70: {  	_ =	shalt  }
0x71: {  	_ =	shalt  }
0x72: {  	_ =	shalt  }
0x73: {  	_ =	shalt  }
0x74: {  	_ =	shalt  }
0x75: {  	_ =	shalt  }
0x76: {  	_ =	shalt  }
0x77: {  	_ =	shalt  }
0x78: {  	_ =	shalt  }
0x79: {  	_ =	shalt  }
0x7a: {  	_ =	shalt  }
0x7b: {  	_ =	shalt  }
0x7c: {  	_ =	shalt  }
0x7d: {  	_ =	shalt  }
0x7e: {  	_ =	shalt  }
0x7f: {  	_ =	shalt  }
0x80: {  	_ =	shalt  }
0x81: {  	_ =	shalt  }
0x82: {  	_ =	shalt  }
0x83: {  	_ =	shalt  }
0x84: {  	_ =	shalt  }
0x85: {  	_ =	shalt  }
0x86: {  	_ =	shalt  }
0x87: {  	_ =	shalt  }
.Lfunc_end0:
.L_simem_size_0:
called_computation.3_lowered:
.L_overlay_start_0:
0x88: {  	s2 =	sld [smem:$0x3FD9]  }
0x89: {  	s3 =	sld [smem:$0x3FFE];
	_ =	sdelay $0x1  }
0x8a: {  	s1 =	srdreg.scid  }
0x8b: {  	s0 =	sand.u32 $0x1, s1  }
0x8c: {  	s16 =	sshll.u32 s0, $0xA;
	s2 =	sadd.s32 s3, s2  }
0x8d: {  	s2 =	sadd.s32 s2, s16  }
0x8e: {  	[smem:$0x3FA7] =	sst s2  }
0x8f: {  	_ = 	snop  }
0x90: {  	(tm) =	ssettm $0x1  }
0x91: {  	s17 =	sld [smem:$0x3FFB];
	_ =	sdelay $0x3  }
0x92: {  	_ =	strace s17  }
0x93: {  	s2 =	sld [smem:$0x3FFC];
	_ =	sdelay $0x3  }
0x94: {  	_ =	strace s2  }
0x95: {  	s2 =	sld [smem:$0x3FFD];
	_ =	sdelay $0x3  }
0x96: {  	_ =	strace s2  }
0x97: {  	_ =	strace $0x8FFFFFFF  }
0x98: {  	s18 =	sld [smem:$0x3FDB];
	_ =	sdelay $0x1  }
0x99: {  	s19 =	simm.s32 $_scs_section_size  }
0x9a: {  	s4 =	simm.s32 $_size__tile_overlayer_lowered;
	s5 =	simm.s32 $_tile_overlayer_lowered  }
0x9b: {  	s22 =	simm.s32 $0x1BFF;
	s21 =	sshll.u32 s5, $0x1;
	s2 =	sadd.s32 s19, s18  }
0x9c: {  	s6 =	simm.s32 $0x0;
	s20 =	sshll.u32 s4, $0x1;
	s4 =	sadd.s32 s21, s2  }
0x9d: {  	[timem:s6], [sflag:s22] =	dma.local [hbm:s4], s20  }
0x9e: {  	_ =	swait.ge [sflag:s22], s20  }
0x9f: {  	s3 =	ssub.s32 $0x0, s20;
	[sflag:s22] =	ssyncset.done $0x0  }
0xa0: {  	[sflag:s22] =	ssyncadd.s32 s3;
	_ =	sdelay $0x1  }
0xa1: {  	s23 =	simm.s32 $0x1B8B  }
0xa2: {  	_ =	swait.ge [sflag:s23], $0x1  }
0xa3: {  	[sflag:s23] =	ssyncset.done $0x0  }
0xa4: {  	s25 =	simm.s32 $0x1B8E;
	s24 =	sld [smem:$0x3FFE];
	[sflag:s23] =	ssyncadd.s32 $0xFFFFFFFF  }
0xa5: {  	s26 =	simm.s32 $execute0_lowered;
	[smem:$0x3FD2] =	sst s25  }
0xa6: {  	s4 =	sshll.u32 s26, $0x1;
	_ =	strace $0x8000004F;
	[dreg:$0x1] =	wrdreg $0xFFFFFFFF  }
0xa7: {  	s28 =	simm.s32 $_size_execute0_lowered;
	s2 =	sadd.s32 s2, s4;
	[dreg:$0x0] =	wrdreg $0x0  }
0xa8: {  	s4 =	sshll.u32 s28, $0x1;
	[dreg:$0x2] =	wrdreg s2  }
0xa9: {  	[dreg:$0x3] =	wrdreg s4  }
0xaa: {  	[dreg:$0x4] =	wrdreg $0xC0  }
0xab: {  	_ =	task [dreg:s6], $0x5FFFF  }
0xac: {  	[dreg:$0x1] =	wrdreg $0xFFFFFFFF  }
0xad: {  	[dreg:$0x0] =	wrdreg $0x60  }
0xae: {  	[dreg:$0x2] =	wrdreg s24  }
0xaf: {  	[dreg:$0x3] =	wrdreg $0x0  }
0xb0: {  	[dreg:$0x4] =	wrdreg $0x9  }
0xb1: {  	_ =	task.clear_ibuf [dreg:s6], $0x5FFFF;
	_ =	strace $0x9000004F  }
0xb2: {  	s29 =	simm.s32 $0x9;
	_ =	strace $0x80000051  }
0xb3: {  	_ =	swait.ge [sflag:s29], $0x1  }
0xb4: {  	[sflag:s29] =	ssyncadd.s32 $0xFFFFFFFF  }
0xb5: {  	_ =	strace $0x90000051  }
0xb6: {  	_ =	sfence  }
0xb7: {  	s30 =	sld [smem:$0x0];
	_ =	sdelay $0x2  }
0xb8: {  	s31 =	sshll.u32 s1, $0xD;
	s1 =	sshrl.u32 s1, $0x2  }
0xb9: {  	s3 =	sand.u32 $0x4000, s31;
	s1 =	sadd.s32 s1, s30  }
0xba: {  	s0 =	sor.u32 s3, s0;
	s1 =	sshll.u32 s1, $0x11  }
0xbb: {  	s0 =	sor.u32 s1, s0  }
0xbc: {  	s0 =	sadd.s32 $0x8F2B, s0  }
0xbd: {  	[sflag:s0] =	ssyncadd.remote.s32 $0x1  }
0xbe: {  	_ =	sfence.sel $0xFFFF  }
0xbf: {  	[dreg:$0x0] =	wrdreg $0xFFFFFFFF;
	(pc) =	sbr.abs _section_cstart, $3  }
0xc0: {  	[dreg:$0x1] =	wrdreg $0xFFFFFFFF  }
0xc1: {  	_ =	task.clear_ibuf [dreg:s6], $0x2FFFF;
	_ =	strace $0x9FFFFFFF  }
0xc2: {  	(tm) =	ssettm $0x7FFFFFFF  }
0xc3: {  	_ =	shalt  }
tec
execute0_lowered:
.L_overlay_start_1:
0x0: {  	(tag) =	ssettag $0x1  }
0x1: {  	s0 =	srdreg.scid;
	s1 =	rddreg [dreg:$0x0]  }
0x2: {  	s11 =	stileid.u32;
	s2 =	rddreg [dreg:$0x1]  }
0x3: {  	s3 =	simm.s32 $0x0;
	s20 =	simm.s32 $0x138C0;
	s28 =	simm.s32 $0x13D40  }
0x4: {  	s29 =	simm.s32 $0x139C0;
	s30 =	simm.s32 $0x13DC0;
	s4 =	smul.u32 $0x50, s11  }
0x5: {  	s31 =	simm.s32 $0x13A40;
	s15 =	simm.s32 $0x0;
	s21 =	smul.u32 $0x2780, s11  }
0x6: {  	s0 =	sand.u32 $0x1, s0;
	[smem:$0x7FF] =	sst s3;
	s7 =	smul.u32 $0x4F000, s11  }
0x7: {  	s22 =	sadd.s32 $0x53880, s1;
	s24 =	sadd.s32 $0xA1C80, s1;
	s25 =	sadd.s32 $0x7AA80, s1  }
0x8: {  	s5 =	smul.u32 $0x500, s0;
	_ =	strace $0x80000050;
	[dreg:$0x4] =	wrdreg s22  }
0x9: {  	s8 =	ssub.s32 $0x2, s0;
	[dreg:$0x6] =	wrdreg s24;
	p3 =	sne.s32 s0, $0x0  }
0xa: {  	[dreg:$0x8] =	wrdreg s25;
	s22 =	simm.s32 $0x13CC0;
	s24 =	simm.s32 $0x140C0  }
0xb: {  	s25 =	simm.s32 $0x1;
	[dreg:$0xf] =	wrdreg s15;
	s9 =	sadd.s32 s21, s1  }
0xc: {  	s10 =	sshrl.u32 s8, $0x1;
	s7 =	sshrl.u32 s7, $0x2;
	p1 =	seq.s32 @p3 s11, $0xF  }
0xd: {  	p4 =	seq.s32 @!p3 s11, $0xF;
	s4 =	sadd.s32 s5, s4;
	s8 =	ssub.s32 s8, s10  }
0xe: {  	s7 =	sadd.s32 s7, s2;
	s23 =	sadd.s32 $0x7CC00, s9;
	s9 =	sadd.s32 $0x55A00, s9  }
0xf: {  	p0 =	por p1, !p3;
	p1 =	por !p1, !p3;
	p2 =	por p4, p3  }
0x10: {  	p3 =	por !p4, p3;
	s10 =	simm.s32 $0x13BC0;
	[dreg:$0x5] =	wrdreg s23  }
0x11: {  	s6 =	sshll.u32 s4, $0x4;
	s4 =	sadd.s32 $0x2E800, s1;
	[dreg:$0x7] =	wrdreg s9  }
0x12: {  	s26 =	smax.u32 s8, $0x1;
	s0 =	sshll.u32 @!p0 s11, $0x6;
	s17 =	sshrl.u32 @!p0 s7, $0x3  }
0x13: {  	s19 =	sshrl.u32 @!p2 s7, $0x3;
	s23 =	simm.s32 $0x80;
	s7 =	simm.s32 $0x13EC0  }
0x14: {  	s8 =	simm.s32 $0x13B40;
	s9 =	simm.s32 $0x13F40;
	[dreg:$0x9] =	wrdreg s26  }
0x15: {  	s6 =	sadd.s32 s6, s1;
	s5 =	sadd.s32 s4, s21;
	[dreg:$0xc] =	wrdreg s17  }
0x16: {  	s0 =	sor.u32 @!p0 $0x1C02, s0;
	s21 =	simm.s32 $0x2;
	[dreg:$0xe] =	wrdreg s19  }
0x17: {  	s26 =	simm.s32 $0x13940;
	[dreg:$0x3] =	wrdreg s5;
	s5 =	sadd.s32 $0x128400, s2  }
0x18: {  	s12 =	sadd.s32 $0x24800, s6;
	s13 =	sadd.s32 $0x6E00, s6;
	[dreg:$0xb] =	wrdreg s0  }
0x19: {  	s0 =	sshll.u32 @!p2 s11, $0x6;
	s11 =	simm.s32 $0x13FC0;
	s1 =	sshrl.u32 @!p3 s5, $0x3  }
0x1a: {  	s6 =	simm.s32 $0x14040;
	s16 =	sshrl.u32 @!p1 s5, $0x3;
	[dreg:$0x10] =	wrdreg s1  }
0x1b: {  	s18 =	sor.u32 @!p2 $0x1C02, s0;
	s0 =	simm.s32 $0x13AC0;
	[dreg:$0xa] =	wrdreg s16  }
0x1c: {  	s5 =	simm.s32 $0x13C40;
	s1 =	simm.s32 $0x13E40;
	[dreg:$0xd] =	wrdreg s18  }
.LBB2_1:
0x1d: {  	s15 =	simm.s32 @!p1 $0x1FC2;
	s14 =	rddreg [dreg:$0x4]  }
0x1e: {  	[spmem:s16], [sflag:s15] =	dma.local @!p1 [hbm:s14], $0x2080  }
0x1f: {  	s15 =	simm.s32 @!p1 $0x2  }
0x20: {  	_ =	swait.ge @!p1 [sflag:s15], $0x2080  }
0x21: {  	[sflag:s15] =	ssyncset.done @!p1 $0x0;
	s16 =	rddreg [dreg:$0x3]  }
0x22: {  	[sflag:s15] =	ssyncadd.s32 @!p1 $0xFFFFDF80;
	s15 =	rddreg [dreg:$0xb]  }
0x23: {  	[spmem:s17], [sflag:s15] =	dma.local @!p0 [hbm:s16], $0x2780  }
0x24: {  	s15 =	simm.s32 @!p0 $0x2  }
0x25: {  	_ =	swait.ge @!p0 [sflag:s15], $0x2780  }
0x26: {  	[sflag:s15] =	ssyncset.done @!p0 $0x0  }
0x27: {  	s17 =	rddreg [dreg:$0x10];
	[sflag:s15] =	ssyncadd.s32 @!p0 $0xFFFFD880;
	s15 =	simm.s32 @!p3 $0x1FC2  }
0x28: {  	[spmem:s17], [sflag:s15] =	dma.local @!p3 [hbm:s14], $0x2080  }
0x29: {  	s15 =	simm.s32 @!p3 $0x2  }
0x2a: {  	_ =	swait.ge @!p3 [sflag:s15], $0x2080  }
0x2b: {  	[sflag:s15] =	ssyncset.done @!p3 $0x0  }
0x2c: {  	[sflag:s15] =	ssyncadd.s32 @!p3 $0xFFFFDF80;
	s15 =	simm.s32 @!p2 $0x2  }
0x2d: {  	[spmem:s19], [sflag:s18] =	dma.local @!p2 [hbm:s16], $0x2780  }
0x2e: {  	_ =	swait.ge @!p2 [sflag:s15], $0x2780  }
0x2f: {  	[sflag:s15] =	ssyncset.done @!p2 $0x0  }
0x30: {  	[sflag:s15] =	ssyncadd.s32 @!p2 $0xFFFFD880  }
0x31: {  	s18 =	sadd.s32 $0x0, s13;
	[bflag:$0x0] =	sbarrier.arrive $0xFFFF  }
0x32: {  	[tilespmem:s20], [sflag:$0x2] =	stream.linear.gather [hbm4b:s18+s3], $0x400, $0x38;
	[tilespmem:$0x180C0] =	vst v63  }
0x33: {  	_ =	swait.ge [sflag:s21], $0x400  }
0x34: {  	[sflag:s21] =	ssyncset.done $0x0  }
0x35: {  	s19 =	sadd.s32 $0x0, s12;
	[sflag:s21] =	ssyncadd.s32 $0xFFFFFC00  }
0x36: {  	[tilespmem:s22], [sflag:$0x2] =	stream.linear.gather [hbm4b:s19+s3], $0x400, $0x38;
	[tilespmem:$0x180C0] =	vst v63  }
0x37: {  	_ =	swait.ge [sflag:s21], $0x400  }
0x38: {  	[sflag:s21] =	ssyncset.done $0x0  }
0x39: {  	[sflag:s21] =	ssyncadd.s32 $0xFFFFFC00  }
0x3a: {  	[tilespmem:s24], [sflag:$0x1] =	stream.indirect.gather [hbm4b:s4+s23], $0x80, s20, s23, $0xb8;
	[tilespmem:$0x180C0] =	vst v63  }
0x3b: {  	_ =	swait.ge [sflag:s25], $0x4000  }
0x3c: {  	[sflag:s25] =	ssyncset.done $0x0  }
0x3d: {  	[sflag:s25] =	ssyncadd.s32 $0xFFFFC000  }
0x3e: {  	[spmem:s2] =	stream.indirect.scatter.add.f32 [tilespmem:s24], [sflag:$0x2], $0x80, s22, s23, $0xb8;
	[tilespmem:$0x180C0] =	vst v63  }
0x3f: {  	_ =	swait.ge [sflag:s21], $0x4000  }
0x40: {  	[sflag:s21] =	ssyncset.done $0x0  }
0x41: {  	[sflag:s21] =	ssyncadd.s32 $0xFFFFC000  }
0x42: {  	[tilespmem:s24], [sflag:$0x1] =	stream.indirect.gather [hbm4b:s4+s23], $0x80, s26, s23, $0xb8;
	[tilespmem:$0x180C0] =	vst v63  }
0x43: {  	_ =	swait.ge [sflag:s25], $0x4000  }
0x44: {  	[sflag:s25] =	ssyncset.done $0x0  }
0x45: {  	[sflag:s25] =	ssyncadd.s32 $0xFFFFC000  }
0x46: {  	[spmem:s2] =	stream.indirect.scatter.add.f32 [tilespmem:s24], [sflag:$0x2], $0x80, s28, s23, $0xb8;
	[tilespmem:$0x180C0] =	vst v63  }
0x47: {  	_ =	swait.ge [sflag:s21], $0x4000  }
0x48: {  	[sflag:s21] =	ssyncset.done $0x0  }
0x49: {  	[sflag:s21] =	ssyncadd.s32 $0xFFFFC000  }
0x4a: {  	[tilespmem:s24], [sflag:$0x1] =	stream.indirect.gather [hbm4b:s4+s23], $0x80, s29, s23, $0xb8;
	[tilespmem:$0x180C0] =	vst v63  }
0x4b: {  	_ =	swait.ge [sflag:s25], $0x4000  }
0x4c: {  	[sflag:s25] =	ssyncset.done $0x0  }
0x4d: {  	[sflag:s25] =	ssyncadd.s32 $0xFFFFC000  }
0x4e: {  	[spmem:s2] =	stream.indirect.scatter.add.f32 [tilespmem:s24], [sflag:$0x2], $0x80, s30, s23, $0xb8;
	[tilespmem:$0x180C0] =	vst v63  }
0x4f: {  	_ =	swait.ge [sflag:s21], $0x4000  }
0x50: {  	[sflag:s21] =	ssyncset.done $0x0  }
0x51: {  	[sflag:s21] =	ssyncadd.s32 $0xFFFFC000  }
0x52: {  	[tilespmem:s24], [sflag:$0x1] =	stream.indirect.gather [hbm4b:s4+s23], $0x80, s31, s23, $0xb8;
	[tilespmem:$0x180C0] =	vst v63  }
0x53: {  	_ =	swait.ge [sflag:s25], $0x4000  }
0x54: {  	[sflag:s25] =	ssyncset.done $0x0  }
0x55: {  	[sflag:s25] =	ssyncadd.s32 $0xFFFFC000  }
0x56: {  	[spmem:s2] =	stream.indirect.scatter.add.f32 [tilespmem:s24], [sflag:$0x2], $0x80, s1, s23, $0xb8;
	[tilespmem:$0x180C0] =	vst v63  }
0x57: {  	_ =	swait.ge [sflag:s21], $0x4000  }
0x58: {  	[sflag:s21] =	ssyncset.done $0x0  }
0x59: {  	[sflag:s21] =	ssyncadd.s32 $0xFFFFC000  }
0x5a: {  	[tilespmem:s24], [sflag:$0x1] =	stream.indirect.gather [hbm4b:s4+s23], $0x80, s0, s23, $0xb8;
	[tilespmem:$0x180C0] =	vst v63  }
0x5b: {  	_ =	swait.ge [sflag:s25], $0x4000  }
0x5c: {  	[sflag:s25] =	ssyncset.done $0x0  }
0x5d: {  	[sflag:s25] =	ssyncadd.s32 $0xFFFFC000  }
0x5e: {  	[spmem:s2] =	stream.indirect.scatter.add.f32 [tilespmem:s24], [sflag:$0x2], $0x80, s7, s23, $0xb8;
	[tilespmem:$0x180C0] =	vst v63  }
0x5f: {  	_ =	swait.ge [sflag:s21], $0x4000  }
0x60: {  	[sflag:s21] =	ssyncset.done $0x0  }
0x61: {  	[sflag:s21] =	ssyncadd.s32 $0xFFFFC000  }
0x62: {  	[tilespmem:s24], [sflag:$0x1] =	stream.indirect.gather [hbm4b:s4+s23], $0x80, s8, s23, $0xb8;
	[tilespmem:$0x180C0] =	vst v63  }
0x63: {  	_ =	swait.ge [sflag:s25], $0x4000  }
0x64: {  	[sflag:s25] =	ssyncset.done $0x0  }
0x65: {  	[sflag:s25] =	ssyncadd.s32 $0xFFFFC000  }
0x66: {  	[spmem:s2] =	stream.indirect.scatter.add.f32 [tilespmem:s24], [sflag:$0x2], $0x80, s9, s23, $0xb8;
	[tilespmem:$0x180C0] =	vst v63  }
0x67: {  	_ =	swait.ge [sflag:s21], $0x4000  }
0x68: {  	[sflag:s21] =	ssyncset.done $0x0  }
0x69: {  	[sflag:s21] =	ssyncadd.s32 $0xFFFFC000  }
0x6a: {  	[tilespmem:s24], [sflag:$0x1] =	stream.indirect.gather [hbm4b:s4+s23], $0x80, s10, s23, $0xb8;
	[tilespmem:$0x180C0] =	vst v63  }
0x6b: {  	_ =	swait.ge [sflag:s25], $0x4000  }
0x6c: {  	[sflag:s25] =	ssyncset.done $0x0  }
0x6d: {  	[sflag:s25] =	ssyncadd.s32 $0xFFFFC000  }
0x6e: {  	[spmem:s2] =	stream.indirect.scatter.add.f32 [tilespmem:s24], [sflag:$0x2], $0x80, s11, s23, $0xb8;
	[tilespmem:$0x180C0] =	vst v63  }
0x6f: {  	_ =	swait.ge [sflag:s21], $0x4000  }
0x70: {  	[sflag:s21] =	ssyncset.done $0x0  }
0x71: {  	[sflag:s21] =	ssyncadd.s32 $0xFFFFC000  }
0x72: {  	[tilespmem:s24], [sflag:$0x1] =	stream.indirect.gather [hbm4b:s4+s23], $0x80, s5, s23, $0xb8;
	[tilespmem:$0x180C0] =	vst v63  }
0x73: {  	_ =	swait.ge [sflag:s25], $0x4000  }
0x74: {  	[sflag:s25] =	ssyncset.done $0x0  }
0x75: {  	[sflag:s25] =	ssyncadd.s32 $0xFFFFC000  }
0x76: {  	[spmem:s2] =	stream.indirect.scatter.add.f32 [tilespmem:s24], [sflag:$0x2], $0x80, s6, s23, $0xb8;
	[tilespmem:$0x180C0] =	vst v63  }
0x77: {  	_ =	swait.ge [sflag:s21], $0x4000  }
0x78: {  	s16 =	simm.s32 $0x100;
	s15 =	simm.s32 $0x80;
	[sflag:s21] =	ssyncset.done $0x0  }
.LBB2_2:
0x79: {  	s18 =	sadd.s32 s15, s13  }
0x7a: {  	[sflag:s21] =	ssyncadd.s32 $0xFFFFC000;
	s19 =	smov.u32 s16;
	s17 =	sadd.s32 $0x80, s16  }
0x7b: {  	[tilespmem:s20], [sflag:$0x2] =	stream.linear.gather [hbm4b:s18+s3], $0x400, $0x38;
	[tilespmem:$0x180C0] =	vst v63  }
0x7c: {  	p4 =	sne.s32 s16, $0x480;
	_ =	swait.ge [sflag:s21], $0x400  }
0x7d: {  	[sflag:s21] =	ssyncset.done $0x0  }
0x7e: {  	s16 =	sadd.s32 s15, s12;
	s15 =	smov.u32 s19;
	[sflag:s21] =	ssyncadd.s32 $0xFFFFFC00  }
0x7f: {  	[tilespmem:s22], [sflag:$0x2] =	stream.linear.gather [hbm4b:s16+s3], $0x400, $0x38;
	[tilespmem:$0x180C0] =	vst v63  }
0x80: {  	_ =	swait.ge [sflag:s21], $0x400  }
0x81: {  	[sflag:s21] =	ssyncset.done $0x0  }
0x82: {  	[sflag:s21] =	ssyncadd.s32 $0xFFFFFC00  }
0x83: {  	[tilespmem:s24], [sflag:$0x1] =	stream.indirect.gather [hbm4b:s4+s23], $0x80, s20, s23, $0xb8;
	[tilespmem:$0x180C0] =	vst v63  }
0x84: {  	_ =	swait.ge [sflag:s25], $0x4000  }
0x85: {  	[sflag:s25] =	ssyncset.done $0x0  }
0x86: {  	[sflag:s25] =	ssyncadd.s32 $0xFFFFC000  }
0x87: {  	[spmem:s2] =	stream.indirect.scatter.add.f32 [tilespmem:s24], [sflag:$0x2], $0x80, s22, s23, $0xb8;
	[tilespmem:$0x180C0] =	vst v63  }
0x88: {  	_ =	swait.ge [sflag:s21], $0x4000  }
0x89: {  	[sflag:s21] =	ssyncset.done $0x0  }
0x8a: {  	[sflag:s21] =	ssyncadd.s32 $0xFFFFC000  }
0x8b: {  	[tilespmem:s24], [sflag:$0x1] =	stream.indirect.gather [hbm4b:s4+s23], $0x80, s26, s23, $0xb8;
	[tilespmem:$0x180C0] =	vst v63  }
0x8c: {  	_ =	swait.ge [sflag:s25], $0x4000  }
0x8d: {  	[sflag:s25] =	ssyncset.done $0x0  }
0x8e: {  	[sflag:s25] =	ssyncadd.s32 $0xFFFFC000  }
0x8f: {  	[spmem:s2] =	stream.indirect.scatter.add.f32 [tilespmem:s24], [sflag:$0x2], $0x80, s28, s23, $0xb8;
	[tilespmem:$0x180C0] =	vst v63  }
0x90: {  	_ =	swait.ge [sflag:s21], $0x4000  }
0x91: {  	[sflag:s21] =	ssyncset.done $0x0  }
0x92: {  	[sflag:s21] =	ssyncadd.s32 $0xFFFFC000  }
0x93: {  	[tilespmem:s24], [sflag:$0x1] =	stream.indirect.gather [hbm4b:s4+s23], $0x80, s29, s23, $0xb8;
	[tilespmem:$0x180C0] =	vst v63  }
0x94: {  	_ =	swait.ge [sflag:s25], $0x4000  }
0x95: {  	[sflag:s25] =	ssyncset.done $0x0  }
0x96: {  	[sflag:s25] =	ssyncadd.s32 $0xFFFFC000  }
0x97: {  	[spmem:s2] =	stream.indirect.scatter.add.f32 [tilespmem:s24], [sflag:$0x2], $0x80, s30, s23, $0xb8;
	[tilespmem:$0x180C0] =	vst v63  }
0x98: {  	_ =	swait.ge [sflag:s21], $0x4000  }
0x99: {  	[sflag:s21] =	ssyncset.done $0x0  }
0x9a: {  	[sflag:s21] =	ssyncadd.s32 $0xFFFFC000  }
0x9b: {  	[tilespmem:s24], [sflag:$0x1] =	stream.indirect.gather [hbm4b:s4+s23], $0x80, s31, s23, $0xb8;
	[tilespmem:$0x180C0] =	vst v63  }
0x9c: {  	_ =	swait.ge [sflag:s25], $0x4000  }
0x9d: {  	[sflag:s25] =	ssyncset.done $0x0  }
0x9e: {  	[sflag:s25] =	ssyncadd.s32 $0xFFFFC000  }
0x9f: {  	[spmem:s2] =	stream.indirect.scatter.add.f32 [tilespmem:s24], [sflag:$0x2], $0x80, s1, s23, $0xb8;
	[tilespmem:$0x180C0] =	vst v63  }
0xa0: {  	_ =	swait.ge [sflag:s21], $0x4000  }
0xa1: {  	[sflag:s21] =	ssyncset.done $0x0  }
0xa2: {  	[sflag:s21] =	ssyncadd.s32 $0xFFFFC000  }
0xa3: {  	[tilespmem:s24], [sflag:$0x1] =	stream.indirect.gather [hbm4b:s4+s23], $0x80, s0, s23, $0xb8;
	[tilespmem:$0x180C0] =	vst v63  }
0xa4: {  	_ =	swait.ge [sflag:s25], $0x4000  }
0xa5: {  	[sflag:s25] =	ssyncset.done $0x0  }
0xa6: {  	[sflag:s25] =	ssyncadd.s32 $0xFFFFC000  }
0xa7: {  	[spmem:s2] =	stream.indirect.scatter.add.f32 [tilespmem:s24], [sflag:$0x2], $0x80, s7, s23, $0xb8;
	[tilespmem:$0x180C0] =	vst v63  }
0xa8: {  	_ =	swait.ge [sflag:s21], $0x4000  }
0xa9: {  	[sflag:s21] =	ssyncset.done $0x0  }
0xaa: {  	[sflag:s21] =	ssyncadd.s32 $0xFFFFC000  }
0xab: {  	[tilespmem:s24], [sflag:$0x1] =	stream.indirect.gather [hbm4b:s4+s23], $0x80, s8, s23, $0xb8;
	[tilespmem:$0x180C0] =	vst v63  }
0xac: {  	_ =	swait.ge [sflag:s25], $0x4000  }
0xad: {  	[sflag:s25] =	ssyncset.done $0x0  }
0xae: {  	[sflag:s25] =	ssyncadd.s32 $0xFFFFC000  }
0xaf: {  	[spmem:s2] =	stream.indirect.scatter.add.f32 [tilespmem:s24], [sflag:$0x2], $0x80, s9, s23, $0xb8;
	[tilespmem:$0x180C0] =	vst v63  }
0xb0: {  	_ =	swait.ge [sflag:s21], $0x4000  }
0xb1: {  	[sflag:s21] =	ssyncset.done $0x0  }
0xb2: {  	[sflag:s21] =	ssyncadd.s32 $0xFFFFC000  }
0xb3: {  	[tilespmem:s24], [sflag:$0x1] =	stream.indirect.gather [hbm4b:s4+s23], $0x80, s10, s23, $0xb8;
	[tilespmem:$0x180C0] =	vst v63  }
0xb4: {  	_ =	swait.ge [sflag:s25], $0x4000  }
0xb5: {  	[sflag:s25] =	ssyncset.done $0x0  }
0xb6: {  	[sflag:s25] =	ssyncadd.s32 $0xFFFFC000  }
0xb7: {  	[spmem:s2] =	stream.indirect.scatter.add.f32 [tilespmem:s24], [sflag:$0x2], $0x80, s11, s23, $0xb8;
	[tilespmem:$0x180C0] =	vst v63  }
0xb8: {  	_ =	swait.ge [sflag:s21], $0x4000  }
0xb9: {  	[sflag:s21] =	ssyncset.done $0x0  }
0xba: {  	[sflag:s21] =	ssyncadd.s32 $0xFFFFC000  }
0xbb: {  	[tilespmem:s24], [sflag:$0x1] =	stream.indirect.gather [hbm4b:s4+s23], $0x80, s5, s23, $0xb8;
	[tilespmem:$0x180C0] =	vst v63  }
0xbc: {  	_ =	swait.ge [sflag:s25], $0x4000  }
.Ltmp0:
0xbd: {  	[sflag:s25] =	ssyncset.done $0x0;
	(pc) =	sbr.rel @p4 .LBB2_2-.Ltmp0, $4  }
0xbe: {  	[sflag:s25] =	ssyncadd.s32 $0xFFFFC000  }
0xbf: {  	[spmem:s2] =	stream.indirect.scatter.add.f32 [tilespmem:s24], [sflag:$0x2], $0x80, s6, s23, $0xb8;
	[tilespmem:$0x180C0] =	vst v63  }
0xc0: {  	_ =	swait.ge [sflag:s21], $0x4000  }
0xc1: {  	s16 =	smov.u32 s17;
	[sflag:s21] =	ssyncset.done $0x0  }
0xc2: {  	s16 =	sadd.s32 s15, s13;
	[sflag:s21] =	ssyncadd.s32 $0xFFFFC000  }
0xc3: {  	[tilespmem:s20], [sflag:$0x2] =	stream.linear.gather [hbm4b:s16+s3], $0x400, $0x38;
	[tilespmem:$0x180C0] =	vst v63  }
0xc4: {  	_ =	swait.ge [sflag:s21], $0x400  }
0xc5: {  	[sflag:s21] =	ssyncset.done $0x0  }
0xc6: {  	s14 =	sadd.s32 s15, s12;
	[sflag:s21] =	ssyncadd.s32 $0xFFFFFC00  }
0xc7: {  	[tilespmem:s22], [sflag:$0x2] =	stream.linear.gather [hbm4b:s14+s3], $0x400, $0x38;
	[tilespmem:$0x180C0] =	vst v63  }
0xc8: {  	_ =	swait.ge [sflag:s21], $0x400  }
0xc9: {  	[sflag:s21] =	ssyncset.done $0x0  }
0xca: {  	[sflag:s21] =	ssyncadd.s32 $0xFFFFFC00  }
0xcb: {  	[tilespmem:s24], [sflag:$0x1] =	stream.indirect.gather [hbm4b:s4+s23], $0x80, s20, s23, $0xb8;
	[tilespmem:$0x180C0] =	vst v63  }
0xcc: {  	_ =	swait.ge [sflag:s25], $0x4000  }
0xcd: {  	[sflag:s25] =	ssyncset.done $0x0  }
0xce: {  	[sflag:s25] =	ssyncadd.s32 $0xFFFFC000  }
0xcf: {  	[spmem:s2] =	stream.indirect.scatter.add.f32 [tilespmem:s24], [sflag:$0x2], $0x80, s22, s23, $0xb8;
	[tilespmem:$0x180C0] =	vst v63  }
0xd0: {  	_ =	swait.ge [sflag:s21], $0x4000  }
0xd1: {  	[sflag:s21] =	ssyncset.done $0x0  }
0xd2: {  	[sflag:s21] =	ssyncadd.s32 $0xFFFFC000  }
0xd3: {  	[tilespmem:s24], [sflag:$0x1] =	stream.indirect.gather [hbm4b:s4+s23], $0x80, s26, s23, $0xb8;
	[tilespmem:$0x180C0] =	vst v63  }
0xd4: {  	_ =	swait.ge [sflag:s25], $0x4000  }
0xd5: {  	[sflag:s25] =	ssyncset.done $0x0  }
0xd6: {  	[sflag:s25] =	ssyncadd.s32 $0xFFFFC000  }
0xd7: {  	[spmem:s2] =	stream.indirect.scatter.add.f32 [tilespmem:s24], [sflag:$0x2], $0x80, s28, s23, $0xb8;
	[tilespmem:$0x180C0] =	vst v63  }
0xd8: {  	_ =	swait.ge [sflag:s21], $0x4000  }
0xd9: {  	[sflag:s21] =	ssyncset.done $0x0  }
0xda: {  	[sflag:s21] =	ssyncadd.s32 $0xFFFFC000  }
0xdb: {  	[tilespmem:s24], [sflag:$0x1] =	stream.indirect.gather [hbm4b:s4+s23], $0x80, s29, s23, $0xb8;
	[tilespmem:$0x180C0] =	vst v63  }
0xdc: {  	_ =	swait.ge [sflag:s25], $0x4000  }
0xdd: {  	[sflag:s25] =	ssyncset.done $0x0  }
0xde: {  	[sflag:s25] =	ssyncadd.s32 $0xFFFFC000  }
0xdf: {  	[spmem:s2] =	stream.indirect.scatter.add.f32 [tilespmem:s24], [sflag:$0x2], $0x80, s30, s23, $0xb8;
	[tilespmem:$0x180C0] =	vst v63  }
0xe0: {  	_ =	swait.ge [sflag:s21], $0x4000  }
0xe1: {  	[sflag:s21] =	ssyncset.done $0x0  }
0xe2: {  	[sflag:s21] =	ssyncadd.s32 $0xFFFFC000  }
0xe3: {  	[tilespmem:s24], [sflag:$0x1] =	stream.indirect.gather [hbm4b:s4+s23], $0x80, s31, s23, $0xb8;
	[tilespmem:$0x180C0] =	vst v63  }
0xe4: {  	_ =	swait.ge [sflag:s25], $0x4000  }
0xe5: {  	[sflag:s25] =	ssyncset.done $0x0  }
0xe6: {  	[sflag:s25] =	ssyncadd.s32 $0xFFFFC000  }
0xe7: {  	[spmem:s2] =	stream.indirect.scatter.add.f32 [tilespmem:s24], [sflag:$0x2], $0x80, s1, s23, $0xb8;
	[tilespmem:$0x180C0] =	vst v63  }
0xe8: {  	_ =	swait.ge [sflag:s21], $0x4000  }
0xe9: {  	[sflag:s21] =	ssyncset.done $0x0  }
0xea: {  	[sflag:s21] =	ssyncadd.s32 $0xFFFFC000  }
0xeb: {  	[tilespmem:s24], [sflag:$0x1] =	stream.indirect.gather [hbm4b:s4+s23], $0x80, s0, s23, $0xb8;
	[tilespmem:$0x180C0] =	vst v63  }
0xec: {  	_ =	swait.ge [sflag:s25], $0x4000  }
0xed: {  	[sflag:s25] =	ssyncset.done $0x0  }
0xee: {  	[sflag:s25] =	ssyncadd.s32 $0xFFFFC000  }
0xef: {  	[spmem:s2] =	stream.indirect.scatter.add.f32 [tilespmem:s24], [sflag:$0x2], $0x80, s7, s23, $0xb8;
	[tilespmem:$0x180C0] =	vst v63  }
0xf0: {  	_ =	swait.ge [sflag:s21], $0x4000  }
0xf1: {  	[sflag:s21] =	ssyncset.done $0x0  }
0xf2: {  	[sflag:s21] =	ssyncadd.s32 $0xFFFFC000  }
0xf3: {  	[tilespmem:s24], [sflag:$0x1] =	stream.indirect.gather [hbm4b:s4+s23], $0x80, s8, s23, $0xb8;
	[tilespmem:$0x180C0] =	vst v63  }
0xf4: {  	_ =	swait.ge [sflag:s25], $0x4000  }
0xf5: {  	[sflag:s25] =	ssyncset.done $0x0  }
0xf6: {  	[sflag:s25] =	ssyncadd.s32 $0xFFFFC000  }
0xf7: {  	[spmem:s2] =	stream.indirect.scatter.add.f32 [tilespmem:s24], [sflag:$0x2], $0x80, s9, s23, $0xb8;
	[tilespmem:$0x180C0] =	vst v63  }
0xf8: {  	_ =	swait.ge [sflag:s21], $0x4000  }
0xf9: {  	[sflag:s21] =	ssyncset.done $0x0  }
0xfa: {  	[sflag:s21] =	ssyncadd.s32 $0xFFFFC000  }
0xfb: {  	[tilespmem:s24], [sflag:$0x1] =	stream.indirect.gather [hbm4b:s4+s23], $0x80, s10, s23, $0xb8;
	[tilespmem:$0x180C0] =	vst v63  }
0xfc: {  	_ =	swait.ge [sflag:s25], $0x4000  }
0xfd: {  	[sflag:s25] =	ssyncset.done $0x0  }
0xfe: {  	[sflag:s25] =	ssyncadd.s32 $0xFFFFC000  }
0xff: {  	[spmem:s2] =	stream.indirect.scatter.add.f32 [tilespmem:s24], [sflag:$0x2], $0x80, s11, s23, $0xb8;
	[tilespmem:$0x180C0] =	vst v63  }
0x100: {  	_ =	swait.ge [sflag:s21], $0x4000  }
0x101: {  	[sflag:s21] =	ssyncset.done $0x0  }
0x102: {  	[sflag:s21] =	ssyncadd.s32 $0xFFFFC000  }
0x103: {  	[tilespmem:s24], [sflag:$0x1] =	stream.indirect.gather [hbm4b:s4+s23], $0x80, s5, s23, $0xb8;
	[tilespmem:$0x180C0] =	vst v63  }
0x104: {  	_ =	swait.ge [sflag:s25], $0x4000  }
0x105: {  	[sflag:s25] =	ssyncset.done $0x0  }
0x106: {  	[sflag:s25] =	ssyncadd.s32 $0xFFFFC000  }
0x107: {  	[spmem:s2] =	stream.indirect.scatter.add.f32 [tilespmem:s24], [sflag:$0x2], $0x80, s6, s23, $0xb8;
	[tilespmem:$0x180C0] =	vst v63  }
0x108: {  	_ =	swait.ge [sflag:s21], $0x4000  }
0x109: {  	[sflag:s21] =	ssyncset.done $0x0  }
0x10a: {  	[sflag:s21] =	ssyncadd.s32 $0xFFFFC000  }
0x10b: {  	[bflag:$0x0] =	sbarrier.arrive $0xFFFF  }
0x10c: {  	s16 =	rddreg [dreg:$0x6]  }
0x10d: {  	s15 =	simm.s32 @!p1 $0x1FC2;
	s14 =	rddreg [dreg:$0xa]  }
0x10e: {  	[hbm:s16], [sflag:s15] =	dma.local @!p1 [spmem:s14], $0x2080  }
0x10f: {  	s15 =	simm.s32 @!p1 $0x2  }
0x110: {  	_ =	swait.ge @!p1 [sflag:s15], $0x2080  }
0x111: {  	s14 =	rddreg [dreg:$0xb]  }
0x112: {  	[sflag:s15] =	ssyncset.done @!p1 $0x0;
	s17 =	rddreg [dreg:$0xc]  }
0x113: {  	[sflag:s15] =	ssyncadd.s32 @!p1 $0xFFFFDF80;
	s15 =	rddreg [dreg:$0x5]  }
0x114: {  	[hbm:s15], [sflag:s14] =	dma.local @!p0 [spmem:s17], $0x2780  }
0x115: {  	s15 =	simm.s32 @!p0 $0x2  }
0x116: {  	_ =	swait.ge @!p0 [sflag:s15], $0x2780  }
0x117: {  	[sflag:s15] =	ssyncset.done @!p0 $0x0;
	s16 =	rddreg [dreg:$0x8]  }
0x118: {  	s14 =	rddreg [dreg:$0x10];
	[sflag:s15] =	ssyncadd.s32 @!p0 $0xFFFFD880;
	s15 =	simm.s32 @!p3 $0x1FC2  }
0x119: {  	[hbm:s16], [sflag:s15] =	dma.local @!p3 [spmem:s14], $0x2080  }
0x11a: {  	s15 =	simm.s32 @!p3 $0x2  }
0x11b: {  	_ =	swait.ge @!p3 [sflag:s15], $0x2080  }
0x11c: {  	s18 =	rddreg [dreg:$0xd]  }
0x11d: {  	[sflag:s15] =	ssyncset.done @!p3 $0x0;
	s19 =	rddreg [dreg:$0xe]  }
0x11e: {  	[sflag:s15] =	ssyncadd.s32 @!p3 $0xFFFFDF80;
	s15 =	rddreg [dreg:$0x7]  }
0x11f: {  	[hbm:s15], [sflag:s18] =	dma.local @!p2 [spmem:s19], $0x2780  }
0x120: {  	s15 =	simm.s32 @!p2 $0x2  }
0x121: {  	_ =	swait.ge @!p2 [sflag:s15], $0x2780  }
0x122: {  	s16 =	rddreg [dreg:$0xf]  }
0x123: {  	s14 =	sadd.s32 $0x1, s16;
	s16 =	rddreg [dreg:$0x9]  }
0x124: {  	p4 =	sne.s32 s14, s16  }
.Ltmp1:
0x125: {  	_ = 	snop;
	(pc) =	sbr.rel @p4 .LBB2_1-.Ltmp1, $3  }
0x126: {  	_ =	sdelay $0x1  }
0x127: {  	[sflag:s15] =	ssyncset.done @!p2 $0x0;
	[dreg:$0xf] =	wrdreg s14  }
0x128: {  	[sflag:s15] =	ssyncadd.s32 @!p2 $0xFFFFD880;
	s16 =	rddreg [dreg:$0xa]  }
0x129: {  	_ =	sfence.sel $0x180000  }
0x12a: {  	[bflag:$0x0] =	sbarrier.arrive $0xFFFF  }
0x12b: {  	_ =	strace $0x90000050  }
0x12c: {  	s0 =	stileid.u32;
	[bflag:$0x2] =	sbarrier.arrive $0xFFFF  }
0x12d: {  	p0 =	sne.s32 s0, $0x0;
	s0 =	rddreg [dreg:$0x2]  }
0x12e: {  	s0 =	sadd.s32 @!p0 $0x100000, s0  }
0x12f: {  	[sflag:s0] =	ssyncadd.tile.s32 @!p0 $0x1;
	_ =	shalt  }
.Lfunc_end2:
_tile_overlayer_lowered:
.L_overlay_start_2:
0x130: {  	(tag) =	ssettag $0x2  }
0x131: {  	s0 =	rddreg [dreg:$0x0];
	s2 =	stileid.u32  }
0x132: {  	s1 =	rddreg [dreg:$0x1];
	p0 =	sne.s32 s2, $0x0  }
0x133: {  	s3 =	rddreg [dreg:$0x2];
	[bflag:$0x3] =	sbarrier.arrive $0xFFFF;
	s2 =	simm.s32 @!p0 $0x1C02  }
0x134: {  	[timem:s3], [sflag:s2] =	dma.local @!p0 [hbm:s0], s1  }
0x135: {  	s0 =	simm.s32 @!p0 $0x2  }
0x136: {  	_ =	swait.ge @!p0 [sflag:s0], s1  }
0x137: {  	s1 =	ssub.s32 @!p0 $0x0, s1;
	[sflag:s0] =	ssyncset.done @!p0 $0x0  }
0x138: {  	[sflag:s0] =	ssyncadd.s32 @!p0 s1  }
0x139: {  	[bflag:$0x3] =	sbarrier.arrive $0xFFFF  }
0x13a: {  	_ =	shalt  }

</sc_bundles>
